<compile_context>
chip_gen: v7x
topology: tpu7x:2x2x1
jax: 0.10.2.dev20260603
libtpu: 0.0.44.dev20260713+nightly
codegen_flags: <defaults>
</compile_context>

<pallas_src>
import dataclasses
import functools

import jax
import jax.numpy as jnp
from jax import lax
from jax.experimental import pallas as pl
from jax.experimental.pallas import tpu as pltpu
from jax.experimental.pallas import tpu_sc as plsc

_D = 2048
_EPS = 1e-5
_L = 16
_NC, _NS = 2, 16
_NW = _NC * _NS
_N_TOK = 4 * 2048
_RPW = _N_TOK // _NW
_G = 8
_NCHUNK = _RPW // _G
_NVEC = _D // _L

_mesh = plsc.VectorSubcoreMesh(core_axis_name="c", subcore_axis_name="s")

_cp = pltpu.CompilerParams()
if "needs_layout_passes" in pltpu.CompilerParams.__dataclass_fields__:
    _cp = dataclasses.replace(_cp, needs_layout_passes=False)


def _rsqrt(v):
    bits = lax.bitcast_convert_type(v, jnp.int32)
    y = lax.bitcast_convert_type(
        jnp.int32(0x5F3759DF) - lax.shift_right_logical(bits, 1), jnp.float32)
    for _ in range(3):
        y = y * (1.5 - 0.5 * v * y * y)
    return y


@functools.partial(
    pl.kernel,
    mesh=_mesh,
    compiler_params=_cp,
    out_type=jax.ShapeDtypeStruct((_N_TOK, _D), jnp.float32),
    scratch_types=[
        pltpu.VMEM((_RPW,), jnp.int32),
        pltpu.VMEM((2, _G, _D), jnp.float32),
        pltpu.VMEM((2, _G, _D), jnp.float32),
        pltpu.VMEM((_D,), jnp.float32),
        pltpu.VMEM((_D,), jnp.float32),
        pltpu.SemaphoreType.DMA,
        pltpu.SemaphoreType.DMA,
        pltpu.SemaphoreType.DMA,
        pltpu.SemaphoreType.DMA,
        pltpu.SemaphoreType.DMA,
    ],
)
def _emb_ln(ids_hbm, table_hbm, gamma_hbm, beta_hbm, out_hbm,
            idx_v, in_v, out_v, gamma_v, beta_v, gs0, gs1, os0, os1, psem):
    wid = lax.axis_index("s") * _NC + lax.axis_index("c")
    base = wid * _RPW
    pltpu.sync_copy(ids_hbm.at[pl.ds(base, _RPW)], idx_v)
    pltpu.async_copy(gamma_hbm, gamma_v, psem)
    pltpu.async_copy(beta_hbm, beta_v, psem)
    gsems = (gs0, gs1)
    osems = (os0, os1)

    def start_gather(cc, b):
        pltpu.async_copy(
            table_hbm.at[idx_v.at[pl.ds(cc * _G, _G)]], in_v.at[b], gsems[b])

    def normalize(in_ref, out_ref):
        zero = jnp.zeros((_L,), jnp.float32)

        def p1(j, carry):
            acc = list(carry)
            sl = pl.ds(j * _L, _L)
            for r in range(_G):
                x = in_ref[r, sl]
                acc[2 * r] = acc[2 * r] + x
                acc[2 * r + 1] = acc[2 * r + 1] + x * x
            return tuple(acc)

        acc = plsc.parallel_loop(
            0, _NVEC, unroll=4,
            carry=tuple(zero for _ in range(2 * _G)))(p1)

        s_mul, s_add = [], []
        for r in range(_G):
            tot = jnp.full((_L,), jnp.sum(acc[2 * r]), jnp.float32)
            tot2 = jnp.full((_L,), jnp.sum(acc[2 * r + 1]), jnp.float32)
            mean = tot * (1.0 / _D)
            var = tot2 * (1.0 / _D) - mean * mean
            inv = _rsqrt(var + _EPS)
            s_mul.append(inv)
            s_add.append(-(mean * inv))

        def p2(j):
            sl = pl.ds(j * _L, _L)
            g = gamma_v[sl]
            bt = beta_v[sl]
            for r in range(_G):
                x = in_ref[r, sl]
                out_ref[r, sl] = (x * s_mul[r] + s_add[r]) * g + bt

        plsc.parallel_loop(0, _NVEC, unroll=4)(p2)

    start_gather(0, 0)
    start_gather(1, 1)
    pltpu.make_async_copy(gamma_hbm, gamma_v, psem).wait()
    pltpu.make_async_copy(beta_hbm, beta_v, psem).wait()

    @pl.loop(0, _NCHUNK, step=2)
    def _chunks(c):
        for b in range(2):
            cc = c + b
            pltpu.make_async_copy(
                table_hbm.at[pl.ds(0, _G)], in_v.at[b], gsems[b]).wait()
            @pl.when(cc >= 2)
            def _():
                pltpu.make_async_copy(
                    out_v.at[b], out_hbm.at[pl.ds(base, _G)], osems[b]).wait()

            normalize(in_v.at[b], out_v.at[b])

            @pl.when(cc + 2 < _NCHUNK)
            def _():
                start_gather(c + b + 2, b)

            pltpu.async_copy(
                out_v.at[b], out_hbm.at[pl.ds(base + cc * _G, _G)], osems[b])

    for b in range(2):
        pltpu.make_async_copy(
            out_v.at[b], out_hbm.at[pl.ds(base, _G)], osems[b]).wait()


@jax.jit
def kernel(input_ids, table, gamma, beta):
    b, s = input_ids.shape
    ids = input_ids.reshape(-1).astype(jnp.int32)
    out = _emb_ln(ids, table, gamma, beta)
    return out.reshape(b, s, _D)

# --- scband reference (transcript-rebuilt; emitter-appended) ---
"""Pipeline reference for scband-gptembeddings-35828617183931 (READ-ONLY COPY).

The authoritative reference and input builder live on the scoring server;
editing this copy changes nothing except your own understanding.
"""

import jax, jax.numpy as jnp
import numpy as np

VOCAB = 100000
D_MODEL = 2048
BATCH = 4
SEQ = 2048
EPS = 1e-5


def setup_inputs(seed: int = 0) -> dict:
    key = jax.random.key(seed)
    k1, k2 = jax.random.split(key)
    input_ids = jax.random.randint(k1, (BATCH, SEQ), 0, VOCAB, dtype=jnp.int64 if jax.config.jax_enable_x64 else jnp.int32).astype(jnp.int32)
    table = jax.random.normal(k2, (VOCAB, D_MODEL), dtype=jnp.float32) * 0.02
    gamma = jnp.ones((D_MODEL,), dtype=jnp.float32)
    beta = jnp.zeros((D_MODEL,), dtype=jnp.float32)
    return {"input_ids": input_ids, "table": table, "gamma": gamma, "beta": beta}


def reference(input_ids, table, gamma, beta):
    # input_ids: [B, S] -> view(-1, S) is identity for 2D input
    ids = input_ids.reshape(-1, input_ids.shape[-1])
    # embedding lookup
    hidden = jnp.take(table, ids, axis=0)  # [B, S, D]
    # LayerNorm over last dim (matches nn.LayerNorm(embed_dim))
    mean = jnp.mean(hidden, axis=-1, keepdims=True)
    var = jnp.mean(jnp.square(hidden - mean), axis=-1, keepdims=True)
    normed = (hidden - mean) / jnp.sqrt(var + EPS)
    out = normed * gamma + beta
    return out

if __name__ == "__main__":
    import jax
    _d = setup_inputs()
    print(jax.jit(kernel)(*tuple(_d.values())))

</pallas_src>

<mosaic_0001>
#map = affine_map<(d0, d1) -> (0)>
#map1 = affine_map<(d0, d1) -> (0, 0)>
module attributes {stable_mosaic.version = 14 : i64} {
  func.func @_emb_ln(%arg0: i32, %arg1: i32, %arg2: memref<8192xi32, #tpu.memory_space<hbm>>, %arg3: memref<100000x2048xf32, #tpu.memory_space<hbm>>, %arg4: memref<2048xf32, #tpu.memory_space<hbm>>, %arg5: memref<2048xf32, #tpu.memory_space<hbm>>, %arg6: memref<8192x2048xf32, #tpu.memory_space<hbm>>, %arg7: memref<256xi32, #tpu.memory_space<vmem>>, %arg8: memref<2x8x2048xf32, #tpu.memory_space<vmem>>, %arg9: memref<2x8x2048xf32, #tpu.memory_space<vmem>>, %arg10: memref<2048xf32, #tpu.memory_space<vmem>>, %arg11: memref<2048xf32, #tpu.memory_space<vmem>>, %arg12: memref<!tpu.dma_semaphore, #tpu.memory_space<semaphore_mem>>, %arg13: memref<!tpu.dma_semaphore, #tpu.memory_space<semaphore_mem>>, %arg14: memref<!tpu.dma_semaphore, #tpu.memory_space<semaphore_mem>>, %arg15: memref<!tpu.dma_semaphore, #tpu.memory_space<semaphore_mem>>, %arg16: memref<!tpu.dma_semaphore, #tpu.memory_space<semaphore_mem>>) attributes {dimension_semantics = [#tpu.dimension_semantics<core_parallel>, #tpu.dimension_semantics<subcore_parallel>], iteration_bounds = array<i64: 2, 16>, scalar_prefetch = 0 : i64, scratch_operands = 10 : i64, tpu.core_type = #tpu.core_type<sc_vector_subcore>, window_params = [{transform_indices = #map}, {transform_indices = #map1}, {transform_indices = #map}, {transform_indices = #map}, {transform_indices = #map1}]} {
    %mul3A = arith.constant 2 : i32
    %mul3A_0 = arith.muli %arg1, %mul3A : i32
    %add3A = arith.addi %mul3A_0, %arg0 : i32
    %mul3A_1 = arith.constant 256 : i32
    %mul3A_2 = arith.muli %add3A, %mul3A_1 : i32
    "tpu.region"() ({
      %run_scoped3A = tpu.sem_alloc : memref<!tpu.dma_semaphore, #tpu.memory_space<semaphore_mem>>
      %dma_start3A_51 = tpu.memref_slice %arg2[%mul3A_2] : memref<8192xi32, #tpu.memory_space<hbm>> -> memref<256xi32, #tpu.memory_space<hbm>>
      %dma_start3A_52 = tpu.memref_slice %arg2[%mul3A_2] : memref<8192xi32, #tpu.memory_space<hbm>> -> memref<256xi32, #tpu.memory_space<hbm>>
      tpu.enqueue_dma source(%dma_start3A_52 : memref<256xi32, #tpu.memory_space<hbm>>) target(%arg7 : memref<256xi32, #tpu.memory_space<vmem>>) target_semaphore(%run_scoped3A : memref<!tpu.dma_semaphore, #tpu.memory_space<semaphore_mem>>)
      %dma_wait3A_53 = tpu.memref_slice %arg2[%mul3A_2] : memref<8192xi32, #tpu.memory_space<hbm>> -> memref<256xi32, #tpu.memory_space<hbm>>
      %dma_wait3A_54 = tpu.memref_slice %arg2[%mul3A_2] : memref<8192xi32, #tpu.memory_space<hbm>> -> memref<256xi32, #tpu.memory_space<hbm>>
      tpu.wait_dma2 semaphore(%run_scoped3A : memref<!tpu.dma_semaphore, #tpu.memory_space<semaphore_mem>>) src(%dma_wait3A_54 : memref<256xi32, #tpu.memory_space<hbm>>) dst(%arg7 : memref<256xi32, #tpu.memory_space<vmem>>)
      tpu.yield
    }) : () -> ()
    tpu.enqueue_dma source(%arg4 : memref<2048xf32, #tpu.memory_space<hbm>>) target(%arg10 : memref<2048xf32, #tpu.memory_space<vmem>>) target_semaphore(%arg16 : memref<!tpu.dma_semaphore, #tpu.memory_space<semaphore_mem>>)
    tpu.enqueue_dma source(%arg5 : memref<2048xf32, #tpu.memory_space<hbm>>) target(%arg11 : memref<2048xf32, #tpu.memory_space<vmem>>) target_semaphore(%arg16 : memref<!tpu.dma_semaphore, #tpu.memory_space<semaphore_mem>>)
    %dma_start3A = arith.constant 0 : i32
    %dma_start3A_3 = arith.constant 0 : i32
    %dma_start3A_4 = arith.constant 0 : i32
    %dma_start3A_5 = tpu.memref_slice %arg8[%dma_start3A, %dma_start3A_3, %dma_start3A_4] : memref<2x8x2048xf32, #tpu.memory_space<vmem>> -> memref<1x8x2048xf32, #tpu.memory_space<vmem>>
    %dma_start3A_6 = tpu.memref_squeeze %dma_start3A_5 : memref<1x8x2048xf32, #tpu.memory_space<vmem>> -> memref<8x2048xf32, #tpu.memory_space<vmem>>
    %dma_start3A_7 = arith.constant 0 : i32
    %dma_start3A_8 = tpu.memref_slice %arg7[%dma_start3A_7] : memref<256xi32, #tpu.memory_space<vmem>> -> memref<8xi32, #tpu.memory_space<vmem>>
    %dma_start3A_9 = arith.constant 0 : i32
    %dma_start3A_10 = arith.constant 0 : i32
    %dma_start3A_11 = tpu.memref_slice %arg3[%dma_start3A_9, %dma_start3A_10] : memref<100000x2048xf32, #tpu.memory_space<hbm>> -> memref<100000x2048xf32, #tpu.memory_space<hbm>>
    tpu.enqueue_indirect_dma source(%dma_start3A_11 : memref<100000x2048xf32, #tpu.memory_space<hbm>>) target(%dma_start3A_6 : memref<8x2048xf32, #tpu.memory_space<vmem>>) offsets(%dma_start3A_8 : memref<8xi32, #tpu.memory_space<vmem>>) semaphore(%arg12 : memref<!tpu.dma_semaphore, #tpu.memory_space<semaphore_mem>>)
    %dma_start3A_12 = arith.constant 1 : i32
    %dma_start3A_13 = arith.constant 0 : i32
    %dma_start3A_14 = arith.constant 0 : i32
    %dma_start3A_15 = tpu.memref_slice %arg8[%dma_start3A_12, %dma_start3A_13, %dma_start3A_14] : memref<2x8x2048xf32, #tpu.memory_space<vmem>> -> memref<1x8x2048xf32, #tpu.memory_space<vmem>>
    %dma_start3A_16 = tpu.memref_squeeze %dma_start3A_15 : memref<1x8x2048xf32, #tpu.memory_space<vmem>> -> memref<8x2048xf32, #tpu.memory_space<vmem>>
    %dma_start3A_17 = arith.constant 8 : i32
    %dma_start3A_18 = tpu.memref_slice %arg7[%dma_start3A_17] : memref<256xi32, #tpu.memory_space<vmem>> -> memref<8xi32, #tpu.memory_space<vmem>>
    %dma_start3A_19 = arith.constant 0 : i32
    %dma_start3A_20 = arith.constant 0 : i32
    %dma_start3A_21 = tpu.memref_slice %arg3[%dma_start3A_19, %dma_start3A_20] : memref<100000x2048xf32, #tpu.memory_space<hbm>> -> memref<100000x2048xf32, #tpu.memory_space<hbm>>
    tpu.enqueue_indirect_dma source(%dma_start3A_21 : memref<100000x2048xf32, #tpu.memory_space<hbm>>) target(%dma_start3A_16 : memref<8x2048xf32, #tpu.memory_space<vmem>>) offsets(%dma_start3A_18 : memref<8xi32, #tpu.memory_space<vmem>>) semaphore(%arg13 : memref<!tpu.dma_semaphore, #tpu.memory_space<semaphore_mem>>)
    tpu.wait_dma2 semaphore(%arg16 : memref<!tpu.dma_semaphore, #tpu.memory_space<semaphore_mem>>) src(%arg4 : memref<2048xf32, #tpu.memory_space<hbm>>) dst(%arg10 : memref<2048xf32, #tpu.memory_space<vmem>>)
    tpu.wait_dma2 semaphore(%arg16 : memref<!tpu.dma_semaphore, #tpu.memory_space<semaphore_mem>>) src(%arg5 : memref<2048xf32, #tpu.memory_space<hbm>>) dst(%arg11 : memref<2048xf32, #tpu.memory_space<vmem>>)
    %scan3A = arith.constant 0 : i32
    %scan3A_22 = arith.constant 16 : i32
    %scan3A_23 = arith.addi %scan3A, %scan3A_22 : i32
    %scan3A_24 = arith.constant 1 : i32
    scf.for %scan3A_51 = %scan3A to %scan3A_23 step %scan3A_24  : i32 {
      %mul3A_52 = arith.constant 2 : i32
      %mul3A_53 = arith.muli %scan3A_51, %mul3A_52 : i32
      %add3A_54 = arith.constant 0 : i32
      %add3A_55 = arith.addi %add3A_54, %mul3A_53 : i32
      %add3A_56 = arith.constant 0 : i32
      %add3A_57 = arith.addi %add3A_55, %add3A_56 : i32
      %dma_wait3A_58 = arith.constant 0 : i32
      %dma_wait3A_59 = arith.constant 0 : i32
      %dma_wait3A_60 = arith.constant 0 : i32
      %dma_wait3A_61 = tpu.memref_slice %arg8[%dma_wait3A_58, %dma_wait3A_59, %dma_wait3A_60] : memref<2x8x2048xf32, #tpu.memory_space<vmem>> -> memref<1x8x2048xf32, #tpu.memory_space<vmem>>
      %dma_wait3A_62 = tpu.memref_squeeze %dma_wait3A_61 : memref<1x8x2048xf32, #tpu.memory_space<vmem>> -> memref<8x2048xf32, #tpu.memory_space<vmem>>
      %dma_wait3A_63 = arith.constant 0 : i32
      %dma_wait3A_64 = arith.constant 0 : i32
      %dma_wait3A_65 = tpu.memref_slice %arg3[%dma_wait3A_63, %dma_wait3A_64] : memref<100000x2048xf32, #tpu.memory_space<hbm>> -> memref<8x2048xf32, #tpu.memory_space<hbm>>
      %dma_wait3A_66 = arith.constant 0 : i32
      %dma_wait3A_67 = arith.constant 0 : i32
      %dma_wait3A_68 = tpu.memref_slice %arg8[%dma_wait3A_58, %dma_wait3A_66, %dma_wait3A_67] : memref<2x8x2048xf32, #tpu.memory_space<vmem>> -> memref<1x8x2048xf32, #tpu.memory_space<vmem>>
      %dma_wait3A_69 = tpu.memref_squeeze %dma_wait3A_68 : memref<1x8x2048xf32, #tpu.memory_space<vmem>> -> memref<8x2048xf32, #tpu.memory_space<vmem>>
      %dma_wait3A_70 = arith.constant 0 : i32
      %dma_wait3A_71 = arith.constant 0 : i32
      %dma_wait3A_72 = tpu.memref_slice %arg3[%dma_wait3A_70, %dma_wait3A_71] : memref<100000x2048xf32, #tpu.memory_space<hbm>> -> memref<8x2048xf32, #tpu.memory_space<hbm>>
      tpu.wait_dma2 semaphore(%arg12 : memref<!tpu.dma_semaphore, #tpu.memory_space<semaphore_mem>>) src(%dma_wait3A_72 : memref<8x2048xf32, #tpu.memory_space<hbm>>) dst(%dma_wait3A_69 : memref<8x2048xf32, #tpu.memory_space<vmem>>)
      %ge3A = arith.constant 2 : i32
      %ge3A_73 = arith.cmpi sge, %add3A_57, %ge3A : i32
      %convert_element_type3A = arith.extui %ge3A_73 : i1 to i32
      %cond3A = arith.constant 0 : i32
      %cond3A_74 = arith.cmpi ne, %convert_element_type3A, %cond3A : i32
      scf.if %cond3A_74 {
        %dma_wait3A_1119 = arith.constant 0 : i32
        %dma_wait3A_1120 = arith.constant 0 : i32
        %dma_wait3A_1121 = arith.constant 0 : i32
        %dma_wait3A_1122 = tpu.memref_slice %arg9[%dma_wait3A_1119, %dma_wait3A_1120, %dma_wait3A_1121] : memref<2x8x2048xf32, #tpu.memory_space<vmem>> -> memref<1x8x2048xf32, #tpu.memory_space<vmem>>
        %dma_wait3A_1123 = tpu.memref_squeeze %dma_wait3A_1122 : memref<1x8x2048xf32, #tpu.memory_space<vmem>> -> memref<8x2048xf32, #tpu.memory_space<vmem>>
        %dma_wait3A_1124 = arith.constant 0 : i32
        %dma_wait3A_1125 = tpu.memref_slice %arg6[%mul3A_2, %dma_wait3A_1124] : memref<8192x2048xf32, #tpu.memory_space<hbm>> -> memref<8x2048xf32, #tpu.memory_space<hbm>>
        %dma_wait3A_1126 = arith.constant 0 : i32
        %dma_wait3A_1127 = tpu.memref_slice %arg6[%mul3A_2, %dma_wait3A_1126] : memref<8192x2048xf32, #tpu.memory_space<hbm>> -> memref<8x2048xf32, #tpu.memory_space<hbm>>
        %dma_wait3A_1128 = arith.constant 0 : i32
        %dma_wait3A_1129 = arith.constant 0 : i32
        %dma_wait3A_1130 = tpu.memref_slice %arg9[%dma_wait3A_1119, %dma_wait3A_1128, %dma_wait3A_1129] : memref<2x8x2048xf32, #tpu.memory_space<vmem>> -> memref<1x8x2048xf32, #tpu.memory_space<vmem>>
        %dma_wait3A_1131 = tpu.memref_squeeze %dma_wait3A_1130 : memref<1x8x2048xf32, #tpu.memory_space<vmem>> -> memref<8x2048xf32, #tpu.memory_space<vmem>>
        tpu.wait_dma2 semaphore(%arg14 : memref<!tpu.dma_semaphore, #tpu.memory_space<semaphore_mem>>) src(%dma_wait3A_1131 : memref<8x2048xf32, #tpu.memory_space<vmem>>) dst(%dma_wait3A_1127 : memref<8x2048xf32, #tpu.memory_space<hbm>>)
      } else {
      }
      %broadcast_in_dim3A = arith.constant 0.000000e+00 : f32
      %broadcast_in_dim3A_75 = vector.broadcast %broadcast_in_dim3A : f32 to vector<16xf32>
      %parallel_loop3A = arith.constant 0 : i32
      %parallel_loop3A_76 = arith.constant 128 : i32
      %parallel_loop3A_77 = arith.constant 1 : i32
      %parallel_loop3A_78 = arith.constant 0 : i32
      %parallel_loop3A_79:16 = scf.for %parallel_loop3A_1119 = %parallel_loop3A to %parallel_loop3A_76 step %parallel_loop3A_77 iter_args(%parallel_loop3A_1120 = %broadcast_in_dim3A_75, %parallel_loop3A_1121 = %broadcast_in_dim3A_75, %parallel_loop3A_1122 = %broadcast_in_dim3A_75, %parallel_loop3A_1123 = %broadcast_in_dim3A_75, %parallel_loop3A_1124 = %broadcast_in_dim3A_75, %parallel_loop3A_1125 = %broadcast_in_dim3A_75, %parallel_loop3A_1126 = %broadcast_in_dim3A_75, %parallel_loop3A_1127 = %broadcast_in_dim3A_75, %parallel_loop3A_1128 = %broadcast_in_dim3A_75, %parallel_loop3A_1129 = %broadcast_in_dim3A_75, %parallel_loop3A_1130 = %broadcast_in_dim3A_75, %parallel_loop3A_1131 = %broadcast_in_dim3A_75, %parallel_loop3A_1132 = %broadcast_in_dim3A_75, %parallel_loop3A_1133 = %broadcast_in_dim3A_75, %parallel_loop3A_1134 = %broadcast_in_dim3A_75, %parallel_loop3A_1135 = %broadcast_in_dim3A_75) -> (vector<16xf32>, vector<16xf32>, vector<16xf32>, vector<16xf32>, vector<16xf32>, vector<16xf32>, vector<16xf32>, vector<16xf32>, vector<16xf32>, vector<16xf32>, vector<16xf32>, vector<16xf32>, vector<16xf32>, vector<16xf32>, vector<16xf32>, vector<16xf32>)  : i32 {
        %parallel_loop3A_1136 = arith.constant 16 : i32
        %parallel_loop3A_1137 = arith.muli %parallel_loop3A_1119, %parallel_loop3A_1136 : i32
        %parallel_loop3A_1138 = arith.constant 0 : i32
        %parallel_loop3A_1139 = arith.constant 0 : i32
        %parallel_loop3A_1140 = arith.constant 0 : i32
        %parallel_loop3A_1141 = tpu.memref_slice %arg8[%parallel_loop3A_78, %parallel_loop3A_1139, %parallel_loop3A_1140] : memref<2x8x2048xf32, #tpu.memory_space<vmem>> -> memref<1x8x2048xf32, #tpu.memory_space<vmem>>
        %parallel_loop3A_1142 = tpu.memref_squeeze %parallel_loop3A_1141 : memref<1x8x2048xf32, #tpu.memory_space<vmem>> -> memref<8x2048xf32, #tpu.memory_space<vmem>>
        %parallel_loop3A_1143 = arith.index_cast %parallel_loop3A_1138 : i32 to index
        %parallel_loop3A_1144 = arith.index_cast %parallel_loop3A_1137 : i32 to index
        %parallel_loop3A_1145 = tpu.vector_load %parallel_loop3A_1142[%parallel_loop3A_1143, %parallel_loop3A_1144] {strides = array<i32>} : memref<8x2048xf32, #tpu.memory_space<vmem>>, vector<16xf32>,
        %parallel_loop3A_1146 = arith.addf %parallel_loop3A_1120, %parallel_loop3A_1145 : vector<16xf32>
        %parallel_loop3A_1147 = arith.mulf %parallel_loop3A_1145, %parallel_loop3A_1145 : vector<16xf32>
        %parallel_loop3A_1148 = arith.addf %parallel_loop3A_1121, %parallel_loop3A_1147 : vector<16xf32>
        %parallel_loop3A_1149 = arith.constant 1 : i32
        %parallel_loop3A_1150 = arith.constant 0 : i32
        %parallel_loop3A_1151 = arith.constant 0 : i32
        %parallel_loop3A_1152 = tpu.memref_slice %arg8[%parallel_loop3A_78, %parallel_loop3A_1150, %parallel_loop3A_1151] : memref<2x8x2048xf32, #tpu.memory_space<vmem>> -> memref<1x8x2048xf32, #tpu.memory_space<vmem>>
        %parallel_loop3A_1153 = tpu.memref_squeeze %parallel_loop3A_1152 : memref<1x8x2048xf32, #tpu.memory_space<vmem>> -> memref<8x2048xf32, #tpu.memory_space<vmem>>
        %parallel_loop3A_1154 = arith.index_cast %parallel_loop3A_1149 : i32 to index
        %parallel_loop3A_1155 = arith.index_cast %parallel_loop3A_1137 : i32 to index
        %parallel_loop3A_1156 = tpu.vector_load %parallel_loop3A_1153[%parallel_loop3A_1154, %parallel_loop3A_1155] {strides = array<i32>} : memref<8x2048xf32, #tpu.memory_space<vmem>>, vector<16xf32>,
        %parallel_loop3A_1157 = arith.addf %parallel_loop3A_1122, %parallel_loop3A_1156 : vector<16xf32>
        %parallel_loop3A_1158 = arith.mulf %parallel_loop3A_1156, %parallel_loop3A_1156 : vector<16xf32>
        %parallel_loop3A_1159 = arith.addf %parallel_loop3A_1123, %parallel_loop3A_1158 : vector<16xf32>
        %parallel_loop3A_1160 = arith.constant 2 : i32
        %parallel_loop3A_1161 = arith.constant 0 : i32
        %parallel_loop3A_1162 = arith.constant 0 : i32
        %parallel_loop3A_1163 = tpu.memref_slice %arg8[%parallel_loop3A_78, %parallel_loop3A_1161, %parallel_loop3A_1162] : memref<2x8x2048xf32, #tpu.memory_space<vmem>> -> memref<1x8x2048xf32, #tpu.memory_space<vmem>>
        %parallel_loop3A_1164 = tpu.memref_squeeze %parallel_loop3A_1163 : memref<1x8x2048xf32, #tpu.memory_space<vmem>> -> memref<8x2048xf32, #tpu.memory_space<vmem>>
        %parallel_loop3A_1165 = arith.index_cast %parallel_loop3A_1160 : i32 to index
        %parallel_loop3A_1166 = arith.index_cast %parallel_loop3A_1137 : i32 to index
        %parallel_loop3A_1167 = tpu.vector_load %parallel_loop3A_1164[%parallel_loop3A_1165, %parallel_loop3A_1166] {strides = array<i32>} : memref<8x2048xf32, #tpu.memory_space<vmem>>, vector<16xf32>,
        %parallel_loop3A_1168 = arith.addf %parallel_loop3A_1124, %parallel_loop3A_1167 : vector<16xf32>
        %parallel_loop3A_1169 = arith.mulf %parallel_loop3A_1167, %parallel_loop3A_1167 : vector<16xf32>
        %parallel_loop3A_1170 = arith.addf %parallel_loop3A_1125, %parallel_loop3A_1169 : vector<16xf32>
        %parallel_loop3A_1171 = arith.constant 3 : i32
        %parallel_loop3A_1172 = arith.constant 0 : i32
        %parallel_loop3A_1173 = arith.constant 0 : i32
        %parallel_loop3A_1174 = tpu.memref_slice %arg8[%parallel_loop3A_78, %parallel_loop3A_1172, %parallel_loop3A_1173] : memref<2x8x2048xf32, #tpu.memory_space<vmem>> -> memref<1x8x2048xf32, #tpu.memory_space<vmem>>
        %parallel_loop3A_1175 = tpu.memref_squeeze %parallel_loop3A_1174 : memref<1x8x2048xf32, #tpu.memory_space<vmem>> -> memref<8x2048xf32, #tpu.memory_space<vmem>>
        %parallel_loop3A_1176 = arith.index_cast %parallel_loop3A_1171 : i32 to index
        %parallel_loop3A_1177 = arith.index_cast %parallel_loop3A_1137 : i32 to index
        %parallel_loop3A_1178 = tpu.vector_load %parallel_loop3A_1175[%parallel_loop3A_1176, %parallel_loop3A_1177] {strides = array<i32>} : memref<8x2048xf32, #tpu.memory_space<vmem>>, vector<16xf32>,
        %parallel_loop3A_1179 = arith.addf %parallel_loop3A_1126, %parallel_loop3A_1178 : vector<16xf32>
        %parallel_loop3A_1180 = arith.mulf %parallel_loop3A_1178, %parallel_loop3A_1178 : vector<16xf32>
        %parallel_loop3A_1181 = arith.addf %parallel_loop3A_1127, %parallel_loop3A_1180 : vector<16xf32>
        %parallel_loop3A_1182 = arith.constant 4 : i32
        %parallel_loop3A_1183 = arith.constant 0 : i32
        %parallel_loop3A_1184 = arith.constant 0 : i32
        %parallel_loop3A_1185 = tpu.memref_slice %arg8[%parallel_loop3A_78, %parallel_loop3A_1183, %parallel_loop3A_1184] : memref<2x8x2048xf32, #tpu.memory_space<vmem>> -> memref<1x8x2048xf32, #tpu.memory_space<vmem>>
        %parallel_loop3A_1186 = tpu.memref_squeeze %parallel_loop3A_1185 : memref<1x8x2048xf32, #tpu.memory_space<vmem>> -> memref<8x2048xf32, #tpu.memory_space<vmem>>
        %parallel_loop3A_1187 = arith.index_cast %parallel_loop3A_1182 : i32 to index
        %parallel_loop3A_1188 = arith.index_cast %parallel_loop3A_1137 : i32 to index
        %parallel_loop3A_1189 = tpu.vector_load %parallel_loop3A_1186[%parallel_loop3A_1187, %parallel_loop3A_1188] {strides = array<i32>} : memref<8x2048xf32, #tpu.memory_space<vmem>>, vector<16xf32>,
        %parallel_loop3A_1190 = arith.addf %parallel_loop3A_1128, %parallel_loop3A_1189 : vector<16xf32>
        %parallel_loop3A_1191 = arith.mulf %parallel_loop3A_1189, %parallel_loop3A_1189 : vector<16xf32>
        %parallel_loop3A_1192 = arith.addf %parallel_loop3A_1129, %parallel_loop3A_1191 : vector<16xf32>
        %parallel_loop3A_1193 = arith.constant 5 : i32
        %parallel_loop3A_1194 = arith.constant 0 : i32
        %parallel_loop3A_1195 = arith.constant 0 : i32
        %parallel_loop3A_1196 = tpu.memref_slice %arg8[%parallel_loop3A_78, %parallel_loop3A_1194, %parallel_loop3A_1195] : memref<2x8x2048xf32, #tpu.memory_space<vmem>> -> memref<1x8x2048xf32, #tpu.memory_space<vmem>>
        %parallel_loop3A_1197 = tpu.memref_squeeze %parallel_loop3A_1196 : memref<1x8x2048xf32, #tpu.memory_space<vmem>> -> memref<8x2048xf32, #tpu.memory_space<vmem>>
        %parallel_loop3A_1198 = arith.index_cast %parallel_loop3A_1193 : i32 to index
        %parallel_loop3A_1199 = arith.index_cast %parallel_loop3A_1137 : i32 to index
        %parallel_loop3A_1200 = tpu.vector_load %parallel_loop3A_1197[%parallel_loop3A_1198, %parallel_loop3A_1199] {strides = array<i32>} : memref<8x2048xf32, #tpu.memory_space<vmem>>, vector<16xf32>,
        %parallel_loop3A_1201 = arith.addf %parallel_loop3A_1130, %parallel_loop3A_1200 : vector<16xf32>
        %parallel_loop3A_1202 = arith.mulf %parallel_loop3A_1200, %parallel_loop3A_1200 : vector<16xf32>
        %parallel_loop3A_1203 = arith.addf %parallel_loop3A_1131, %parallel_loop3A_1202 : vector<16xf32>
        %parallel_loop3A_1204 = arith.constant 6 : i32
        %parallel_loop3A_1205 = arith.constant 0 : i32
        %parallel_loop3A_1206 = arith.constant 0 : i32
        %parallel_loop3A_1207 = tpu.memref_slice %arg8[%parallel_loop3A_78, %parallel_loop3A_1205, %parallel_loop3A_1206] : memref<2x8x2048xf32, #tpu.memory_space<vmem>> -> memref<1x8x2048xf32, #tpu.memory_space<vmem>>
        %parallel_loop3A_1208 = tpu.memref_squeeze %parallel_loop3A_1207 : memref<1x8x2048xf32, #tpu.memory_space<vmem>> -> memref<8x2048xf32, #tpu.memory_space<vmem>>
        %parallel_loop3A_1209 = arith.index_cast %parallel_loop3A_1204 : i32 to index
        %parallel_loop3A_1210 = arith.index_cast %parallel_loop3A_1137 : i32 to index
        %parallel_loop3A_1211 = tpu.vector_load %parallel_loop3A_1208[%parallel_loop3A_1209, %parallel_loop3A_1210] {strides = array<i32>} : memref<8x2048xf32, #tpu.memory_space<vmem>>, vector<16xf32>,
        %parallel_loop3A_1212 = arith.addf %parallel_loop3A_1132, %parallel_loop3A_1211 : vector<16xf32>
        %parallel_loop3A_1213 = arith.mulf %parallel_loop3A_1211, %parallel_loop3A_1211 : vector<16xf32>
        %parallel_loop3A_1214 = arith.addf %parallel_loop3A_1133, %parallel_loop3A_1213 : vector<16xf32>
        %parallel_loop3A_1215 = arith.constant 7 : i32
        %parallel_loop3A_1216 = arith.constant 0 : i32
        %parallel_loop3A_1217 = arith.constant 0 : i32
        %parallel_loop3A_1218 = tpu.memref_slice %arg8[%parallel_loop3A_78, %parallel_loop3A_1216, %parallel_loop3A_1217] : memref<2x8x2048xf32, #tpu.memory_space<vmem>> -> memref<1x8x2048xf32, #tpu.memory_space<vmem>>
        %parallel_loop3A_1219 = tpu.memref_squeeze %parallel_loop3A_1218 : memref<1x8x2048xf32, #tpu.memory_space<vmem>> -> memref<8x2048xf32, #tpu.memory_space<vmem>>
        %parallel_loop3A_1220 = arith.index_cast %parallel_loop3A_1215 : i32 to index
        %parallel_loop3A_1221 = arith.index_cast %parallel_loop3A_1137 : i32 to index
        %parallel_loop3A_1222 = tpu.vector_load %parallel_loop3A_1219[%parallel_loop3A_1220, %parallel_loop3A_1221] {strides = array<i32>} : memref<8x2048xf32, #tpu.memory_space<vmem>>, vector<16xf32>,
        %parallel_loop3A_1223 = arith.addf %parallel_loop3A_1134, %parallel_loop3A_1222 : vector<16xf32>
        %parallel_loop3A_1224 = arith.mulf %parallel_loop3A_1222, %parallel_loop3A_1222 : vector<16xf32>
        %parallel_loop3A_1225 = arith.addf %parallel_loop3A_1135, %parallel_loop3A_1224 : vector<16xf32>
        scf.yield %parallel_loop3A_1146, %parallel_loop3A_1148, %parallel_loop3A_1157, %parallel_loop3A_1159, %parallel_loop3A_1168, %parallel_loop3A_1170, %parallel_loop3A_1179, %parallel_loop3A_1181, %parallel_loop3A_1190, %parallel_loop3A_1192, %parallel_loop3A_1201, %parallel_loop3A_1203, %parallel_loop3A_1212, %parallel_loop3A_1214, %parallel_loop3A_1223, %parallel_loop3A_1225 : vector<16xf32>, vector<16xf32>, vector<16xf32>, vector<16xf32>, vector<16xf32>, vector<16xf32>, vector<16xf32>, vector<16xf32>, vector<16xf32>, vector<16xf32>, vector<16xf32>, vector<16xf32>, vector<16xf32>, vector<16xf32>, vector<16xf32>, vector<16xf32>
      } {sc.loop_unroll_factor = 4 : i64, sc.parallel_access}
      %reduce_sum3A = arith.constant true
      %reduce_sum3A_80 = vector.broadcast %reduce_sum3A : i1 to vector<16xi1>
      %reduce_sum3A_81 = tpu.scan <sum>, %parallel_loop3A_79#0 masked %reduce_sum3A_80 : vector<16xf32>, vector<16xi1> -> vector<16xf32>
      %reduce_sum3A_82 = vector.extract %reduce_sum3A_81[15] : f32 from vector<16xf32>
      %broadcast_in_dim3A_83 = vector.broadcast %reduce_sum3A_82 : f32 to vector<16xf32>
      %reduce_sum3A_84 = arith.constant true
      %reduce_sum3A_85 = vector.broadcast %reduce_sum3A_84 : i1 to vector<16xi1>
      %reduce_sum3A_86 = tpu.scan <sum>, %parallel_loop3A_79#1 masked %reduce_sum3A_85 : vector<16xf32>, vector<16xi1> -> vector<16xf32>
      %reduce_sum3A_87 = vector.extract %reduce_sum3A_86[15] : f32 from vector<16xf32>
      %broadcast_in_dim3A_88 = vector.broadcast %reduce_sum3A_87 : f32 to vector<16xf32>
      %mul3A_89 = arith.constant 4.8828125E-4 : f32
      %mul3A_90 = vector.broadcast %mul3A_89 : f32 to vector<16xf32>
      %mul3A_91 = arith.mulf %broadcast_in_dim3A_83, %mul3A_90 : vector<16xf32>
      %mul3A_92 = arith.constant 4.8828125E-4 : f32
      %mul3A_93 = vector.broadcast %mul3A_92 : f32 to vector<16xf32>
      %mul3A_94 = arith.mulf %broadcast_in_dim3A_88, %mul3A_93 : vector<16xf32>
      %mul3A_95 = arith.mulf %mul3A_91, %mul3A_91 : vector<16xf32>
      %sub3A = arith.subf %mul3A_94, %mul3A_95 : vector<16xf32>
      %add3A_96 = arith.constant 9.99999974E-6 : f32
      %add3A_97 = vector.broadcast %add3A_96 : f32 to vector<16xf32>
      %add3A_98 = arith.addf %sub3A, %add3A_97 : vector<16xf32>
      %bitcast_convert_type3A = tpu.bitcast %add3A_98 : vector<16xf32> -> vector<16xi32>
      %shift_right_logical3A = arith.constant 1 : i32
      %shift_right_logical3A_99 = vector.broadcast %shift_right_logical3A : i32 to vector<16xi32>
      %shift_right_logical3A_100 = arith.shrui %bitcast_convert_type3A, %shift_right_logical3A_99 : vector<16xi32>
      %sub3A_101 = arith.constant 1597463007 : i32
      %sub3A_102 = vector.broadcast %sub3A_101 : i32 to vector<16xi32>
      %sub3A_103 = arith.subi %sub3A_102, %shift_right_logical3A_100 : vector<16xi32>
      %bitcast_convert_type3A_104 = tpu.bitcast %sub3A_103 : vector<16xi32> -> vector<16xf32>
      %mul3A_105 = arith.constant 5.000000e-01 : f32
      %mul3A_106 = vector.broadcast %mul3A_105 : f32 to vector<16xf32>
      %mul3A_107 = arith.mulf %mul3A_106, %add3A_98 : vector<16xf32>
      %mul3A_108 = arith.mulf %mul3A_107, %bitcast_convert_type3A_104 : vector<16xf32>
      %mul3A_109 = arith.mulf %mul3A_108, %bitcast_convert_type3A_104 : vector<16xf32>
      %sub3A_110 = arith.constant 1.500000e+00 : f32
      %sub3A_111 = vector.broadcast %sub3A_110 : f32 to vector<16xf32>
      %sub3A_112 = arith.subf %sub3A_111, %mul3A_109 : vector<16xf32>
      %mul3A_113 = arith.mulf %bitcast_convert_type3A_104, %sub3A_112 : vector<16xf32>
      %mul3A_114 = arith.constant 5.000000e-01 : f32
      %mul3A_115 = vector.broadcast %mul3A_114 : f32 to vector<16xf32>
      %mul3A_116 = arith.mulf %mul3A_115, %add3A_98 : vector<16xf32>
      %mul3A_117 = arith.mulf %mul3A_116, %mul3A_113 : vector<16xf32>
      %mul3A_118 = arith.mulf %mul3A_117, %mul3A_113 : vector<16xf32>
      %sub3A_119 = arith.constant 1.500000e+00 : f32
      %sub3A_120 = vector.broadcast %sub3A_119 : f32 to vector<16xf32>
      %sub3A_121 = arith.subf %sub3A_120, %mul3A_118 : vector<16xf32>
      %mul3A_122 = arith.mulf %mul3A_113, %sub3A_121 : vector<16xf32>
      %mul3A_123 = arith.constant 5.000000e-01 : f32
      %mul3A_124 = vector.broadcast %mul3A_123 : f32 to vector<16xf32>
      %mul3A_125 = arith.mulf %mul3A_124, %add3A_98 : vector<16xf32>
      %mul3A_126 = arith.mulf %mul3A_125, %mul3A_122 : vector<16xf32>
      %mul3A_127 = arith.mulf %mul3A_126, %mul3A_122 : vector<16xf32>
      %sub3A_128 = arith.constant 1.500000e+00 : f32
      %sub3A_129 = vector.broadcast %sub3A_128 : f32 to vector<16xf32>
      %sub3A_130 = arith.subf %sub3A_129, %mul3A_127 : vector<16xf32>
      %mul3A_131 = arith.mulf %mul3A_122, %sub3A_130 : vector<16xf32>
      %mul3A_132 = arith.mulf %mul3A_91, %mul3A_131 : vector<16xf32>
      %neg3A = arith.constant 0.000000e+00 : f32
      %neg3A_133 = vector.broadcast %neg3A : f32 to vector<16xf32>
      %neg3A_134 = arith.subf %neg3A_133, %mul3A_132 : vector<16xf32>
      %reduce_sum3A_135 = arith.constant true
      %reduce_sum3A_136 = vector.broadcast %reduce_sum3A_135 : i1 to vector<16xi1>
      %reduce_sum3A_137 = tpu.scan <sum>, %parallel_loop3A_79#2 masked %reduce_sum3A_136 : vector<16xf32>, vector<16xi1> -> vector<16xf32>
      %reduce_sum3A_138 = vector.extract %reduce_sum3A_137[15] : f32 from vector<16xf32>
      %broadcast_in_dim3A_139 = vector.broadcast %reduce_sum3A_138 : f32 to vector<16xf32>
      %reduce_sum3A_140 = arith.constant true
      %reduce_sum3A_141 = vector.broadcast %reduce_sum3A_140 : i1 to vector<16xi1>
      %reduce_sum3A_142 = tpu.scan <sum>, %parallel_loop3A_79#3 masked %reduce_sum3A_141 : vector<16xf32>, vector<16xi1> -> vector<16xf32>
      %reduce_sum3A_143 = vector.extract %reduce_sum3A_142[15] : f32 from vector<16xf32>
      %broadcast_in_dim3A_144 = vector.broadcast %reduce_sum3A_143 : f32 to vector<16xf32>
      %mul3A_145 = arith.constant 4.8828125E-4 : f32
      %mul3A_146 = vector.broadcast %mul3A_145 : f32 to vector<16xf32>
      %mul3A_147 = arith.mulf %broadcast_in_dim3A_139, %mul3A_146 : vector<16xf32>
      %mul3A_148 = arith.constant 4.8828125E-4 : f32
      %mul3A_149 = vector.broadcast %mul3A_148 : f32 to vector<16xf32>
      %mul3A_150 = arith.mulf %broadcast_in_dim3A_144, %mul3A_149 : vector<16xf32>
      %mul3A_151 = arith.mulf %mul3A_147, %mul3A_147 : vector<16xf32>
      %sub3A_152 = arith.subf %mul3A_150, %mul3A_151 : vector<16xf32>
      %add3A_153 = arith.constant 9.99999974E-6 : f32
      %add3A_154 = vector.broadcast %add3A_153 : f32 to vector<16xf32>
      %add3A_155 = arith.addf %sub3A_152, %add3A_154 : vector<16xf32>
      %bitcast_convert_type3A_156 = tpu.bitcast %add3A_155 : vector<16xf32> -> vector<16xi32>
      %shift_right_logical3A_157 = arith.constant 1 : i32
      %shift_right_logical3A_158 = vector.broadcast %shift_right_logical3A_157 : i32 to vector<16xi32>
      %shift_right_logical3A_159 = arith.shrui %bitcast_convert_type3A_156, %shift_right_logical3A_158 : vector<16xi32>
      %sub3A_160 = arith.constant 1597463007 : i32
      %sub3A_161 = vector.broadcast %sub3A_160 : i32 to vector<16xi32>
      %sub3A_162 = arith.subi %sub3A_161, %shift_right_logical3A_159 : vector<16xi32>
      %bitcast_convert_type3A_163 = tpu.bitcast %sub3A_162 : vector<16xi32> -> vector<16xf32>
      %mul3A_164 = arith.constant 5.000000e-01 : f32
      %mul3A_165 = vector.broadcast %mul3A_164 : f32 to vector<16xf32>
      %mul3A_166 = arith.mulf %mul3A_165, %add3A_155 : vector<16xf32>
      %mul3A_167 = arith.mulf %mul3A_166, %bitcast_convert_type3A_163 : vector<16xf32>
      %mul3A_168 = arith.mulf %mul3A_167, %bitcast_convert_type3A_163 : vector<16xf32>
      %sub3A_169 = arith.constant 1.500000e+00 : f32
      %sub3A_170 = vector.broadcast %sub3A_169 : f32 to vector<16xf32>
      %sub3A_171 = arith.subf %sub3A_170, %mul3A_168 : vector<16xf32>
      %mul3A_172 = arith.mulf %bitcast_convert_type3A_163, %sub3A_171 : vector<16xf32>
      %mul3A_173 = arith.constant 5.000000e-01 : f32
      %mul3A_174 = vector.broadcast %mul3A_173 : f32 to vector<16xf32>
      %mul3A_175 = arith.mulf %mul3A_174, %add3A_155 : vector<16xf32>
      %mul3A_176 = arith.mulf %mul3A_175, %mul3A_172 : vector<16xf32>
      %mul3A_177 = arith.mulf %mul3A_176, %mul3A_172 : vector<16xf32>
      %sub3A_178 = arith.constant 1.500000e+00 : f32
      %sub3A_179 = vector.broadcast %sub3A_178 : f32 to vector<16xf32>
      %sub3A_180 = arith.subf %sub3A_179, %mul3A_177 : vector<16xf32>
      %mul3A_181 = arith.mulf %mul3A_172, %sub3A_180 : vector<16xf32>
      %mul3A_182 = arith.constant 5.000000e-01 : f32
      %mul3A_183 = vector.broadcast %mul3A_182 : f32 to vector<16xf32>
      %mul3A_184 = arith.mulf %mul3A_183, %add3A_155 : vector<16xf32>
      %mul3A_185 = arith.mulf %mul3A_184, %mul3A_181 : vector<16xf32>
      %mul3A_186 = arith.mulf %mul3A_185, %mul3A_181 : vector<16xf32>
      %sub3A_187 = arith.constant 1.500000e+00 : f32
      %sub3A_188 = vector.broadcast %sub3A_187 : f32 to vector<16xf32>
      %sub3A_189 = arith.subf %sub3A_188, %mul3A_186 : vector<16xf32>
      %mul3A_190 = arith.mulf %mul3A_181, %sub3A_189 : vector<16xf32>
      %mul3A_191 = arith.mulf %mul3A_147, %mul3A_190 : vector<16xf32>
      %neg3A_192 = arith.constant 0.000000e+00 : f32
      %neg3A_193 = vector.broadcast %neg3A_192 : f32 to vector<16xf32>
      %neg3A_194 = arith.subf %neg3A_193, %mul3A_191 : vector<16xf32>
      %reduce_sum3A_195 = arith.constant true
      %reduce_sum3A_196 = vector.broadcast %reduce_sum3A_195 : i1 to vector<16xi1>
      %reduce_sum3A_197 = tpu.scan <sum>, %parallel_loop3A_79#4 masked %reduce_sum3A_196 : vector<16xf32>, vector<16xi1> -> vector<16xf32>
      %reduce_sum3A_198 = vector.extract %reduce_sum3A_197[15] : f32 from vector<16xf32>
      %broadcast_in_dim3A_199 = vector.broadcast %reduce_sum3A_198 : f32 to vector<16xf32>
      %reduce_sum3A_200 = arith.constant true
      %reduce_sum3A_201 = vector.broadcast %reduce_sum3A_200 : i1 to vector<16xi1>
      %reduce_sum3A_202 = tpu.scan <sum>, %parallel_loop3A_79#5 masked %reduce_sum3A_201 : vector<16xf32>, vector<16xi1> -> vector<16xf32>
      %reduce_sum3A_203 = vector.extract %reduce_sum3A_202[15] : f32 from vector<16xf32>
      %broadcast_in_dim3A_204 = vector.broadcast %reduce_sum3A_203 : f32 to vector<16xf32>
      %mul3A_205 = arith.constant 4.8828125E-4 : f32
      %mul3A_206 = vector.broadcast %mul3A_205 : f32 to vector<16xf32>
      %mul3A_207 = arith.mulf %broadcast_in_dim3A_199, %mul3A_206 : vector<16xf32>
      %mul3A_208 = arith.constant 4.8828125E-4 : f32
      %mul3A_209 = vector.broadcast %mul3A_208 : f32 to vector<16xf32>
      %mul3A_210 = arith.mulf %broadcast_in_dim3A_204, %mul3A_209 : vector<16xf32>
      %mul3A_211 = arith.mulf %mul3A_207, %mul3A_207 : vector<16xf32>
      %sub3A_212 = arith.subf %mul3A_210, %mul3A_211 : vector<16xf32>
      %add3A_213 = arith.constant 9.99999974E-6 : f32
      %add3A_214 = vector.broadcast %add3A_213 : f32 to vector<16xf32>
      %add3A_215 = arith.addf %sub3A_212, %add3A_214 : vector<16xf32>
      %bitcast_convert_type3A_216 = tpu.bitcast %add3A_215 : vector<16xf32> -> vector<16xi32>
      %shift_right_logical3A_217 = arith.constant 1 : i32
      %shift_right_logical3A_218 = vector.broadcast %shift_right_logical3A_217 : i32 to vector<16xi32>
      %shift_right_logical3A_219 = arith.shrui %bitcast_convert_type3A_216, %shift_right_logical3A_218 : vector<16xi32>
      %sub3A_220 = arith.constant 1597463007 : i32
      %sub3A_221 = vector.broadcast %sub3A_220 : i32 to vector<16xi32>
      %sub3A_222 = arith.subi %sub3A_221, %shift_right_logical3A_219 : vector<16xi32>
      %bitcast_convert_type3A_223 = tpu.bitcast %sub3A_222 : vector<16xi32> -> vector<16xf32>
      %mul3A_224 = arith.constant 5.000000e-01 : f32
      %mul3A_225 = vector.broadcast %mul3A_224 : f32 to vector<16xf32>
      %mul3A_226 = arith.mulf %mul3A_225, %add3A_215 : vector<16xf32>
      %mul3A_227 = arith.mulf %mul3A_226, %bitcast_convert_type3A_223 : vector<16xf32>
      %mul3A_228 = arith.mulf %mul3A_227, %bitcast_convert_type3A_223 : vector<16xf32>
      %sub3A_229 = arith.constant 1.500000e+00 : f32
      %sub3A_230 = vector.broadcast %sub3A_229 : f32 to vector<16xf32>
      %sub3A_231 = arith.subf %sub3A_230, %mul3A_228 : vector<16xf32>
      %mul3A_232 = arith.mulf %bitcast_convert_type3A_223, %sub3A_231 : vector<16xf32>
      %mul3A_233 = arith.constant 5.000000e-01 : f32
      %mul3A_234 = vector.broadcast %mul3A_233 : f32 to vector<16xf32>
      %mul3A_235 = arith.mulf %mul3A_234, %add3A_215 : vector<16xf32>
      %mul3A_236 = arith.mulf %mul3A_235, %mul3A_232 : vector<16xf32>
      %mul3A_237 = arith.mulf %mul3A_236, %mul3A_232 : vector<16xf32>
      %sub3A_238 = arith.constant 1.500000e+00 : f32
      %sub3A_239 = vector.broadcast %sub3A_238 : f32 to vector<16xf32>
      %sub3A_240 = arith.subf %sub3A_239, %mul3A_237 : vector<16xf32>
      %mul3A_241 = arith.mulf %mul3A_232, %sub3A_240 : vector<16xf32>
      %mul3A_242 = arith.constant 5.000000e-01 : f32
      %mul3A_243 = vector.broadcast %mul3A_242 : f32 to vector<16xf32>
      %mul3A_244 = arith.mulf %mul3A_243, %add3A_215 : vector<16xf32>
      %mul3A_245 = arith.mulf %mul3A_244, %mul3A_241 : vector<16xf32>
      %mul3A_246 = arith.mulf %mul3A_245, %mul3A_241 : vector<16xf32>
      %sub3A_247 = arith.constant 1.500000e+00 : f32
      %sub3A_248 = vector.broadcast %sub3A_247 : f32 to vector<16xf32>
      %sub3A_249 = arith.subf %sub3A_248, %mul3A_246 : vector<16xf32>
      %mul3A_250 = arith.mulf %mul3A_241, %sub3A_249 : vector<16xf32>
      %mul3A_251 = arith.mulf %mul3A_207, %mul3A_250 : vector<16xf32>
      %neg3A_252 = arith.constant 0.000000e+00 : f32
      %neg3A_253 = vector.broadcast %neg3A_252 : f32 to vector<16xf32>
      %neg3A_254 = arith.subf %neg3A_253, %mul3A_251 : vector<16xf32>
      %reduce_sum3A_255 = arith.constant true
      %reduce_sum3A_256 = vector.broadcast %reduce_sum3A_255 : i1 to vector<16xi1>
      %reduce_sum3A_257 = tpu.scan <sum>, %parallel_loop3A_79#6 masked %reduce_sum3A_256 : vector<16xf32>, vector<16xi1> -> vector<16xf32>
      %reduce_sum3A_258 = vector.extract %reduce_sum3A_257[15] : f32 from vector<16xf32>
      %broadcast_in_dim3A_259 = vector.broadcast %reduce_sum3A_258 : f32 to vector<16xf32>
      %reduce_sum3A_260 = arith.constant true
      %reduce_sum3A_261 = vector.broadcast %reduce_sum3A_260 : i1 to vector<16xi1>
      %reduce_sum3A_262 = tpu.scan <sum>, %parallel_loop3A_79#7 masked %reduce_sum3A_261 : vector<16xf32>, vector<16xi1> -> vector<16xf32>
      %reduce_sum3A_263 = vector.extract %reduce_sum3A_262[15] : f32 from vector<16xf32>
      %broadcast_in_dim3A_264 = vector.broadcast %reduce_sum3A_263 : f32 to vector<16xf32>
      %mul3A_265 = arith.constant 4.8828125E-4 : f32
      %mul3A_266 = vector.broadcast %mul3A_265 : f32 to vector<16xf32>
      %mul3A_267 = arith.mulf %broadcast_in_dim3A_259, %mul3A_266 : vector<16xf32>
      %mul3A_268 = arith.constant 4.8828125E-4 : f32
      %mul3A_269 = vector.broadcast %mul3A_268 : f32 to vector<16xf32>
      %mul3A_270 = arith.mulf %broadcast_in_dim3A_264, %mul3A_269 : vector<16xf32>
      %mul3A_271 = arith.mulf %mul3A_267, %mul3A_267 : vector<16xf32>
      %sub3A_272 = arith.subf %mul3A_270, %mul3A_271 : vector<16xf32>
      %add3A_273 = arith.constant 9.99999974E-6 : f32
      %add3A_274 = vector.broadcast %add3A_273 : f32 to vector<16xf32>
      %add3A_275 = arith.addf %sub3A_272, %add3A_274 : vector<16xf32>
      %bitcast_convert_type3A_276 = tpu.bitcast %add3A_275 : vector<16xf32> -> vector<16xi32>
      %shift_right_logical3A_277 = arith.constant 1 : i32
      %shift_right_logical3A_278 = vector.broadcast %shift_right_logical3A_277 : i32 to vector<16xi32>
      %shift_right_logical3A_279 = arith.shrui %bitcast_convert_type3A_276, %shift_right_logical3A_278 : vector<16xi32>
      %sub3A_280 = arith.constant 1597463007 : i32
      %sub3A_281 = vector.broadcast %sub3A_280 : i32 to vector<16xi32>
      %sub3A_282 = arith.subi %sub3A_281, %shift_right_logical3A_279 : vector<16xi32>
      %bitcast_convert_type3A_283 = tpu.bitcast %sub3A_282 : vector<16xi32> -> vector<16xf32>
      %mul3A_284 = arith.constant 5.000000e-01 : f32
      %mul3A_285 = vector.broadcast %mul3A_284 : f32 to vector<16xf32>
      %mul3A_286 = arith.mulf %mul3A_285, %add3A_275 : vector<16xf32>
      %mul3A_287 = arith.mulf %mul3A_286, %bitcast_convert_type3A_283 : vector<16xf32>
      %mul3A_288 = arith.mulf %mul3A_287, %bitcast_convert_type3A_283 : vector<16xf32>
      %sub3A_289 = arith.constant 1.500000e+00 : f32
      %sub3A_290 = vector.broadcast %sub3A_289 : f32 to vector<16xf32>
      %sub3A_291 = arith.subf %sub3A_290, %mul3A_288 : vector<16xf32>
      %mul3A_292 = arith.mulf %bitcast_convert_type3A_283, %sub3A_291 : vector<16xf32>
      %mul3A_293 = arith.constant 5.000000e-01 : f32
      %mul3A_294 = vector.broadcast %mul3A_293 : f32 to vector<16xf32>
      %mul3A_295 = arith.mulf %mul3A_294, %add3A_275 : vector<16xf32>
      %mul3A_296 = arith.mulf %mul3A_295, %mul3A_292 : vector<16xf32>
      %mul3A_297 = arith.mulf %mul3A_296, %mul3A_292 : vector<16xf32>
      %sub3A_298 = arith.constant 1.500000e+00 : f32
      %sub3A_299 = vector.broadcast %sub3A_298 : f32 to vector<16xf32>
      %sub3A_300 = arith.subf %sub3A_299, %mul3A_297 : vector<16xf32>
      %mul3A_301 = arith.mulf %mul3A_292, %sub3A_300 : vector<16xf32>
      %mul3A_302 = arith.constant 5.000000e-01 : f32
      %mul3A_303 = vector.broadcast %mul3A_302 : f32 to vector<16xf32>
      %mul3A_304 = arith.mulf %mul3A_303, %add3A_275 : vector<16xf32>
      %mul3A_305 = arith.mulf %mul3A_304, %mul3A_301 : vector<16xf32>
      %mul3A_306 = arith.mulf %mul3A_305, %mul3A_301 : vector<16xf32>
      %sub3A_307 = arith.constant 1.500000e+00 : f32
      %sub3A_308 = vector.broadcast %sub3A_307 : f32 to vector<16xf32>
      %sub3A_309 = arith.subf %sub3A_308, %mul3A_306 : vector<16xf32>
      %mul3A_310 = arith.mulf %mul3A_301, %sub3A_309 : vector<16xf32>
      %mul3A_311 = arith.mulf %mul3A_267, %mul3A_310 : vector<16xf32>
      %neg3A_312 = arith.constant 0.000000e+00 : f32
      %neg3A_313 = vector.broadcast %neg3A_312 : f32 to vector<16xf32>
      %neg3A_314 = arith.subf %neg3A_313, %mul3A_311 : vector<16xf32>
      %reduce_sum3A_315 = arith.constant true
      %reduce_sum3A_316 = vector.broadcast %reduce_sum3A_315 : i1 to vector<16xi1>
      %reduce_sum3A_317 = tpu.scan <sum>, %parallel_loop3A_79#8 masked %reduce_sum3A_316 : vector<16xf32>, vector<16xi1> -> vector<16xf32>
      %reduce_sum3A_318 = vector.extract %reduce_sum3A_317[15] : f32 from vector<16xf32>
      %broadcast_in_dim3A_319 = vector.broadcast %reduce_sum3A_318 : f32 to vector<16xf32>
      %reduce_sum3A_320 = arith.constant true
      %reduce_sum3A_321 = vector.broadcast %reduce_sum3A_320 : i1 to vector<16xi1>
      %reduce_sum3A_322 = tpu.scan <sum>, %parallel_loop3A_79#9 masked %reduce_sum3A_321 : vector<16xf32>, vector<16xi1> -> vector<16xf32>
      %reduce_sum3A_323 = vector.extract %reduce_sum3A_322[15] : f32 from vector<16xf32>
      %broadcast_in_dim3A_324 = vector.broadcast %reduce_sum3A_323 : f32 to vector<16xf32>
      %mul3A_325 = arith.constant 4.8828125E-4 : f32
      %mul3A_326 = vector.broadcast %mul3A_325 : f32 to vector<16xf32>
      %mul3A_327 = arith.mulf %broadcast_in_dim3A_319, %mul3A_326 : vector<16xf32>
      %mul3A_328 = arith.constant 4.8828125E-4 : f32
      %mul3A_329 = vector.broadcast %mul3A_328 : f32 to vector<16xf32>
      %mul3A_330 = arith.mulf %broadcast_in_dim3A_324, %mul3A_329 : vector<16xf32>
      %mul3A_331 = arith.mulf %mul3A_327, %mul3A_327 : vector<16xf32>
      %sub3A_332 = arith.subf %mul3A_330, %mul3A_331 : vector<16xf32>
      %add3A_333 = arith.constant 9.99999974E-6 : f32
      %add3A_334 = vector.broadcast %add3A_333 : f32 to vector<16xf32>
      %add3A_335 = arith.addf %sub3A_332, %add3A_334 : vector<16xf32>
      %bitcast_convert_type3A_336 = tpu.bitcast %add3A_335 : vector<16xf32> -> vector<16xi32>
      %shift_right_logical3A_337 = arith.constant 1 : i32
      %shift_right_logical3A_338 = vector.broadcast %shift_right_logical3A_337 : i32 to vector<16xi32>
      %shift_right_logical3A_339 = arith.shrui %bitcast_convert_type3A_336, %shift_right_logical3A_338 : vector<16xi32>
      %sub3A_340 = arith.constant 1597463007 : i32
      %sub3A_341 = vector.broadcast %sub3A_340 : i32 to vector<16xi32>
      %sub3A_342 = arith.subi %sub3A_341, %shift_right_logical3A_339 : vector<16xi32>
      %bitcast_convert_type3A_343 = tpu.bitcast %sub3A_342 : vector<16xi32> -> vector<16xf32>
      %mul3A_344 = arith.constant 5.000000e-01 : f32
      %mul3A_345 = vector.broadcast %mul3A_344 : f32 to vector<16xf32>
      %mul3A_346 = arith.mulf %mul3A_345, %add3A_335 : vector<16xf32>
      %mul3A_347 = arith.mulf %mul3A_346, %bitcast_convert_type3A_343 : vector<16xf32>
      %mul3A_348 = arith.mulf %mul3A_347, %bitcast_convert_type3A_343 : vector<16xf32>
      %sub3A_349 = arith.constant 1.500000e+00 : f32
      %sub3A_350 = vector.broadcast %sub3A_349 : f32 to vector<16xf32>
      %sub3A_351 = arith.subf %sub3A_350, %mul3A_348 : vector<16xf32>
      %mul3A_352 = arith.mulf %bitcast_convert_type3A_343, %sub3A_351 : vector<16xf32>
      %mul3A_353 = arith.constant 5.000000e-01 : f32
      %mul3A_354 = vector.broadcast %mul3A_353 : f32 to vector<16xf32>
      %mul3A_355 = arith.mulf %mul3A_354, %add3A_335 : vector<16xf32>
      %mul3A_356 = arith.mulf %mul3A_355, %mul3A_352 : vector<16xf32>
      %mul3A_357 = arith.mulf %mul3A_356, %mul3A_352 : vector<16xf32>
      %sub3A_358 = arith.constant 1.500000e+00 : f32
      %sub3A_359 = vector.broadcast %sub3A_358 : f32 to vector<16xf32>
      %sub3A_360 = arith.subf %sub3A_359, %mul3A_357 : vector<16xf32>
      %mul3A_361 = arith.mulf %mul3A_352, %sub3A_360 : vector<16xf32>
      %mul3A_362 = arith.constant 5.000000e-01 : f32
      %mul3A_363 = vector.broadcast %mul3A_362 : f32 to vector<16xf32>
      %mul3A_364 = arith.mulf %mul3A_363, %add3A_335 : vector<16xf32>
      %mul3A_365 = arith.mulf %mul3A_364, %mul3A_361 : vector<16xf32>
      %mul3A_366 = arith.mulf %mul3A_365, %mul3A_361 : vector<16xf32>
      %sub3A_367 = arith.constant 1.500000e+00 : f32
      %sub3A_368 = vector.broadcast %sub3A_367 : f32 to vector<16xf32>
      %sub3A_369 = arith.subf %sub3A_368, %mul3A_366 : vector<16xf32>
      %mul3A_370 = arith.mulf %mul3A_361, %sub3A_369 : vector<16xf32>
      %mul3A_371 = arith.mulf %mul3A_327, %mul3A_370 : vector<16xf32>
      %neg3A_372 = arith.constant 0.000000e+00 : f32
      %neg3A_373 = vector.broadcast %neg3A_372 : f32 to vector<16xf32>
      %neg3A_374 = arith.subf %neg3A_373, %mul3A_371 : vector<16xf32>
      %reduce_sum3A_375 = arith.constant true
      %reduce_sum3A_376 = vector.broadcast %reduce_sum3A_375 : i1 to vector<16xi1>
      %reduce_sum3A_377 = tpu.scan <sum>, %parallel_loop3A_79#10 masked %reduce_sum3A_376 : vector<16xf32>, vector<16xi1> -> vector<16xf32>
      %reduce_sum3A_378 = vector.extract %reduce_sum3A_377[15] : f32 from vector<16xf32>
      %broadcast_in_dim3A_379 = vector.broadcast %reduce_sum3A_378 : f32 to vector<16xf32>
      %reduce_sum3A_380 = arith.constant true
      %reduce_sum3A_381 = vector.broadcast %reduce_sum3A_380 : i1 to vector<16xi1>
      %reduce_sum3A_382 = tpu.scan <sum>, %parallel_loop3A_79#11 masked %reduce_sum3A_381 : vector<16xf32>, vector<16xi1> -> vector<16xf32>
      %reduce_sum3A_383 = vector.extract %reduce_sum3A_382[15] : f32 from vector<16xf32>
      %broadcast_in_dim3A_384 = vector.broadcast %reduce_sum3A_383 : f32 to vector<16xf32>
      %mul3A_385 = arith.constant 4.8828125E-4 : f32
      %mul3A_386 = vector.broadcast %mul3A_385 : f32 to vector<16xf32>
      %mul3A_387 = arith.mulf %broadcast_in_dim3A_379, %mul3A_386 : vector<16xf32>
      %mul3A_388 = arith.constant 4.8828125E-4 : f32
      %mul3A_389 = vector.broadcast %mul3A_388 : f32 to vector<16xf32>
      %mul3A_390 = arith.mulf %broadcast_in_dim3A_384, %mul3A_389 : vector<16xf32>
      %mul3A_391 = arith.mulf %mul3A_387, %mul3A_387 : vector<16xf32>
      %sub3A_392 = arith.subf %mul3A_390, %mul3A_391 : vector<16xf32>
      %add3A_393 = arith.constant 9.99999974E-6 : f32
      %add3A_394 = vector.broadcast %add3A_393 : f32 to vector<16xf32>
      %add3A_395 = arith.addf %sub3A_392, %add3A_394 : vector<16xf32>
      %bitcast_convert_type3A_396 = tpu.bitcast %add3A_395 : vector<16xf32> -> vector<16xi32>
      %shift_right_logical3A_397 = arith.constant 1 : i32
      %shift_right_logical3A_398 = vector.broadcast %shift_right_logical3A_397 : i32 to vector<16xi32>
      %shift_right_logical3A_399 = arith.shrui %bitcast_convert_type3A_396, %shift_right_logical3A_398 : vector<16xi32>
      %sub3A_400 = arith.constant 1597463007 : i32
      %sub3A_401 = vector.broadcast %sub3A_400 : i32 to vector<16xi32>
      %sub3A_402 = arith.subi %sub3A_401, %shift_right_logical3A_399 : vector<16xi32>
      %bitcast_convert_type3A_403 = tpu.bitcast %sub3A_402 : vector<16xi32> -> vector<16xf32>
      %mul3A_404 = arith.constant 5.000000e-01 : f32
      %mul3A_405 = vector.broadcast %mul3A_404 : f32 to vector<16xf32>
      %mul3A_406 = arith.mulf %mul3A_405, %add3A_395 : vector<16xf32>
      %mul3A_407 = arith.mulf %mul3A_406, %bitcast_convert_type3A_403 : vector<16xf32>
      %mul3A_408 = arith.mulf %mul3A_407, %bitcast_convert_type3A_403 : vector<16xf32>
      %sub3A_409 = arith.constant 1.500000e+00 : f32
      %sub3A_410 = vector.broadcast %sub3A_409 : f32 to vector<16xf32>
      %sub3A_411 = arith.subf %sub3A_410, %mul3A_408 : vector<16xf32>
      %mul3A_412 = arith.mulf %bitcast_convert_type3A_403, %sub3A_411 : vector<16xf32>
      %mul3A_413 = arith.constant 5.000000e-01 : f32
      %mul3A_414 = vector.broadcast %mul3A_413 : f32 to vector<16xf32>
      %mul3A_415 = arith.mulf %mul3A_414, %add3A_395 : vector<16xf32>
      %mul3A_416 = arith.mulf %mul3A_415, %mul3A_412 : vector<16xf32>
      %mul3A_417 = arith.mulf %mul3A_416, %mul3A_412 : vector<16xf32>
      %sub3A_418 = arith.constant 1.500000e+00 : f32
      %sub3A_419 = vector.broadcast %sub3A_418 : f32 to vector<16xf32>
      %sub3A_420 = arith.subf %sub3A_419, %mul3A_417 : vector<16xf32>
      %mul3A_421 = arith.mulf %mul3A_412, %sub3A_420 : vector<16xf32>
      %mul3A_422 = arith.constant 5.000000e-01 : f32
      %mul3A_423 = vector.broadcast %mul3A_422 : f32 to vector<16xf32>
      %mul3A_424 = arith.mulf %mul3A_423, %add3A_395 : vector<16xf32>
      %mul3A_425 = arith.mulf %mul3A_424, %mul3A_421 : vector<16xf32>
      %mul3A_426 = arith.mulf %mul3A_425, %mul3A_421 : vector<16xf32>
      %sub3A_427 = arith.constant 1.500000e+00 : f32
      %sub3A_428 = vector.broadcast %sub3A_427 : f32 to vector<16xf32>
      %sub3A_429 = arith.subf %sub3A_428, %mul3A_426 : vector<16xf32>
      %mul3A_430 = arith.mulf %mul3A_421, %sub3A_429 : vector<16xf32>
      %mul3A_431 = arith.mulf %mul3A_387, %mul3A_430 : vector<16xf32>
      %neg3A_432 = arith.constant 0.000000e+00 : f32
      %neg3A_433 = vector.broadcast %neg3A_432 : f32 to vector<16xf32>
      %neg3A_434 = arith.subf %neg3A_433, %mul3A_431 : vector<16xf32>
      %reduce_sum3A_435 = arith.constant true
      %reduce_sum3A_436 = vector.broadcast %reduce_sum3A_435 : i1 to vector<16xi1>
      %reduce_sum3A_437 = tpu.scan <sum>, %parallel_loop3A_79#12 masked %reduce_sum3A_436 : vector<16xf32>, vector<16xi1> -> vector<16xf32>
      %reduce_sum3A_438 = vector.extract %reduce_sum3A_437[15] : f32 from vector<16xf32>
      %broadcast_in_dim3A_439 = vector.broadcast %reduce_sum3A_438 : f32 to vector<16xf32>
      %reduce_sum3A_440 = arith.constant true
      %reduce_sum3A_441 = vector.broadcast %reduce_sum3A_440 : i1 to vector<16xi1>
      %reduce_sum3A_442 = tpu.scan <sum>, %parallel_loop3A_79#13 masked %reduce_sum3A_441 : vector<16xf32>, vector<16xi1> -> vector<16xf32>
      %reduce_sum3A_443 = vector.extract %reduce_sum3A_442[15] : f32 from vector<16xf32>
      %broadcast_in_dim3A_444 = vector.broadcast %reduce_sum3A_443 : f32 to vector<16xf32>
      %mul3A_445 = arith.constant 4.8828125E-4 : f32
      %mul3A_446 = vector.broadcast %mul3A_445 : f32 to vector<16xf32>
      %mul3A_447 = arith.mulf %broadcast_in_dim3A_439, %mul3A_446 : vector<16xf32>
      %mul3A_448 = arith.constant 4.8828125E-4 : f32
      %mul3A_449 = vector.broadcast %mul3A_448 : f32 to vector<16xf32>
      %mul3A_450 = arith.mulf %broadcast_in_dim3A_444, %mul3A_449 : vector<16xf32>
      %mul3A_451 = arith.mulf %mul3A_447, %mul3A_447 : vector<16xf32>
      %sub3A_452 = arith.subf %mul3A_450, %mul3A_451 : vector<16xf32>
      %add3A_453 = arith.constant 9.99999974E-6 : f32
      %add3A_454 = vector.broadcast %add3A_453 : f32 to vector<16xf32>
      %add3A_455 = arith.addf %sub3A_452, %add3A_454 : vector<16xf32>
      %bitcast_convert_type3A_456 = tpu.bitcast %add3A_455 : vector<16xf32> -> vector<16xi32>
      %shift_right_logical3A_457 = arith.constant 1 : i32
      %shift_right_logical3A_458 = vector.broadcast %shift_right_logical3A_457 : i32 to vector<16xi32>
      %shift_right_logical3A_459 = arith.shrui %bitcast_convert_type3A_456, %shift_right_logical3A_458 : vector<16xi32>
      %sub3A_460 = arith.constant 1597463007 : i32
      %sub3A_461 = vector.broadcast %sub3A_460 : i32 to vector<16xi32>
      %sub3A_462 = arith.subi %sub3A_461, %shift_right_logical3A_459 : vector<16xi32>
      %bitcast_convert_type3A_463 = tpu.bitcast %sub3A_462 : vector<16xi32> -> vector<16xf32>
      %mul3A_464 = arith.constant 5.000000e-01 : f32
      %mul3A_465 = vector.broadcast %mul3A_464 : f32 to vector<16xf32>
      %mul3A_466 = arith.mulf %mul3A_465, %add3A_455 : vector<16xf32>
      %mul3A_467 = arith.mulf %mul3A_466, %bitcast_convert_type3A_463 : vector<16xf32>
      %mul3A_468 = arith.mulf %mul3A_467, %bitcast_convert_type3A_463 : vector<16xf32>
      %sub3A_469 = arith.constant 1.500000e+00 : f32
      %sub3A_470 = vector.broadcast %sub3A_469 : f32 to vector<16xf32>
      %sub3A_471 = arith.subf %sub3A_470, %mul3A_468 : vector<16xf32>
      %mul3A_472 = arith.mulf %bitcast_convert_type3A_463, %sub3A_471 : vector<16xf32>
      %mul3A_473 = arith.constant 5.000000e-01 : f32
      %mul3A_474 = vector.broadcast %mul3A_473 : f32 to vector<16xf32>
      %mul3A_475 = arith.mulf %mul3A_474, %add3A_455 : vector<16xf32>
      %mul3A_476 = arith.mulf %mul3A_475, %mul3A_472 : vector<16xf32>
      %mul3A_477 = arith.mulf %mul3A_476, %mul3A_472 : vector<16xf32>
      %sub3A_478 = arith.constant 1.500000e+00 : f32
      %sub3A_479 = vector.broadcast %sub3A_478 : f32 to vector<16xf32>
      %sub3A_480 = arith.subf %sub3A_479, %mul3A_477 : vector<16xf32>
      %mul3A_481 = arith.mulf %mul3A_472, %sub3A_480 : vector<16xf32>
      %mul3A_482 = arith.constant 5.000000e-01 : f32
      %mul3A_483 = vector.broadcast %mul3A_482 : f32 to vector<16xf32>
      %mul3A_484 = arith.mulf %mul3A_483, %add3A_455 : vector<16xf32>
      %mul3A_485 = arith.mulf %mul3A_484, %mul3A_481 : vector<16xf32>
      %mul3A_486 = arith.mulf %mul3A_485, %mul3A_481 : vector<16xf32>
      %sub3A_487 = arith.constant 1.500000e+00 : f32
      %sub3A_488 = vector.broadcast %sub3A_487 : f32 to vector<16xf32>
      %sub3A_489 = arith.subf %sub3A_488, %mul3A_486 : vector<16xf32>
      %mul3A_490 = arith.mulf %mul3A_481, %sub3A_489 : vector<16xf32>
      %mul3A_491 = arith.mulf %mul3A_447, %mul3A_490 : vector<16xf32>
      %neg3A_492 = arith.constant 0.000000e+00 : f32
      %neg3A_493 = vector.broadcast %neg3A_492 : f32 to vector<16xf32>
      %neg3A_494 = arith.subf %neg3A_493, %mul3A_491 : vector<16xf32>
      %reduce_sum3A_495 = arith.constant true
      %reduce_sum3A_496 = vector.broadcast %reduce_sum3A_495 : i1 to vector<16xi1>
      %reduce_sum3A_497 = tpu.scan <sum>, %parallel_loop3A_79#14 masked %reduce_sum3A_496 : vector<16xf32>, vector<16xi1> -> vector<16xf32>
      %reduce_sum3A_498 = vector.extract %reduce_sum3A_497[15] : f32 from vector<16xf32>
      %broadcast_in_dim3A_499 = vector.broadcast %reduce_sum3A_498 : f32 to vector<16xf32>
      %reduce_sum3A_500 = arith.constant true
      %reduce_sum3A_501 = vector.broadcast %reduce_sum3A_500 : i1 to vector<16xi1>
      %reduce_sum3A_502 = tpu.scan <sum>, %parallel_loop3A_79#15 masked %reduce_sum3A_501 : vector<16xf32>, vector<16xi1> -> vector<16xf32>
      %reduce_sum3A_503 = vector.extract %reduce_sum3A_502[15] : f32 from vector<16xf32>
      %broadcast_in_dim3A_504 = vector.broadcast %reduce_sum3A_503 : f32 to vector<16xf32>
      %mul3A_505 = arith.constant 4.8828125E-4 : f32
      %mul3A_506 = vector.broadcast %mul3A_505 : f32 to vector<16xf32>
      %mul3A_507 = arith.mulf %broadcast_in_dim3A_499, %mul3A_506 : vector<16xf32>
      %mul3A_508 = arith.constant 4.8828125E-4 : f32
      %mul3A_509 = vector.broadcast %mul3A_508 : f32 to vector<16xf32>
      %mul3A_510 = arith.mulf %broadcast_in_dim3A_504, %mul3A_509 : vector<16xf32>
      %mul3A_511 = arith.mulf %mul3A_507, %mul3A_507 : vector<16xf32>
      %sub3A_512 = arith.subf %mul3A_510, %mul3A_511 : vector<16xf32>
      %add3A_513 = arith.constant 9.99999974E-6 : f32
      %add3A_514 = vector.broadcast %add3A_513 : f32 to vector<16xf32>
      %add3A_515 = arith.addf %sub3A_512, %add3A_514 : vector<16xf32>
      %bitcast_convert_type3A_516 = tpu.bitcast %add3A_515 : vector<16xf32> -> vector<16xi32>
      %shift_right_logical3A_517 = arith.constant 1 : i32
      %shift_right_logical3A_518 = vector.broadcast %shift_right_logical3A_517 : i32 to vector<16xi32>
      %shift_right_logical3A_519 = arith.shrui %bitcast_convert_type3A_516, %shift_right_logical3A_518 : vector<16xi32>
      %sub3A_520 = arith.constant 1597463007 : i32
      %sub3A_521 = vector.broadcast %sub3A_520 : i32 to vector<16xi32>
      %sub3A_522 = arith.subi %sub3A_521, %shift_right_logical3A_519 : vector<16xi32>
      %bitcast_convert_type3A_523 = tpu.bitcast %sub3A_522 : vector<16xi32> -> vector<16xf32>
      %mul3A_524 = arith.constant 5.000000e-01 : f32
      %mul3A_525 = vector.broadcast %mul3A_524 : f32 to vector<16xf32>
      %mul3A_526 = arith.mulf %mul3A_525, %add3A_515 : vector<16xf32>
      %mul3A_527 = arith.mulf %mul3A_526, %bitcast_convert_type3A_523 : vector<16xf32>
      %mul3A_528 = arith.mulf %mul3A_527, %bitcast_convert_type3A_523 : vector<16xf32>
      %sub3A_529 = arith.constant 1.500000e+00 : f32
      %sub3A_530 = vector.broadcast %sub3A_529 : f32 to vector<16xf32>
      %sub3A_531 = arith.subf %sub3A_530, %mul3A_528 : vector<16xf32>
      %mul3A_532 = arith.mulf %bitcast_convert_type3A_523, %sub3A_531 : vector<16xf32>
      %mul3A_533 = arith.constant 5.000000e-01 : f32
      %mul3A_534 = vector.broadcast %mul3A_533 : f32 to vector<16xf32>
      %mul3A_535 = arith.mulf %mul3A_534, %add3A_515 : vector<16xf32>
      %mul3A_536 = arith.mulf %mul3A_535, %mul3A_532 : vector<16xf32>
      %mul3A_537 = arith.mulf %mul3A_536, %mul3A_532 : vector<16xf32>
      %sub3A_538 = arith.constant 1.500000e+00 : f32
      %sub3A_539 = vector.broadcast %sub3A_538 : f32 to vector<16xf32>
      %sub3A_540 = arith.subf %sub3A_539, %mul3A_537 : vector<16xf32>
      %mul3A_541 = arith.mulf %mul3A_532, %sub3A_540 : vector<16xf32>
      %mul3A_542 = arith.constant 5.000000e-01 : f32
      %mul3A_543 = vector.broadcast %mul3A_542 : f32 to vector<16xf32>
      %mul3A_544 = arith.mulf %mul3A_543, %add3A_515 : vector<16xf32>
      %mul3A_545 = arith.mulf %mul3A_544, %mul3A_541 : vector<16xf32>
      %mul3A_546 = arith.mulf %mul3A_545, %mul3A_541 : vector<16xf32>
      %sub3A_547 = arith.constant 1.500000e+00 : f32
      %sub3A_548 = vector.broadcast %sub3A_547 : f32 to vector<16xf32>
      %sub3A_549 = arith.subf %sub3A_548, %mul3A_546 : vector<16xf32>
      %mul3A_550 = arith.mulf %mul3A_541, %sub3A_549 : vector<16xf32>
      %mul3A_551 = arith.mulf %mul3A_507, %mul3A_550 : vector<16xf32>
      %neg3A_552 = arith.constant 0.000000e+00 : f32
      %neg3A_553 = vector.broadcast %neg3A_552 : f32 to vector<16xf32>
      %neg3A_554 = arith.subf %neg3A_553, %mul3A_551 : vector<16xf32>
      %parallel_loop3A_555 = arith.constant 0 : i32
      %parallel_loop3A_556 = arith.constant 128 : i32
      %parallel_loop3A_557 = arith.constant 1 : i32
      %parallel_loop3A_558 = arith.constant 0 : i32
      %parallel_loop3A_559 = arith.constant 0 : i32
      scf.for %parallel_loop3A_1119 = %parallel_loop3A_555 to %parallel_loop3A_556 step %parallel_loop3A_557  : i32 {
        %parallel_loop3A_1120 = arith.constant 16 : i32
        %parallel_loop3A_1121 = arith.muli %parallel_loop3A_1119, %parallel_loop3A_1120 : i32
        %parallel_loop3A_1122 = arith.index_cast %parallel_loop3A_1121 : i32 to index
        %parallel_loop3A_1123 = tpu.vector_load %arg10[%parallel_loop3A_1122] {strides = array<i32>} : memref<2048xf32, #tpu.memory_space<vmem>>, vector<16xf32>,
        %parallel_loop3A_1124 = arith.index_cast %parallel_loop3A_1121 : i32 to index
        %parallel_loop3A_1125 = tpu.vector_load %arg11[%parallel_loop3A_1124] {strides = array<i32>} : memref<2048xf32, #tpu.memory_space<vmem>>, vector<16xf32>,
        %parallel_loop3A_1126 = arith.constant 0 : i32
        %parallel_loop3A_1127 = arith.constant 0 : i32
        %parallel_loop3A_1128 = arith.constant 0 : i32
        %parallel_loop3A_1129 = tpu.memref_slice %arg8[%parallel_loop3A_558, %parallel_loop3A_1127, %parallel_loop3A_1128] : memref<2x8x2048xf32, #tpu.memory_space<vmem>> -> memref<1x8x2048xf32, #tpu.memory_space<vmem>>
        %parallel_loop3A_1130 = tpu.memref_squeeze %parallel_loop3A_1129 : memref<1x8x2048xf32, #tpu.memory_space<vmem>> -> memref<8x2048xf32, #tpu.memory_space<vmem>>
        %parallel_loop3A_1131 = arith.index_cast %parallel_loop3A_1126 : i32 to index
        %parallel_loop3A_1132 = arith.index_cast %parallel_loop3A_1121 : i32 to index
        %parallel_loop3A_1133 = tpu.vector_load %parallel_loop3A_1130[%parallel_loop3A_1131, %parallel_loop3A_1132] {strides = array<i32>} : memref<8x2048xf32, #tpu.memory_space<vmem>>, vector<16xf32>,
        %parallel_loop3A_1134 = arith.mulf %parallel_loop3A_1133, %mul3A_131 : vector<16xf32>
        %parallel_loop3A_1135 = arith.addf %parallel_loop3A_1134, %neg3A_134 : vector<16xf32>
        %parallel_loop3A_1136 = arith.mulf %parallel_loop3A_1135, %parallel_loop3A_1123 : vector<16xf32>
        %parallel_loop3A_1137 = arith.addf %parallel_loop3A_1136, %parallel_loop3A_1125 : vector<16xf32>
        %parallel_loop3A_1138 = arith.constant 0 : i32
        %parallel_loop3A_1139 = arith.constant 0 : i32
        %parallel_loop3A_1140 = arith.constant 0 : i32
        %parallel_loop3A_1141 = tpu.memref_slice %arg9[%parallel_loop3A_559, %parallel_loop3A_1139, %parallel_loop3A_1140] : memref<2x8x2048xf32, #tpu.memory_space<vmem>> -> memref<1x8x2048xf32, #tpu.memory_space<vmem>>
        %parallel_loop3A_1142 = tpu.memref_squeeze %parallel_loop3A_1141 : memref<1x8x2048xf32, #tpu.memory_space<vmem>> -> memref<8x2048xf32, #tpu.memory_space<vmem>>
        %parallel_loop3A_1143 = arith.index_cast %parallel_loop3A_1138 : i32 to index
        %parallel_loop3A_1144 = arith.index_cast %parallel_loop3A_1121 : i32 to index
        %parallel_loop3A_1145 = tpu.vector_load %parallel_loop3A_1142[%parallel_loop3A_1143, %parallel_loop3A_1144] {strides = array<i32>} : memref<8x2048xf32, #tpu.memory_space<vmem>>, vector<16xf32>,
        tpu.vector_store %parallel_loop3A_1142[%parallel_loop3A_1143, %parallel_loop3A_1144], %parallel_loop3A_1137 {strides = array<i32>} : memref<8x2048xf32, #tpu.memory_space<vmem>>, vector<16xf32>,
        %parallel_loop3A_1146 = arith.constant 1 : i32
        %parallel_loop3A_1147 = arith.constant 0 : i32
        %parallel_loop3A_1148 = arith.constant 0 : i32
        %parallel_loop3A_1149 = tpu.memref_slice %arg8[%parallel_loop3A_558, %parallel_loop3A_1147, %parallel_loop3A_1148] : memref<2x8x2048xf32, #tpu.memory_space<vmem>> -> memref<1x8x2048xf32, #tpu.memory_space<vmem>>
        %parallel_loop3A_1150 = tpu.memref_squeeze %parallel_loop3A_1149 : memref<1x8x2048xf32, #tpu.memory_space<vmem>> -> memref<8x2048xf32, #tpu.memory_space<vmem>>
        %parallel_loop3A_1151 = arith.index_cast %parallel_loop3A_1146 : i32 to index
        %parallel_loop3A_1152 = arith.index_cast %parallel_loop3A_1121 : i32 to index
        %parallel_loop3A_1153 = tpu.vector_load %parallel_loop3A_1150[%parallel_loop3A_1151, %parallel_loop3A_1152] {strides = array<i32>} : memref<8x2048xf32, #tpu.memory_space<vmem>>, vector<16xf32>,
        %parallel_loop3A_1154 = arith.mulf %parallel_loop3A_1153, %mul3A_190 : vector<16xf32>
        %parallel_loop3A_1155 = arith.addf %parallel_loop3A_1154, %neg3A_194 : vector<16xf32>
        %parallel_loop3A_1156 = arith.mulf %parallel_loop3A_1155, %parallel_loop3A_1123 : vector<16xf32>
        %parallel_loop3A_1157 = arith.addf %parallel_loop3A_1156, %parallel_loop3A_1125 : vector<16xf32>
        %parallel_loop3A_1158 = arith.constant 1 : i32
        %parallel_loop3A_1159 = arith.constant 0 : i32
        %parallel_loop3A_1160 = arith.constant 0 : i32
        %parallel_loop3A_1161 = tpu.memref_slice %arg9[%parallel_loop3A_559, %parallel_loop3A_1159, %parallel_loop3A_1160] : memref<2x8x2048xf32, #tpu.memory_space<vmem>> -> memref<1x8x2048xf32, #tpu.memory_space<vmem>>
        %parallel_loop3A_1162 = tpu.memref_squeeze %parallel_loop3A_1161 : memref<1x8x2048xf32, #tpu.memory_space<vmem>> -> memref<8x2048xf32, #tpu.memory_space<vmem>>
        %parallel_loop3A_1163 = arith.index_cast %parallel_loop3A_1158 : i32 to index
        %parallel_loop3A_1164 = arith.index_cast %parallel_loop3A_1121 : i32 to index
        %parallel_loop3A_1165 = tpu.vector_load %parallel_loop3A_1162[%parallel_loop3A_1163, %parallel_loop3A_1164] {strides = array<i32>} : memref<8x2048xf32, #tpu.memory_space<vmem>>, vector<16xf32>,
        tpu.vector_store %parallel_loop3A_1162[%parallel_loop3A_1163, %parallel_loop3A_1164], %parallel_loop3A_1157 {strides = array<i32>} : memref<8x2048xf32, #tpu.memory_space<vmem>>, vector<16xf32>,
        %parallel_loop3A_1166 = arith.constant 2 : i32
        %parallel_loop3A_1167 = arith.constant 0 : i32
        %parallel_loop3A_1168 = arith.constant 0 : i32
        %parallel_loop3A_1169 = tpu.memref_slice %arg8[%parallel_loop3A_558, %parallel_loop3A_1167, %parallel_loop3A_1168] : memref<2x8x2048xf32, #tpu.memory_space<vmem>> -> memref<1x8x2048xf32, #tpu.memory_space<vmem>>
        %parallel_loop3A_1170 = tpu.memref_squeeze %parallel_loop3A_1169 : memref<1x8x2048xf32, #tpu.memory_space<vmem>> -> memref<8x2048xf32, #tpu.memory_space<vmem>>
        %parallel_loop3A_1171 = arith.index_cast %parallel_loop3A_1166 : i32 to index
        %parallel_loop3A_1172 = arith.index_cast %parallel_loop3A_1121 : i32 to index
        %parallel_loop3A_1173 = tpu.vector_load %parallel_loop3A_1170[%parallel_loop3A_1171, %parallel_loop3A_1172] {strides = array<i32>} : memref<8x2048xf32, #tpu.memory_space<vmem>>, vector<16xf32>,
        %parallel_loop3A_1174 = arith.mulf %parallel_loop3A_1173, %mul3A_250 : vector<16xf32>
        %parallel_loop3A_1175 = arith.addf %parallel_loop3A_1174, %neg3A_254 : vector<16xf32>
        %parallel_loop3A_1176 = arith.mulf %parallel_loop3A_1175, %parallel_loop3A_1123 : vector<16xf32>
        %parallel_loop3A_1177 = arith.addf %parallel_loop3A_1176, %parallel_loop3A_1125 : vector<16xf32>
        %parallel_loop3A_1178 = arith.constant 2 : i32
        %parallel_loop3A_1179 = arith.constant 0 : i32
        %parallel_loop3A_1180 = arith.constant 0 : i32
        %parallel_loop3A_1181 = tpu.memref_slice %arg9[%parallel_loop3A_559, %parallel_loop3A_1179, %parallel_loop3A_1180] : memref<2x8x2048xf32, #tpu.memory_space<vmem>> -> memref<1x8x2048xf32, #tpu.memory_space<vmem>>
        %parallel_loop3A_1182 = tpu.memref_squeeze %parallel_loop3A_1181 : memref<1x8x2048xf32, #tpu.memory_space<vmem>> -> memref<8x2048xf32, #tpu.memory_space<vmem>>
        %parallel_loop3A_1183 = arith.index_cast %parallel_loop3A_1178 : i32 to index
        %parallel_loop3A_1184 = arith.index_cast %parallel_loop3A_1121 : i32 to index
        %parallel_loop3A_1185 = tpu.vector_load %parallel_loop3A_1182[%parallel_loop3A_1183, %parallel_loop3A_1184] {strides = array<i32>} : memref<8x2048xf32, #tpu.memory_space<vmem>>, vector<16xf32>,
        tpu.vector_store %parallel_loop3A_1182[%parallel_loop3A_1183, %parallel_loop3A_1184], %parallel_loop3A_1177 {strides = array<i32>} : memref<8x2048xf32, #tpu.memory_space<vmem>>, vector<16xf32>,
        %parallel_loop3A_1186 = arith.constant 3 : i32
        %parallel_loop3A_1187 = arith.constant 0 : i32
        %parallel_loop3A_1188 = arith.constant 0 : i32
        %parallel_loop3A_1189 = tpu.memref_slice %arg8[%parallel_loop3A_558, %parallel_loop3A_1187, %parallel_loop3A_1188] : memref<2x8x2048xf32, #tpu.memory_space<vmem>> -> memref<1x8x2048xf32, #tpu.memory_space<vmem>>
        %parallel_loop3A_1190 = tpu.memref_squeeze %parallel_loop3A_1189 : memref<1x8x2048xf32, #tpu.memory_space<vmem>> -> memref<8x2048xf32, #tpu.memory_space<vmem>>
        %parallel_loop3A_1191 = arith.index_cast %parallel_loop3A_1186 : i32 to index
        %parallel_loop3A_1192 = arith.index_cast %parallel_loop3A_1121 : i32 to index
        %parallel_loop3A_1193 = tpu.vector_load %parallel_loop3A_1190[%parallel_loop3A_1191, %parallel_loop3A_1192] {strides = array<i32>} : memref<8x2048xf32, #tpu.memory_space<vmem>>, vector<16xf32>,
        %parallel_loop3A_1194 = arith.mulf %parallel_loop3A_1193, %mul3A_310 : vector<16xf32>
        %parallel_loop3A_1195 = arith.addf %parallel_loop3A_1194, %neg3A_314 : vector<16xf32>
        %parallel_loop3A_1196 = arith.mulf %parallel_loop3A_1195, %parallel_loop3A_1123 : vector<16xf32>
        %parallel_loop3A_1197 = arith.addf %parallel_loop3A_1196, %parallel_loop3A_1125 : vector<16xf32>
        %parallel_loop3A_1198 = arith.constant 3 : i32
        %parallel_loop3A_1199 = arith.constant 0 : i32
        %parallel_loop3A_1200 = arith.constant 0 : i32
        %parallel_loop3A_1201 = tpu.memref_slice %arg9[%parallel_loop3A_559, %parallel_loop3A_1199, %parallel_loop3A_1200] : memref<2x8x2048xf32, #tpu.memory_space<vmem>> -> memref<1x8x2048xf32, #tpu.memory_space<vmem>>
        %parallel_loop3A_1202 = tpu.memref_squeeze %parallel_loop3A_1201 : memref<1x8x2048xf32, #tpu.memory_space<vmem>> -> memref<8x2048xf32, #tpu.memory_space<vmem>>
        %parallel_loop3A_1203 = arith.index_cast %parallel_loop3A_1198 : i32 to index
        %parallel_loop3A_1204 = arith.index_cast %parallel_loop3A_1121 : i32 to index
        %parallel_loop3A_1205 = tpu.vector_load %parallel_loop3A_1202[%parallel_loop3A_1203, %parallel_loop3A_1204] {strides = array<i32>} : memref<8x2048xf32, #tpu.memory_space<vmem>>, vector<16xf32>,
        tpu.vector_store %parallel_loop3A_1202[%parallel_loop3A_1203, %parallel_loop3A_1204], %parallel_loop3A_1197 {strides = array<i32>} : memref<8x2048xf32, #tpu.memory_space<vmem>>, vector<16xf32>,
        %parallel_loop3A_1206 = arith.constant 4 : i32
        %parallel_loop3A_1207 = arith.constant 0 : i32
        %parallel_loop3A_1208 = arith.constant 0 : i32
        %parallel_loop3A_1209 = tpu.memref_slice %arg8[%parallel_loop3A_558, %parallel_loop3A_1207, %parallel_loop3A_1208] : memref<2x8x2048xf32, #tpu.memory_space<vmem>> -> memref<1x8x2048xf32, #tpu.memory_space<vmem>>
        %parallel_loop3A_1210 = tpu.memref_squeeze %parallel_loop3A_1209 : memref<1x8x2048xf32, #tpu.memory_space<vmem>> -> memref<8x2048xf32, #tpu.memory_space<vmem>>
        %parallel_loop3A_1211 = arith.index_cast %parallel_loop3A_1206 : i32 to index
        %parallel_loop3A_1212 = arith.index_cast %parallel_loop3A_1121 : i32 to index
        %parallel_loop3A_1213 = tpu.vector_load %parallel_loop3A_1210[%parallel_loop3A_1211, %parallel_loop3A_1212] {strides = array<i32>} : memref<8x2048xf32, #tpu.memory_space<vmem>>, vector<16xf32>,
        %parallel_loop3A_1214 = arith.mulf %parallel_loop3A_1213, %mul3A_370 : vector<16xf32>
        %parallel_loop3A_1215 = arith.addf %parallel_loop3A_1214, %neg3A_374 : vector<16xf32>
        %parallel_loop3A_1216 = arith.mulf %parallel_loop3A_1215, %parallel_loop3A_1123 : vector<16xf32>
        %parallel_loop3A_1217 = arith.addf %parallel_loop3A_1216, %parallel_loop3A_1125 : vector<16xf32>
        %parallel_loop3A_1218 = arith.constant 4 : i32
        %parallel_loop3A_1219 = arith.constant 0 : i32
        %parallel_loop3A_1220 = arith.constant 0 : i32
        %parallel_loop3A_1221 = tpu.memref_slice %arg9[%parallel_loop3A_559, %parallel_loop3A_1219, %parallel_loop3A_1220] : memref<2x8x2048xf32, #tpu.memory_space<vmem>> -> memref<1x8x2048xf32, #tpu.memory_space<vmem>>
        %parallel_loop3A_1222 = tpu.memref_squeeze %parallel_loop3A_1221 : memref<1x8x2048xf32, #tpu.memory_space<vmem>> -> memref<8x2048xf32, #tpu.memory_space<vmem>>
        %parallel_loop3A_1223 = arith.index_cast %parallel_loop3A_1218 : i32 to index
        %parallel_loop3A_1224 = arith.index_cast %parallel_loop3A_1121 : i32 to index
        %parallel_loop3A_1225 = tpu.vector_load %parallel_loop3A_1222[%parallel_loop3A_1223, %parallel_loop3A_1224] {strides = array<i32>} : memref<8x2048xf32, #tpu.memory_space<vmem>>, vector<16xf32>,
        tpu.vector_store %parallel_loop3A_1222[%parallel_loop3A_1223, %parallel_loop3A_1224], %parallel_loop3A_1217 {strides = array<i32>} : memref<8x2048xf32, #tpu.memory_space<vmem>>, vector<16xf32>,
        %parallel_loop3A_1226 = arith.constant 5 : i32
        %parallel_loop3A_1227 = arith.constant 0 : i32
        %parallel_loop3A_1228 = arith.constant 0 : i32
        %parallel_loop3A_1229 = tpu.memref_slice %arg8[%parallel_loop3A_558, %parallel_loop3A_1227, %parallel_loop3A_1228] : memref<2x8x2048xf32, #tpu.memory_space<vmem>> -> memref<1x8x2048xf32, #tpu.memory_space<vmem>>
        %parallel_loop3A_1230 = tpu.memref_squeeze %parallel_loop3A_1229 : memref<1x8x2048xf32, #tpu.memory_space<vmem>> -> memref<8x2048xf32, #tpu.memory_space<vmem>>
        %parallel_loop3A_1231 = arith.index_cast %parallel_loop3A_1226 : i32 to index
        %parallel_loop3A_1232 = arith.index_cast %parallel_loop3A_1121 : i32 to index
        %parallel_loop3A_1233 = tpu.vector_load %parallel_loop3A_1230[%parallel_loop3A_1231, %parallel_loop3A_1232] {strides = array<i32>} : memref<8x2048xf32, #tpu.memory_space<vmem>>, vector<16xf32>,
        %parallel_loop3A_1234 = arith.mulf %parallel_loop3A_1233, %mul3A_430 : vector<16xf32>
        %parallel_loop3A_1235 = arith.addf %parallel_loop3A_1234, %neg3A_434 : vector<16xf32>
        %parallel_loop3A_1236 = arith.mulf %parallel_loop3A_1235, %parallel_loop3A_1123 : vector<16xf32>
        %parallel_loop3A_1237 = arith.addf %parallel_loop3A_1236, %parallel_loop3A_1125 : vector<16xf32>
        %parallel_loop3A_1238 = arith.constant 5 : i32
        %parallel_loop3A_1239 = arith.constant 0 : i32
        %parallel_loop3A_1240 = arith.constant 0 : i32
        %parallel_loop3A_1241 = tpu.memref_slice %arg9[%parallel_loop3A_559, %parallel_loop3A_1239, %parallel_loop3A_1240] : memref<2x8x2048xf32, #tpu.memory_space<vmem>> -> memref<1x8x2048xf32, #tpu.memory_space<vmem>>
        %parallel_loop3A_1242 = tpu.memref_squeeze %parallel_loop3A_1241 : memref<1x8x2048xf32, #tpu.memory_space<vmem>> -> memref<8x2048xf32, #tpu.memory_space<vmem>>
        %parallel_loop3A_1243 = arith.index_cast %parallel_loop3A_1238 : i32 to index
        %parallel_loop3A_1244 = arith.index_cast %parallel_loop3A_1121 : i32 to index
        %parallel_loop3A_1245 = tpu.vector_load %parallel_loop3A_1242[%parallel_loop3A_1243, %parallel_loop3A_1244] {strides = array<i32>} : memref<8x2048xf32, #tpu.memory_space<vmem>>, vector<16xf32>,
        tpu.vector_store %parallel_loop3A_1242[%parallel_loop3A_1243, %parallel_loop3A_1244], %parallel_loop3A_1237 {strides = array<i32>} : memref<8x2048xf32, #tpu.memory_space<vmem>>, vector<16xf32>,
        %parallel_loop3A_1246 = arith.constant 6 : i32
        %parallel_loop3A_1247 = arith.constant 0 : i32
        %parallel_loop3A_1248 = arith.constant 0 : i32
        %parallel_loop3A_1249 = tpu.memref_slice %arg8[%parallel_loop3A_558, %parallel_loop3A_1247, %parallel_loop3A_1248] : memref<2x8x2048xf32, #tpu.memory_space<vmem>> -> memref<1x8x2048xf32, #tpu.memory_space<vmem>>
        %parallel_loop3A_1250 = tpu.memref_squeeze %parallel_loop3A_1249 : memref<1x8x2048xf32, #tpu.memory_space<vmem>> -> memref<8x2048xf32, #tpu.memory_space<vmem>>
        %parallel_loop3A_1251 = arith.index_cast %parallel_loop3A_1246 : i32 to index
        %parallel_loop3A_1252 = arith.index_cast %parallel_loop3A_1121 : i32 to index
        %parallel_loop3A_1253 = tpu.vector_load %parallel_loop3A_1250[%parallel_loop3A_1251, %parallel_loop3A_1252] {strides = array<i32>} : memref<8x2048xf32, #tpu.memory_space<vmem>>, vector<16xf32>,
        %parallel_loop3A_1254 = arith.mulf %parallel_loop3A_1253, %mul3A_490 : vector<16xf32>
        %parallel_loop3A_1255 = arith.addf %parallel_loop3A_1254, %neg3A_494 : vector<16xf32>
        %parallel_loop3A_1256 = arith.mulf %parallel_loop3A_1255, %parallel_loop3A_1123 : vector<16xf32>
        %parallel_loop3A_1257 = arith.addf %parallel_loop3A_1256, %parallel_loop3A_1125 : vector<16xf32>
        %parallel_loop3A_1258 = arith.constant 6 : i32
        %parallel_loop3A_1259 = arith.constant 0 : i32
        %parallel_loop3A_1260 = arith.constant 0 : i32
        %parallel_loop3A_1261 = tpu.memref_slice %arg9[%parallel_loop3A_559, %parallel_loop3A_1259, %parallel_loop3A_1260] : memref<2x8x2048xf32, #tpu.memory_space<vmem>> -> memref<1x8x2048xf32, #tpu.memory_space<vmem>>
        %parallel_loop3A_1262 = tpu.memref_squeeze %parallel_loop3A_1261 : memref<1x8x2048xf32, #tpu.memory_space<vmem>> -> memref<8x2048xf32, #tpu.memory_space<vmem>>
        %parallel_loop3A_1263 = arith.index_cast %parallel_loop3A_1258 : i32 to index
        %parallel_loop3A_1264 = arith.index_cast %parallel_loop3A_1121 : i32 to index
        %parallel_loop3A_1265 = tpu.vector_load %parallel_loop3A_1262[%parallel_loop3A_1263, %parallel_loop3A_1264] {strides = array<i32>} : memref<8x2048xf32, #tpu.memory_space<vmem>>, vector<16xf32>,
        tpu.vector_store %parallel_loop3A_1262[%parallel_loop3A_1263, %parallel_loop3A_1264], %parallel_loop3A_1257 {strides = array<i32>} : memref<8x2048xf32, #tpu.memory_space<vmem>>, vector<16xf32>,
        %parallel_loop3A_1266 = arith.constant 7 : i32
        %parallel_loop3A_1267 = arith.constant 0 : i32
        %parallel_loop3A_1268 = arith.constant 0 : i32
        %parallel_loop3A_1269 = tpu.memref_slice %arg8[%parallel_loop3A_558, %parallel_loop3A_1267, %parallel_loop3A_1268] : memref<2x8x2048xf32, #tpu.memory_space<vmem>> -> memref<1x8x2048xf32, #tpu.memory_space<vmem>>
        %parallel_loop3A_1270 = tpu.memref_squeeze %parallel_loop3A_1269 : memref<1x8x2048xf32, #tpu.memory_space<vmem>> -> memref<8x2048xf32, #tpu.memory_space<vmem>>
        %parallel_loop3A_1271 = arith.index_cast %parallel_loop3A_1266 : i32 to index
        %parallel_loop3A_1272 = arith.index_cast %parallel_loop3A_1121 : i32 to index
        %parallel_loop3A_1273 = tpu.vector_load %parallel_loop3A_1270[%parallel_loop3A_1271, %parallel_loop3A_1272] {strides = array<i32>} : memref<8x2048xf32, #tpu.memory_space<vmem>>, vector<16xf32>,
        %parallel_loop3A_1274 = arith.mulf %parallel_loop3A_1273, %mul3A_550 : vector<16xf32>
        %parallel_loop3A_1275 = arith.addf %parallel_loop3A_1274, %neg3A_554 : vector<16xf32>
        %parallel_loop3A_1276 = arith.mulf %parallel_loop3A_1275, %parallel_loop3A_1123 : vector<16xf32>
        %parallel_loop3A_1277 = arith.addf %parallel_loop3A_1276, %parallel_loop3A_1125 : vector<16xf32>
        %parallel_loop3A_1278 = arith.constant 7 : i32
        %parallel_loop3A_1279 = arith.constant 0 : i32
        %parallel_loop3A_1280 = arith.constant 0 : i32
        %parallel_loop3A_1281 = tpu.memref_slice %arg9[%parallel_loop3A_559, %parallel_loop3A_1279, %parallel_loop3A_1280] : memref<2x8x2048xf32, #tpu.memory_space<vmem>> -> memref<1x8x2048xf32, #tpu.memory_space<vmem>>
        %parallel_loop3A_1282 = tpu.memref_squeeze %parallel_loop3A_1281 : memref<1x8x2048xf32, #tpu.memory_space<vmem>> -> memref<8x2048xf32, #tpu.memory_space<vmem>>
        %parallel_loop3A_1283 = arith.index_cast %parallel_loop3A_1278 : i32 to index
        %parallel_loop3A_1284 = arith.index_cast %parallel_loop3A_1121 : i32 to index
        %parallel_loop3A_1285 = tpu.vector_load %parallel_loop3A_1282[%parallel_loop3A_1283, %parallel_loop3A_1284] {strides = array<i32>} : memref<8x2048xf32, #tpu.memory_space<vmem>>, vector<16xf32>,
        tpu.vector_store %parallel_loop3A_1282[%parallel_loop3A_1283, %parallel_loop3A_1284], %parallel_loop3A_1277 {strides = array<i32>} : memref<8x2048xf32, #tpu.memory_space<vmem>>, vector<16xf32>,
      } {sc.loop_unroll_factor = 4 : i64, sc.parallel_access}
      %add3A_560 = arith.constant 2 : i32
      %add3A_561 = arith.addi %add3A_57, %add3A_560 : i32
      %lt3A = arith.constant 32 : i32
      %lt3A_562 = arith.cmpi slt, %add3A_561, %lt3A : i32
      %convert_element_type3A_563 = arith.extui %lt3A_562 : i1 to i32
      %cond3A_564 = arith.constant 0 : i32
      %cond3A_565 = arith.cmpi ne, %convert_element_type3A_563, %cond3A_564 : i32
      scf.if %cond3A_565 {
        %add3A_1119 = arith.constant 0 : i32
        %add3A_1120 = arith.addi %add3A_55, %add3A_1119 : i32
        %add3A_1121 = arith.constant 2 : i32
        %add3A_1122 = arith.addi %add3A_1120, %add3A_1121 : i32
        %mul3A_1123 = arith.constant 8 : i32
        %mul3A_1124 = arith.muli %add3A_1122, %mul3A_1123 : i32
        %dma_start3A_1125 = arith.constant 0 : i32
        %dma_start3A_1126 = arith.constant 0 : i32
        %dma_start3A_1127 = arith.constant 0 : i32
        %dma_start3A_1128 = tpu.memref_slice %arg8[%dma_start3A_1125, %dma_start3A_1126, %dma_start3A_1127] : memref<2x8x2048xf32, #tpu.memory_space<vmem>> -> memref<1x8x2048xf32, #tpu.memory_space<vmem>>
        %dma_start3A_1129 = tpu.memref_squeeze %dma_start3A_1128 : memref<1x8x2048xf32, #tpu.memory_space<vmem>> -> memref<8x2048xf32, #tpu.memory_space<vmem>>
        %dma_start3A_1130 = tpu.memref_slice %arg7[%mul3A_1124] : memref<256xi32, #tpu.memory_space<vmem>> -> memref<8xi32, #tpu.memory_space<vmem>>
        %dma_start3A_1131 = arith.constant 0 : i32
        %dma_start3A_1132 = arith.constant 0 : i32
        %dma_start3A_1133 = tpu.memref_slice %arg3[%dma_start3A_1131, %dma_start3A_1132] : memref<100000x2048xf32, #tpu.memory_space<hbm>> -> memref<100000x2048xf32, #tpu.memory_space<hbm>>
        tpu.enqueue_indirect_dma source(%dma_start3A_1133 : memref<100000x2048xf32, #tpu.memory_space<hbm>>) target(%dma_start3A_1129 : memref<8x2048xf32, #tpu.memory_space<vmem>>) offsets(%dma_start3A_1130 : memref<8xi32, #tpu.memory_space<vmem>>) semaphore(%arg12 : memref<!tpu.dma_semaphore, #tpu.memory_space<semaphore_mem>>)
      } else {
      }
      %mul3A_566 = arith.constant 8 : i32
      %mul3A_567 = arith.muli %add3A_57, %mul3A_566 : i32
      %add3A_568 = arith.addi %mul3A_2, %mul3A_567 : i32
      %dma_start3A_569 = arith.constant 0 : i32
      %dma_start3A_570 = arith.constant 0 : i32
      %dma_start3A_571 = arith.constant 0 : i32
      %dma_start3A_572 = tpu.memref_slice %arg9[%dma_start3A_569, %dma_start3A_570, %dma_start3A_571] : memref<2x8x2048xf32, #tpu.memory_space<vmem>> -> memref<1x8x2048xf32, #tpu.memory_space<vmem>>
      %dma_start3A_573 = tpu.memref_squeeze %dma_start3A_572 : memref<1x8x2048xf32, #tpu.memory_space<vmem>> -> memref<8x2048xf32, #tpu.memory_space<vmem>>
      %dma_start3A_574 = arith.constant 0 : i32
      %dma_start3A_575 = tpu.memref_slice %arg6[%add3A_568, %dma_start3A_574] : memref<8192x2048xf32, #tpu.memory_space<hbm>> -> memref<8x2048xf32, #tpu.memory_space<hbm>>
      %dma_start3A_576 = arith.constant 0 : i32
      %dma_start3A_577 = tpu.memref_slice %arg6[%add3A_568, %dma_start3A_576] : memref<8192x2048xf32, #tpu.memory_space<hbm>> -> memref<8x2048xf32, #tpu.memory_space<hbm>>
      %dma_start3A_578 = arith.constant 0 : i32
      %dma_start3A_579 = arith.constant 0 : i32
      %dma_start3A_580 = tpu.memref_slice %arg9[%dma_start3A_569, %dma_start3A_578, %dma_start3A_579] : memref<2x8x2048xf32, #tpu.memory_space<vmem>> -> memref<1x8x2048xf32, #tpu.memory_space<vmem>>
      %dma_start3A_581 = tpu.memref_squeeze %dma_start3A_580 : memref<1x8x2048xf32, #tpu.memory_space<vmem>> -> memref<8x2048xf32, #tpu.memory_space<vmem>>
      tpu.enqueue_dma source(%dma_start3A_581 : memref<8x2048xf32, #tpu.memory_space<vmem>>) target(%dma_start3A_577 : memref<8x2048xf32, #tpu.memory_space<hbm>>) target_semaphore(%arg14 : memref<!tpu.dma_semaphore, #tpu.memory_space<semaphore_mem>>)
      %add3A_582 = arith.constant 1 : i32
      %add3A_583 = arith.addi %add3A_55, %add3A_582 : i32
      %dma_wait3A_584 = arith.constant 1 : i32
      %dma_wait3A_585 = arith.constant 0 : i32
      %dma_wait3A_586 = arith.constant 0 : i32
      %dma_wait3A_587 = tpu.memref_slice %arg8[%dma_wait3A_584, %dma_wait3A_585, %dma_wait3A_586] : memref<2x8x2048xf32, #tpu.memory_space<vmem>> -> memref<1x8x2048xf32, #tpu.memory_space<vmem>>
      %dma_wait3A_588 = tpu.memref_squeeze %dma_wait3A_587 : memref<1x8x2048xf32, #tpu.memory_space<vmem>> -> memref<8x2048xf32, #tpu.memory_space<vmem>>
      %dma_wait3A_589 = arith.constant 0 : i32
      %dma_wait3A_590 = arith.constant 0 : i32
      %dma_wait3A_591 = tpu.memref_slice %arg3[%dma_wait3A_589, %dma_wait3A_590] : memref<100000x2048xf32, #tpu.memory_space<hbm>> -> memref<8x2048xf32, #tpu.memory_space<hbm>>
      %dma_wait3A_592 = arith.constant 0 : i32
      %dma_wait3A_593 = arith.constant 0 : i32
      %dma_wait3A_594 = tpu.memref_slice %arg8[%dma_wait3A_584, %dma_wait3A_592, %dma_wait3A_593] : memref<2x8x2048xf32, #tpu.memory_space<vmem>> -> memref<1x8x2048xf32, #tpu.memory_space<vmem>>
      %dma_wait3A_595 = tpu.memref_squeeze %dma_wait3A_594 : memref<1x8x2048xf32, #tpu.memory_space<vmem>> -> memref<8x2048xf32, #tpu.memory_space<vmem>>
      %dma_wait3A_596 = arith.constant 0 : i32
      %dma_wait3A_597 = arith.constant 0 : i32
      %dma_wait3A_598 = tpu.memref_slice %arg3[%dma_wait3A_596, %dma_wait3A_597] : memref<100000x2048xf32, #tpu.memory_space<hbm>> -> memref<8x2048xf32, #tpu.memory_space<hbm>>
      tpu.wait_dma2 semaphore(%arg13 : memref<!tpu.dma_semaphore, #tpu.memory_space<semaphore_mem>>) src(%dma_wait3A_598 : memref<8x2048xf32, #tpu.memory_space<hbm>>) dst(%dma_wait3A_595 : memref<8x2048xf32, #tpu.memory_space<vmem>>)
      %ge3A_599 = arith.constant 2 : i32
      %ge3A_600 = arith.cmpi sge, %add3A_583, %ge3A_599 : i32
      %convert_element_type3A_601 = arith.extui %ge3A_600 : i1 to i32
      %cond3A_602 = arith.constant 0 : i32
      %cond3A_603 = arith.cmpi ne, %convert_element_type3A_601, %cond3A_602 : i32
      scf.if %cond3A_603 {
        %dma_wait3A_1119 = arith.constant 1 : i32
        %dma_wait3A_1120 = arith.constant 0 : i32
        %dma_wait3A_1121 = arith.constant 0 : i32
        %dma_wait3A_1122 = tpu.memref_slice %arg9[%dma_wait3A_1119, %dma_wait3A_1120, %dma_wait3A_1121] : memref<2x8x2048xf32, #tpu.memory_space<vmem>> -> memref<1x8x2048xf32, #tpu.memory_space<vmem>>
        %dma_wait3A_1123 = tpu.memref_squeeze %dma_wait3A_1122 : memref<1x8x2048xf32, #tpu.memory_space<vmem>> -> memref<8x2048xf32, #tpu.memory_space<vmem>>
        %dma_wait3A_1124 = arith.constant 0 : i32
        %dma_wait3A_1125 = tpu.memref_slice %arg6[%mul3A_2, %dma_wait3A_1124] : memref<8192x2048xf32, #tpu.memory_space<hbm>> -> memref<8x2048xf32, #tpu.memory_space<hbm>>
        %dma_wait3A_1126 = arith.constant 0 : i32
        %dma_wait3A_1127 = tpu.memref_slice %arg6[%mul3A_2, %dma_wait3A_1126] : memref<8192x2048xf32, #tpu.memory_space<hbm>> -> memref<8x2048xf32, #tpu.memory_space<hbm>>
        %dma_wait3A_1128 = arith.constant 0 : i32
        %dma_wait3A_1129 = arith.constant 0 : i32
        %dma_wait3A_1130 = tpu.memref_slice %arg9[%dma_wait3A_1119, %dma_wait3A_1128, %dma_wait3A_1129] : memref<2x8x2048xf32, #tpu.memory_space<vmem>> -> memref<1x8x2048xf32, #tpu.memory_space<vmem>>
        %dma_wait3A_1131 = tpu.memref_squeeze %dma_wait3A_1130 : memref<1x8x2048xf32, #tpu.memory_space<vmem>> -> memref<8x2048xf32, #tpu.memory_space<vmem>>
        tpu.wait_dma2 semaphore(%arg15 : memref<!tpu.dma_semaphore, #tpu.memory_space<semaphore_mem>>) src(%dma_wait3A_1131 : memref<8x2048xf32, #tpu.memory_space<vmem>>) dst(%dma_wait3A_1127 : memref<8x2048xf32, #tpu.memory_space<hbm>>)
      } else {
      }
      %broadcast_in_dim3A_604 = arith.constant 0.000000e+00 : f32
      %broadcast_in_dim3A_605 = vector.broadcast %broadcast_in_dim3A_604 : f32 to vector<16xf32>
      %parallel_loop3A_606 = arith.constant 0 : i32
      %parallel_loop3A_607 = arith.constant 128 : i32
      %parallel_loop3A_608 = arith.constant 1 : i32
      %parallel_loop3A_609 = arith.constant 1 : i32
      %parallel_loop3A_610:16 = scf.for %parallel_loop3A_1119 = %parallel_loop3A_606 to %parallel_loop3A_607 step %parallel_loop3A_608 iter_args(%parallel_loop3A_1120 = %broadcast_in_dim3A_605, %parallel_loop3A_1121 = %broadcast_in_dim3A_605, %parallel_loop3A_1122 = %broadcast_in_dim3A_605, %parallel_loop3A_1123 = %broadcast_in_dim3A_605, %parallel_loop3A_1124 = %broadcast_in_dim3A_605, %parallel_loop3A_1125 = %broadcast_in_dim3A_605, %parallel_loop3A_1126 = %broadcast_in_dim3A_605, %parallel_loop3A_1127 = %broadcast_in_dim3A_605, %parallel_loop3A_1128 = %broadcast_in_dim3A_605, %parallel_loop3A_1129 = %broadcast_in_dim3A_605, %parallel_loop3A_1130 = %broadcast_in_dim3A_605, %parallel_loop3A_1131 = %broadcast_in_dim3A_605, %parallel_loop3A_1132 = %broadcast_in_dim3A_605, %parallel_loop3A_1133 = %broadcast_in_dim3A_605, %parallel_loop3A_1134 = %broadcast_in_dim3A_605, %parallel_loop3A_1135 = %broadcast_in_dim3A_605) -> (vector<16xf32>, vector<16xf32>, vector<16xf32>, vector<16xf32>, vector<16xf32>, vector<16xf32>, vector<16xf32>, vector<16xf32>, vector<16xf32>, vector<16xf32>, vector<16xf32>, vector<16xf32>, vector<16xf32>, vector<16xf32>, vector<16xf32>, vector<16xf32>)  : i32 {
        %parallel_loop3A_1136 = arith.constant 16 : i32
        %parallel_loop3A_1137 = arith.muli %parallel_loop3A_1119, %parallel_loop3A_1136 : i32
        %parallel_loop3A_1138 = arith.constant 0 : i32
        %parallel_loop3A_1139 = arith.constant 0 : i32
        %parallel_loop3A_1140 = arith.constant 0 : i32
        %parallel_loop3A_1141 = tpu.memref_slice %arg8[%parallel_loop3A_609, %parallel_loop3A_1139, %parallel_loop3A_1140] : memref<2x8x2048xf32, #tpu.memory_space<vmem>> -> memref<1x8x2048xf32, #tpu.memory_space<vmem>>
        %parallel_loop3A_1142 = tpu.memref_squeeze %parallel_loop3A_1141 : memref<1x8x2048xf32, #tpu.memory_space<vmem>> -> memref<8x2048xf32, #tpu.memory_space<vmem>>
        %parallel_loop3A_1143 = arith.index_cast %parallel_loop3A_1138 : i32 to index
        %parallel_loop3A_1144 = arith.index_cast %parallel_loop3A_1137 : i32 to index
        %parallel_loop3A_1145 = tpu.vector_load %parallel_loop3A_1142[%parallel_loop3A_1143, %parallel_loop3A_1144] {strides = array<i32>} : memref<8x2048xf32, #tpu.memory_space<vmem>>, vector<16xf32>,
        %parallel_loop3A_1146 = arith.addf %parallel_loop3A_1120, %parallel_loop3A_1145 : vector<16xf32>
        %parallel_loop3A_1147 = arith.mulf %parallel_loop3A_1145, %parallel_loop3A_1145 : vector<16xf32>
        %parallel_loop3A_1148 = arith.addf %parallel_loop3A_1121, %parallel_loop3A_1147 : vector<16xf32>
        %parallel_loop3A_1149 = arith.constant 1 : i32
        %parallel_loop3A_1150 = arith.constant 0 : i32
        %parallel_loop3A_1151 = arith.constant 0 : i32
        %parallel_loop3A_1152 = tpu.memref_slice %arg8[%parallel_loop3A_609, %parallel_loop3A_1150, %parallel_loop3A_1151] : memref<2x8x2048xf32, #tpu.memory_space<vmem>> -> memref<1x8x2048xf32, #tpu.memory_space<vmem>>
        %parallel_loop3A_1153 = tpu.memref_squeeze %parallel_loop3A_1152 : memref<1x8x2048xf32, #tpu.memory_space<vmem>> -> memref<8x2048xf32, #tpu.memory_space<vmem>>
        %parallel_loop3A_1154 = arith.index_cast %parallel_loop3A_1149 : i32 to index
        %parallel_loop3A_1155 = arith.index_cast %parallel_loop3A_1137 : i32 to index
        %parallel_loop3A_1156 = tpu.vector_load %parallel_loop3A_1153[%parallel_loop3A_1154, %parallel_loop3A_1155] {strides = array<i32>} : memref<8x2048xf32, #tpu.memory_space<vmem>>, vector<16xf32>,
        %parallel_loop3A_1157 = arith.addf %parallel_loop3A_1122, %parallel_loop3A_1156 : vector<16xf32>
        %parallel_loop3A_1158 = arith.mulf %parallel_loop3A_1156, %parallel_loop3A_1156 : vector<16xf32>
        %parallel_loop3A_1159 = arith.addf %parallel_loop3A_1123, %parallel_loop3A_1158 : vector<16xf32>
        %parallel_loop3A_1160 = arith.constant 2 : i32
        %parallel_loop3A_1161 = arith.constant 0 : i32
        %parallel_loop3A_1162 = arith.constant 0 : i32
        %parallel_loop3A_1163 = tpu.memref_slice %arg8[%parallel_loop3A_609, %parallel_loop3A_1161, %parallel_loop3A_1162] : memref<2x8x2048xf32, #tpu.memory_space<vmem>> -> memref<1x8x2048xf32, #tpu.memory_space<vmem>>
        %parallel_loop3A_1164 = tpu.memref_squeeze %parallel_loop3A_1163 : memref<1x8x2048xf32, #tpu.memory_space<vmem>> -> memref<8x2048xf32, #tpu.memory_space<vmem>>
        %parallel_loop3A_1165 = arith.index_cast %parallel_loop3A_1160 : i32 to index
        %parallel_loop3A_1166 = arith.index_cast %parallel_loop3A_1137 : i32 to index
        %parallel_loop3A_1167 = tpu.vector_load %parallel_loop3A_1164[%parallel_loop3A_1165, %parallel_loop3A_1166] {strides = array<i32>} : memref<8x2048xf32, #tpu.memory_space<vmem>>, vector<16xf32>,
        %parallel_loop3A_1168 = arith.addf %parallel_loop3A_1124, %parallel_loop3A_1167 : vector<16xf32>
        %parallel_loop3A_1169 = arith.mulf %parallel_loop3A_1167, %parallel_loop3A_1167 : vector<16xf32>
        %parallel_loop3A_1170 = arith.addf %parallel_loop3A_1125, %parallel_loop3A_1169 : vector<16xf32>
        %parallel_loop3A_1171 = arith.constant 3 : i32
        %parallel_loop3A_1172 = arith.constant 0 : i32
        %parallel_loop3A_1173 = arith.constant 0 : i32
        %parallel_loop3A_1174 = tpu.memref_slice %arg8[%parallel_loop3A_609, %parallel_loop3A_1172, %parallel_loop3A_1173] : memref<2x8x2048xf32, #tpu.memory_space<vmem>> -> memref<1x8x2048xf32, #tpu.memory_space<vmem>>
        %parallel_loop3A_1175 = tpu.memref_squeeze %parallel_loop3A_1174 : memref<1x8x2048xf32, #tpu.memory_space<vmem>> -> memref<8x2048xf32, #tpu.memory_space<vmem>>
        %parallel_loop3A_1176 = arith.index_cast %parallel_loop3A_1171 : i32 to index
        %parallel_loop3A_1177 = arith.index_cast %parallel_loop3A_1137 : i32 to index
        %parallel_loop3A_1178 = tpu.vector_load %parallel_loop3A_1175[%parallel_loop3A_1176, %parallel_loop3A_1177] {strides = array<i32>} : memref<8x2048xf32, #tpu.memory_space<vmem>>, vector<16xf32>,
        %parallel_loop3A_1179 = arith.addf %parallel_loop3A_1126, %parallel_loop3A_1178 : vector<16xf32>
        %parallel_loop3A_1180 = arith.mulf %parallel_loop3A_1178, %parallel_loop3A_1178 : vector<16xf32>
        %parallel_loop3A_1181 = arith.addf %parallel_loop3A_1127, %parallel_loop3A_1180 : vector<16xf32>
        %parallel_loop3A_1182 = arith.constant 4 : i32
        %parallel_loop3A_1183 = arith.constant 0 : i32
        %parallel_loop3A_1184 = arith.constant 0 : i32
        %parallel_loop3A_1185 = tpu.memref_slice %arg8[%parallel_loop3A_609, %parallel_loop3A_1183, %parallel_loop3A_1184] : memref<2x8x2048xf32, #tpu.memory_space<vmem>> -> memref<1x8x2048xf32, #tpu.memory_space<vmem>>
        %parallel_loop3A_1186 = tpu.memref_squeeze %parallel_loop3A_1185 : memref<1x8x2048xf32, #tpu.memory_space<vmem>> -> memref<8x2048xf32, #tpu.memory_space<vmem>>
        %parallel_loop3A_1187 = arith.index_cast %parallel_loop3A_1182 : i32 to index
        %parallel_loop3A_1188 = arith.index_cast %parallel_loop3A_1137 : i32 to index
        %parallel_loop3A_1189 = tpu.vector_load %parallel_loop3A_1186[%parallel_loop3A_1187, %parallel_loop3A_1188] {strides = array<i32>} : memref<8x2048xf32, #tpu.memory_space<vmem>>, vector<16xf32>,
        %parallel_loop3A_1190 = arith.addf %parallel_loop3A_1128, %parallel_loop3A_1189 : vector<16xf32>
        %parallel_loop3A_1191 = arith.mulf %parallel_loop3A_1189, %parallel_loop3A_1189 : vector<16xf32>
        %parallel_loop3A_1192 = arith.addf %parallel_loop3A_1129, %parallel_loop3A_1191 : vector<16xf32>
        %parallel_loop3A_1193 = arith.constant 5 : i32
        %parallel_loop3A_1194 = arith.constant 0 : i32
        %parallel_loop3A_1195 = arith.constant 0 : i32
        %parallel_loop3A_1196 = tpu.memref_slice %arg8[%parallel_loop3A_609, %parallel_loop3A_1194, %parallel_loop3A_1195] : memref<2x8x2048xf32, #tpu.memory_space<vmem>> -> memref<1x8x2048xf32, #tpu.memory_space<vmem>>
        %parallel_loop3A_1197 = tpu.memref_squeeze %parallel_loop3A_1196 : memref<1x8x2048xf32, #tpu.memory_space<vmem>> -> memref<8x2048xf32, #tpu.memory_space<vmem>>
        %parallel_loop3A_1198 = arith.index_cast %parallel_loop3A_1193 : i32 to index
        %parallel_loop3A_1199 = arith.index_cast %parallel_loop3A_1137 : i32 to index
        %parallel_loop3A_1200 = tpu.vector_load %parallel_loop3A_1197[%parallel_loop3A_1198, %parallel_loop3A_1199] {strides = array<i32>} : memref<8x2048xf32, #tpu.memory_space<vmem>>, vector<16xf32>,
        %parallel_loop3A_1201 = arith.addf %parallel_loop3A_1130, %parallel_loop3A_1200 : vector<16xf32>
        %parallel_loop3A_1202 = arith.mulf %parallel_loop3A_1200, %parallel_loop3A_1200 : vector<16xf32>
        %parallel_loop3A_1203 = arith.addf %parallel_loop3A_1131, %parallel_loop3A_1202 : vector<16xf32>
        %parallel_loop3A_1204 = arith.constant 6 : i32
        %parallel_loop3A_1205 = arith.constant 0 : i32
        %parallel_loop3A_1206 = arith.constant 0 : i32
        %parallel_loop3A_1207 = tpu.memref_slice %arg8[%parallel_loop3A_609, %parallel_loop3A_1205, %parallel_loop3A_1206] : memref<2x8x2048xf32, #tpu.memory_space<vmem>> -> memref<1x8x2048xf32, #tpu.memory_space<vmem>>
        %parallel_loop3A_1208 = tpu.memref_squeeze %parallel_loop3A_1207 : memref<1x8x2048xf32, #tpu.memory_space<vmem>> -> memref<8x2048xf32, #tpu.memory_space<vmem>>
        %parallel_loop3A_1209 = arith.index_cast %parallel_loop3A_1204 : i32 to index
        %parallel_loop3A_1210 = arith.index_cast %parallel_loop3A_1137 : i32 to index
        %parallel_loop3A_1211 = tpu.vector_load %parallel_loop3A_1208[%parallel_loop3A_1209, %parallel_loop3A_1210] {strides = array<i32>} : memref<8x2048xf32, #tpu.memory_space<vmem>>, vector<16xf32>,
        %parallel_loop3A_1212 = arith.addf %parallel_loop3A_1132, %parallel_loop3A_1211 : vector<16xf32>
        %parallel_loop3A_1213 = arith.mulf %parallel_loop3A_1211, %parallel_loop3A_1211 : vector<16xf32>
        %parallel_loop3A_1214 = arith.addf %parallel_loop3A_1133, %parallel_loop3A_1213 : vector<16xf32>
        %parallel_loop3A_1215 = arith.constant 7 : i32
        %parallel_loop3A_1216 = arith.constant 0 : i32
        %parallel_loop3A_1217 = arith.constant 0 : i32
        %parallel_loop3A_1218 = tpu.memref_slice %arg8[%parallel_loop3A_609, %parallel_loop3A_1216, %parallel_loop3A_1217] : memref<2x8x2048xf32, #tpu.memory_space<vmem>> -> memref<1x8x2048xf32, #tpu.memory_space<vmem>>
        %parallel_loop3A_1219 = tpu.memref_squeeze %parallel_loop3A_1218 : memref<1x8x2048xf32, #tpu.memory_space<vmem>> -> memref<8x2048xf32, #tpu.memory_space<vmem>>
        %parallel_loop3A_1220 = arith.index_cast %parallel_loop3A_1215 : i32 to index
        %parallel_loop3A_1221 = arith.index_cast %parallel_loop3A_1137 : i32 to index
        %parallel_loop3A_1222 = tpu.vector_load %parallel_loop3A_1219[%parallel_loop3A_1220, %parallel_loop3A_1221] {strides = array<i32>} : memref<8x2048xf32, #tpu.memory_space<vmem>>, vector<16xf32>,
        %parallel_loop3A_1223 = arith.addf %parallel_loop3A_1134, %parallel_loop3A_1222 : vector<16xf32>
        %parallel_loop3A_1224 = arith.mulf %parallel_loop3A_1222, %parallel_loop3A_1222 : vector<16xf32>
        %parallel_loop3A_1225 = arith.addf %parallel_loop3A_1135, %parallel_loop3A_1224 : vector<16xf32>
        scf.yield %parallel_loop3A_1146, %parallel_loop3A_1148, %parallel_loop3A_1157, %parallel_loop3A_1159, %parallel_loop3A_1168, %parallel_loop3A_1170, %parallel_loop3A_1179, %parallel_loop3A_1181, %parallel_loop3A_1190, %parallel_loop3A_1192, %parallel_loop3A_1201, %parallel_loop3A_1203, %parallel_loop3A_1212, %parallel_loop3A_1214, %parallel_loop3A_1223, %parallel_loop3A_1225 : vector<16xf32>, vector<16xf32>, vector<16xf32>, vector<16xf32>, vector<16xf32>, vector<16xf32>, vector<16xf32>, vector<16xf32>, vector<16xf32>, vector<16xf32>, vector<16xf32>, vector<16xf32>, vector<16xf32>, vector<16xf32>, vector<16xf32>, vector<16xf32>
      } {sc.loop_unroll_factor = 4 : i64, sc.parallel_access}
      %reduce_sum3A_611 = arith.constant true
      %reduce_sum3A_612 = vector.broadcast %reduce_sum3A_611 : i1 to vector<16xi1>
      %reduce_sum3A_613 = tpu.scan <sum>, %parallel_loop3A_610#0 masked %reduce_sum3A_612 : vector<16xf32>, vector<16xi1> -> vector<16xf32>
      %reduce_sum3A_614 = vector.extract %reduce_sum3A_613[15] : f32 from vector<16xf32>
      %broadcast_in_dim3A_615 = vector.broadcast %reduce_sum3A_614 : f32 to vector<16xf32>
      %reduce_sum3A_616 = arith.constant true
      %reduce_sum3A_617 = vector.broadcast %reduce_sum3A_616 : i1 to vector<16xi1>
      %reduce_sum3A_618 = tpu.scan <sum>, %parallel_loop3A_610#1 masked %reduce_sum3A_617 : vector<16xf32>, vector<16xi1> -> vector<16xf32>
      %reduce_sum3A_619 = vector.extract %reduce_sum3A_618[15] : f32 from vector<16xf32>
      %broadcast_in_dim3A_620 = vector.broadcast %reduce_sum3A_619 : f32 to vector<16xf32>
      %mul3A_621 = arith.constant 4.8828125E-4 : f32
      %mul3A_622 = vector.broadcast %mul3A_621 : f32 to vector<16xf32>
      %mul3A_623 = arith.mulf %broadcast_in_dim3A_615, %mul3A_622 : vector<16xf32>
      %mul3A_624 = arith.constant 4.8828125E-4 : f32
      %mul3A_625 = vector.broadcast %mul3A_624 : f32 to vector<16xf32>
      %mul3A_626 = arith.mulf %broadcast_in_dim3A_620, %mul3A_625 : vector<16xf32>
      %mul3A_627 = arith.mulf %mul3A_623, %mul3A_623 : vector<16xf32>
      %sub3A_628 = arith.subf %mul3A_626, %mul3A_627 : vector<16xf32>
      %add3A_629 = arith.constant 9.99999974E-6 : f32
      %add3A_630 = vector.broadcast %add3A_629 : f32 to vector<16xf32>
      %add3A_631 = arith.addf %sub3A_628, %add3A_630 : vector<16xf32>
      %bitcast_convert_type3A_632 = tpu.bitcast %add3A_631 : vector<16xf32> -> vector<16xi32>
      %shift_right_logical3A_633 = arith.constant 1 : i32
      %shift_right_logical3A_634 = vector.broadcast %shift_right_logical3A_633 : i32 to vector<16xi32>
      %shift_right_logical3A_635 = arith.shrui %bitcast_convert_type3A_632, %shift_right_logical3A_634 : vector<16xi32>
      %sub3A_636 = arith.constant 1597463007 : i32
      %sub3A_637 = vector.broadcast %sub3A_636 : i32 to vector<16xi32>
      %sub3A_638 = arith.subi %sub3A_637, %shift_right_logical3A_635 : vector<16xi32>
      %bitcast_convert_type3A_639 = tpu.bitcast %sub3A_638 : vector<16xi32> -> vector<16xf32>
      %mul3A_640 = arith.constant 5.000000e-01 : f32
      %mul3A_641 = vector.broadcast %mul3A_640 : f32 to vector<16xf32>
      %mul3A_642 = arith.mulf %mul3A_641, %add3A_631 : vector<16xf32>
      %mul3A_643 = arith.mulf %mul3A_642, %bitcast_convert_type3A_639 : vector<16xf32>
      %mul3A_644 = arith.mulf %mul3A_643, %bitcast_convert_type3A_639 : vector<16xf32>
      %sub3A_645 = arith.constant 1.500000e+00 : f32
      %sub3A_646 = vector.broadcast %sub3A_645 : f32 to vector<16xf32>
      %sub3A_647 = arith.subf %sub3A_646, %mul3A_644 : vector<16xf32>
      %mul3A_648 = arith.mulf %bitcast_convert_type3A_639, %sub3A_647 : vector<16xf32>
      %mul3A_649 = arith.constant 5.000000e-01 : f32
      %mul3A_650 = vector.broadcast %mul3A_649 : f32 to vector<16xf32>
      %mul3A_651 = arith.mulf %mul3A_650, %add3A_631 : vector<16xf32>
      %mul3A_652 = arith.mulf %mul3A_651, %mul3A_648 : vector<16xf32>
      %mul3A_653 = arith.mulf %mul3A_652, %mul3A_648 : vector<16xf32>
      %sub3A_654 = arith.constant 1.500000e+00 : f32
      %sub3A_655 = vector.broadcast %sub3A_654 : f32 to vector<16xf32>
      %sub3A_656 = arith.subf %sub3A_655, %mul3A_653 : vector<16xf32>
      %mul3A_657 = arith.mulf %mul3A_648, %sub3A_656 : vector<16xf32>
      %mul3A_658 = arith.constant 5.000000e-01 : f32
      %mul3A_659 = vector.broadcast %mul3A_658 : f32 to vector<16xf32>
      %mul3A_660 = arith.mulf %mul3A_659, %add3A_631 : vector<16xf32>
      %mul3A_661 = arith.mulf %mul3A_660, %mul3A_657 : vector<16xf32>
      %mul3A_662 = arith.mulf %mul3A_661, %mul3A_657 : vector<16xf32>
      %sub3A_663 = arith.constant 1.500000e+00 : f32
      %sub3A_664 = vector.broadcast %sub3A_663 : f32 to vector<16xf32>
      %sub3A_665 = arith.subf %sub3A_664, %mul3A_662 : vector<16xf32>
      %mul3A_666 = arith.mulf %mul3A_657, %sub3A_665 : vector<16xf32>
      %mul3A_667 = arith.mulf %mul3A_623, %mul3A_666 : vector<16xf32>
      %neg3A_668 = arith.constant 0.000000e+00 : f32
      %neg3A_669 = vector.broadcast %neg3A_668 : f32 to vector<16xf32>
      %neg3A_670 = arith.subf %neg3A_669, %mul3A_667 : vector<16xf32>
      %reduce_sum3A_671 = arith.constant true
      %reduce_sum3A_672 = vector.broadcast %reduce_sum3A_671 : i1 to vector<16xi1>
      %reduce_sum3A_673 = tpu.scan <sum>, %parallel_loop3A_610#2 masked %reduce_sum3A_672 : vector<16xf32>, vector<16xi1> -> vector<16xf32>
      %reduce_sum3A_674 = vector.extract %reduce_sum3A_673[15] : f32 from vector<16xf32>
      %broadcast_in_dim3A_675 = vector.broadcast %reduce_sum3A_674 : f32 to vector<16xf32>
      %reduce_sum3A_676 = arith.constant true
      %reduce_sum3A_677 = vector.broadcast %reduce_sum3A_676 : i1 to vector<16xi1>
      %reduce_sum3A_678 = tpu.scan <sum>, %parallel_loop3A_610#3 masked %reduce_sum3A_677 : vector<16xf32>, vector<16xi1> -> vector<16xf32>
      %reduce_sum3A_679 = vector.extract %reduce_sum3A_678[15] : f32 from vector<16xf32>
      %broadcast_in_dim3A_680 = vector.broadcast %reduce_sum3A_679 : f32 to vector<16xf32>
      %mul3A_681 = arith.constant 4.8828125E-4 : f32
      %mul3A_682 = vector.broadcast %mul3A_681 : f32 to vector<16xf32>
      %mul3A_683 = arith.mulf %broadcast_in_dim3A_675, %mul3A_682 : vector<16xf32>
      %mul3A_684 = arith.constant 4.8828125E-4 : f32
      %mul3A_685 = vector.broadcast %mul3A_684 : f32 to vector<16xf32>
      %mul3A_686 = arith.mulf %broadcast_in_dim3A_680, %mul3A_685 : vector<16xf32>
      %mul3A_687 = arith.mulf %mul3A_683, %mul3A_683 : vector<16xf32>
      %sub3A_688 = arith.subf %mul3A_686, %mul3A_687 : vector<16xf32>
      %add3A_689 = arith.constant 9.99999974E-6 : f32
      %add3A_690 = vector.broadcast %add3A_689 : f32 to vector<16xf32>
      %add3A_691 = arith.addf %sub3A_688, %add3A_690 : vector<16xf32>
      %bitcast_convert_type3A_692 = tpu.bitcast %add3A_691 : vector<16xf32> -> vector<16xi32>
      %shift_right_logical3A_693 = arith.constant 1 : i32
      %shift_right_logical3A_694 = vector.broadcast %shift_right_logical3A_693 : i32 to vector<16xi32>
      %shift_right_logical3A_695 = arith.shrui %bitcast_convert_type3A_692, %shift_right_logical3A_694 : vector<16xi32>
      %sub3A_696 = arith.constant 1597463007 : i32
      %sub3A_697 = vector.broadcast %sub3A_696 : i32 to vector<16xi32>
      %sub3A_698 = arith.subi %sub3A_697, %shift_right_logical3A_695 : vector<16xi32>
      %bitcast_convert_type3A_699 = tpu.bitcast %sub3A_698 : vector<16xi32> -> vector<16xf32>
      %mul3A_700 = arith.constant 5.000000e-01 : f32
      %mul3A_701 = vector.broadcast %mul3A_700 : f32 to vector<16xf32>
      %mul3A_702 = arith.mulf %mul3A_701, %add3A_691 : vector<16xf32>
      %mul3A_703 = arith.mulf %mul3A_702, %bitcast_convert_type3A_699 : vector<16xf32>
      %mul3A_704 = arith.mulf %mul3A_703, %bitcast_convert_type3A_699 : vector<16xf32>
      %sub3A_705 = arith.constant 1.500000e+00 : f32
      %sub3A_706 = vector.broadcast %sub3A_705 : f32 to vector<16xf32>
      %sub3A_707 = arith.subf %sub3A_706, %mul3A_704 : vector<16xf32>
      %mul3A_708 = arith.mulf %bitcast_convert_type3A_699, %sub3A_707 : vector<16xf32>
      %mul3A_709 = arith.constant 5.000000e-01 : f32
      %mul3A_710 = vector.broadcast %mul3A_709 : f32 to vector<16xf32>
      %mul3A_711 = arith.mulf %mul3A_710, %add3A_691 : vector<16xf32>
      %mul3A_712 = arith.mulf %mul3A_711, %mul3A_708 : vector<16xf32>
      %mul3A_713 = arith.mulf %mul3A_712, %mul3A_708 : vector<16xf32>
      %sub3A_714 = arith.constant 1.500000e+00 : f32
      %sub3A_715 = vector.broadcast %sub3A_714 : f32 to vector<16xf32>
      %sub3A_716 = arith.subf %sub3A_715, %mul3A_713 : vector<16xf32>
      %mul3A_717 = arith.mulf %mul3A_708, %sub3A_716 : vector<16xf32>
      %mul3A_718 = arith.constant 5.000000e-01 : f32
      %mul3A_719 = vector.broadcast %mul3A_718 : f32 to vector<16xf32>
      %mul3A_720 = arith.mulf %mul3A_719, %add3A_691 : vector<16xf32>
      %mul3A_721 = arith.mulf %mul3A_720, %mul3A_717 : vector<16xf32>
      %mul3A_722 = arith.mulf %mul3A_721, %mul3A_717 : vector<16xf32>
      %sub3A_723 = arith.constant 1.500000e+00 : f32
      %sub3A_724 = vector.broadcast %sub3A_723 : f32 to vector<16xf32>
      %sub3A_725 = arith.subf %sub3A_724, %mul3A_722 : vector<16xf32>
      %mul3A_726 = arith.mulf %mul3A_717, %sub3A_725 : vector<16xf32>
      %mul3A_727 = arith.mulf %mul3A_683, %mul3A_726 : vector<16xf32>
      %neg3A_728 = arith.constant 0.000000e+00 : f32
      %neg3A_729 = vector.broadcast %neg3A_728 : f32 to vector<16xf32>
      %neg3A_730 = arith.subf %neg3A_729, %mul3A_727 : vector<16xf32>
      %reduce_sum3A_731 = arith.constant true
      %reduce_sum3A_732 = vector.broadcast %reduce_sum3A_731 : i1 to vector<16xi1>
      %reduce_sum3A_733 = tpu.scan <sum>, %parallel_loop3A_610#4 masked %reduce_sum3A_732 : vector<16xf32>, vector<16xi1> -> vector<16xf32>
      %reduce_sum3A_734 = vector.extract %reduce_sum3A_733[15] : f32 from vector<16xf32>
      %broadcast_in_dim3A_735 = vector.broadcast %reduce_sum3A_734 : f32 to vector<16xf32>
      %reduce_sum3A_736 = arith.constant true
      %reduce_sum3A_737 = vector.broadcast %reduce_sum3A_736 : i1 to vector<16xi1>
      %reduce_sum3A_738 = tpu.scan <sum>, %parallel_loop3A_610#5 masked %reduce_sum3A_737 : vector<16xf32>, vector<16xi1> -> vector<16xf32>
      %reduce_sum3A_739 = vector.extract %reduce_sum3A_738[15] : f32 from vector<16xf32>
      %broadcast_in_dim3A_740 = vector.broadcast %reduce_sum3A_739 : f32 to vector<16xf32>
      %mul3A_741 = arith.constant 4.8828125E-4 : f32
      %mul3A_742 = vector.broadcast %mul3A_741 : f32 to vector<16xf32>
      %mul3A_743 = arith.mulf %broadcast_in_dim3A_735, %mul3A_742 : vector<16xf32>
      %mul3A_744 = arith.constant 4.8828125E-4 : f32
      %mul3A_745 = vector.broadcast %mul3A_744 : f32 to vector<16xf32>
      %mul3A_746 = arith.mulf %broadcast_in_dim3A_740, %mul3A_745 : vector<16xf32>
      %mul3A_747 = arith.mulf %mul3A_743, %mul3A_743 : vector<16xf32>
      %sub3A_748 = arith.subf %mul3A_746, %mul3A_747 : vector<16xf32>
      %add3A_749 = arith.constant 9.99999974E-6 : f32
      %add3A_750 = vector.broadcast %add3A_749 : f32 to vector<16xf32>
      %add3A_751 = arith.addf %sub3A_748, %add3A_750 : vector<16xf32>
      %bitcast_convert_type3A_752 = tpu.bitcast %add3A_751 : vector<16xf32> -> vector<16xi32>
      %shift_right_logical3A_753 = arith.constant 1 : i32
      %shift_right_logical3A_754 = vector.broadcast %shift_right_logical3A_753 : i32 to vector<16xi32>
      %shift_right_logical3A_755 = arith.shrui %bitcast_convert_type3A_752, %shift_right_logical3A_754 : vector<16xi32>
      %sub3A_756 = arith.constant 1597463007 : i32
      %sub3A_757 = vector.broadcast %sub3A_756 : i32 to vector<16xi32>
      %sub3A_758 = arith.subi %sub3A_757, %shift_right_logical3A_755 : vector<16xi32>
      %bitcast_convert_type3A_759 = tpu.bitcast %sub3A_758 : vector<16xi32> -> vector<16xf32>
      %mul3A_760 = arith.constant 5.000000e-01 : f32
      %mul3A_761 = vector.broadcast %mul3A_760 : f32 to vector<16xf32>
      %mul3A_762 = arith.mulf %mul3A_761, %add3A_751 : vector<16xf32>
      %mul3A_763 = arith.mulf %mul3A_762, %bitcast_convert_type3A_759 : vector<16xf32>
      %mul3A_764 = arith.mulf %mul3A_763, %bitcast_convert_type3A_759 : vector<16xf32>
      %sub3A_765 = arith.constant 1.500000e+00 : f32
      %sub3A_766 = vector.broadcast %sub3A_765 : f32 to vector<16xf32>
      %sub3A_767 = arith.subf %sub3A_766, %mul3A_764 : vector<16xf32>
      %mul3A_768 = arith.mulf %bitcast_convert_type3A_759, %sub3A_767 : vector<16xf32>
      %mul3A_769 = arith.constant 5.000000e-01 : f32
      %mul3A_770 = vector.broadcast %mul3A_769 : f32 to vector<16xf32>
      %mul3A_771 = arith.mulf %mul3A_770, %add3A_751 : vector<16xf32>
      %mul3A_772 = arith.mulf %mul3A_771, %mul3A_768 : vector<16xf32>
      %mul3A_773 = arith.mulf %mul3A_772, %mul3A_768 : vector<16xf32>
      %sub3A_774 = arith.constant 1.500000e+00 : f32
      %sub3A_775 = vector.broadcast %sub3A_774 : f32 to vector<16xf32>
      %sub3A_776 = arith.subf %sub3A_775, %mul3A_773 : vector<16xf32>
      %mul3A_777 = arith.mulf %mul3A_768, %sub3A_776 : vector<16xf32>
      %mul3A_778 = arith.constant 5.000000e-01 : f32
      %mul3A_779 = vector.broadcast %mul3A_778 : f32 to vector<16xf32>
      %mul3A_780 = arith.mulf %mul3A_779, %add3A_751 : vector<16xf32>
      %mul3A_781 = arith.mulf %mul3A_780, %mul3A_777 : vector<16xf32>
      %mul3A_782 = arith.mulf %mul3A_781, %mul3A_777 : vector<16xf32>
      %sub3A_783 = arith.constant 1.500000e+00 : f32
      %sub3A_784 = vector.broadcast %sub3A_783 : f32 to vector<16xf32>
      %sub3A_785 = arith.subf %sub3A_784, %mul3A_782 : vector<16xf32>
      %mul3A_786 = arith.mulf %mul3A_777, %sub3A_785 : vector<16xf32>
      %mul3A_787 = arith.mulf %mul3A_743, %mul3A_786 : vector<16xf32>
      %neg3A_788 = arith.constant 0.000000e+00 : f32
      %neg3A_789 = vector.broadcast %neg3A_788 : f32 to vector<16xf32>
      %neg3A_790 = arith.subf %neg3A_789, %mul3A_787 : vector<16xf32>
      %reduce_sum3A_791 = arith.constant true
      %reduce_sum3A_792 = vector.broadcast %reduce_sum3A_791 : i1 to vector<16xi1>
      %reduce_sum3A_793 = tpu.scan <sum>, %parallel_loop3A_610#6 masked %reduce_sum3A_792 : vector<16xf32>, vector<16xi1> -> vector<16xf32>
      %reduce_sum3A_794 = vector.extract %reduce_sum3A_793[15] : f32 from vector<16xf32>
      %broadcast_in_dim3A_795 = vector.broadcast %reduce_sum3A_794 : f32 to vector<16xf32>
      %reduce_sum3A_796 = arith.constant true
      %reduce_sum3A_797 = vector.broadcast %reduce_sum3A_796 : i1 to vector<16xi1>
      %reduce_sum3A_798 = tpu.scan <sum>, %parallel_loop3A_610#7 masked %reduce_sum3A_797 : vector<16xf32>, vector<16xi1> -> vector<16xf32>
      %reduce_sum3A_799 = vector.extract %reduce_sum3A_798[15] : f32 from vector<16xf32>
      %broadcast_in_dim3A_800 = vector.broadcast %reduce_sum3A_799 : f32 to vector<16xf32>
      %mul3A_801 = arith.constant 4.8828125E-4 : f32
      %mul3A_802 = vector.broadcast %mul3A_801 : f32 to vector<16xf32>
      %mul3A_803 = arith.mulf %broadcast_in_dim3A_795, %mul3A_802 : vector<16xf32>
      %mul3A_804 = arith.constant 4.8828125E-4 : f32
      %mul3A_805 = vector.broadcast %mul3A_804 : f32 to vector<16xf32>
      %mul3A_806 = arith.mulf %broadcast_in_dim3A_800, %mul3A_805 : vector<16xf32>
      %mul3A_807 = arith.mulf %mul3A_803, %mul3A_803 : vector<16xf32>
      %sub3A_808 = arith.subf %mul3A_806, %mul3A_807 : vector<16xf32>
      %add3A_809 = arith.constant 9.99999974E-6 : f32
      %add3A_810 = vector.broadcast %add3A_809 : f32 to vector<16xf32>
      %add3A_811 = arith.addf %sub3A_808, %add3A_810 : vector<16xf32>
      %bitcast_convert_type3A_812 = tpu.bitcast %add3A_811 : vector<16xf32> -> vector<16xi32>
      %shift_right_logical3A_813 = arith.constant 1 : i32
      %shift_right_logical3A_814 = vector.broadcast %shift_right_logical3A_813 : i32 to vector<16xi32>
      %shift_right_logical3A_815 = arith.shrui %bitcast_convert_type3A_812, %shift_right_logical3A_814 : vector<16xi32>
      %sub3A_816 = arith.constant 1597463007 : i32
      %sub3A_817 = vector.broadcast %sub3A_816 : i32 to vector<16xi32>
      %sub3A_818 = arith.subi %sub3A_817, %shift_right_logical3A_815 : vector<16xi32>
      %bitcast_convert_type3A_819 = tpu.bitcast %sub3A_818 : vector<16xi32> -> vector<16xf32>
      %mul3A_820 = arith.constant 5.000000e-01 : f32
      %mul3A_821 = vector.broadcast %mul3A_820 : f32 to vector<16xf32>
      %mul3A_822 = arith.mulf %mul3A_821, %add3A_811 : vector<16xf32>
      %mul3A_823 = arith.mulf %mul3A_822, %bitcast_convert_type3A_819 : vector<16xf32>
      %mul3A_824 = arith.mulf %mul3A_823, %bitcast_convert_type3A_819 : vector<16xf32>
      %sub3A_825 = arith.constant 1.500000e+00 : f32
      %sub3A_826 = vector.broadcast %sub3A_825 : f32 to vector<16xf32>
      %sub3A_827 = arith.subf %sub3A_826, %mul3A_824 : vector<16xf32>
      %mul3A_828 = arith.mulf %bitcast_convert_type3A_819, %sub3A_827 : vector<16xf32>
      %mul3A_829 = arith.constant 5.000000e-01 : f32
      %mul3A_830 = vector.broadcast %mul3A_829 : f32 to vector<16xf32>
      %mul3A_831 = arith.mulf %mul3A_830, %add3A_811 : vector<16xf32>
      %mul3A_832 = arith.mulf %mul3A_831, %mul3A_828 : vector<16xf32>
      %mul3A_833 = arith.mulf %mul3A_832, %mul3A_828 : vector<16xf32>
      %sub3A_834 = arith.constant 1.500000e+00 : f32
      %sub3A_835 = vector.broadcast %sub3A_834 : f32 to vector<16xf32>
      %sub3A_836 = arith.subf %sub3A_835, %mul3A_833 : vector<16xf32>
      %mul3A_837 = arith.mulf %mul3A_828, %sub3A_836 : vector<16xf32>
      %mul3A_838 = arith.constant 5.000000e-01 : f32
      %mul3A_839 = vector.broadcast %mul3A_838 : f32 to vector<16xf32>
      %mul3A_840 = arith.mulf %mul3A_839, %add3A_811 : vector<16xf32>
      %mul3A_841 = arith.mulf %mul3A_840, %mul3A_837 : vector<16xf32>
      %mul3A_842 = arith.mulf %mul3A_841, %mul3A_837 : vector<16xf32>
      %sub3A_843 = arith.constant 1.500000e+00 : f32
      %sub3A_844 = vector.broadcast %sub3A_843 : f32 to vector<16xf32>
      %sub3A_845 = arith.subf %sub3A_844, %mul3A_842 : vector<16xf32>
      %mul3A_846 = arith.mulf %mul3A_837, %sub3A_845 : vector<16xf32>
      %mul3A_847 = arith.mulf %mul3A_803, %mul3A_846 : vector<16xf32>
      %neg3A_848 = arith.constant 0.000000e+00 : f32
      %neg3A_849 = vector.broadcast %neg3A_848 : f32 to vector<16xf32>
      %neg3A_850 = arith.subf %neg3A_849, %mul3A_847 : vector<16xf32>
      %reduce_sum3A_851 = arith.constant true
      %reduce_sum3A_852 = vector.broadcast %reduce_sum3A_851 : i1 to vector<16xi1>
      %reduce_sum3A_853 = tpu.scan <sum>, %parallel_loop3A_610#8 masked %reduce_sum3A_852 : vector<16xf32>, vector<16xi1> -> vector<16xf32>
      %reduce_sum3A_854 = vector.extract %reduce_sum3A_853[15] : f32 from vector<16xf32>
      %broadcast_in_dim3A_855 = vector.broadcast %reduce_sum3A_854 : f32 to vector<16xf32>
      %reduce_sum3A_856 = arith.constant true
      %reduce_sum3A_857 = vector.broadcast %reduce_sum3A_856 : i1 to vector<16xi1>
      %reduce_sum3A_858 = tpu.scan <sum>, %parallel_loop3A_610#9 masked %reduce_sum3A_857 : vector<16xf32>, vector<16xi1> -> vector<16xf32>
      %reduce_sum3A_859 = vector.extract %reduce_sum3A_858[15] : f32 from vector<16xf32>
      %broadcast_in_dim3A_860 = vector.broadcast %reduce_sum3A_859 : f32 to vector<16xf32>
      %mul3A_861 = arith.constant 4.8828125E-4 : f32
      %mul3A_862 = vector.broadcast %mul3A_861 : f32 to vector<16xf32>
      %mul3A_863 = arith.mulf %broadcast_in_dim3A_855, %mul3A_862 : vector<16xf32>
      %mul3A_864 = arith.constant 4.8828125E-4 : f32
      %mul3A_865 = vector.broadcast %mul3A_864 : f32 to vector<16xf32>
      %mul3A_866 = arith.mulf %broadcast_in_dim3A_860, %mul3A_865 : vector<16xf32>
      %mul3A_867 = arith.mulf %mul3A_863, %mul3A_863 : vector<16xf32>
      %sub3A_868 = arith.subf %mul3A_866, %mul3A_867 : vector<16xf32>
      %add3A_869 = arith.constant 9.99999974E-6 : f32
      %add3A_870 = vector.broadcast %add3A_869 : f32 to vector<16xf32>
      %add3A_871 = arith.addf %sub3A_868, %add3A_870 : vector<16xf32>
      %bitcast_convert_type3A_872 = tpu.bitcast %add3A_871 : vector<16xf32> -> vector<16xi32>
      %shift_right_logical3A_873 = arith.constant 1 : i32
      %shift_right_logical3A_874 = vector.broadcast %shift_right_logical3A_873 : i32 to vector<16xi32>
      %shift_right_logical3A_875 = arith.shrui %bitcast_convert_type3A_872, %shift_right_logical3A_874 : vector<16xi32>
      %sub3A_876 = arith.constant 1597463007 : i32
      %sub3A_877 = vector.broadcast %sub3A_876 : i32 to vector<16xi32>
      %sub3A_878 = arith.subi %sub3A_877, %shift_right_logical3A_875 : vector<16xi32>
      %bitcast_convert_type3A_879 = tpu.bitcast %sub3A_878 : vector<16xi32> -> vector<16xf32>
      %mul3A_880 = arith.constant 5.000000e-01 : f32
      %mul3A_881 = vector.broadcast %mul3A_880 : f32 to vector<16xf32>
      %mul3A_882 = arith.mulf %mul3A_881, %add3A_871 : vector<16xf32>
      %mul3A_883 = arith.mulf %mul3A_882, %bitcast_convert_type3A_879 : vector<16xf32>
      %mul3A_884 = arith.mulf %mul3A_883, %bitcast_convert_type3A_879 : vector<16xf32>
      %sub3A_885 = arith.constant 1.500000e+00 : f32
      %sub3A_886 = vector.broadcast %sub3A_885 : f32 to vector<16xf32>
      %sub3A_887 = arith.subf %sub3A_886, %mul3A_884 : vector<16xf32>
      %mul3A_888 = arith.mulf %bitcast_convert_type3A_879, %sub3A_887 : vector<16xf32>
      %mul3A_889 = arith.constant 5.000000e-01 : f32
      %mul3A_890 = vector.broadcast %mul3A_889 : f32 to vector<16xf32>
      %mul3A_891 = arith.mulf %mul3A_890, %add3A_871 : vector<16xf32>
      %mul3A_892 = arith.mulf %mul3A_891, %mul3A_888 : vector<16xf32>
      %mul3A_893 = arith.mulf %mul3A_892, %mul3A_888 : vector<16xf32>
      %sub3A_894 = arith.constant 1.500000e+00 : f32
      %sub3A_895 = vector.broadcast %sub3A_894 : f32 to vector<16xf32>
      %sub3A_896 = arith.subf %sub3A_895, %mul3A_893 : vector<16xf32>
      %mul3A_897 = arith.mulf %mul3A_888, %sub3A_896 : vector<16xf32>
      %mul3A_898 = arith.constant 5.000000e-01 : f32
      %mul3A_899 = vector.broadcast %mul3A_898 : f32 to vector<16xf32>
      %mul3A_900 = arith.mulf %mul3A_899, %add3A_871 : vector<16xf32>
      %mul3A_901 = arith.mulf %mul3A_900, %mul3A_897 : vector<16xf32>
      %mul3A_902 = arith.mulf %mul3A_901, %mul3A_897 : vector<16xf32>
      %sub3A_903 = arith.constant 1.500000e+00 : f32
      %sub3A_904 = vector.broadcast %sub3A_903 : f32 to vector<16xf32>
      %sub3A_905 = arith.subf %sub3A_904, %mul3A_902 : vector<16xf32>
      %mul3A_906 = arith.mulf %mul3A_897, %sub3A_905 : vector<16xf32>
      %mul3A_907 = arith.mulf %mul3A_863, %mul3A_906 : vector<16xf32>
      %neg3A_908 = arith.constant 0.000000e+00 : f32
      %neg3A_909 = vector.broadcast %neg3A_908 : f32 to vector<16xf32>
      %neg3A_910 = arith.subf %neg3A_909, %mul3A_907 : vector<16xf32>
      %reduce_sum3A_911 = arith.constant true
      %reduce_sum3A_912 = vector.broadcast %reduce_sum3A_911 : i1 to vector<16xi1>
      %reduce_sum3A_913 = tpu.scan <sum>, %parallel_loop3A_610#10 masked %reduce_sum3A_912 : vector<16xf32>, vector<16xi1> -> vector<16xf32>
      %reduce_sum3A_914 = vector.extract %reduce_sum3A_913[15] : f32 from vector<16xf32>
      %broadcast_in_dim3A_915 = vector.broadcast %reduce_sum3A_914 : f32 to vector<16xf32>
      %reduce_sum3A_916 = arith.constant true
      %reduce_sum3A_917 = vector.broadcast %reduce_sum3A_916 : i1 to vector<16xi1>
      %reduce_sum3A_918 = tpu.scan <sum>, %parallel_loop3A_610#11 masked %reduce_sum3A_917 : vector<16xf32>, vector<16xi1> -> vector<16xf32>
      %reduce_sum3A_919 = vector.extract %reduce_sum3A_918[15] : f32 from vector<16xf32>
      %broadcast_in_dim3A_920 = vector.broadcast %reduce_sum3A_919 : f32 to vector<16xf32>
      %mul3A_921 = arith.constant 4.8828125E-4 : f32
      %mul3A_922 = vector.broadcast %mul3A_921 : f32 to vector<16xf32>
      %mul3A_923 = arith.mulf %broadcast_in_dim3A_915, %mul3A_922 : vector<16xf32>
      %mul3A_924 = arith.constant 4.8828125E-4 : f32
      %mul3A_925 = vector.broadcast %mul3A_924 : f32 to vector<16xf32>
      %mul3A_926 = arith.mulf %broadcast_in_dim3A_920, %mul3A_925 : vector<16xf32>
      %mul3A_927 = arith.mulf %mul3A_923, %mul3A_923 : vector<16xf32>
      %sub3A_928 = arith.subf %mul3A_926, %mul3A_927 : vector<16xf32>
      %add3A_929 = arith.constant 9.99999974E-6 : f32
      %add3A_930 = vector.broadcast %add3A_929 : f32 to vector<16xf32>
      %add3A_931 = arith.addf %sub3A_928, %add3A_930 : vector<16xf32>
      %bitcast_convert_type3A_932 = tpu.bitcast %add3A_931 : vector<16xf32> -> vector<16xi32>
      %shift_right_logical3A_933 = arith.constant 1 : i32
      %shift_right_logical3A_934 = vector.broadcast %shift_right_logical3A_933 : i32 to vector<16xi32>
      %shift_right_logical3A_935 = arith.shrui %bitcast_convert_type3A_932, %shift_right_logical3A_934 : vector<16xi32>
      %sub3A_936 = arith.constant 1597463007 : i32
      %sub3A_937 = vector.broadcast %sub3A_936 : i32 to vector<16xi32>
      %sub3A_938 = arith.subi %sub3A_937, %shift_right_logical3A_935 : vector<16xi32>
      %bitcast_convert_type3A_939 = tpu.bitcast %sub3A_938 : vector<16xi32> -> vector<16xf32>
      %mul3A_940 = arith.constant 5.000000e-01 : f32
      %mul3A_941 = vector.broadcast %mul3A_940 : f32 to vector<16xf32>
      %mul3A_942 = arith.mulf %mul3A_941, %add3A_931 : vector<16xf32>
      %mul3A_943 = arith.mulf %mul3A_942, %bitcast_convert_type3A_939 : vector<16xf32>
      %mul3A_944 = arith.mulf %mul3A_943, %bitcast_convert_type3A_939 : vector<16xf32>
      %sub3A_945 = arith.constant 1.500000e+00 : f32
      %sub3A_946 = vector.broadcast %sub3A_945 : f32 to vector<16xf32>
      %sub3A_947 = arith.subf %sub3A_946, %mul3A_944 : vector<16xf32>
      %mul3A_948 = arith.mulf %bitcast_convert_type3A_939, %sub3A_947 : vector<16xf32>
      %mul3A_949 = arith.constant 5.000000e-01 : f32
      %mul3A_950 = vector.broadcast %mul3A_949 : f32 to vector<16xf32>
      %mul3A_951 = arith.mulf %mul3A_950, %add3A_931 : vector<16xf32>
      %mul3A_952 = arith.mulf %mul3A_951, %mul3A_948 : vector<16xf32>
      %mul3A_953 = arith.mulf %mul3A_952, %mul3A_948 : vector<16xf32>
      %sub3A_954 = arith.constant 1.500000e+00 : f32
      %sub3A_955 = vector.broadcast %sub3A_954 : f32 to vector<16xf32>
      %sub3A_956 = arith.subf %sub3A_955, %mul3A_953 : vector<16xf32>
      %mul3A_957 = arith.mulf %mul3A_948, %sub3A_956 : vector<16xf32>
      %mul3A_958 = arith.constant 5.000000e-01 : f32
      %mul3A_959 = vector.broadcast %mul3A_958 : f32 to vector<16xf32>
      %mul3A_960 = arith.mulf %mul3A_959, %add3A_931 : vector<16xf32>
      %mul3A_961 = arith.mulf %mul3A_960, %mul3A_957 : vector<16xf32>
      %mul3A_962 = arith.mulf %mul3A_961, %mul3A_957 : vector<16xf32>
      %sub3A_963 = arith.constant 1.500000e+00 : f32
      %sub3A_964 = vector.broadcast %sub3A_963 : f32 to vector<16xf32>
      %sub3A_965 = arith.subf %sub3A_964, %mul3A_962 : vector<16xf32>
      %mul3A_966 = arith.mulf %mul3A_957, %sub3A_965 : vector<16xf32>
      %mul3A_967 = arith.mulf %mul3A_923, %mul3A_966 : vector<16xf32>
      %neg3A_968 = arith.constant 0.000000e+00 : f32
      %neg3A_969 = vector.broadcast %neg3A_968 : f32 to vector<16xf32>
      %neg3A_970 = arith.subf %neg3A_969, %mul3A_967 : vector<16xf32>
      %reduce_sum3A_971 = arith.constant true
      %reduce_sum3A_972 = vector.broadcast %reduce_sum3A_971 : i1 to vector<16xi1>
      %reduce_sum3A_973 = tpu.scan <sum>, %parallel_loop3A_610#12 masked %reduce_sum3A_972 : vector<16xf32>, vector<16xi1> -> vector<16xf32>
      %reduce_sum3A_974 = vector.extract %reduce_sum3A_973[15] : f32 from vector<16xf32>
      %broadcast_in_dim3A_975 = vector.broadcast %reduce_sum3A_974 : f32 to vector<16xf32>
      %reduce_sum3A_976 = arith.constant true
      %reduce_sum3A_977 = vector.broadcast %reduce_sum3A_976 : i1 to vector<16xi1>
      %reduce_sum3A_978 = tpu.scan <sum>, %parallel_loop3A_610#13 masked %reduce_sum3A_977 : vector<16xf32>, vector<16xi1> -> vector<16xf32>
      %reduce_sum3A_979 = vector.extract %reduce_sum3A_978[15] : f32 from vector<16xf32>
      %broadcast_in_dim3A_980 = vector.broadcast %reduce_sum3A_979 : f32 to vector<16xf32>
      %mul3A_981 = arith.constant 4.8828125E-4 : f32
      %mul3A_982 = vector.broadcast %mul3A_981 : f32 to vector<16xf32>
      %mul3A_983 = arith.mulf %broadcast_in_dim3A_975, %mul3A_982 : vector<16xf32>
      %mul3A_984 = arith.constant 4.8828125E-4 : f32
      %mul3A_985 = vector.broadcast %mul3A_984 : f32 to vector<16xf32>
      %mul3A_986 = arith.mulf %broadcast_in_dim3A_980, %mul3A_985 : vector<16xf32>
      %mul3A_987 = arith.mulf %mul3A_983, %mul3A_983 : vector<16xf32>
      %sub3A_988 = arith.subf %mul3A_986, %mul3A_987 : vector<16xf32>
      %add3A_989 = arith.constant 9.99999974E-6 : f32
      %add3A_990 = vector.broadcast %add3A_989 : f32 to vector<16xf32>
      %add3A_991 = arith.addf %sub3A_988, %add3A_990 : vector<16xf32>
      %bitcast_convert_type3A_992 = tpu.bitcast %add3A_991 : vector<16xf32> -> vector<16xi32>
      %shift_right_logical3A_993 = arith.constant 1 : i32
      %shift_right_logical3A_994 = vector.broadcast %shift_right_logical3A_993 : i32 to vector<16xi32>
      %shift_right_logical3A_995 = arith.shrui %bitcast_convert_type3A_992, %shift_right_logical3A_994 : vector<16xi32>
      %sub3A_996 = arith.constant 1597463007 : i32
      %sub3A_997 = vector.broadcast %sub3A_996 : i32 to vector<16xi32>
      %sub3A_998 = arith.subi %sub3A_997, %shift_right_logical3A_995 : vector<16xi32>
      %bitcast_convert_type3A_999 = tpu.bitcast %sub3A_998 : vector<16xi32> -> vector<16xf32>
      %mul3A_1000 = arith.constant 5.000000e-01 : f32
      %mul3A_1001 = vector.broadcast %mul3A_1000 : f32 to vector<16xf32>
      %mul3A_1002 = arith.mulf %mul3A_1001, %add3A_991 : vector<16xf32>
      %mul3A_1003 = arith.mulf %mul3A_1002, %bitcast_convert_type3A_999 : vector<16xf32>
      %mul3A_1004 = arith.mulf %mul3A_1003, %bitcast_convert_type3A_999 : vector<16xf32>
      %sub3A_1005 = arith.constant 1.500000e+00 : f32
      %sub3A_1006 = vector.broadcast %sub3A_1005 : f32 to vector<16xf32>
      %sub3A_1007 = arith.subf %sub3A_1006, %mul3A_1004 : vector<16xf32>
      %mul3A_1008 = arith.mulf %bitcast_convert_type3A_999, %sub3A_1007 : vector<16xf32>
      %mul3A_1009 = arith.constant 5.000000e-01 : f32
      %mul3A_1010 = vector.broadcast %mul3A_1009 : f32 to vector<16xf32>
      %mul3A_1011 = arith.mulf %mul3A_1010, %add3A_991 : vector<16xf32>
      %mul3A_1012 = arith.mulf %mul3A_1011, %mul3A_1008 : vector<16xf32>
      %mul3A_1013 = arith.mulf %mul3A_1012, %mul3A_1008 : vector<16xf32>
      %sub3A_1014 = arith.constant 1.500000e+00 : f32
      %sub3A_1015 = vector.broadcast %sub3A_1014 : f32 to vector<16xf32>
      %sub3A_1016 = arith.subf %sub3A_1015, %mul3A_1013 : vector<16xf32>
      %mul3A_1017 = arith.mulf %mul3A_1008, %sub3A_1016 : vector<16xf32>
      %mul3A_1018 = arith.constant 5.000000e-01 : f32
      %mul3A_1019 = vector.broadcast %mul3A_1018 : f32 to vector<16xf32>
      %mul3A_1020 = arith.mulf %mul3A_1019, %add3A_991 : vector<16xf32>
      %mul3A_1021 = arith.mulf %mul3A_1020, %mul3A_1017 : vector<16xf32>
      %mul3A_1022 = arith.mulf %mul3A_1021, %mul3A_1017 : vector<16xf32>
      %sub3A_1023 = arith.constant 1.500000e+00 : f32
      %sub3A_1024 = vector.broadcast %sub3A_1023 : f32 to vector<16xf32>
      %sub3A_1025 = arith.subf %sub3A_1024, %mul3A_1022 : vector<16xf32>
      %mul3A_1026 = arith.mulf %mul3A_1017, %sub3A_1025 : vector<16xf32>
      %mul3A_1027 = arith.mulf %mul3A_983, %mul3A_1026 : vector<16xf32>
      %neg3A_1028 = arith.constant 0.000000e+00 : f32
      %neg3A_1029 = vector.broadcast %neg3A_1028 : f32 to vector<16xf32>
      %neg3A_1030 = arith.subf %neg3A_1029, %mul3A_1027 : vector<16xf32>
      %reduce_sum3A_1031 = arith.constant true
      %reduce_sum3A_1032 = vector.broadcast %reduce_sum3A_1031 : i1 to vector<16xi1>
      %reduce_sum3A_1033 = tpu.scan <sum>, %parallel_loop3A_610#14 masked %reduce_sum3A_1032 : vector<16xf32>, vector<16xi1> -> vector<16xf32>
      %reduce_sum3A_1034 = vector.extract %reduce_sum3A_1033[15] : f32 from vector<16xf32>
      %broadcast_in_dim3A_1035 = vector.broadcast %reduce_sum3A_1034 : f32 to vector<16xf32>
      %reduce_sum3A_1036 = arith.constant true
      %reduce_sum3A_1037 = vector.broadcast %reduce_sum3A_1036 : i1 to vector<16xi1>
      %reduce_sum3A_1038 = tpu.scan <sum>, %parallel_loop3A_610#15 masked %reduce_sum3A_1037 : vector<16xf32>, vector<16xi1> -> vector<16xf32>
      %reduce_sum3A_1039 = vector.extract %reduce_sum3A_1038[15] : f32 from vector<16xf32>
      %broadcast_in_dim3A_1040 = vector.broadcast %reduce_sum3A_1039 : f32 to vector<16xf32>
      %mul3A_1041 = arith.constant 4.8828125E-4 : f32
      %mul3A_1042 = vector.broadcast %mul3A_1041 : f32 to vector<16xf32>
      %mul3A_1043 = arith.mulf %broadcast_in_dim3A_1035, %mul3A_1042 : vector<16xf32>
      %mul3A_1044 = arith.constant 4.8828125E-4 : f32
      %mul3A_1045 = vector.broadcast %mul3A_1044 : f32 to vector<16xf32>
      %mul3A_1046 = arith.mulf %broadcast_in_dim3A_1040, %mul3A_1045 : vector<16xf32>
      %mul3A_1047 = arith.mulf %mul3A_1043, %mul3A_1043 : vector<16xf32>
      %sub3A_1048 = arith.subf %mul3A_1046, %mul3A_1047 : vector<16xf32>
      %add3A_1049 = arith.constant 9.99999974E-6 : f32
      %add3A_1050 = vector.broadcast %add3A_1049 : f32 to vector<16xf32>
      %add3A_1051 = arith.addf %sub3A_1048, %add3A_1050 : vector<16xf32>
      %bitcast_convert_type3A_1052 = tpu.bitcast %add3A_1051 : vector<16xf32> -> vector<16xi32>
      %shift_right_logical3A_1053 = arith.constant 1 : i32
      %shift_right_logical3A_1054 = vector.broadcast %shift_right_logical3A_1053 : i32 to vector<16xi32>
      %shift_right_logical3A_1055 = arith.shrui %bitcast_convert_type3A_1052, %shift_right_logical3A_1054 : vector<16xi32>
      %sub3A_1056 = arith.constant 1597463007 : i32
      %sub3A_1057 = vector.broadcast %sub3A_1056 : i32 to vector<16xi32>
      %sub3A_1058 = arith.subi %sub3A_1057, %shift_right_logical3A_1055 : vector<16xi32>
      %bitcast_convert_type3A_1059 = tpu.bitcast %sub3A_1058 : vector<16xi32> -> vector<16xf32>
      %mul3A_1060 = arith.constant 5.000000e-01 : f32
      %mul3A_1061 = vector.broadcast %mul3A_1060 : f32 to vector<16xf32>
      %mul3A_1062 = arith.mulf %mul3A_1061, %add3A_1051 : vector<16xf32>
      %mul3A_1063 = arith.mulf %mul3A_1062, %bitcast_convert_type3A_1059 : vector<16xf32>
      %mul3A_1064 = arith.mulf %mul3A_1063, %bitcast_convert_type3A_1059 : vector<16xf32>
      %sub3A_1065 = arith.constant 1.500000e+00 : f32
      %sub3A_1066 = vector.broadcast %sub3A_1065 : f32 to vector<16xf32>
      %sub3A_1067 = arith.subf %sub3A_1066, %mul3A_1064 : vector<16xf32>
      %mul3A_1068 = arith.mulf %bitcast_convert_type3A_1059, %sub3A_1067 : vector<16xf32>
      %mul3A_1069 = arith.constant 5.000000e-01 : f32
      %mul3A_1070 = vector.broadcast %mul3A_1069 : f32 to vector<16xf32>
      %mul3A_1071 = arith.mulf %mul3A_1070, %add3A_1051 : vector<16xf32>
      %mul3A_1072 = arith.mulf %mul3A_1071, %mul3A_1068 : vector<16xf32>
      %mul3A_1073 = arith.mulf %mul3A_1072, %mul3A_1068 : vector<16xf32>
      %sub3A_1074 = arith.constant 1.500000e+00 : f32
      %sub3A_1075 = vector.broadcast %sub3A_1074 : f32 to vector<16xf32>
      %sub3A_1076 = arith.subf %sub3A_1075, %mul3A_1073 : vector<16xf32>
      %mul3A_1077 = arith.mulf %mul3A_1068, %sub3A_1076 : vector<16xf32>
      %mul3A_1078 = arith.constant 5.000000e-01 : f32
      %mul3A_1079 = vector.broadcast %mul3A_1078 : f32 to vector<16xf32>
      %mul3A_1080 = arith.mulf %mul3A_1079, %add3A_1051 : vector<16xf32>
      %mul3A_1081 = arith.mulf %mul3A_1080, %mul3A_1077 : vector<16xf32>
      %mul3A_1082 = arith.mulf %mul3A_1081, %mul3A_1077 : vector<16xf32>
      %sub3A_1083 = arith.constant 1.500000e+00 : f32
      %sub3A_1084 = vector.broadcast %sub3A_1083 : f32 to vector<16xf32>
      %sub3A_1085 = arith.subf %sub3A_1084, %mul3A_1082 : vector<16xf32>
      %mul3A_1086 = arith.mulf %mul3A_1077, %sub3A_1085 : vector<16xf32>
      %mul3A_1087 = arith.mulf %mul3A_1043, %mul3A_1086 : vector<16xf32>
      %neg3A_1088 = arith.constant 0.000000e+00 : f32
      %neg3A_1089 = vector.broadcast %neg3A_1088 : f32 to vector<16xf32>
      %neg3A_1090 = arith.subf %neg3A_1089, %mul3A_1087 : vector<16xf32>
      %parallel_loop3A_1091 = arith.constant 0 : i32
      %parallel_loop3A_1092 = arith.constant 128 : i32
      %parallel_loop3A_1093 = arith.constant 1 : i32
      %parallel_loop3A_1094 = arith.constant 1 : i32
      %parallel_loop3A_1095 = arith.constant 1 : i32
      scf.for %parallel_loop3A_1119 = %parallel_loop3A_1091 to %parallel_loop3A_1092 step %parallel_loop3A_1093  : i32 {
        %parallel_loop3A_1120 = arith.constant 16 : i32
        %parallel_loop3A_1121 = arith.muli %parallel_loop3A_1119, %parallel_loop3A_1120 : i32
        %parallel_loop3A_1122 = arith.index_cast %parallel_loop3A_1121 : i32 to index
        %parallel_loop3A_1123 = tpu.vector_load %arg10[%parallel_loop3A_1122] {strides = array<i32>} : memref<2048xf32, #tpu.memory_space<vmem>>, vector<16xf32>,
        %parallel_loop3A_1124 = arith.index_cast %parallel_loop3A_1121 : i32 to index
        %parallel_loop3A_1125 = tpu.vector_load %arg11[%parallel_loop3A_1124] {strides = array<i32>} : memref<2048xf32, #tpu.memory_space<vmem>>, vector<16xf32>,
        %parallel_loop3A_1126 = arith.constant 0 : i32
        %parallel_loop3A_1127 = arith.constant 0 : i32
        %parallel_loop3A_1128 = arith.constant 0 : i32
        %parallel_loop3A_1129 = tpu.memref_slice %arg8[%parallel_loop3A_1094, %parallel_loop3A_1127, %parallel_loop3A_1128] : memref<2x8x2048xf32, #tpu.memory_space<vmem>> -> memref<1x8x2048xf32, #tpu.memory_space<vmem>>
        %parallel_loop3A_1130 = tpu.memref_squeeze %parallel_loop3A_1129 : memref<1x8x2048xf32, #tpu.memory_space<vmem>> -> memref<8x2048xf32, #tpu.memory_space<vmem>>
        %parallel_loop3A_1131 = arith.index_cast %parallel_loop3A_1126 : i32 to index
        %parallel_loop3A_1132 = arith.index_cast %parallel_loop3A_1121 : i32 to index
        %parallel_loop3A_1133 = tpu.vector_load %parallel_loop3A_1130[%parallel_loop3A_1131, %parallel_loop3A_1132] {strides = array<i32>} : memref<8x2048xf32, #tpu.memory_space<vmem>>, vector<16xf32>,
        %parallel_loop3A_1134 = arith.mulf %parallel_loop3A_1133, %mul3A_666 : vector<16xf32>
        %parallel_loop3A_1135 = arith.addf %parallel_loop3A_1134, %neg3A_670 : vector<16xf32>
        %parallel_loop3A_1136 = arith.mulf %parallel_loop3A_1135, %parallel_loop3A_1123 : vector<16xf32>
        %parallel_loop3A_1137 = arith.addf %parallel_loop3A_1136, %parallel_loop3A_1125 : vector<16xf32>
        %parallel_loop3A_1138 = arith.constant 0 : i32
        %parallel_loop3A_1139 = arith.constant 0 : i32
        %parallel_loop3A_1140 = arith.constant 0 : i32
        %parallel_loop3A_1141 = tpu.memref_slice %arg9[%parallel_loop3A_1095, %parallel_loop3A_1139, %parallel_loop3A_1140] : memref<2x8x2048xf32, #tpu.memory_space<vmem>> -> memref<1x8x2048xf32, #tpu.memory_space<vmem>>
        %parallel_loop3A_1142 = tpu.memref_squeeze %parallel_loop3A_1141 : memref<1x8x2048xf32, #tpu.memory_space<vmem>> -> memref<8x2048xf32, #tpu.memory_space<vmem>>
        %parallel_loop3A_1143 = arith.index_cast %parallel_loop3A_1138 : i32 to index
        %parallel_loop3A_1144 = arith.index_cast %parallel_loop3A_1121 : i32 to index
        %parallel_loop3A_1145 = tpu.vector_load %parallel_loop3A_1142[%parallel_loop3A_1143, %parallel_loop3A_1144] {strides = array<i32>} : memref<8x2048xf32, #tpu.memory_space<vmem>>, vector<16xf32>,
        tpu.vector_store %parallel_loop3A_1142[%parallel_loop3A_1143, %parallel_loop3A_1144], %parallel_loop3A_1137 {strides = array<i32>} : memref<8x2048xf32, #tpu.memory_space<vmem>>, vector<16xf32>,
        %parallel_loop3A_1146 = arith.constant 1 : i32
        %parallel_loop3A_1147 = arith.constant 0 : i32
        %parallel_loop3A_1148 = arith.constant 0 : i32
        %parallel_loop3A_1149 = tpu.memref_slice %arg8[%parallel_loop3A_1094, %parallel_loop3A_1147, %parallel_loop3A_1148] : memref<2x8x2048xf32, #tpu.memory_space<vmem>> -> memref<1x8x2048xf32, #tpu.memory_space<vmem>>
        %parallel_loop3A_1150 = tpu.memref_squeeze %parallel_loop3A_1149 : memref<1x8x2048xf32, #tpu.memory_space<vmem>> -> memref<8x2048xf32, #tpu.memory_space<vmem>>
        %parallel_loop3A_1151 = arith.index_cast %parallel_loop3A_1146 : i32 to index
        %parallel_loop3A_1152 = arith.index_cast %parallel_loop3A_1121 : i32 to index
        %parallel_loop3A_1153 = tpu.vector_load %parallel_loop3A_1150[%parallel_loop3A_1151, %parallel_loop3A_1152] {strides = array<i32>} : memref<8x2048xf32, #tpu.memory_space<vmem>>, vector<16xf32>,
        %parallel_loop3A_1154 = arith.mulf %parallel_loop3A_1153, %mul3A_726 : vector<16xf32>
        %parallel_loop3A_1155 = arith.addf %parallel_loop3A_1154, %neg3A_730 : vector<16xf32>
        %parallel_loop3A_1156 = arith.mulf %parallel_loop3A_1155, %parallel_loop3A_1123 : vector<16xf32>
        %parallel_loop3A_1157 = arith.addf %parallel_loop3A_1156, %parallel_loop3A_1125 : vector<16xf32>
        %parallel_loop3A_1158 = arith.constant 1 : i32
        %parallel_loop3A_1159 = arith.constant 0 : i32
        %parallel_loop3A_1160 = arith.constant 0 : i32
        %parallel_loop3A_1161 = tpu.memref_slice %arg9[%parallel_loop3A_1095, %parallel_loop3A_1159, %parallel_loop3A_1160] : memref<2x8x2048xf32, #tpu.memory_space<vmem>> -> memref<1x8x2048xf32, #tpu.memory_space<vmem>>
        %parallel_loop3A_1162 = tpu.memref_squeeze %parallel_loop3A_1161 : memref<1x8x2048xf32, #tpu.memory_space<vmem>> -> memref<8x2048xf32, #tpu.memory_space<vmem>>
        %parallel_loop3A_1163 = arith.index_cast %parallel_loop3A_1158 : i32 to index
        %parallel_loop3A_1164 = arith.index_cast %parallel_loop3A_1121 : i32 to index
        %parallel_loop3A_1165 = tpu.vector_load %parallel_loop3A_1162[%parallel_loop3A_1163, %parallel_loop3A_1164] {strides = array<i32>} : memref<8x2048xf32, #tpu.memory_space<vmem>>, vector<16xf32>,
        tpu.vector_store %parallel_loop3A_1162[%parallel_loop3A_1163, %parallel_loop3A_1164], %parallel_loop3A_1157 {strides = array<i32>} : memref<8x2048xf32, #tpu.memory_space<vmem>>, vector<16xf32>,
        %parallel_loop3A_1166 = arith.constant 2 : i32
        %parallel_loop3A_1167 = arith.constant 0 : i32
        %parallel_loop3A_1168 = arith.constant 0 : i32
        %parallel_loop3A_1169 = tpu.memref_slice %arg8[%parallel_loop3A_1094, %parallel_loop3A_1167, %parallel_loop3A_1168] : memref<2x8x2048xf32, #tpu.memory_space<vmem>> -> memref<1x8x2048xf32, #tpu.memory_space<vmem>>
        %parallel_loop3A_1170 = tpu.memref_squeeze %parallel_loop3A_1169 : memref<1x8x2048xf32, #tpu.memory_space<vmem>> -> memref<8x2048xf32, #tpu.memory_space<vmem>>
        %parallel_loop3A_1171 = arith.index_cast %parallel_loop3A_1166 : i32 to index
        %parallel_loop3A_1172 = arith.index_cast %parallel_loop3A_1121 : i32 to index
        %parallel_loop3A_1173 = tpu.vector_load %parallel_loop3A_1170[%parallel_loop3A_1171, %parallel_loop3A_1172] {strides = array<i32>} : memref<8x2048xf32, #tpu.memory_space<vmem>>, vector<16xf32>,
        %parallel_loop3A_1174 = arith.mulf %parallel_loop3A_1173, %mul3A_786 : vector<16xf32>
        %parallel_loop3A_1175 = arith.addf %parallel_loop3A_1174, %neg3A_790 : vector<16xf32>
        %parallel_loop3A_1176 = arith.mulf %parallel_loop3A_1175, %parallel_loop3A_1123 : vector<16xf32>
        %parallel_loop3A_1177 = arith.addf %parallel_loop3A_1176, %parallel_loop3A_1125 : vector<16xf32>
        %parallel_loop3A_1178 = arith.constant 2 : i32
        %parallel_loop3A_1179 = arith.constant 0 : i32
        %parallel_loop3A_1180 = arith.constant 0 : i32
        %parallel_loop3A_1181 = tpu.memref_slice %arg9[%parallel_loop3A_1095, %parallel_loop3A_1179, %parallel_loop3A_1180] : memref<2x8x2048xf32, #tpu.memory_space<vmem>> -> memref<1x8x2048xf32, #tpu.memory_space<vmem>>
        %parallel_loop3A_1182 = tpu.memref_squeeze %parallel_loop3A_1181 : memref<1x8x2048xf32, #tpu.memory_space<vmem>> -> memref<8x2048xf32, #tpu.memory_space<vmem>>
        %parallel_loop3A_1183 = arith.index_cast %parallel_loop3A_1178 : i32 to index
        %parallel_loop3A_1184 = arith.index_cast %parallel_loop3A_1121 : i32 to index
        %parallel_loop3A_1185 = tpu.vector_load %parallel_loop3A_1182[%parallel_loop3A_1183, %parallel_loop3A_1184] {strides = array<i32>} : memref<8x2048xf32, #tpu.memory_space<vmem>>, vector<16xf32>,
        tpu.vector_store %parallel_loop3A_1182[%parallel_loop3A_1183, %parallel_loop3A_1184], %parallel_loop3A_1177 {strides = array<i32>} : memref<8x2048xf32, #tpu.memory_space<vmem>>, vector<16xf32>,
        %parallel_loop3A_1186 = arith.constant 3 : i32
        %parallel_loop3A_1187 = arith.constant 0 : i32
        %parallel_loop3A_1188 = arith.constant 0 : i32
        %parallel_loop3A_1189 = tpu.memref_slice %arg8[%parallel_loop3A_1094, %parallel_loop3A_1187, %parallel_loop3A_1188] : memref<2x8x2048xf32, #tpu.memory_space<vmem>> -> memref<1x8x2048xf32, #tpu.memory_space<vmem>>
        %parallel_loop3A_1190 = tpu.memref_squeeze %parallel_loop3A_1189 : memref<1x8x2048xf32, #tpu.memory_space<vmem>> -> memref<8x2048xf32, #tpu.memory_space<vmem>>
        %parallel_loop3A_1191 = arith.index_cast %parallel_loop3A_1186 : i32 to index
        %parallel_loop3A_1192 = arith.index_cast %parallel_loop3A_1121 : i32 to index
        %parallel_loop3A_1193 = tpu.vector_load %parallel_loop3A_1190[%parallel_loop3A_1191, %parallel_loop3A_1192] {strides = array<i32>} : memref<8x2048xf32, #tpu.memory_space<vmem>>, vector<16xf32>,
        %parallel_loop3A_1194 = arith.mulf %parallel_loop3A_1193, %mul3A_846 : vector<16xf32>
        %parallel_loop3A_1195 = arith.addf %parallel_loop3A_1194, %neg3A_850 : vector<16xf32>
        %parallel_loop3A_1196 = arith.mulf %parallel_loop3A_1195, %parallel_loop3A_1123 : vector<16xf32>
        %parallel_loop3A_1197 = arith.addf %parallel_loop3A_1196, %parallel_loop3A_1125 : vector<16xf32>
        %parallel_loop3A_1198 = arith.constant 3 : i32
        %parallel_loop3A_1199 = arith.constant 0 : i32
        %parallel_loop3A_1200 = arith.constant 0 : i32
        %parallel_loop3A_1201 = tpu.memref_slice %arg9[%parallel_loop3A_1095, %parallel_loop3A_1199, %parallel_loop3A_1200] : memref<2x8x2048xf32, #tpu.memory_space<vmem>> -> memref<1x8x2048xf32, #tpu.memory_space<vmem>>
        %parallel_loop3A_1202 = tpu.memref_squeeze %parallel_loop3A_1201 : memref<1x8x2048xf32, #tpu.memory_space<vmem>> -> memref<8x2048xf32, #tpu.memory_space<vmem>>
        %parallel_loop3A_1203 = arith.index_cast %parallel_loop3A_1198 : i32 to index
        %parallel_loop3A_1204 = arith.index_cast %parallel_loop3A_1121 : i32 to index
        %parallel_loop3A_1205 = tpu.vector_load %parallel_loop3A_1202[%parallel_loop3A_1203, %parallel_loop3A_1204] {strides = array<i32>} : memref<8x2048xf32, #tpu.memory_space<vmem>>, vector<16xf32>,
        tpu.vector_store %parallel_loop3A_1202[%parallel_loop3A_1203, %parallel_loop3A_1204], %parallel_loop3A_1197 {strides = array<i32>} : memref<8x2048xf32, #tpu.memory_space<vmem>>, vector<16xf32>,
        %parallel_loop3A_1206 = arith.constant 4 : i32
        %parallel_loop3A_1207 = arith.constant 0 : i32
        %parallel_loop3A_1208 = arith.constant 0 : i32
        %parallel_loop3A_1209 = tpu.memref_slice %arg8[%parallel_loop3A_1094, %parallel_loop3A_1207, %parallel_loop3A_1208] : memref<2x8x2048xf32, #tpu.memory_space<vmem>> -> memref<1x8x2048xf32, #tpu.memory_space<vmem>>
        %parallel_loop3A_1210 = tpu.memref_squeeze %parallel_loop3A_1209 : memref<1x8x2048xf32, #tpu.memory_space<vmem>> -> memref<8x2048xf32, #tpu.memory_space<vmem>>
        %parallel_loop3A_1211 = arith.index_cast %parallel_loop3A_1206 : i32 to index
        %parallel_loop3A_1212 = arith.index_cast %parallel_loop3A_1121 : i32 to index
        %parallel_loop3A_1213 = tpu.vector_load %parallel_loop3A_1210[%parallel_loop3A_1211, %parallel_loop3A_1212] {strides = array<i32>} : memref<8x2048xf32, #tpu.memory_space<vmem>>, vector<16xf32>,
        %parallel_loop3A_1214 = arith.mulf %parallel_loop3A_1213, %mul3A_906 : vector<16xf32>
        %parallel_loop3A_1215 = arith.addf %parallel_loop3A_1214, %neg3A_910 : vector<16xf32>
        %parallel_loop3A_1216 = arith.mulf %parallel_loop3A_1215, %parallel_loop3A_1123 : vector<16xf32>
        %parallel_loop3A_1217 = arith.addf %parallel_loop3A_1216, %parallel_loop3A_1125 : vector<16xf32>
        %parallel_loop3A_1218 = arith.constant 4 : i32
        %parallel_loop3A_1219 = arith.constant 0 : i32
        %parallel_loop3A_1220 = arith.constant 0 : i32
        %parallel_loop3A_1221 = tpu.memref_slice %arg9[%parallel_loop3A_1095, %parallel_loop3A_1219, %parallel_loop3A_1220] : memref<2x8x2048xf32, #tpu.memory_space<vmem>> -> memref<1x8x2048xf32, #tpu.memory_space<vmem>>
        %parallel_loop3A_1222 = tpu.memref_squeeze %parallel_loop3A_1221 : memref<1x8x2048xf32, #tpu.memory_space<vmem>> -> memref<8x2048xf32, #tpu.memory_space<vmem>>
        %parallel_loop3A_1223 = arith.index_cast %parallel_loop3A_1218 : i32 to index
        %parallel_loop3A_1224 = arith.index_cast %parallel_loop3A_1121 : i32 to index
        %parallel_loop3A_1225 = tpu.vector_load %parallel_loop3A_1222[%parallel_loop3A_1223, %parallel_loop3A_1224] {strides = array<i32>} : memref<8x2048xf32, #tpu.memory_space<vmem>>, vector<16xf32>,
        tpu.vector_store %parallel_loop3A_1222[%parallel_loop3A_1223, %parallel_loop3A_1224], %parallel_loop3A_1217 {strides = array<i32>} : memref<8x2048xf32, #tpu.memory_space<vmem>>, vector<16xf32>,
        %parallel_loop3A_1226 = arith.constant 5 : i32
        %parallel_loop3A_1227 = arith.constant 0 : i32
        %parallel_loop3A_1228 = arith.constant 0 : i32
        %parallel_loop3A_1229 = tpu.memref_slice %arg8[%parallel_loop3A_1094, %parallel_loop3A_1227, %parallel_loop3A_1228] : memref<2x8x2048xf32, #tpu.memory_space<vmem>> -> memref<1x8x2048xf32, #tpu.memory_space<vmem>>
        %parallel_loop3A_1230 = tpu.memref_squeeze %parallel_loop3A_1229 : memref<1x8x2048xf32, #tpu.memory_space<vmem>> -> memref<8x2048xf32, #tpu.memory_space<vmem>>
        %parallel_loop3A_1231 = arith.index_cast %parallel_loop3A_1226 : i32 to index
        %parallel_loop3A_1232 = arith.index_cast %parallel_loop3A_1121 : i32 to index
        %parallel_loop3A_1233 = tpu.vector_load %parallel_loop3A_1230[%parallel_loop3A_1231, %parallel_loop3A_1232] {strides = array<i32>} : memref<8x2048xf32, #tpu.memory_space<vmem>>, vector<16xf32>,
        %parallel_loop3A_1234 = arith.mulf %parallel_loop3A_1233, %mul3A_966 : vector<16xf32>
        %parallel_loop3A_1235 = arith.addf %parallel_loop3A_1234, %neg3A_970 : vector<16xf32>
        %parallel_loop3A_1236 = arith.mulf %parallel_loop3A_1235, %parallel_loop3A_1123 : vector<16xf32>
        %parallel_loop3A_1237 = arith.addf %parallel_loop3A_1236, %parallel_loop3A_1125 : vector<16xf32>
        %parallel_loop3A_1238 = arith.constant 5 : i32
        %parallel_loop3A_1239 = arith.constant 0 : i32
        %parallel_loop3A_1240 = arith.constant 0 : i32
        %parallel_loop3A_1241 = tpu.memref_slice %arg9[%parallel_loop3A_1095, %parallel_loop3A_1239, %parallel_loop3A_1240] : memref<2x8x2048xf32, #tpu.memory_space<vmem>> -> memref<1x8x2048xf32, #tpu.memory_space<vmem>>
        %parallel_loop3A_1242 = tpu.memref_squeeze %parallel_loop3A_1241 : memref<1x8x2048xf32, #tpu.memory_space<vmem>> -> memref<8x2048xf32, #tpu.memory_space<vmem>>
        %parallel_loop3A_1243 = arith.index_cast %parallel_loop3A_1238 : i32 to index
        %parallel_loop3A_1244 = arith.index_cast %parallel_loop3A_1121 : i32 to index
        %parallel_loop3A_1245 = tpu.vector_load %parallel_loop3A_1242[%parallel_loop3A_1243, %parallel_loop3A_1244] {strides = array<i32>} : memref<8x2048xf32, #tpu.memory_space<vmem>>, vector<16xf32>,
        tpu.vector_store %parallel_loop3A_1242[%parallel_loop3A_1243, %parallel_loop3A_1244], %parallel_loop3A_1237 {strides = array<i32>} : memref<8x2048xf32, #tpu.memory_space<vmem>>, vector<16xf32>,
        %parallel_loop3A_1246 = arith.constant 6 : i32
        %parallel_loop3A_1247 = arith.constant 0 : i32
        %parallel_loop3A_1248 = arith.constant 0 : i32
        %parallel_loop3A_1249 = tpu.memref_slice %arg8[%parallel_loop3A_1094, %parallel_loop3A_1247, %parallel_loop3A_1248] : memref<2x8x2048xf32, #tpu.memory_space<vmem>> -> memref<1x8x2048xf32, #tpu.memory_space<vmem>>
        %parallel_loop3A_1250 = tpu.memref_squeeze %parallel_loop3A_1249 : memref<1x8x2048xf32, #tpu.memory_space<vmem>> -> memref<8x2048xf32, #tpu.memory_space<vmem>>
        %parallel_loop3A_1251 = arith.index_cast %parallel_loop3A_1246 : i32 to index
        %parallel_loop3A_1252 = arith.index_cast %parallel_loop3A_1121 : i32 to index
        %parallel_loop3A_1253 = tpu.vector_load %parallel_loop3A_1250[%parallel_loop3A_1251, %parallel_loop3A_1252] {strides = array<i32>} : memref<8x2048xf32, #tpu.memory_space<vmem>>, vector<16xf32>,
        %parallel_loop3A_1254 = arith.mulf %parallel_loop3A_1253, %mul3A_1026 : vector<16xf32>
        %parallel_loop3A_1255 = arith.addf %parallel_loop3A_1254, %neg3A_1030 : vector<16xf32>
        %parallel_loop3A_1256 = arith.mulf %parallel_loop3A_1255, %parallel_loop3A_1123 : vector<16xf32>
        %parallel_loop3A_1257 = arith.addf %parallel_loop3A_1256, %parallel_loop3A_1125 : vector<16xf32>
        %parallel_loop3A_1258 = arith.constant 6 : i32
        %parallel_loop3A_1259 = arith.constant 0 : i32
        %parallel_loop3A_1260 = arith.constant 0 : i32
        %parallel_loop3A_1261 = tpu.memref_slice %arg9[%parallel_loop3A_1095, %parallel_loop3A_1259, %parallel_loop3A_1260] : memref<2x8x2048xf32, #tpu.memory_space<vmem>> -> memref<1x8x2048xf32, #tpu.memory_space<vmem>>
        %parallel_loop3A_1262 = tpu.memref_squeeze %parallel_loop3A_1261 : memref<1x8x2048xf32, #tpu.memory_space<vmem>> -> memref<8x2048xf32, #tpu.memory_space<vmem>>
        %parallel_loop3A_1263 = arith.index_cast %parallel_loop3A_1258 : i32 to index
        %parallel_loop3A_1264 = arith.index_cast %parallel_loop3A_1121 : i32 to index
        %parallel_loop3A_1265 = tpu.vector_load %parallel_loop3A_1262[%parallel_loop3A_1263, %parallel_loop3A_1264] {strides = array<i32>} : memref<8x2048xf32, #tpu.memory_space<vmem>>, vector<16xf32>,
        tpu.vector_store %parallel_loop3A_1262[%parallel_loop3A_1263, %parallel_loop3A_1264], %parallel_loop3A_1257 {strides = array<i32>} : memref<8x2048xf32, #tpu.memory_space<vmem>>, vector<16xf32>,
        %parallel_loop3A_1266 = arith.constant 7 : i32
        %parallel_loop3A_1267 = arith.constant 0 : i32
        %parallel_loop3A_1268 = arith.constant 0 : i32
        %parallel_loop3A_1269 = tpu.memref_slice %arg8[%parallel_loop3A_1094, %parallel_loop3A_1267, %parallel_loop3A_1268] : memref<2x8x2048xf32, #tpu.memory_space<vmem>> -> memref<1x8x2048xf32, #tpu.memory_space<vmem>>
        %parallel_loop3A_1270 = tpu.memref_squeeze %parallel_loop3A_1269 : memref<1x8x2048xf32, #tpu.memory_space<vmem>> -> memref<8x2048xf32, #tpu.memory_space<vmem>>
        %parallel_loop3A_1271 = arith.index_cast %parallel_loop3A_1266 : i32 to index
        %parallel_loop3A_1272 = arith.index_cast %parallel_loop3A_1121 : i32 to index
        %parallel_loop3A_1273 = tpu.vector_load %parallel_loop3A_1270[%parallel_loop3A_1271, %parallel_loop3A_1272] {strides = array<i32>} : memref<8x2048xf32, #tpu.memory_space<vmem>>, vector<16xf32>,
        %parallel_loop3A_1274 = arith.mulf %parallel_loop3A_1273, %mul3A_1086 : vector<16xf32>
        %parallel_loop3A_1275 = arith.addf %parallel_loop3A_1274, %neg3A_1090 : vector<16xf32>
        %parallel_loop3A_1276 = arith.mulf %parallel_loop3A_1275, %parallel_loop3A_1123 : vector<16xf32>
        %parallel_loop3A_1277 = arith.addf %parallel_loop3A_1276, %parallel_loop3A_1125 : vector<16xf32>
        %parallel_loop3A_1278 = arith.constant 7 : i32
        %parallel_loop3A_1279 = arith.constant 0 : i32
        %parallel_loop3A_1280 = arith.constant 0 : i32
        %parallel_loop3A_1281 = tpu.memref_slice %arg9[%parallel_loop3A_1095, %parallel_loop3A_1279, %parallel_loop3A_1280] : memref<2x8x2048xf32, #tpu.memory_space<vmem>> -> memref<1x8x2048xf32, #tpu.memory_space<vmem>>
        %parallel_loop3A_1282 = tpu.memref_squeeze %parallel_loop3A_1281 : memref<1x8x2048xf32, #tpu.memory_space<vmem>> -> memref<8x2048xf32, #tpu.memory_space<vmem>>
        %parallel_loop3A_1283 = arith.index_cast %parallel_loop3A_1278 : i32 to index
        %parallel_loop3A_1284 = arith.index_cast %parallel_loop3A_1121 : i32 to index
        %parallel_loop3A_1285 = tpu.vector_load %parallel_loop3A_1282[%parallel_loop3A_1283, %parallel_loop3A_1284] {strides = array<i32>} : memref<8x2048xf32, #tpu.memory_space<vmem>>, vector<16xf32>,
        tpu.vector_store %parallel_loop3A_1282[%parallel_loop3A_1283, %parallel_loop3A_1284], %parallel_loop3A_1277 {strides = array<i32>} : memref<8x2048xf32, #tpu.memory_space<vmem>>, vector<16xf32>,
      } {sc.loop_unroll_factor = 4 : i64, sc.parallel_access}
      %add3A_1096 = arith.constant 2 : i32
      %add3A_1097 = arith.addi %add3A_583, %add3A_1096 : i32
      %lt3A_1098 = arith.constant 32 : i32
      %lt3A_1099 = arith.cmpi slt, %add3A_1097, %lt3A_1098 : i32
      %convert_element_type3A_1100 = arith.extui %lt3A_1099 : i1 to i32
      %cond3A_1101 = arith.constant 0 : i32
      %cond3A_1102 = arith.cmpi ne, %convert_element_type3A_1100, %cond3A_1101 : i32
      scf.if %cond3A_1102 {
        %add3A_1119 = arith.constant 1 : i32
        %add3A_1120 = arith.addi %add3A_55, %add3A_1119 : i32
        %add3A_1121 = arith.constant 2 : i32
        %add3A_1122 = arith.addi %add3A_1120, %add3A_1121 : i32
        %mul3A_1123 = arith.constant 8 : i32
        %mul3A_1124 = arith.muli %add3A_1122, %mul3A_1123 : i32
        %dma_start3A_1125 = arith.constant 1 : i32
        %dma_start3A_1126 = arith.constant 0 : i32
        %dma_start3A_1127 = arith.constant 0 : i32
        %dma_start3A_1128 = tpu.memref_slice %arg8[%dma_start3A_1125, %dma_start3A_1126, %dma_start3A_1127] : memref<2x8x2048xf32, #tpu.memory_space<vmem>> -> memref<1x8x2048xf32, #tpu.memory_space<vmem>>
        %dma_start3A_1129 = tpu.memref_squeeze %dma_start3A_1128 : memref<1x8x2048xf32, #tpu.memory_space<vmem>> -> memref<8x2048xf32, #tpu.memory_space<vmem>>
        %dma_start3A_1130 = tpu.memref_slice %arg7[%mul3A_1124] : memref<256xi32, #tpu.memory_space<vmem>> -> memref<8xi32, #tpu.memory_space<vmem>>
        %dma_start3A_1131 = arith.constant 0 : i32
        %dma_start3A_1132 = arith.constant 0 : i32
        %dma_start3A_1133 = tpu.memref_slice %arg3[%dma_start3A_1131, %dma_start3A_1132] : memref<100000x2048xf32, #tpu.memory_space<hbm>> -> memref<100000x2048xf32, #tpu.memory_space<hbm>>
        tpu.enqueue_indirect_dma source(%dma_start3A_1133 : memref<100000x2048xf32, #tpu.memory_space<hbm>>) target(%dma_start3A_1129 : memref<8x2048xf32, #tpu.memory_space<vmem>>) offsets(%dma_start3A_1130 : memref<8xi32, #tpu.memory_space<vmem>>) semaphore(%arg13 : memref<!tpu.dma_semaphore, #tpu.memory_space<semaphore_mem>>)
      } else {
      }
      %mul3A_1103 = arith.constant 8 : i32
      %mul3A_1104 = arith.muli %add3A_583, %mul3A_1103 : i32
      %add3A_1105 = arith.addi %mul3A_2, %mul3A_1104 : i32
      %dma_start3A_1106 = arith.constant 1 : i32
      %dma_start3A_1107 = arith.constant 0 : i32
      %dma_start3A_1108 = arith.constant 0 : i32
      %dma_start3A_1109 = tpu.memref_slice %arg9[%dma_start3A_1106, %dma_start3A_1107, %dma_start3A_1108] : memref<2x8x2048xf32, #tpu.memory_space<vmem>> -> memref<1x8x2048xf32, #tpu.memory_space<vmem>>
      %dma_start3A_1110 = tpu.memref_squeeze %dma_start3A_1109 : memref<1x8x2048xf32, #tpu.memory_space<vmem>> -> memref<8x2048xf32, #tpu.memory_space<vmem>>
      %dma_start3A_1111 = arith.constant 0 : i32
      %dma_start3A_1112 = tpu.memref_slice %arg6[%add3A_1105, %dma_start3A_1111] : memref<8192x2048xf32, #tpu.memory_space<hbm>> -> memref<8x2048xf32, #tpu.memory_space<hbm>>
      %dma_start3A_1113 = arith.constant 0 : i32
      %dma_start3A_1114 = tpu.memref_slice %arg6[%add3A_1105, %dma_start3A_1113] : memref<8192x2048xf32, #tpu.memory_space<hbm>> -> memref<8x2048xf32, #tpu.memory_space<hbm>>
      %dma_start3A_1115 = arith.constant 0 : i32
      %dma_start3A_1116 = arith.constant 0 : i32
      %dma_start3A_1117 = tpu.memref_slice %arg9[%dma_start3A_1106, %dma_start3A_1115, %dma_start3A_1116] : memref<2x8x2048xf32, #tpu.memory_space<vmem>> -> memref<1x8x2048xf32, #tpu.memory_space<vmem>>
      %dma_start3A_1118 = tpu.memref_squeeze %dma_start3A_1117 : memref<1x8x2048xf32, #tpu.memory_space<vmem>> -> memref<8x2048xf32, #tpu.memory_space<vmem>>
      tpu.enqueue_dma source(%dma_start3A_1118 : memref<8x2048xf32, #tpu.memory_space<vmem>>) target(%dma_start3A_1114 : memref<8x2048xf32, #tpu.memory_space<hbm>>) target_semaphore(%arg15 : memref<!tpu.dma_semaphore, #tpu.memory_space<semaphore_mem>>)
    }
    %scan3A_25 = arith.constant 16 : i32
    %dma_wait3A = arith.constant 0 : i32
    %dma_wait3A_26 = arith.constant 0 : i32
    %dma_wait3A_27 = arith.constant 0 : i32
    %dma_wait3A_28 = tpu.memref_slice %arg9[%dma_wait3A, %dma_wait3A_26, %dma_wait3A_27] : memref<2x8x2048xf32, #tpu.memory_space<vmem>> -> memref<1x8x2048xf32, #tpu.memory_space<vmem>>
    %dma_wait3A_29 = tpu.memref_squeeze %dma_wait3A_28 : memref<1x8x2048xf32, #tpu.memory_space<vmem>> -> memref<8x2048xf32, #tpu.memory_space<vmem>>
    %dma_wait3A_30 = arith.constant 0 : i32
    %dma_wait3A_31 = tpu.memref_slice %arg6[%mul3A_2, %dma_wait3A_30] : memref<8192x2048xf32, #tpu.memory_space<hbm>> -> memref<8x2048xf32, #tpu.memory_space<hbm>>
    %dma_wait3A_32 = arith.constant 0 : i32
    %dma_wait3A_33 = tpu.memref_slice %arg6[%mul3A_2, %dma_wait3A_32] : memref<8192x2048xf32, #tpu.memory_space<hbm>> -> memref<8x2048xf32, #tpu.memory_space<hbm>>
    %dma_wait3A_34 = arith.constant 0 : i32
    %dma_wait3A_35 = arith.constant 0 : i32
    %dma_wait3A_36 = tpu.memref_slice %arg9[%dma_wait3A, %dma_wait3A_34, %dma_wait3A_35] : memref<2x8x2048xf32, #tpu.memory_space<vmem>> -> memref<1x8x2048xf32, #tpu.memory_space<vmem>>
    %dma_wait3A_37 = tpu.memref_squeeze %dma_wait3A_36 : memref<1x8x2048xf32, #tpu.memory_space<vmem>> -> memref<8x2048xf32, #tpu.memory_space<vmem>>
    tpu.wait_dma2 semaphore(%arg14 : memref<!tpu.dma_semaphore, #tpu.memory_space<semaphore_mem>>) src(%dma_wait3A_37 : memref<8x2048xf32, #tpu.memory_space<vmem>>) dst(%dma_wait3A_33 : memref<8x2048xf32, #tpu.memory_space<hbm>>)
    %dma_wait3A_38 = arith.constant 1 : i32
    %dma_wait3A_39 = arith.constant 0 : i32
    %dma_wait3A_40 = arith.constant 0 : i32
    %dma_wait3A_41 = tpu.memref_slice %arg9[%dma_wait3A_38, %dma_wait3A_39, %dma_wait3A_40] : memref<2x8x2048xf32, #tpu.memory_space<vmem>> -> memref<1x8x2048xf32, #tpu.memory_space<vmem>>
    %dma_wait3A_42 = tpu.memref_squeeze %dma_wait3A_41 : memref<1x8x2048xf32, #tpu.memory_space<vmem>> -> memref<8x2048xf32, #tpu.memory_space<vmem>>
    %dma_wait3A_43 = arith.constant 0 : i32
    %dma_wait3A_44 = tpu.memref_slice %arg6[%mul3A_2, %dma_wait3A_43] : memref<8192x2048xf32, #tpu.memory_space<hbm>> -> memref<8x2048xf32, #tpu.memory_space<hbm>>
    %dma_wait3A_45 = arith.constant 0 : i32
    %dma_wait3A_46 = tpu.memref_slice %arg6[%mul3A_2, %dma_wait3A_45] : memref<8192x2048xf32, #tpu.memory_space<hbm>> -> memref<8x2048xf32, #tpu.memory_space<hbm>>
    %dma_wait3A_47 = arith.constant 0 : i32
    %dma_wait3A_48 = arith.constant 0 : i32
    %dma_wait3A_49 = tpu.memref_slice %arg9[%dma_wait3A_38, %dma_wait3A_47, %dma_wait3A_48] : memref<2x8x2048xf32, #tpu.memory_space<vmem>> -> memref<1x8x2048xf32, #tpu.memory_space<vmem>>
    %dma_wait3A_50 = tpu.memref_squeeze %dma_wait3A_49 : memref<1x8x2048xf32, #tpu.memory_space<vmem>> -> memref<8x2048xf32, #tpu.memory_space<vmem>>
    tpu.wait_dma2 semaphore(%arg15 : memref<!tpu.dma_semaphore, #tpu.memory_space<semaphore_mem>>) src(%dma_wait3A_50 : memref<8x2048xf32, #tpu.memory_space<vmem>>) dst(%dma_wait3A_46 : memref<8x2048xf32, #tpu.memory_space<hbm>>)
    return
  }
}

</mosaic_0001>

<sc_bundles>
// kernel: kernel.3.cloned.1.call-start
scs
__scs_entry_jumppad:
0x0: {  	(pc) =	sbr.rel $0x88, $3  }
0x1: {  	(tag) =	ssettag $0x0;
	lr =	simm.s32 $0x1  }
0x2: {  	[smem:$0x3F9D] =	sst lr;
	_ =	strace $0xD0000000  }
0x3: {  	_ = 	snop  }
0x4: {  	_ = 	snop  }
0x5: {  	_ = 	snop  }
0x6: {  	_ = 	snop  }
0x7: {  	_ = 	snop  }
__scs_overlays_trampoline_lowered:
0x8: {  	[smem:$0x3FAC] =	sst s0  }
0x9: {  	[smem:$0x3FAD] =	sst s1  }
0xa: {  	[smem:$0x3FAE] =	sst s2  }
0xb: {  	[smem:$0x3FAF] =	sst s3  }
0xc: {  	[smem:$0x3FB0] =	sst s4  }
0xd: {  	[smem:$0x3FB1] =	sst s5  }
0xe: {  	[smem:$0x3FB2] =	sst s6  }
0xf: {  	[smem:$0x3FB3] =	sst s7  }
0x10: {  	[smem:$0x3FB4] =	sst s8  }
0x11: {  	[smem:$0x3FB5] =	sst s9;
	s0 =	simm.s32 @!p0 $0x0  }
0x12: {  	s1 =	sld [smem:$0x3F9B];
	s0 =	simm.s32 @p0 $0x1  }
0x13: {  	[smem:$0x3FB6] =	sst s0;
	s0 =	simm.s32 @!p1 $0x0  }
0x14: {  	s2 =	sld [smem:$0x3F9A];
	s0 =	simm.s32 @p1 $0x1  }
0x15: {  	[smem:$0x3FB7] =	sst s0;
	s0 =	simm.s32 @!p2 $0x0  }
0x16: {  	s3 =	sld [smem:$0x3FDB];
	s0 =	simm.s32 @p2 $0x1  }
0x17: {  	s4 =	simm.s32 $0x1BF5;
	[smem:$0x3FB9] =	sst s0  }
0x18: {  	s0 =	sld [smem:$0x3F9C];
	_ =	swait.ge [sflag:s4], $0x0  }
0x19: {  	s7 =	sld [smem:$0x3F9D]  }
0x1a: {  	s8 =	sadd.s32 $0xFFFFE003, lr  }
0x1b: {  	s9 =	sadd.s32 $0xFFFFFEF7, lr;
	s5 =	simm.s32 $0xFFFFFFFF;
	p2 =	slt.u32 s8, $0xFFFFF086  }
0x1c: {  	p1 =	slt.u32 s9, $0xF7A;
	s5 =	simm.s32 @!p2 $0x0  }
0x1d: {  	s5 =	simm.s32 @p1 $0x1;
	p0 =	seq.s32 s7, s2  }
0x1e: {  	s7 =	smul.u32 @!p0 $0xF7A, s2;
	p2 =	seq.s32 @!p0 s5, $0x0  }
0x1f: {  	s9 =	smul.u32 $0xF7A, s1;
	s8 =	simm.s32 @!p0 $0x1BF5;
	p2 =	por !p2, p0  }
0x20: {  	[sflag:s8] =	ssyncset.s32 @!p0 $0xFFFFF086;
	s6 =	sadd.s32 @!p0 s3, s7;
	s7 =	simm.s32 @!p0 $0x108  }
0x21: {  	s3 =	sadd.s32 s3, s9;
	s6 =	sadd.s32 @!p0 $0x88, s6;
	s7 =	simm.s32 @p2 $0x1082  }
0x22: {  	[simem:s7], [sflag:s8] =	dma.local @!p0 [hbm:s6], $0xF7A  }
0x23: {  	s9 =	sor.u32 $0xD0000000, s2;
	s6 =	simm.s32 $0x108;
	_ =	swait.ge @!p0 [sflag:s8], $0x0  }
0x24: {  	s3 =	sadd.s32 $0x88, s3;
	s6 =	simm.s32 @!p1 $0x1082;
	[sflag:s4] =	ssyncset.s32 $0xFFFFF086  }
0x25: {  	[simem:s6], [sflag:s4] =	dma.local [hbm:s3], $0xF7A  }
0x26: {  	[smem:$0x3F9D] =	sst s1;
	(tag) =	ssettag s2;
	_ =	strace s9  }
0x27: {  	s1 =	sld [smem:$0x3FAD]  }
0x28: {  	s2 =	sld [smem:$0x3FAE]  }
0x29: {  	s4 =	sld [smem:$0x3FB0]  }
0x2a: {  	p0 =	seq.s32 s5, $0x0;
	s5 =	sld [smem:$0x3FB1]  }
0x2b: {  	s6 =	sld [smem:$0x3FB2]  }
0x2c: {  	s7 =	sld [smem:$0x3FB3]  }
0x2d: {  	s3 =	simm.s32 $0x108;
	s8 =	sld [smem:$0x3FB4]  }
0x2e: {  	s3 =	simm.s32 @!p0 $0x1082;
	s9 =	sld [smem:$0x3FB5]  }
0x2f: {  	lr =	sadd.s32 s0, s3;
	s0 =	sld [smem:$0x3FAC]  }
0x30: {  	s3 =	sld [smem:$0x3FAF]  }
0x31: {  	[smem:$0x3FB8] =	sst s10  }
0x32: {  	s10 =	sld [smem:$0x3FB6];
	_ =	sdelay $0x3  }
0x33: {  	p0 =	seq.s32 s10, $0x1;
	s10 =	sld [smem:$0x3FB8];
	_ =	sdelay $0x3  }
0x34: {  	[smem:$0x3FB8] =	sst s10  }
0x35: {  	s10 =	sld [smem:$0x3FB7];
	_ =	sdelay $0x3  }
0x36: {  	p1 =	seq.s32 s10, $0x1;
	s10 =	sld [smem:$0x3FB8];
	_ =	sdelay $0x3  }
0x37: {  	[smem:$0x3FB8] =	sst s10  }
0x38: {  	s10 =	sld [smem:$0x3FB9]  }
0x39: {  	_ = 	snop;
	(pc) =	sbr.ind lr, $3  }
0x3a: {  	_ = 	snop  }
0x3b: {  	_ = 	snop  }
0x3c: {  	p2 =	seq.s32 s10, $0x1;
	s10 =	sld [smem:$0x3FB8]  }
0x3d: {  	_ =	shalt  }
0x3e: {  	_ =	shalt  }
0x3f: {  	_ =	shalt  }
0x40: {  	_ =	shalt  }
0x41: {  	_ =	shalt  }
0x42: {  	_ =	shalt  }
0x43: {  	_ =	shalt  }
0x44: {  	_ =	shalt  }
0x45: {  	_ =	shalt  }
0x46: {  	_ =	shalt  }
0x47: {  	_ =	shalt  }
0x48: {  	_ =	shalt  }
0x49: {  	_ =	shalt  }
0x4a: {  	_ =	shalt  }
0x4b: {  	_ =	shalt  }
0x4c: {  	_ =	shalt  }
0x4d: {  	_ =	shalt  }
0x4e: {  	_ =	shalt  }
0x4f: {  	_ =	shalt  }
0x50: {  	_ =	shalt  }
0x51: {  	_ =	shalt  }
0x52: {  	_ =	shalt  }
0x53: {  	_ =	shalt  }
0x54: {  	_ =	shalt  }
0x55: {  	_ =	shalt  }
0x56: {  	_ =	shalt  }
0x57: {  	_ =	shalt  }
0x58: {  	_ =	shalt  }
0x59: {  	_ =	shalt  }
0x5a: {  	_ =	shalt  }
0x5b: {  	_ =	shalt  }
0x5c: {  	_ =	shalt  }
0x5d: {  	_ =	shalt  }
0x5e: {  	_ =	shalt  }
0x5f: {  	_ =	shalt  }
0x60: {  	_ =	shalt  }
0x61: {  	_ =	shalt  }
0x62: {  	_ =	shalt  }
0x63: {  	_ =	shalt  }
0x64: {  	_ =	shalt  }
0x65: {  	_ =	shalt  }
0x66: {  	_ =	shalt  }
0x67: {  	_ =	shalt  }
0x68: {  	_ =	shalt  }
0x69: {  	_ =	shalt  }
0x6a: {  	_ =	shalt  }
0x6b: {  	_ =	shalt  }
0x6c: {  	_ =	shalt  }
0x6d: {  	_ =	shalt  }
0x6e: {  	_ =	shalt  }
0x6f: {  	_ =	shalt  }
0x70: {  	_ =	shalt  }
0x71: {  	_ =	shalt  }
0x72: {  	_ =	shalt  }
0x73: {  	_ =	shalt  }
0x74: {  	_ =	shalt  }
0x75: {  	_ =	shalt  }
0x76: {  	_ =	shalt  }
0x77: {  	_ =	shalt  }
0x78: {  	_ =	shalt  }
0x79: {  	_ =	shalt  }
0x7a: {  	_ =	shalt  }
0x7b: {  	_ =	shalt  }
0x7c: {  	_ =	shalt  }
0x7d: {  	_ =	shalt  }
0x7e: {  	_ =	shalt  }
0x7f: {  	_ =	shalt  }
0x80: {  	_ =	shalt  }
0x81: {  	_ =	shalt  }
0x82: {  	_ =	shalt  }
0x83: {  	_ =	shalt  }
0x84: {  	_ =	shalt  }
0x85: {  	_ =	shalt  }
0x86: {  	_ =	shalt  }
0x87: {  	_ =	shalt  }
.Lfunc_end0:
.L_simem_size_0:
called_computation_lowered:
.L_overlay_start_0:
0x88: {  	s2 =	sld [smem:$0x3FD9]  }
0x89: {  	s3 =	sld [smem:$0x3FFE];
	_ =	sdelay $0x1  }
0x8a: {  	s1 =	srdreg.scid  }
0x8b: {  	s0 =	sand.u32 $0x1, s1  }
0x8c: {  	s17 =	sshll.u32 s0, $0xA;
	s2 =	sadd.s32 s3, s2  }
0x8d: {  	s2 =	sadd.s32 s2, s17  }
0x8e: {  	[smem:$0x3FC4] =	sst s2  }
0x8f: {  	_ = 	snop  }
0x90: {  	s2 =	sld [smem:$0x3FC8]  }
0x91: {  	s18 =	sld [smem:$0x3FC7]  }
0x92: {  	s4 =	sld [smem:$0x3FC6]  }
0x93: {  	s5 =	sld [smem:$0x3FD0];
	(tm) =	ssettm $0x1  }
0x94: {  	s6 =	sld [smem:$0x3FFB];
	_ =	sdelay $0x3  }
0x95: {  	_ =	strace s6  }
0x96: {  	s6 =	sld [smem:$0x3FFC];
	_ =	sdelay $0x3  }
0x97: {  	_ =	strace s6  }
0x98: {  	s6 =	sld [smem:$0x3FFD];
	_ =	sdelay $0x3  }
0x99: {  	_ =	strace s6  }
0x9a: {  	_ =	strace $0x8FFFFFFF  }
0x9b: {  	s19 =	sld [smem:$0x3FDB];
	_ =	sdelay $0x1  }
0x9c: {  	s7 =	simm.s32 $_scs_section_size  }
0x9d: {  	s8 =	simm.s32 $_size__tile_overlayer_lowered;
	s9 =	simm.s32 $_tile_overlayer_lowered  }
0x9e: {  	s22 =	simm.s32 $0x1BFF;
	s21 =	sshll.u32 s9, $0x1;
	s6 =	sadd.s32 s7, s19  }
0x9f: {  	s10 =	simm.s32 $0x0;
	s20 =	sshll.u32 s8, $0x1;
	s8 =	sadd.s32 s21, s6  }
0xa0: {  	[timem:s10], [sflag:s22] =	dma.local [hbm:s8], s20  }
0xa1: {  	_ =	swait.ge [sflag:s22], s20  }
0xa2: {  	s7 =	ssub.s32 $0x0, s20;
	[sflag:s22] =	ssyncset.done $0x0  }
0xa3: {  	[sflag:s22] =	ssyncadd.s32 s7;
	_ =	sdelay $0x1  }
0xa4: {  	s23 =	simm.s32 $0x1B8B  }
0xa5: {  	_ =	swait.ge [sflag:s23], $0x1  }
0xa6: {  	[sflag:s23] =	ssyncset.done $0x0  }
0xa7: {  	s25 =	simm.s32 $0x1B8E;
	s24 =	sld [smem:$0x3FFE];
	[sflag:s23] =	ssyncadd.s32 $0xFFFFFFFF  }
0xa8: {  	s26 =	simm.s32 $execute0_lowered;
	[smem:$0x3FD2] =	sst s25  }
0xa9: {  	s8 =	sshll.u32 s26, $0x1;
	_ =	strace $0x80000046;
	[dreg:$0x1] =	wrdreg $0xFFFFFFFF  }
0xaa: {  	s28 =	simm.s32 $_size_execute0_lowered;
	s6 =	sadd.s32 s6, s8;
	[dreg:$0x0] =	wrdreg $0x0  }
0xab: {  	s8 =	sshll.u32 s28, $0x1;
	[dreg:$0x2] =	wrdreg s6  }
0xac: {  	[dreg:$0x3] =	wrdreg s8  }
0xad: {  	[dreg:$0x4] =	wrdreg $0xC0  }
0xae: {  	_ =	task [dreg:s10], $0x5FFFF  }
0xaf: {  	[dreg:$0x1] =	wrdreg $0xFFFFFFFF  }
0xb0: {  	[dreg:$0x0] =	wrdreg $0x60  }
0xb1: {  	[dreg:$0x2] =	wrdreg s24  }
0xb2: {  	[dreg:$0x3] =	wrdreg s2  }
0xb3: {  	[dreg:$0x4] =	wrdreg s18  }
0xb4: {  	[dreg:$0x5] =	wrdreg s4  }
0xb5: {  	[dreg:$0x6] =	wrdreg s5  }
0xb6: {  	[dreg:$0x7] =	wrdreg $0x9  }
0xb7: {  	_ =	task.clear_ibuf [dreg:s10], $0x8FFFF;
	_ =	strace $0x90000046  }
0xb8: {  	s29 =	simm.s32 $0x9;
	_ =	strace $0x80000048  }
0xb9: {  	_ =	swait.ge [sflag:s29], $0x1  }
0xba: {  	[sflag:s29] =	ssyncadd.s32 $0xFFFFFFFF  }
0xbb: {  	_ =	strace $0x90000048  }
0xbc: {  	_ =	sfence  }
0xbd: {  	s30 =	sld [smem:$0x0];
	_ =	sdelay $0x2  }
0xbe: {  	s31 =	sshll.u32 s1, $0xD;
	s1 =	sshrl.u32 s1, $0x2  }
0xbf: {  	s3 =	sand.u32 $0x4000, s31;
	s1 =	sadd.s32 s1, s30  }
0xc0: {  	s0 =	sor.u32 s3, s0;
	s1 =	sshll.u32 s1, $0x11  }
0xc1: {  	s0 =	sor.u32 s1, s0  }
0xc2: {  	s0 =	sadd.s32 $0x8F2B, s0  }
0xc3: {  	[sflag:s0] =	ssyncadd.remote.s32 $0x1  }
0xc4: {  	_ =	sfence.sel $0xFFFF  }
0xc5: {  	[dreg:$0x0] =	wrdreg $0xFFFFFFFF;
	(pc) =	sbr.abs _section_cstart, $3  }
0xc6: {  	[dreg:$0x1] =	wrdreg $0xFFFFFFFF  }
0xc7: {  	_ =	task.clear_ibuf [dreg:s10], $0x2FFFF;
	_ =	strace $0x9FFFFFFF  }
0xc8: {  	(tm) =	ssettm $0x7FFFFFFF  }
0xc9: {  	_ =	shalt  }
tec
execute0_lowered:
.L_overlay_start_1:
0x0: {  	(tag) =	ssettag $0x1  }
0x1: {  	s0 =	rddreg [dreg:$0x0]  }
0x2: {  	s6 =	rddreg [dreg:$0x1];
	s1 =	srdreg.scid  }
0x3: {  	s2 =	rddreg [dreg:$0x4];
	s3 =	stileid.u32  }
0x4: {  	s5 =	simm.s32 $0x0;
	s1 =	sand.u32 $0x1, s1;
	s3 =	sshll.u32 s3, $0x9  }
0x5: {  	[smem:$0x7FF] =	sst s5;
	s23 =	sadd.s32 $0x100, s6;
	s24 =	sadd.s32 $0x200, s6  }
0x6: {  	s25 =	sadd.s32 $0x300, s6;
	_ =	strace $0x80000047;
	[smem:$0x7F4] =	sst s23  }
0x7: {  	s26 =	sadd.s32 $0x400, s6;
	s29 =	sadd.s32 $0x500, s6;
	[smem:$0x7F5] =	sst s24  }
0x8: {  	s30 =	sadd.s32 $0x600, s6;
	s31 =	sadd.s32 $0x700, s6;
	[smem:$0x7F6] =	sst s25  }
0x9: {  	s4 =	sshll.u32 s1, $0x8;
	s1 =	ssub.s32 $0x2, s1;
	[smem:$0x7F7] =	sst s26  }
0xa: {  	[smem:$0x7F8] =	sst s29;
	s3 =	sor.u32 s4, s3;
	s22 =	sshrl.u32 s1, $0x1  }
0xb: {  	[smem:$0x7F9] =	sst s30;
	s4 =	sshrl.u32 s3, $0x3;
	s1 =	ssub.s32 s1, s22  }
0xc: {  	[smem:$0x7FA] =	sst s31;
	s0 =	sadd.s32 s4, s0;
	s1 =	smax.u32 s1, $0x1  }
0xd: {  	s28 =	sshll.u32 s3, $0x8;
	s0 =	sadd.s32 $0x400, s0;
	[smem:$0x7FB] =	sst s1  }
0xe: {  	v0 =	vlaneseq.u32;
	[smem:$0x7F3] =	sst s0;
	s0 =	sadd.s32 s2, s28  }
0xf: {  	v1 =	vshrl.u32 v0, $0x3;
	[smem:$0x7FC] =	sst s0;
	s0 =	sadd.s32 $0x800, s0  }
0x10: {  	vm0 =	vmmov $0xffff;
	v0 =	vand.u32 $0x7, v0;
	v1 =	vmul.u32 $0x8, v1;
	s2 =	simm.s32 $0x0;
	[smem:$0x7FD] =	sst s0  }
.LBB2_1:
0x11: {  	s0 =	sld [smem:$0x7F3];
	_ =	sdelay $0x1  }
0x12: {  	[smem:$0x7F2] =	sst s2;
	s1 =	simm.s32 $0x0;
	s9 =	simm.s32 $0x6  }
0x13: {  	[tilespmem:s1], [sflag:$0x6] =	stream.linear.gather [hbm4b:s0+s1], $0x100, $0x38;
	[tilespmem:$0x11100] =	vst v63  }
0x14: {  	_ =	swait.ge [sflag:s9], $0x100  }
0x15: {  	[sflag:s9] =	ssyncset.done $0x0  }
0x16: {  	[sflag:s9] =	ssyncadd.s32 $0xFFFFFF00  }
0x17: {  	s10 =	simm.s32 $0x10100;
	s0 =	rddreg [dreg:$0x2]  }
0x18: {  	[tilespmem:s10], [sflag:$0x5] =	stream.linear.gather [hbm4b:s0+s1], $0x800, $0x38;
	[tilespmem:$0x11100] =	vst v63  }
0x19: {  	s12 =	simm.s32 $0x10900;
	s11 =	rddreg [dreg:$0x3]  }
0x1a: {  	[tilespmem:s12], [sflag:$0x5] =	stream.linear.gather [hbm4b:s11+s1], $0x800, $0x38;
	[tilespmem:$0x11100] =	vst v63  }
0x1b: {  	v2 =	vld.msk [tilespmem:$0x0], $0xff;
	_ =	sdelay $0x4  }
0x1c: {  	v3 =	vshll.u32 v2, $0x4  }
0x1d: {  	v2 =	vand.u32 $0x7, v2;
	v3 =	vand.u32 $0xFFFFFF80, v3  }
0x1e: {  	v2 =	vor.u32 v2, v3  }
0x1f: {  	v2 =	vperm.xlane v2, v0;
	_ =	sdelay $0x1  }
0x20: {  	v2 =	vadd.s32 v1, v2;
	_ =	sdelay $0x2  }
0x21: {  	s15 =	sld [smem:$0x7F4]  }
0x22: {  	s14 =	simm.s32 $0x100;
	s13 =	rddreg [dreg:$0x1]  }
0x23: {  	[tilespmem:s14], [sflag:$0x1] =	stream.indirect_vreg.gather [hbm4b:s13+s1], $0x80, v2, vm0, $0xb8;
	[tilespmem:$0x11100] =	vst v63  }
0x24: {  	s3 =	simm.s32 $0x900;
	s16 =	sld [smem:$0x7F5]  }
0x25: {  	[tilespmem:s3], [sflag:$0x1] =	stream.indirect_vreg.gather [hbm4b:s15+s1], $0x80, v2, vm0, $0xb8;
	[tilespmem:$0x11100] =	vst v63  }
0x26: {  	s4 =	simm.s32 $0x1100;
	s17 =	sld [smem:$0x7F6]  }
0x27: {  	[tilespmem:s4], [sflag:$0x1] =	stream.indirect_vreg.gather [hbm4b:s16+s1], $0x80, v2, vm0, $0xb8;
	[tilespmem:$0x11100] =	vst v63  }
0x28: {  	s5 =	simm.s32 $0x1900;
	s18 =	sld [smem:$0x7F7]  }
0x29: {  	[tilespmem:s5], [sflag:$0x1] =	stream.indirect_vreg.gather [hbm4b:s17+s1], $0x80, v2, vm0, $0xb8;
	[tilespmem:$0x11100] =	vst v63  }
0x2a: {  	s6 =	simm.s32 $0x2100;
	s19 =	sld [smem:$0x7F8]  }
0x2b: {  	[tilespmem:s6], [sflag:$0x1] =	stream.indirect_vreg.gather [hbm4b:s18+s1], $0x80, v2, vm0, $0xb8;
	[tilespmem:$0x11100] =	vst v63  }
0x2c: {  	s7 =	simm.s32 $0x2900;
	s20 =	sld [smem:$0x7F9]  }
0x2d: {  	[tilespmem:s7], [sflag:$0x1] =	stream.indirect_vreg.gather [hbm4b:s19+s1], $0x80, v2, vm0, $0xb8;
	[tilespmem:$0x11100] =	vst v63  }
0x2e: {  	s8 =	simm.s32 $0x3100;
	s21 =	sld [smem:$0x7FA]  }
0x2f: {  	[tilespmem:s8], [sflag:$0x1] =	stream.indirect_vreg.gather [hbm4b:s20+s1], $0x80, v2, vm0, $0xb8;
	[tilespmem:$0x11100] =	vst v63  }
0x30: {  	s9 =	simm.s32 $0x3900  }
0x31: {  	[tilespmem:s9], [sflag:$0x1] =	stream.indirect_vreg.gather [hbm4b:s21+s1], $0x80, v2, vm0, $0xb8;
	[tilespmem:$0x11100] =	vst v63  }
0x32: {  	v2 =	vld.msk [tilespmem:$0x8], $0xff;
	_ =	sdelay $0x4  }
0x33: {  	v3 =	vshll.u32 v2, $0x4  }
0x34: {  	v2 =	vand.u32 $0x7, v2;
	v3 =	vand.u32 $0xFFFFFF80, v3  }
0x35: {  	v2 =	vor.u32 v2, v3  }
0x36: {  	v2 =	vperm.xlane v2, v0;
	_ =	sdelay $0x1  }
0x37: {  	v2 =	vadd.s32 v1, v2;
	_ =	sdelay $0x3  }
0x38: {  	s22 =	simm.s32 $0x4100  }
0x39: {  	[tilespmem:s22], [sflag:$0x2] =	stream.indirect_vreg.gather [hbm4b:s13+s1], $0x80, v2, vm0, $0xb8;
	[tilespmem:$0x11100] =	vst v63  }
0x3a: {  	s23 =	simm.s32 $0x4900  }
0x3b: {  	[tilespmem:s23], [sflag:$0x2] =	stream.indirect_vreg.gather [hbm4b:s15+s1], $0x80, v2, vm0, $0xb8;
	[tilespmem:$0x11100] =	vst v63  }
0x3c: {  	s24 =	simm.s32 $0x5100  }
0x3d: {  	[tilespmem:s24], [sflag:$0x2] =	stream.indirect_vreg.gather [hbm4b:s16+s1], $0x80, v2, vm0, $0xb8;
	[tilespmem:$0x11100] =	vst v63  }
0x3e: {  	s25 =	simm.s32 $0x5900  }
0x3f: {  	[tilespmem:s25], [sflag:$0x2] =	stream.indirect_vreg.gather [hbm4b:s17+s1], $0x80, v2, vm0, $0xb8;
	[tilespmem:$0x11100] =	vst v63  }
0x40: {  	s26 =	simm.s32 $0x6100  }
0x41: {  	[tilespmem:s26], [sflag:$0x2] =	stream.indirect_vreg.gather [hbm4b:s18+s1], $0x80, v2, vm0, $0xb8;
	[tilespmem:$0x11100] =	vst v63  }
0x42: {  	s28 =	simm.s32 $0x6900  }
0x43: {  	[tilespmem:s28], [sflag:$0x2] =	stream.indirect_vreg.gather [hbm4b:s19+s1], $0x80, v2, vm0, $0xb8;
	[tilespmem:$0x11100] =	vst v63  }
0x44: {  	s29 =	simm.s32 $0x7100  }
0x45: {  	[tilespmem:s29], [sflag:$0x2] =	stream.indirect_vreg.gather [hbm4b:s20+s1], $0x80, v2, vm0, $0xb8;
	[tilespmem:$0x11100] =	vst v63  }
0x46: {  	s30 =	simm.s32 $0x7900;
	s31 =	simm.s32 $0x5  }
0x47: {  	[tilespmem:s30], [sflag:$0x2] =	stream.indirect_vreg.gather [hbm4b:s21+s1], $0x80, v2, vm0, $0xb8;
	[tilespmem:$0x11100] =	vst v63  }
0x48: {  	_ =	swait.ge [sflag:s31], $0x800  }
0x49: {  	[sflag:s31] =	ssyncset.done $0x0  }
0x4a: {  	[sflag:s31] =	ssyncadd.s32 $0xFFFFF800  }
0x4b: {  	_ =	swait.ge [sflag:s31], $0x800  }
0x4c: {  	[sflag:s31] =	ssyncset.done $0x0  }
0x4d: {  	s6 =	simm.s32 $0x0;
	[sflag:s31] =	ssyncadd.s32 $0xFFFFF800  }
.LBB2_2:
0x4e: {  	s0 =	simm.s32 $0x1  }
0x4f: {  	_ =	swait.ge [sflag:s0], $0x4000  }
0x50: {  	p1 =	seq.s32 s6, $0x0;
	[sflag:s0] =	ssyncset.done $0x0  }
0x51: {  	[sflag:s0] =	ssyncadd.s32 $0xFFFFC000;
	s0 =	simm.s32 @!p1 $0x3  }
0x52: {  	s1 =	simm.s32 $0x0;
	_ =	swait.ge @!p1 [sflag:s0], $0x4000  }
0x53: {  	s2 =	sand.u32 $0x40, s1;
	s1 =	sand.u32 $0x3C00, s1;
	[sflag:s0] =	ssyncset.done @!p1 $0x0  }
0x54: {  	s15 =	sor.u32 s2, s1;
	[sflag:s0] =	ssyncadd.s32 @!p1 $0xFFFFC000  }
0x55: {  	v3 =	vld [tilespmem:s15+$0x100]  }
0x56: {  	v4 =	vld [tilespmem:s15+$0x180]  }
0x57: {  	v5 =	vld [tilespmem:s15+$0x110]  }
0x58: {  	v6 =	vld [tilespmem:s15+$0x190]  }
0x59: {  	v7 =	vld [tilespmem:s15+$0x120]  }
0x5a: {  	v9 =	vld [tilespmem:s15+$0x1A0]  }
0x5b: {  	v2 =	vimm.f32 $0.0e+00;
	v11 =	vld [tilespmem:s15+$0x130];
	v8 =	vmul.f32 v3, v3  }
0x5c: {  	v13 =	vld [tilespmem:s15+$0x1B0];
	v10 =	vmul.f32 v4, v4;
	v3 =	vadd.f32 v3, v2  }
0x5d: {  	v14 =	vld [tilespmem:s15+$0x200];
	v12 =	vmul.f32 v5, v5;
	v4 =	vadd.f32 v4, v2;
	v8 =	vadd.f32 v8, v2  }
0x5e: {  	p0 =	por $0x0, $0x0;
	s1 =	simm.s32 $0x1;
	v16 =	vld [tilespmem:s15+$0x280];
	v15 =	vmul.f32 v6, v6;
	v10 =	vadd.f32 v10, v2;
	v3 =	vadd.f32 v5, v3  }
0x5f: {  	s1 =	simm.s32 @!p0 $0x0;
	v18 =	vld [tilespmem:s15+$0x2A0];
	v4 =	vadd.f32 v6, v4;
	v5 =	vadd.f32 v12, v8;
	v8 =	vmul.f32 v7, v7  }
0x60: {  	s1 =	sshll.u32 s1, $0x6;
	v6 =	vadd.f32 v15, v10;
	v10 =	vld [tilespmem:s15+$0x210];
	v12 =	vmul.f32 v9, v9;
	v3 =	vadd.f32 v7, v3  }
0x61: {  	s1 =	sadd.s32 $0x0, s1;
	v15 =	vld [tilespmem:s15+$0x290];
	v7 =	vmul.f32 v11, v11;
	v5 =	vadd.f32 v8, v5;
	v8 =	vadd.f32 v9, v4  }
0x62: {  	s17 =	sor.u32 $0x280, s1;
	v6 =	vadd.f32 v12, v6;
	v9 =	vld [tilespmem:s15+$0x220];
	v12 =	vmul.f32 v13, v13;
	v3 =	vadd.f32 v11, v3  }
0x63: {  	v20 =	vld [tilespmem:s17+$0x100];
	v17 =	vmul.f32 v14, v14;
	v11 =	vadd.f32 v14, v2;
	v4 =	vadd.f32 v7, v5  }
0x64: {  	s16 =	sor.u32 $0x200, s1;
	v7 =	vmul.f32 v16, v16;
	v5 =	vadd.f32 v13, v8;
	v6 =	vadd.f32 v12, v6;
	v8 =	vld [tilespmem:s15+$0x230]  }
0x65: {  	v12 =	vadd.f32 v17, v2;
	v16 =	vadd.f32 v16, v2;
	v17 =	vld [tilespmem:s16+$0x100];
	v13 =	vmul.f32 v10, v10  }
0x66: {  	s18 =	sadd.s32 $0x10, s1;
	s5 =	sor.u32 $0x300, s1;
	v14 =	vld [tilespmem:s15+$0x2B0];
	v19 =	vmul.f32 v15, v15;
	v10 =	vadd.f32 v10, v11;
	v7 =	vadd.f32 v7, v2  }
0x67: {  	s19 =	sor.u32 $0x200, s18;
	v22 =	vld [tilespmem:s5+$0x100];
	v11 =	vadd.f32 v13, v12;
	v12 =	vmul.f32 v9, v9;
	v13 =	vadd.f32 v15, v16  }
0x68: {  	s3 =	sadd.s32 $0x30, s1;
	s20 =	sor.u32 $0x280, s18;
	v15 =	vld [tilespmem:s19+$0x100];
	v16 =	vmul.f32 v18, v18;
	v9 =	vadd.f32 v9, v10;
	v7 =	vadd.f32 v19, v7  }
0x69: {  	s4 =	sadd.s32 $0x20, s1;
	s24 =	sor.u32 $0x280, s3;
	v19 =	vld [tilespmem:s20+$0x100];
	v10 =	vadd.f32 v12, v11;
	v11 =	vmul.f32 v8, v8;
	v13 =	vadd.f32 v18, v13  }
0x6a: {  	s21 =	sor.u32 $0x200, s4;
	v24 =	vld [tilespmem:s24+$0x100];
	v21 =	vmul.f32 v17, v17;
	v12 =	vadd.f32 v8, v9;
	v7 =	vadd.f32 v16, v7  }
0x6b: {  	s22 =	sor.u32 $0x280, s4;
	v18 =	vmul.f32 v14, v14;
	v16 =	vld [tilespmem:s21+$0x100];
	v10 =	vadd.f32 v11, v10;
	v9 =	vadd.f32 v14, v13  }
0x6c: {  	s23 =	sor.u32 $0x200, s3;
	v25 =	vld [tilespmem:s22+$0x100];
	v11 =	vmul.f32 v20, v20;
	v13 =	vadd.f32 v17, v2;
	v14 =	vadd.f32 v21, v2  }
0x6d: {  	v8 =	vadd.f32 v18, v7;
	v7 =	vld [tilespmem:s23+$0x100];
	v17 =	vmul.f32 v15, v15;
	v18 =	vadd.f32 v20, v2  }
0x6e: {  	s26 =	sor.u32 $0x300, s18;
	v11 =	vadd.f32 v11, v2;
	v20 =	vmul.f32 v19, v19;
	v13 =	vadd.f32 v15, v13  }
0x6f: {  	s25 =	sor.u32 $0x380, s1;
	v23 =	vld [tilespmem:s26+$0x100];
	v14 =	vadd.f32 v17, v14;
	v17 =	vadd.f32 v19, v18  }
0x70: {  	s28 =	sor.u32 $0x380, s18;
	v26 =	vmul.f32 v24, v24;
	v21 =	vld [tilespmem:s25+$0x100];
	v15 =	vmul.f32 v16, v16;
	v11 =	vadd.f32 v20, v11  }
0x71: {  	s30 =	sshll.u32 s6, $0x6;
	v18 =	vmul.f32 v25, v25;
	v13 =	vadd.f32 v16, v13;
	v20 =	vld [tilespmem:s28+$0x100];
	[smem:$0x7F0] =	sst s6;
	v17 =	vadd.f32 v25, v17  }
0x72: {  	s29 =	sor.u32 $0x300, s4;
	[smem:$0x7F1] =	sst s30;
	v25 =	vmul.f32 v22, v22;
	v14 =	vadd.f32 v15, v14;
	v15 =	vmul.f32 v7, v7  }
0x73: {  	s2 =	simm.s32 $0x40;
	s31 =	sor.u32 $0x380, s4;
	v19 =	vld [tilespmem:s29+$0x100];
	v18 =	vadd.f32 v18, v11;
	v11 =	vadd.f32 v7, v13;
	v13 =	vimm.f32 $0.0e+00  }
0x74: {  	s0 =	simm.s32 $0x0;
	s1 =	simm.s32 $0x200;
	s4 =	sor.u32 $0x300, s3;
	v16 =	vld [tilespmem:s31+$0x100];
	v7 =	vadd.f32 v15, v14;
	v15 =	vimm.f32 $0.0e+00;
	v14 =	vimm.f32 $0.0e+00  }
.LBB2_3:
0x75: {  	s5 =	sand.u32 $0x40, s2;
	s6 =	sand.u32 $0x3C00, s1;
	v27 =	vmul.f32 v21, v21;
	v17 =	vadd.f32 v24, v17;
	v18 =	vadd.f32 v26, v18;
	v24 =	vld [tilespmem:s4+$0x100];
	s4 =	sor.u32 $0x380, s3  }
0x76: {  	v2 =	vadd.f32 v22, v2;
	s3 =	sor.u32 s5, s6;
	v15 =	vadd.f32 v25, v15;
	v22 =	vmul.f32 v23, v23;
	v25 =	vld [tilespmem:s4+$0x100]  }
0x77: {  	v13 =	vadd.f32 v21, v13;
	v26 =	vld [tilespmem:s3+$0x100];
	v14 =	vadd.f32 v27, v14;
	v21 =	vmul.f32 v20, v20  }
0x78: {  	v2 =	vadd.f32 v23, v2;
	v27 =	vld [tilespmem:s3+$0x180];
	v15 =	vadd.f32 v22, v15;
	v22 =	vmul.f32 v19, v19  }
0x79: {  	v13 =	vadd.f32 v20, v13;
	v23 =	vld [tilespmem:s3+$0x110];
	v14 =	vadd.f32 v21, v14;
	v20 =	vmul.f32 v16, v16  }
0x7a: {  	v2 =	vadd.f32 v19, v2;
	v21 =	vld [tilespmem:s3+$0x190];
	v15 =	vadd.f32 v22, v15;
	v19 =	vmul.f32 v24, v24  }
0x7b: {  	v13 =	vadd.f32 v16, v13;
	v22 =	vld [tilespmem:s3+$0x120];
	v14 =	vadd.f32 v20, v14;
	v16 =	vmul.f32 v25, v25  }
0x7c: {  	v2 =	vadd.f32 v24, v2;
	v20 =	vmul.f32 v26, v26;
	v28 =	vld [tilespmem:s3+$0x1A0];
	v15 =	vadd.f32 v19, v15  }
0x7d: {  	v13 =	vadd.f32 v25, v13;
	v19 =	vmul.f32 v27, v27;
	v24 =	vld [tilespmem:s3+$0x130];
	v14 =	vadd.f32 v16, v14  }
0x7e: {  	v3 =	vadd.f32 v26, v3;
	v4 =	vadd.f32 v20, v4;
	v16 =	vmul.f32 v23, v23;
	v20 =	vld [tilespmem:s3+$0x1B0]  }
0x7f: {  	v5 =	vadd.f32 v27, v5;
	v6 =	vadd.f32 v19, v6;
	v19 =	vld [tilespmem:s3+$0x200];
	v25 =	vmul.f32 v21, v21  }
0x80: {  	v3 =	vadd.f32 v23, v3;
	v26 =	vld [tilespmem:s3+$0x280];
	v4 =	vadd.f32 v16, v4;
	v16 =	vmul.f32 v22, v22  }
0x81: {  	v5 =	vadd.f32 v21, v5;
	v6 =	vadd.f32 v25, v6;
	v21 =	vld [tilespmem:s3+$0x210];
	v23 =	vmul.f32 v28, v28  }
0x82: {  	p0 =	por !p0, !p0;
	s4 =	simm.s32 $0x1;
	v3 =	vadd.f32 v22, v3;
	v25 =	vld [tilespmem:s3+$0x290];
	v4 =	vadd.f32 v16, v4;
	v16 =	vmul.f32 v24, v24  }
0x83: {  	s4 =	simm.s32 @!p0 $0x0;
	v5 =	vadd.f32 v28, v5;
	v6 =	vadd.f32 v23, v6;
	v22 =	vld [tilespmem:s3+$0x220];
	v23 =	vmul.f32 v20, v20  }
0x84: {  	s4 =	sshll.u32 s4, $0x6;
	v3 =	vadd.f32 v24, v3;
	v27 =	vmul.f32 v19, v19;
	v28 =	vld [tilespmem:s3+$0x2A0];
	v4 =	vadd.f32 v16, v4  }
0x85: {  	s4 =	sadd.s32 s4, s1;
	v5 =	vadd.f32 v20, v5;
	v16 =	vmul.f32 v26, v26;
	v6 =	vadd.f32 v23, v6;
	v20 =	vld [tilespmem:s3+$0x230]  }
0x86: {  	s5 =	sor.u32 $0x200, s4;
	v12 =	vadd.f32 v19, v12;
	v10 =	vadd.f32 v27, v10;
	v19 =	vmul.f32 v21, v21;
	v23 =	vld [tilespmem:s3+$0x2B0]  }
0x87: {  	v9 =	vadd.f32 v26, v9;
	s3 =	sor.u32 $0x280, s4;
	v8 =	vadd.f32 v16, v8;
	v16 =	vld [tilespmem:s5+$0x100];
	v24 =	vmul.f32 v25, v25;
	s5 =	sadd.s32 $0x10, s4  }
0x88: {  	v12 =	vadd.f32 v21, v12;
	v26 =	vld [tilespmem:s3+$0x100];
	v10 =	vadd.f32 v19, v10;
	s3 =	sor.u32 $0x200, s5;
	v19 =	vmul.f32 v22, v22  }
0x89: {  	s6 =	sadd.s32 $0x20, s4;
	v9 =	vadd.f32 v25, v9;
	v8 =	vadd.f32 v24, v8;
	v25 =	vld [tilespmem:s3+$0x100];
	s3 =	sor.u32 $0x280, s5;
	v21 =	vmul.f32 v28, v28  }
0x8a: {  	v12 =	vadd.f32 v22, v12;
	v27 =	vld [tilespmem:s3+$0x100];
	v10 =	vadd.f32 v19, v10;
	s3 =	sor.u32 $0x200, s6;
	v19 =	vmul.f32 v20, v20  }
0x8b: {  	s7 =	sor.u32 $0x280, s6;
	v9 =	vadd.f32 v28, v9;
	v8 =	vadd.f32 v21, v8;
	v28 =	vld [tilespmem:s3+$0x100];
	v21 =	vmul.f32 v23, v23;
	s3 =	sadd.s32 $0x30, s4  }
0x8c: {  	s0 =	sadd.s32 $0x4, s0;
	v12 =	vadd.f32 v20, v12;
	v22 =	vmul.f32 v16, v16;
	v29 =	vld [tilespmem:s7+$0x100];
	v10 =	vadd.f32 v19, v10;
	s7 =	sor.u32 $0x200, s3  }
0x8d: {  	p2 =	slt.u32 s0, $0x7C;
	v9 =	vadd.f32 v23, v9;
	v19 =	vmul.f32 v26, v26;
	v8 =	vadd.f32 v21, v8;
	v30 =	vld [tilespmem:s7+$0x100];
	s7 =	sor.u32 $0x280, s3  }
0x8e: {  	s8 =	sor.u32 $0x300, s4;
	v11 =	vadd.f32 v16, v11;
	v7 =	vadd.f32 v22, v7;
	v16 =	vmul.f32 v25, v25;
	v24 =	vld [tilespmem:s7+$0x100]  }
0x8f: {  	s4 =	sor.u32 $0x380, s4;
	v17 =	vadd.f32 v26, v17;
	v18 =	vadd.f32 v19, v18;
	v22 =	vld [tilespmem:s8+$0x100];
	v19 =	vmul.f32 v27, v27  }
.Ltmp0:
0x90: {  	v11 =	vadd.f32 v25, v11;
	v21 =	vld [tilespmem:s4+$0x100];
	v7 =	vadd.f32 v16, v7;
	s4 =	sor.u32 $0x300, s5;
	v16 =	vmul.f32 v28, v28;
	(pc) =	sbr.rel @p2 .LBB2_3-.Ltmp0, $4  }
0x91: {  	v17 =	vadd.f32 v27, v17;
	v18 =	vadd.f32 v19, v18;
	v23 =	vld [tilespmem:s4+$0x100];
	s4 =	sor.u32 $0x380, s5;
	v19 =	vmul.f32 v29, v29  }
0x92: {  	v11 =	vadd.f32 v28, v11;
	v20 =	vld [tilespmem:s4+$0x100];
	v7 =	vadd.f32 v16, v7;
	s4 =	sor.u32 $0x300, s6;
	v27 =	vmul.f32 v30, v30  }
0x93: {  	v17 =	vadd.f32 v29, v17;
	v18 =	vadd.f32 v19, v18;
	v19 =	vld [tilespmem:s4+$0x100];
	s4 =	sor.u32 $0x380, s6;
	v26 =	vmul.f32 v24, v24  }
0x94: {  	s2 =	sadd.s32 $0x40, s2;
	s1 =	sadd.s32 $0x200, s1;
	v11 =	vadd.f32 v30, v11;
	v25 =	vmul.f32 v22, v22;
	v16 =	vld [tilespmem:s4+$0x100];
	v7 =	vadd.f32 v27, v7;
	s4 =	sor.u32 $0x300, s3  }
0x95: {  	(xrf2) =	vadd.scan.msk.f32 $0xffff, v3;
	_ =	sdelay $0x1  }
0x96: {  	(xrf2) =	vadd.scan.msk.f32 $0xffff, v4;
	_ =	sdelay $0x1  }
0x97: {  	(xrf2) =	vadd.scan.msk.f32 $0xffff, v5;
	_ =	sdelay $0x1  }
0x98: {  	(xrf2) =	vadd.scan.msk.f32 $0xffff, v6;
	_ =	sdelay $0x3  }
0x99: {  	v3, _, _ =	vpop (xrf2)  }
0x9a: {  	v3 =	vmul.f32 $4.882812500e-04, v3  }
0x9b: {  	v4, _, _ =	vpop (xrf2)  }
0x9c: {  	v4 =	vmul.f32 $4.882812500e-04, v4;
	v5 =	vmul.f32 v3, v3  }
0x9d: {  	v6, _, _ =	vpop (xrf2)  }
0x9e: {  	(xrf2) =	vadd.scan.msk.f32 $0xffff, v12;
	v4 =	vsub.f32 v4, v5;
	v5 =	vmul.f32 $4.882812500e-04, v6  }
0x9f: {  	v6, _, _ =	vpop (xrf2)  }
0xa0: {  	(xrf2) =	vadd.scan.msk.f32 $0xffff, v10;
	v6 =	vmul.f32 $4.882812500e-04, v6;
	v4 =	vadd.f32 $9.999999740e-06, v4;
	v27 =	vmul.f32 v5, v5;
	_ =	sdelay $0x1  }
0xa1: {  	v4 =	vbroadcast v4, $0xF;
	v6 =	vsub.f32 v6, v27  }
0xa2: {  	(xrf2) =	vadd.scan.msk.f32 $0xffff, v9;
	v9 =	vmul.f32 v21, v21  }
0xa3: {  	v12 =	vshrl.u32 v4, $0x1;
	v4 =	vmul.f32 $5.000000000e-01, v4;
	v6 =	vadd.f32 $9.999999740e-06, v6  }
0xa4: {  	v15 =	vadd.f32 v25, v15;
	v10 =	vsub.s32 $0x5F3759DF, v12  }
0xa5: {  	v9 =	vadd.f32 v9, v14;
	v12 =	vmul.f32 v10, v4;
	v6 =	vbroadcast v6, $0xF  }
0xa6: {  	(xrf2) =	vadd.scan.msk.f32 $0xffff, v8;
	v8 =	vadd.f32 v24, v17;
	v17 =	vadd.f32 v26, v18  }
0xa7: {  	v14, _, _ =	vpop (xrf2);
	v12 =	vmul.f32 v10, v12;
	v27 =	vshrl.u32 v6, $0x1;
	v6 =	vmul.f32 $5.000000000e-01, v6  }
0xa8: {  	v24 =	vmul.f32 v23, v23;
	v14 =	vmul.f32 $4.882812500e-04, v14;
	v18 =	vsub.s32 $0x5F3759DF, v27  }
0xa9: {  	v2 =	vadd.f32 v22, v2;
	v26, _, _ =	vpop (xrf2);
	v12 =	vsub.f32 $1.500000000e+00, v12;
	v22 =	vmul.f32 v18, v6  }
0xaa: {  	v15 =	vadd.f32 v24, v15;
	v24 =	vmul.f32 $4.882812500e-04, v26;
	v26 =	vmul.f32 v14, v14  }
0xab: {  	v10 =	vmul.f32 v10, v12;
	v12 =	vmul.f32 v18, v22;
	_ =	sdelay $0x1  }
0xac: {  	v24 =	vsub.f32 v24, v26;
	v25 =	vmul.f32 v10, v4;
	v12 =	vsub.f32 $1.500000000e+00, v12;
	_ =	sdelay $0x1  }
0xad: {  	(xrf2) =	vadd.scan.msk.f32 $0xffff, v11;
	v24 =	vadd.f32 $9.999999740e-06, v24;
	v11 =	vmul.f32 v25, v10;
	v12 =	vmul.f32 v18, v12;
	v18, _, _ =	vpop (xrf2)  }
0xae: {  	v3 =	vbroadcast v3, $0xF;
	(xrf2) =	vadd.scan.msk.f32 $0xffff, v7;
	v18 =	vmul.f32 $4.882812500e-04, v18  }
0xaf: {  	v24 =	vbroadcast v24, $0xF;
	v26, _, _ =	vpop (xrf2);
	v11 =	vsub.f32 $1.500000000e+00, v11;
	v25 =	vmul.f32 v12, v6  }
0xb0: {  	v13 =	vadd.f32 v21, v13;
	v21 =	vld [tilespmem:s4+$0x100];
	v26 =	vmul.f32 $4.882812500e-04, v26;
	v28 =	vmul.f32 v18, v18  }
0xb1: {  	v2 =	vadd.f32 v23, v2;
	v11 =	vmul.f32 v11, v10;
	v10 =	vmul.f32 v25, v12  }
0xb2: {  	v23 =	vmul.f32 v19, v19;
	(xrf2) =	vadd.scan.msk.f32 $0xffff, v8;
	v8 =	vshrl.u32 v24, $0x1;
	v24 =	vmul.f32 $5.000000000e-01, v24  }
0xb3: {  	v8 =	vsub.s32 $0x5F3759DF, v8;
	v25 =	vsub.f32 v26, v28;
	v10 =	vsub.f32 $1.500000000e+00, v10  }
0xb4: {  	(xrf2) =	vadd.scan.msk.f32 $0xffff, v17;
	v17 =	vadd.f32 v19, v2;
	v2 =	vmul.f32 v8, v24;
	v4 =	vmul.f32 v11, v4  }
0xb5: {  	v5 =	vbroadcast v5, $0xF;
	v7 =	vmul.f32 v21, v21;
	v25 =	vadd.f32 $9.999999740e-06, v25  }
0xb6: {  	v4 =	vmul.f32 v4, v11;
	v12 =	vmul.f32 v10, v12  }
0xb7: {  	v15 =	vadd.f32 v23, v15;
	v23 =	vmul.f32 v8, v2;
	v19 =	vbroadcast v25, $0xF;
	v10, _, _ =	vpop (xrf2)  }
0xb8: {  	v6 =	vmul.f32 v12, v6;
	v4 =	vsub.f32 $1.500000000e+00, v4;
	v10 =	vmul.f32 $4.882812500e-04, v10;
	v2, _, _ =	vpop (xrf2)  }
0xb9: {  	v25 =	vmul.f32 $5.000000000e-01, v19;
	v26 =	vmul.f32 $4.882812500e-04, v2  }
0xba: {  	v19 =	vshrl.u32 v19, $0x1;
	v2 =	vmul.f32 v4, v11;
	v4 =	vmul.f32 v6, v12  }
0xbb: {  	v6 =	vsub.s32 $0x5F3759DF, v19;
	v11 =	vsub.f32 $1.500000000e+00, v23;
	v28 =	vmul.f32 v10, v10  }
0xbc: {  	v13 =	vadd.f32 v20, v13;
	v22 =	vmul.f32 v20, v20;
	v19 =	vmul.f32 v6, v25  }
0xbd: {  	v23 =	vsub.f32 v26, v28;
	v26 =	vmul.f32 v2, v3;
	v3 =	vsub.f32 $1.500000000e+00, v4  }
0xbe: {  	v17 =	vadd.f32 v21, v17;
	v4 =	vmul.f32 v8, v11;
	v8 =	vmul.f32 v6, v19  }
0xbf: {  	v20 =	vmul.f32 v16, v16;
	v11, _, _ =	vpop (xrf2);
	v19 =	vadd.f32 $9.999999740e-06, v23;
	v3 =	vmul.f32 v3, v12  }
0xc0: {  	s0 =	sor.u32 $0x380, s3;
	(xrf2) =	vadd.scan.msk.f32 $0xffff, v17;
	v11 =	vmul.f32 $4.882812500e-04, v11;
	v12 =	vmul.f32 v4, v24;
	v8 =	vsub.f32 $1.500000000e+00, v8;
	v21, _, _ =	vpop (xrf2)  }
0xc1: {  	v7 =	vadd.f32 v7, v15;
	v27 =	vld [tilespmem:s0+$0x100];
	v15 =	vmul.f32 $4.882812500e-04, v21;
	v19 =	vbroadcast v19, $0xF  }
0xc2: {  	v13 =	vadd.f32 v16, v13;
	v21 =	vmul.f32 v11, v11;
	v6 =	vmul.f32 v6, v8  }
0xc3: {  	v9 =	vadd.f32 v22, v9;
	(xrf2) =	vadd.scan.msk.f32 $0xffff, v7;
	v12 =	vmul.f32 v12, v4;
	v7 =	vmul.f32 v3, v5  }
0xc4: {  	v8 =	vshrl.u32 v19, $0x1;
	v19 =	vmul.f32 $5.000000000e-01, v19;
	v15 =	vsub.f32 v15, v21  }
0xc5: {  	v16 =	vmul.f32 v6, v25;
	v5 =	vsub.f32 $1.500000000e+00, v12;
	v8 =	vsub.s32 $0x5F3759DF, v8  }
0xc6: {  	v22 =	vmul.f32 v27, v27;
	v17 =	vmul.f32 v8, v19;
	v12 =	vadd.f32 $9.999999740e-06, v15  }
0xc7: {  	v9 =	vadd.f32 v20, v9;
	v15 =	vmul.f32 v16, v6;
	v4 =	vmul.f32 v5, v4  }
0xc8: {  	v13 =	vadd.f32 v27, v13;
	v16 =	vmul.f32 v8, v17;
	v5 =	vbroadcast v12, $0xF  }
0xc9: {  	s8 =	simm.s32 $0x0;
	v9 =	vadd.f32 v22, v9;
	v12 =	vbroadcast v14, $0xF;
	v14 =	vsub.f32 $1.500000000e+00, v15  }
0xca: {  	s1 =	sand.u32 $0x40, s8;
	v21, _, _ =	vpop (xrf2);
	v15 =	vsub.f32 $1.500000000e+00, v16;
	v16 =	vmul.f32 v4, v24;
	v20 =	vmul.f32 $5.000000000e-01, v5  }
0xcb: {  	s9 =	sand.u32 $0x3C00, s8;
	s5 =	sor.u32 $0x30, s1;
	v17 =	vshrl.u32 v5, $0x1;
	v5 =	vmul.f32 v14, v6;
	v21 =	vmul.f32 $4.882812500e-04, v21  }
0xcc: {  	s11 =	sor.u32 s9, s5;
	(xrf2) =	vadd.scan.msk.f32 $0xffff, v13;
	v6 =	vmul.f32 v8, v15;
	v8 =	vsub.s32 $0x5F3759DF, v17;
	v14 =	vmul.f32 v16, v4  }
0xcd: {  	v22 =	vld [tilespmem:s11+$0x200];
	(xrf2) =	vadd.scan.msk.f32 $0xffff, v9;
	v9, _, _ =	vpop (xrf2);
	v16 =	vmul.f32 v5, v25;
	v15 =	vmul.f32 v8, v20  }
0xce: {  	v9 =	vmul.f32 $4.882812500e-04, v9;
	v17 =	vmul.f32 v6, v19;
	v14 =	vsub.f32 $1.500000000e+00, v14  }
0xcf: {  	v13 =	vmul.f32 v8, v15;
	v15 =	vmul.f32 v16, v5  }
0xd0: {  	v16 =	vmul.f32 v17, v6;
	v4 =	vmul.f32 v14, v4  }
0xd1: {  	v24 =	vld [tilespmem:s11+$0x280];
	v17 =	vmul.f32 v21, v21;
	v13 =	vsub.f32 $1.500000000e+00, v13;
	v14 =	vsub.f32 $1.500000000e+00, v15  }
0xd2: {  	v15 =	vsub.f32 $1.500000000e+00, v16;
	v16 =	vbroadcast v18, $0xF;
	v22 =	vmul.f32 v22, v4  }
0xd3: {  	v18 =	vld [tilespmem:s11+$0x180];
	v13 =	vmul.f32 v8, v13;
	v8 =	vsub.f32 v9, v17;
	v5 =	vmul.f32 v14, v5  }
0xd4: {  	v9 =	vmul.f32 v4, v12;
	v14 =	vmul.f32 v15, v6  }
0xd5: {  	v12 =	vmul.f32 v13, v20;
	v8 =	vadd.f32 $9.999999740e-06, v8;
	v16 =	vmul.f32 v5, v16  }
0xd6: {  	v15 =	vld [tilespmem:s11+$0x100];
	v6 =	vsub.f32 $0.0e+00, v26;
	v24 =	vmul.f32 v24, v5;
	v17 =	vmul.f32 v14, v19  }
0xd7: {  	s2 =	sand.u32 $0x780, s8;
	v23, _, _ =	vpop (xrf2);
	v12 =	vmul.f32 v12, v13;
	v19 =	vbroadcast v8, $0xF;
	v8 =	vsub.f32 $0.0e+00, v9  }
0xd8: {  	s0 =	sor.u32 s2, s5;
	v26, _, _ =	vpop (xrf2);
	v9 =	vsub.f32 $0.0e+00, v16;
	v18 =	vmul.f32 v18, v3;
	v16 =	vmul.f32 v17, v14  }
0xd9: {  	v35 =	vld [tilespmem:s0+$0x10100];
	v7 =	vsub.f32 $0.0e+00, v7;
	v17 =	vmul.f32 $4.882812500e-04, v23;
	v23 =	vmul.f32 $4.882812500e-04, v26  }
0xda: {  	v12 =	vsub.f32 $1.500000000e+00, v12;
	v25 =	vmul.f32 $5.000000000e-01, v19;
	v19 =	vshrl.u32 v19, $0x1  }
0xdb: {  	v34 =	vld [tilespmem:s0+$0x10900];
	v15 =	vmul.f32 v15, v2;
	v19 =	vsub.s32 $0x5F3759DF, v19;
	v26 =	vmul.f32 v17, v17  }
0xdc: {  	v18 =	vadd.f32 v18, v7;
	v22 =	vadd.f32 v22, v8;
	v27 =	vmul.f32 v19, v25  }
0xdd: {  	v15 =	vadd.f32 v15, v6;
	v23 =	vsub.f32 v23, v26  }
0xde: {  	v24 =	vadd.f32 v24, v9;
	v18 =	vmul.f32 v18, v35;
	v26 =	vmul.f32 v19, v27  }
0xdf: {  	v22 =	vmul.f32 v22, v35;
	v15 =	vmul.f32 v15, v35;
	v23 =	vadd.f32 $9.999999740e-06, v23  }
0xe0: {  	p0 =	por $0x0, $0x0;
	s0 =	simm.s32 $0x1;
	v12 =	vmul.f32 v12, v13;
	v18 =	vadd.f32 v18, v34;
	v26 =	vsub.f32 $1.500000000e+00, v26  }
0xe1: {  	s0 =	simm.s32 @!p0 $0x0;
	v24 =	vmul.f32 v24, v35;
	v15 =	vadd.f32 v15, v34;
	v23 =	vbroadcast v23, $0xF  }
0xe2: {  	s0 =	sshll.u32 s0, $0x6;
	v13 =	vadd.f32 v22, v34;
	v20 =	vmul.f32 v12, v20;
	[tilespmem:s11+$0x8180] =	vst v18;
	v26 =	vmul.f32 v19, v26  }
0xe3: {  	s8 =	sor.u32 $0x20, s1;
	s10 =	sadd.s32 $0x0, s0;
	v18 =	vadd.f32 v24, v34;
	[tilespmem:s11+$0x8100] =	vst v15;
	v15 =	vshrl.u32 v23, $0x1;
	v19 =	vmul.f32 $5.000000000e-01, v23  }
0xe4: {  	s13 =	sor.u32 s9, s8;
	s0 =	sadd.s32 $0x30, s10;
	v30 =	vbroadcast v21, $0xF;
	[tilespmem:s11+$0x8200] =	vst v13;
	v22 =	vmul.f32 v26, v25;
	v23 =	vsub.s32 $0x5F3759DF, v15  }
0xe5: {  	s12 =	sor.u32 $0x10, s1;
	s7 =	sor.u32 $0x200, s0;
	v21 =	vld [tilespmem:s13+$0x280];
	v13 =	vsub.f32 $1.500000000e+00, v16;
	v16 =	vmul.f32 v20, v12;
	[tilespmem:s11+$0x8280] =	vst v18;
	v15 =	vmul.f32 v23, v19  }
0xe6: {  	s14 =	sor.u32 s2, s12;
	v10 =	vbroadcast v10, $0xF;
	v20 =	vld [tilespmem:s7+$0x100];
	v18 =	vmul.f32 v22, v26  }
0xe7: {  	s6 =	sor.u32 s9, s12;
	v36 =	vld [tilespmem:s14+$0x10100];
	v13 =	vmul.f32 v13, v14;
	v14 =	vmul.f32 v23, v15;
	v15 =	vsub.f32 $1.500000000e+00, v16  }
0xe8: {  	v24 =	vbroadcast v11, $0xF;
	v16 =	vsub.f32 $1.500000000e+00, v18;
	v18 =	vld [tilespmem:s6+$0x180]  }
0xe9: {  	v10 =	vmul.f32 v13, v10;
	v14 =	vsub.f32 $1.500000000e+00, v14;
	v11 =	vmul.f32 v15, v12;
	v12 =	vld [tilespmem:s6+$0x280]  }
0xea: {  	v21 =	vmul.f32 v21, v5;
	v22 =	vld [tilespmem:s6+$0x100];
	v16 =	vmul.f32 v16, v26  }
0xeb: {  	v15 =	vsub.f32 $0.0e+00, v10;
	v10 =	vld [tilespmem:s13+$0x100];
	v23 =	vmul.f32 v23, v14;
	v14 =	vmul.f32 v20, v13  }
0xec: {  	v27 =	vld [tilespmem:s6+$0x200];
	v24 =	vmul.f32 v11, v24;
	v20 =	vmul.f32 v16, v25  }
0xed: {  	v25 =	vld [tilespmem:s13+$0x180];
	v26 =	vmul.f32 v23, v19;
	v29 =	vadd.f32 v14, v15;
	v18 =	vmul.f32 v18, v3  }
0xee: {  	s3 =	sor.u32 s1, s9;
	v28 =	vld [tilespmem:s13+$0x200];
	v39 =	vadd.f32 v21, v9;
	v20 =	vmul.f32 v20, v16;
	v12 =	vmul.f32 v12, v5  }
0xef: {  	v14 =	vsub.f32 $0.0e+00, v24;
	v24 =	vmul.f32 v26, v23;
	v26 =	vld [tilespmem:s3+$0x100];
	v29 =	vmul.f32 v29, v35  }
0xf0: {  	v33 =	vld [tilespmem:s3+$0x200];
	v10 =	vmul.f32 v10, v2;
	v31 =	vsub.f32 $1.500000000e+00, v20;
	v20 =	vmul.f32 v22, v2  }
0xf1: {  	v37 =	vld [tilespmem:s14+$0x10900];
	v18 =	vadd.f32 v18, v7;
	v22 =	vmul.f32 v27, v4;
	v29 =	vadd.f32 v29, v34  }
0xf2: {  	s2 =	sor.u32 s2, s8;
	v27 =	vld [tilespmem:s3+$0x180];
	v12 =	vadd.f32 v12, v9;
	v25 =	vmul.f32 v25, v3;
	v32 =	vadd.f32 v20, v6  }
0xf3: {  	s15 =	sor.u32 $0x280, s0;
	v22 =	vadd.f32 v22, v8;
	v20 =	vld [tilespmem:s2+$0x10100];
	[tilespmem:s7+$0x8100] =	vst v29;
	v29 =	vadd.f32 v10, v6;
	v10 =	vmul.f32 v28, v4  }
0xf4: {  	v12 =	vmul.f32 v12, v36;
	v25 =	vadd.f32 v25, v7;
	v28 =	vld [tilespmem:s15+$0x100];
	v26 =	vmul.f32 v26, v2  }
0xf5: {  	v21 =	vld [tilespmem:s2+$0x10900];
	v32 =	vmul.f32 v32, v36;
	v38 =	vadd.f32 v10, v8;
	v10 =	vmul.f32 v18, v36  }
0xf6: {  	s16 =	simm.s32 $0x10100;
	v46 =	vld [tilespmem:s3+$0x280];
	v22 =	vmul.f32 v22, v36;
	v47 =	vadd.f32 v12, v37;
	v18 =	vadd.f32 v26, v6  }
0xf7: {  	v27 =	vmul.f32 v27, v3;
	v26 =	vadd.f32 v32, v37;
	v40 =	vadd.f32 v10, v37;
	v10 =	vld [tilespmem:s16+$0x0]  }
0xf8: {  	s17 =	simm.s32 $0x40;
	s18 =	simm.s32 $0x10900;
	v22 =	vadd.f32 v22, v37;
	[tilespmem:s6+$0x8280] =	vst v47;
	v29 =	vmul.f32 v29, v20;
	v25 =	vmul.f32 v25, v20  }
0xf9: {  	s20 =	simm.s32 $0x200;
	s19 =	sand.u32 $0x40, s17;
	v12 =	vld [tilespmem:s18+$0x0];
	v38 =	vmul.f32 v38, v20;
	[tilespmem:s6+$0x8100] =	vst v26;
	v26 =	vmul.f32 v28, v11  }
0xfa: {  	s21 =	sor.u32 $0x30, s19;
	s9 =	sand.u32 $0x3C00, s20;
	[tilespmem:s6+$0x8200] =	vst v22;
	v28 =	vmul.f32 v33, v4;
	v29 =	vadd.f32 v29, v21;
	v25 =	vadd.f32 v25, v21  }
0xfb: {  	s11 =	sor.u32 s9, s21;
	[tilespmem:s6+$0x8180] =	vst v40;
	v22 =	vadd.f32 v26, v14;
	v26 =	vadd.f32 v27, v7;
	v27 =	vmul.f32 v39, v20  }
0xfc: {  	v32 =	vmul.f32 v46, v5;
	v48 =	vadd.f32 v38, v21;
	[tilespmem:s13+$0x8100] =	vst v29;
	v29 =	vld [tilespmem:s11+$0x100];
	v18 =	vmul.f32 v18, v10  }
0xfd: {  	v28 =	vadd.f32 v28, v8;
	[tilespmem:s13+$0x8180] =	vst v25;
	v25 =	vld [tilespmem:s11+$0x180];
	v22 =	vmul.f32 v22, v35;
	v27 =	vadd.f32 v27, v21  }
0xfe: {  	s22 =	sand.u32 $0x780, s17;
	v49 =	vld [tilespmem:s11+$0x200];
	v32 =	vadd.f32 v32, v9;
	[tilespmem:s13+$0x8200] =	vst v48;
	v26 =	vmul.f32 v26, v10;
	v18 =	vadd.f32 v18, v12  }
0xff: {  	s23 =	sor.u32 s22, s21;
	v24 =	vsub.f32 $1.500000000e+00, v24;
	v28 =	vmul.f32 v28, v10;
	v22 =	vadd.f32 v22, v34;
	[tilespmem:s13+$0x8280] =	vst v27;
	v27 =	vld [tilespmem:s11+$0x280]  }
0x100: {  	v16 =	vmul.f32 v31, v16;
	v38 =	vld [tilespmem:s23+$0x10100];
	v31 =	vmul.f32 v32, v10;
	v26 =	vadd.f32 v26, v12;
	[tilespmem:s3+$0x8100] =	vst v18  }
0x101: {  	v23 =	vmul.f32 v24, v23;
	v28 =	vadd.f32 v28, v12;
	v29 =	vmul.f32 v29, v2;
	[tilespmem:s15+$0x8100] =	vst v22  }
0x102: {  	s14 =	sor.u32 $0x300, s0;
	s2 =	sadd.s32 $0x10, s10;
	v39 =	vld [tilespmem:s23+$0x10900];
	v24 =	vadd.f32 v31, v12;
	v25 =	vmul.f32 v25, v3;
	v22 =	vmul.f32 v16, v30;
	[tilespmem:s3+$0x8180] =	vst v26  }
0x103: {  	s25 =	sor.u32 $0x200, s2;
	s18 =	sadd.s32 $0x20, s10;
	[tilespmem:s3+$0x8200] =	vst v28;
	v28 =	vmul.f32 v49, v4;
	v30 =	vld [tilespmem:s14+$0x100];
	v26 =	vadd.f32 v29, v6  }
0x104: {  	s24 =	smov.u32 s10;
	s12 =	sor.u32 $0x200, s18;
	[tilespmem:s3+$0x8280] =	vst v24;
	v24 =	vadd.f32 v25, v7;
	v18 =	vsub.f32 $0.0e+00, v22;
	v22 =	vld [tilespmem:s25+$0x100];
	v25 =	vmul.f32 v27, v5  }
0x105: {  	s26 =	sor.u32 $0x10, s19;
	v19 =	vmul.f32 v23, v19;
	s13 =	sor.u32 $0x200, s24;
	v29 =	vld [tilespmem:s12+$0x100];
	v28 =	vadd.f32 v28, v8;
	v26 =	vmul.f32 v26, v38  }
0x106: {  	s7 =	sor.u32 s9, s26;
	v27 =	vbroadcast v17, $0xF;
	v17 =	vld [tilespmem:s13+$0x100];
	v24 =	vmul.f32 v24, v38;
	v25 =	vadd.f32 v25, v9  }
0x107: {  	p0 =	por !p0, !p0;
	v50 =	vld [tilespmem:s7+$0x180];
	v19 =	vmul.f32 v19, v23;
	s3 =	simm.s32 $0x1;
	v28 =	vmul.f32 v28, v38;
	v26 =	vadd.f32 v26, v39  }
0x108: {  	v51 =	vld [tilespmem:s7+$0x200];
	s3 =	simm.s32 @!p0 $0x0;
	v24 =	vadd.f32 v24, v39;
	v30 =	vmul.f32 v30, v16;
	v25 =	vmul.f32 v25, v38  }
0x109: {  	v52 =	vld [tilespmem:s7+$0x280];
	v19 =	vsub.f32 $1.500000000e+00, v19;
	s15 =	sor.u32 $0x20, s19;
	s3 =	sshll.u32 s3, $0x6;
	v22 =	vmul.f32 v22, v13;
	[tilespmem:s11+$0x8100] =	vst v26;
	v26 =	vadd.f32 v28, v39  }
0x10a: {  	v31 =	vld [tilespmem:s7+$0x100];
	s6 =	sor.u32 s9, s15;
	s3 =	sadd.s32 $0x200, s3;
	v28 =	vmul.f32 v29, v13;
	[tilespmem:s11+$0x8180] =	vst v24;
	v30 =	vadd.f32 v30, v18;
	v24 =	vadd.f32 v25, v39  }
0x10b: {  	v41 =	vld [tilespmem:s6+$0x100];
	s4 =	sadd.s32 $0x30, s3;
	v29 =	vmul.f32 v17, v13;
	v17 =	vmul.f32 v19, v23;
	v19 =	vadd.f32 v22, v15;
	[tilespmem:s11+$0x8200] =	vst v26  }
0x10c: {  	s16 =	sor.u32 $0x200, s4;
	v23 =	vld [tilespmem:s6+$0x180];
	v25 =	vadd.f32 v28, v15;
	v22 =	vmul.f32 v30, v35;
	[tilespmem:s11+$0x8280] =	vst v24  }
0x10d: {  	v26 =	vadd.f32 v29, v15;
	v24 =	vmul.f32 v17, v27;
	v27 =	vmul.f32 v19, v36;
	v29 =	vld [tilespmem:s16+$0x100]  }
0x10e: {  	v28 =	vld [tilespmem:s6+$0x200];
	v25 =	vmul.f32 v25, v20;
	v22 =	vadd.f32 v22, v34  }
0x10f: {  	v30 =	vld [tilespmem:s6+$0x280];
	s11 =	sor.u32 s19, s9;
	v19 =	vsub.f32 $0.0e+00, v24;
	v24 =	vadd.f32 v27, v37;
	v27 =	vmul.f32 v31, v2  }
0x110: {  	v55 =	vld [tilespmem:s11+$0x180];
	[tilespmem:s14+$0x8100] =	vst v22;
	v22 =	vadd.f32 v25, v21;
	v25 =	vmul.f32 v50, v3  }
0x111: {  	v41 =	vmul.f32 v41, v2;
	v46 =	vld [tilespmem:s11+$0x200];
	s14 =	sor.u32 s22, s26;
	v54 =	vadd.f32 v27, v6  }
0x112: {  	v27 =	vmul.f32 v52, v5;
	v43 =	vadd.f32 v25, v7;
	v25 =	vld [tilespmem:s14+$0x10100];
	v29 =	vmul.f32 v29, v13  }
0x113: {  	v47 =	vadd.f32 v41, v6;
	v26 =	vmul.f32 v26, v10;
	v31 =	vld [tilespmem:s11+$0x100]  }
0x114: {  	v23 =	vmul.f32 v23, v3;
	v45 =	vadd.f32 v27, v9;
	v27 =	vld [tilespmem:s14+$0x10900];
	v29 =	vadd.f32 v29, v15  }
0x115: {  	s30 =	sor.u32 $0x380, s0;
	v49 =	vld [tilespmem:s11+$0x280];
	v42 =	vadd.f32 v26, v12;
	v26 =	vmul.f32 v51, v4;
	v28 =	vmul.f32 v28, v4  }
0x116: {  	s20 =	sor.u32 s22, s15;
	v53 =	vld [tilespmem:s30+$0x100];
	v30 =	vmul.f32 v30, v5;
	v48 =	vadd.f32 v23, v7;
	v29 =	vmul.f32 v29, v38  }
0x117: {  	s21 =	sor.u32 $0x280, s2;
	v23 =	vld [tilespmem:s20+$0x10100];
	[tilespmem:s25+$0x8100] =	vst v24;
	v44 =	vadd.f32 v26, v8;
	v28 =	vadd.f32 v28, v8;
	v56 =	vmul.f32 v54, v25  }
0x118: {  	s19 =	simm.s32 $0x10140;
	[tilespmem:s12+$0x8100] =	vst v22;
	v61 =	vld [tilespmem:s21+$0x100];
	v30 =	vadd.f32 v30, v9;
	v57 =	vmul.f32 v55, v3;
	v29 =	vadd.f32 v29, v39  }
0x119: {  	v26 =	vld [tilespmem:s19+$0x0];
	[tilespmem:s13+$0x8100] =	vst v42;
	v59 =	vmul.f32 v46, v4;
	v31 =	vmul.f32 v31, v2;
	v32 =	vadd.f32 v56, v27  }
0x11a: {  	v22 =	vld [tilespmem:s20+$0x10900];
	v52 =	vmul.f32 v49, v5;
	v33 =	vadd.f32 v57, v7;
	v58 =	vmul.f32 v43, v25;
	[tilespmem:s16+$0x8100] =	vst v29  }
0x11b: {  	s20 =	sor.u32 $0x280, s4;
	v24 =	vmul.f32 v53, v17;
	v31 =	vadd.f32 v31, v6;
	v60 =	vmul.f32 v44, v25;
	[tilespmem:s7+$0x8100] =	vst v32  }
0x11c: {  	s17 =	smov.u32 s24;
	s24 =	simm.s32 $0x10940;
	v28 =	vmul.f32 v28, v23;
	v45 =	vmul.f32 v45, v25;
	v40 =	vadd.f32 v58, v27;
	v63 =	vld [tilespmem:s20+$0x100];
	[smem:$0x7EE] =	sst s18  }
0x11d: {  	s25 =	simm.s32 $0x80;
	v44 =	vmul.f32 v61, v11;
	v41 =	vadd.f32 v24, v19;
	v62 =	vadd.f32 v60, v27;
	v24 =	vld [tilespmem:s24+$0x0]  }
0x11e: {  	s9 =	sor.u32 $0x280, s18;
	s26 =	simm.s32 $0x400;
	s13 =	sand.u32 $0x40, s25;
	v51 =	vadd.f32 v45, v27;
	v29 =	vmul.f32 v31, v26;
	v31 =	vmul.f32 v47, v23;
	[tilespmem:s7+$0x8180] =	vst v40  }
0x11f: {  	s8 =	sor.u32 $0x280, s17;
	s15 =	sand.u32 $0x3C00, s26;
	s14 =	sor.u32 $0x30, s13;
	v30 =	vmul.f32 v30, v23;
	v28 =	vadd.f32 v28, v22;
	v44 =	vadd.f32 v44, v14;
	v53 =	vld [tilespmem:s9+$0x100];
	[tilespmem:s7+$0x8200] =	vst v62  }
0x120: {  	s19 =	sor.u32 s15, s14;
	v54 =	vadd.f32 v59, v8;
	v31 =	vadd.f32 v31, v22;
	v55 =	vld [tilespmem:s8+$0x100];
	[tilespmem:s7+$0x8280] =	vst v51  }
0x121: {  	v30 =	vadd.f32 v30, v22;
	v56 =	vadd.f32 v52, v9;
	v44 =	vmul.f32 v44, v36;
	v59 =	vld [tilespmem:s19+$0x100];
	[tilespmem:s6+$0x8200] =	vst v28  }
0x122: {  	v28 =	vld [tilespmem:s19+$0x180];
	[tilespmem:s6+$0x8100] =	vst v31;
	v31 =	vmul.f32 v33, v26;
	v29 =	vadd.f32 v29, v24  }
0x123: {  	s1 =	smov.u32 s17;
	s17 =	sand.u32 $0x780, s25;
	v32 =	vmul.f32 v54, v26;
	v40 =	vmul.f32 v56, v26;
	[tilespmem:s6+$0x8280] =	vst v30;
	v60 =	vld [tilespmem:s19+$0x200];
	v44 =	vadd.f32 v44, v37  }
0x124: {  	s23 =	sadd.s32 $0x10, s3;
	s0 =	sor.u32 s17, s14;
	v50 =	vmul.f32 v48, v23;
	v58 =	vmul.f32 v63, v11;
	v31 =	vadd.f32 v31, v24;
	[tilespmem:s11+$0x8100] =	vst v29;
	v29 =	vld [tilespmem:s19+$0x280]  }
0x125: {  	s10 =	sor.u32 $0x200, s23;
	[tilespmem:s21+$0x8100] =	vst v44;
	v32 =	vadd.f32 v32, v24;
	v42 =	vmul.f32 v55, v11;
	v62 =	vadd.f32 v40, v24;
	v40 =	vld [tilespmem:s0+$0x10100]  }
0x126: {  	v57 =	vld [tilespmem:s10+$0x100];
	v52 =	vmul.f32 v59, v2;
	v30 =	vadd.f32 v58, v14;
	[tilespmem:s11+$0x8180] =	vst v31  }
0x127: {  	v46 =	vadd.f32 v50, v22;
	s16 =	sor.u32 $0x300, s2;
	v28 =	vmul.f32 v28, v3;
	v31 =	vadd.f32 v42, v14;
	[tilespmem:s11+$0x8200] =	vst v32;
	v42 =	vld [tilespmem:s0+$0x10900]  }
0x128: {  	s29 =	sadd.s32 $0x20, s3;
	s24 =	sor.u32 $0x200, s3;
	v44 =	vld [tilespmem:s16+$0x100];
	v33 =	vmul.f32 v60, v4;
	[tilespmem:s11+$0x8280] =	vst v62;
	v32 =	vadd.f32 v52, v6;
	v30 =	vmul.f32 v30, v38  }
0x129: {  	s22 =	smov.u32 s18;
	s18 =	sor.u32 $0x200, s29;
	[tilespmem:s6+$0x8180] =	vst v46;
	s21 =	sor.u32 $0x20, s13;
	v61 =	vmul.f32 v53, v11;
	v28 =	vadd.f32 v28, v7;
	v54 =	vld [tilespmem:s24+$0x100];
	v29 =	vmul.f32 v29, v5  }
0x12a: {  	s12 =	sor.u32 s15, s21;
	v63 =	vld [tilespmem:s18+$0x100];
	v33 =	vadd.f32 v33, v8;
	v30 =	vadd.f32 v30, v39;
	v32 =	vmul.f32 v32, v40  }
0x12b: {  	s25 =	sor.u32 $0x10, s13;
	v59 =	vld [tilespmem:s12+$0x100];
	v31 =	vmul.f32 v31, v10;
	v28 =	vmul.f32 v28, v40;
	v29 =	vadd.f32 v29, v9  }
0x12c: {  	s5 =	simm.s32 $0x1;
	p0 =	por !p0, !p0;
	v60 =	vld [tilespmem:s12+$0x180];
	s11 =	sor.u32 s15, s25;
	v33 =	vmul.f32 v33, v40;
	[tilespmem:s20+$0x8100] =	vst v30;
	v30 =	vmul.f32 v57, v13;
	v32 =	vadd.f32 v32, v42  }
0x12d: {  	s5 =	simm.s32 @!p0 $0x0;
	v56 =	vld [tilespmem:s11+$0x180];
	v47 =	vadd.f32 v31, v12;
	v28 =	vadd.f32 v28, v42;
	v29 =	vmul.f32 v29, v40  }
0x12e: {  	s5 =	sshll.u32 s5, $0x6;
	s26 =	sor.u32 $0x300, s4;
	v31 =	vld [tilespmem:s11+$0x100];
	v57 =	vadd.f32 v33, v42;
	v46 =	vmul.f32 v54, v13;
	v30 =	vadd.f32 v30, v15;
	[tilespmem:s19+$0x8100] =	vst v32  }
0x12f: {  	s7 =	sadd.s32 $0x400, s5;
	v53 =	vadd.f32 v61, v14;
	v48 =	vmul.f32 v63, v13;
	v55 =	vld [tilespmem:s26+$0x100];
	[tilespmem:s19+$0x8180] =	vst v28;
	v28 =	vadd.f32 v29, v42  }
0x130: {  	s6 =	sadd.s32 $0x30, s7;
	v50 =	vld [tilespmem:s11+$0x200];
	v44 =	vmul.f32 v44, v16;
	[tilespmem:s19+$0x8200] =	vst v57;
	v29 =	vmul.f32 v30, v25;
	v30 =	vadd.f32 v46, v15  }
0x131: {  	v52 =	vld [tilespmem:s12+$0x280];
	v43 =	vmul.f32 v53, v20;
	v58 =	vadd.f32 v48, v15;
	[tilespmem:s19+$0x8280] =	vst v28;
	s19 =	sor.u32 $0x200, s6  }
0x132: {  	v44 =	vadd.f32 v44, v18;
	v28 =	vadd.f32 v29, v27;
	v29 =	vmul.f32 v30, v26;
	v57 =	vld [tilespmem:s19+$0x100]  }
0x133: {  	s0 =	sor.u32 s17, s25;
	v51 =	vld [tilespmem:s11+$0x280];
	v61 =	vadd.f32 v43, v21;
	v48 =	vmul.f32 v59, v2;
	v33 =	vmul.f32 v58, v23  }
0x134: {  	v31 =	vmul.f32 v31, v2;
	v45 =	vmul.f32 v55, v16;
	v53 =	vadd.f32 v29, v24;
	v29 =	vld [tilespmem:s0+$0x10100]  }
0x135: {  	v63 =	vld [tilespmem:s12+$0x200];
	v49 =	vmul.f32 v56, v3;
	v50 =	vmul.f32 v50, v4;
	v33 =	vadd.f32 v33, v22  }
0x136: {  	s13 =	sor.u32 s13, s15;
	[tilespmem:s9+$0x8100] =	vst v61;
	v61 =	vmul.f32 v52, v5;
	v55 =	vadd.f32 v31, v6;
	v31 =	vld [tilespmem:s0+$0x10900];
	v62 =	vadd.f32 v45, v18  }
0x137: {  	v54 =	vld [tilespmem:s13+$0x100];
	[tilespmem:s8+$0x8100] =	vst v47;
	v48 =	vadd.f32 v48, v6;
	v30 =	vmul.f32 v44, v36;
	v44 =	vmul.f32 v57, v13  }
0x138: {  	v52 =	vld [tilespmem:s13+$0x280];
	v58 =	vadd.f32 v49, v7;
	[tilespmem:s18+$0x8100] =	vst v33;
	v46 =	vmul.f32 v60, v3;
	v43 =	vmul.f32 v62, v38  }
0x139: {  	[tilespmem:s10+$0x8100] =	vst v28;
	v60 =	vadd.f32 v30, v37;
	v62 =	vmul.f32 v55, v29;
	v44 =	vadd.f32 v44, v15  }
0x13a: {  	s21 =	sor.u32 s17, s21;
	v51 =	vmul.f32 v51, v5;
	v59 =	vadd.f32 v50, v8;
	v50 =	vld [tilespmem:s13+$0x180];
	v43 =	vadd.f32 v43, v39;
	[tilespmem:s24+$0x8100] =	vst v53  }
0x13b: {  	v28 =	vld [tilespmem:s21+$0x10100];
	[tilespmem:s16+$0x8100] =	vst v60;
	v32 =	vmul.f32 v58, v29;
	v58 =	vadd.f32 v62, v31;
	v44 =	vmul.f32 v44, v40  }
0x13c: {  	v47 =	vadd.f32 v51, v9;
	v51 =	vadd.f32 v61, v9;
	v45 =	vmul.f32 v63, v4;
	v63 =	vld [tilespmem:s13+$0x200];
	[tilespmem:s26+$0x8100] =	vst v43  }
0x13d: {  	v54 =	vmul.f32 v54, v2;
	v52 =	vmul.f32 v52, v5;
	v30 =	vld [tilespmem:s21+$0x10900];
	s24 =	simm.s32 $0x10180;
	[tilespmem:s11+$0x8100] =	vst v58;
	v44 =	vadd.f32 v44, v42  }
0x13e: {  	v57 =	vadd.f32 v45, v8;
	v49 =	vmul.f32 v59, v29;
	v59 =	vadd.f32 v32, v31;
	v32 =	vld [tilespmem:s24+$0x0];
	[smem:$0x7EF] =	sst s23  }
0x13f: {  	v46 =	vadd.f32 v46, v7;
	v54 =	vadd.f32 v54, v6;
	v47 =	vmul.f32 v47, v29;
	s24 =	sor.u32 $0x280, s6;
	[tilespmem:s19+$0x8100] =	vst v44  }
0x140: {  	s25 =	simm.s32 $0x10980;
	v48 =	vmul.f32 v48, v28;
	v43 =	vmul.f32 v57, v28;
	v49 =	vadd.f32 v49, v31;
	v57 =	vld [tilespmem:s24+$0x100]  }
0x141: {  	v60 =	vmul.f32 v50, v3;
	v46 =	vmul.f32 v46, v28;
	v47 =	vadd.f32 v47, v31;
	v33 =	vld [tilespmem:s25+$0x0];
	[tilespmem:s11+$0x8180] =	vst v59  }
0x142: {  	v52 =	vadd.f32 v52, v9;
	v61 =	vmul.f32 v63, v4;
	s26 =	sor.u32 $0x280, s23;
	v56 =	vadd.f32 v48, v30;
	[tilespmem:s11+$0x8200] =	vst v49  }
0x143: {  	v63 =	vadd.f32 v60, v7;
	v51 =	vmul.f32 v51, v28;
	v46 =	vadd.f32 v46, v30;
	v62 =	vld [tilespmem:s26+$0x100];
	[tilespmem:s11+$0x8280] =	vst v47  }
0x144: {  	s10 =	sor.u32 $0x380, s4;
	v50 =	vadd.f32 v61, v8;
	v43 =	vadd.f32 v43, v30;
	[tilespmem:s12+$0x8100] =	vst v56;
	v59 =	vmul.f32 v54, v32  }
0x145: {  	s18 =	sor.u32 $0x280, s29;
	v51 =	vadd.f32 v51, v30;
	v58 =	vld [tilespmem:s10+$0x100];
	[tilespmem:s12+$0x8180] =	vst v46;
	v44 =	vmul.f32 v63, v32;
	v48 =	vmul.f32 v57, v11  }
0x146: {  	s9 =	sor.u32 $0x280, s3;
	v60 =	vld [tilespmem:s18+$0x100];
	[tilespmem:s12+$0x8200] =	vst v43;
	v50 =	vmul.f32 v50, v32;
	v47 =	vadd.f32 v59, v33  }
0x147: {  	s17 =	sor.u32 $0x300, s22;
	v61 =	vld [tilespmem:s9+$0x100];
	[tilespmem:s12+$0x8280] =	vst v51;
	v52 =	vmul.f32 v52, v32;
	v44 =	vadd.f32 v44, v33;
	v63 =	vadd.f32 v48, v14  }
0x148: {  	v43 =	vld [tilespmem:s17+$0x100];
	s12 =	sor.u32 $0x380, s2;
	v53 =	vmul.f32 v62, v11;
	v50 =	vadd.f32 v50, v33;
	[tilespmem:s13+$0x8100] =	vst v47  }
0x149: {  	s31 =	smov.u32 s1;
	v35 =	vmul.f32 v41, v35;
	s14 =	sadd.s32 $0x20, s7;
	s11 =	sor.u32 $0x300, s1;
	v41 =	vld [tilespmem:s12+$0x100];
	v62 =	vadd.f32 v52, v33;
	[tilespmem:s13+$0x8180] =	vst v44;
	v59 =	vmul.f32 v63, v40  }
0x14a: {  	s8 =	sadd.s32 $0x10, s7;
	s2 =	simm.s32 $0xC0;
	v51 =	vld [tilespmem:s11+$0x100];
	s19 =	sor.u32 $0x200, s14;
	v49 =	vmul.f32 v58, v17;
	v53 =	vadd.f32 v53, v14;
	[tilespmem:s13+$0x8200] =	vst v50  }
0x14b: {  	s21 =	sor.u32 $0x200, s8;
	s4 =	simm.s32 $0xC0;
	s15 =	sand.u32 $0x40, s2;
	v46 =	vld [tilespmem:s19+$0x100];
	[tilespmem:s13+$0x8280] =	vst v62;
	v63 =	vadd.f32 v59, v42  }
0x14c: {  	s22 =	sand.u32 $0x780, s2;
	s2 =	simm.s32 $0x600;
	v56 =	vadd.f32 v49, v19;
	v49 =	vld [tilespmem:s21+$0x100];
	[dreg:$0x1b] =	wrdreg s4;
	v57 =	vmul.f32 v53, v25  }
0x14d: {  	s1 =	sor.u32 $0x300, s6;
	s5 =	sor.u32 $0x30, s15;
	s16 =	sand.u32 $0x3C00, s2;
	v58 =	vmul.f32 v61, v11;
	v60 =	vmul.f32 v60, v11;
	[tilespmem:s24+$0x8100] =	vst v63  }
0x14e: {  	v43 =	vmul.f32 v43, v16;
	v41 =	vmul.f32 v41, v17;
	v61 =	vadd.f32 v57, v27;
	s24 =	sor.u32 s16, s5;
	v59 =	vld [tilespmem:s1+$0x100]  }
0x14f: {  	v55 =	vmul.f32 v51, v16;
	v62 =	vadd.f32 v58, v14;
	v54 =	vadd.f32 v60, v14;
	v60 =	vld [tilespmem:s24+$0x100]  }
0x150: {  	v43 =	vadd.f32 v43, v18;
	v46 =	vmul.f32 v46, v13;
	v41 =	vadd.f32 v41, v19;
	[tilespmem:s26+$0x8100] =	vst v61;
	v61 =	vld [tilespmem:s24+$0x180]  }
0x151: {  	v50 =	vadd.f32 v35, v34;
	v38 =	vmul.f32 v56, v38;
	v56 =	vmul.f32 v62, v26;
	v62 =	vld [tilespmem:s24+$0x200]  }
0x152: {  	s13 =	sor.u32 s22, s5;
	v44 =	vadd.f32 v55, v18;
	v43 =	vmul.f32 v43, v20;
	v41 =	vmul.f32 v41, v36;
	v63 =	vld [tilespmem:s24+$0x280]  }
0x153: {  	s20 =	sor.u32 $0x200, s7;
	v35 =	vld [tilespmem:s13+$0x10100];
	v38 =	vadd.f32 v38, v39;
	v57 =	vmul.f32 v49, v13;
	v51 =	vmul.f32 v59, v16  }
0x154: {  	v47 =	vld [tilespmem:s20+$0x100];
	v39 =	vmul.f32 v54, v23;
	v45 =	vadd.f32 v56, v24;
	v52 =	vmul.f32 v60, v2  }
0x155: {  	s23 =	sor.u32 $0x300, s23;
	v34 =	vld [tilespmem:s13+$0x10900];
	s26 =	sor.u32 $0x10, s15;
	v48 =	vadd.f32 v57, v15;
	v60 =	vmul.f32 v61, v3;
	v51 =	vadd.f32 v51, v18  }
0x156: {  	v58 =	vld [tilespmem:s23+$0x100];
	s28 =	sor.u32 s16, s26;
	v57 =	vadd.f32 v41, v37;
	v54 =	vmul.f32 v62, v4;
	v52 =	vadd.f32 v52, v6  }
0x157: {  	v56 =	vld [tilespmem:s28+$0x100];
	v55 =	vmul.f32 v63, v5;
	v41 =	vadd.f32 v60, v7;
	v51 =	vmul.f32 v51, v40  }
0x158: {  	v46 =	vadd.f32 v46, v15;
	v37 =	vld [tilespmem:s28+$0x180];
	s5 =	sor.u32 $0x20, s15;
	v54 =	vadd.f32 v54, v8;
	v52 =	vmul.f32 v52, v35  }
0x159: {  	v53 =	vld [tilespmem:s28+$0x200];
	s25 =	sor.u32 s16, s5;
	s16 =	sor.u32 s15, s16;
	v55 =	vadd.f32 v55, v9;
	v41 =	vmul.f32 v41, v35;
	v51 =	vadd.f32 v51, v42  }
0x15a: {  	p0 =	por !p0, !p0;
	s0 =	simm.s32 $0x1;
	[tilespmem:s30+$0x8100] =	vst v50;
	v44 =	vmul.f32 v44, v10;
	v50 =	vld [tilespmem:s16+$0x100];
	v54 =	vmul.f32 v54, v35;
	v61 =	vadd.f32 v52, v34  }
0x15b: {  	s0 =	simm.s32 @!p0 $0x0;
	v47 =	vmul.f32 v47, v13;
	v60 =	vld [tilespmem:s25+$0x180];
	v55 =	vmul.f32 v55, v35;
	v41 =	vadd.f32 v41, v34;
	[tilespmem:s1+$0x8100] =	vst v51  }
0x15c: {  	s13 =	sshll.u32 s0, $0x6;
	v43 =	vadd.f32 v43, v21;
	v49 =	vmul.f32 v58, v16;
	v52 =	vld [tilespmem:s25+$0x200];
	v54 =	vadd.f32 v54, v34;
	[tilespmem:s24+$0x8100] =	vst v61  }
0x15d: {  	s13 =	sadd.s32 $0x600, s13;
	v46 =	vmul.f32 v46, v28;
	v47 =	vadd.f32 v47, v15;
	v62 =	vadd.f32 v55, v34;
	v51 =	vld [tilespmem:s25+$0x280];
	[tilespmem:s24+$0x8180] =	vst v41  }
0x15e: {  	s30 =	sadd.s32 $0x30, s13;
	v44 =	vadd.f32 v44, v12;
	v48 =	vmul.f32 v48, v29;
	s15 =	sor.u32 $0x380, s6;
	v49 =	vadd.f32 v49, v18;
	[tilespmem:s24+$0x8200] =	vst v54;
	v54 =	vld [tilespmem:s16+$0x180]  }
0x15f: {  	v39 =	vadd.f32 v39, v22;
	s6 =	sor.u32 $0x200, s30;
	v47 =	vmul.f32 v47, v32;
	v37 =	vmul.f32 v37, v3;
	[tilespmem:s24+$0x8280] =	vst v62;
	v55 =	vld [tilespmem:s15+$0x100]  }
0x160: {  	v46 =	vadd.f32 v46, v30;
	[tilespmem:s10+$0x8100] =	vst v38;
	v38 =	vmul.f32 v60, v3;
	v41 =	vmul.f32 v49, v25;
	v60 =	vld [tilespmem:s6+$0x100]  }
0x161: {  	[tilespmem:s18+$0x8100] =	vst v39;
	s18 =	sor.u32 s22, s26;
	v48 =	vadd.f32 v48, v31;
	v56 =	vmul.f32 v56, v2;
	v49 =	vadd.f32 v37, v7;
	v37 =	vld [tilespmem:s16+$0x200]  }
0x162: {  	s4 =	simm.s32 $0x101C0;
	v47 =	vadd.f32 v47, v33;
	v39 =	vmul.f32 v52, v4;
	v52 =	vadd.f32 v41, v27;
	v41 =	vld [tilespmem:s18+$0x10100]  }
0x163: {  	v36 =	vld [tilespmem:s4+$0x0];
	[tilespmem:s9+$0x8100] =	vst v45;
	v53 =	vmul.f32 v53, v4;
	v56 =	vadd.f32 v56, v6;
	v50 =	vmul.f32 v50, v2  }
0x164: {  	[tilespmem:s17+$0x8100] =	vst v43;
	v45 =	vadd.f32 v38, v7;
	v38 =	vld [tilespmem:s18+$0x10900];
	v63 =	vmul.f32 v51, v5;
	v51 =	vmul.f32 v55, v17  }
0x165: {  	[tilespmem:s11+$0x8100] =	vst v44;
	v58 =	vld [tilespmem:s28+$0x280];
	v43 =	vadd.f32 v39, v8;
	v62 =	vmul.f32 v54, v3;
	v60 =	vmul.f32 v60, v13  }
0x166: {  	[tilespmem:s21+$0x8100] =	vst v48;
	v59 =	vld [tilespmem:s25+$0x100];
	v48 =	vadd.f32 v63, v9;
	v63 =	vmul.f32 v37, v4;
	v51 =	vadd.f32 v51, v19  }
0x167: {  	s10 =	sor.u32 $0x300, s29;
	[tilespmem:s19+$0x8100] =	vst v46;
	v61 =	vld [tilespmem:s16+$0x280];
	v39 =	vadd.f32 v50, v6;
	v50 =	vadd.f32 v62, v7;
	v62 =	vmul.f32 v56, v41  }
0x168: {  	s5 =	sor.u32 s22, s5;
	[tilespmem:s12+$0x8100] =	vst v57;
	v55 =	vld [tilespmem:s10+$0x100];
	v54 =	vadd.f32 v63, v8;
	v63 =	vadd.f32 v60, v15;
	v51 =	vmul.f32 v51, v40  }
0x169: {  	v53 =	vadd.f32 v53, v8;
	[tilespmem:s20+$0x8100] =	vst v47;
	v37 =	vld [tilespmem:s5+$0x10100];
	v49 =	vmul.f32 v49, v41;
	v46 =	vadd.f32 v62, v38  }
0x16a: {  	[tilespmem:s23+$0x8100] =	vst v52;
	v44 =	vmul.f32 v39, v36;
	v39 =	vld [tilespmem:s5+$0x10900];
	s5 =	sor.u32 $0x280, s14;
	v60 =	vmul.f32 v63, v35;
	v42 =	vadd.f32 v51, v42  }
0x16b: {  	v58 =	vmul.f32 v58, v5;
	s24 =	simm.s32 $0x109C0;
	v56 =	vld [tilespmem:s5+$0x100];
	v49 =	vadd.f32 v49, v38;
	[tilespmem:s28+$0x8100] =	vst v46  }
0x16c: {  	v53 =	vmul.f32 v53, v41;
	v40 =	vld [tilespmem:s24+$0x0];
	s24 =	sor.u32 $0x280, s8;
	v63 =	vadd.f32 v60, v34;
	[tilespmem:s15+$0x8100] =	vst v42  }
0x16d: {  	s9 =	sor.u32 $0x300, s3;
	v58 =	vadd.f32 v58, v9;
	v51 =	vld [tilespmem:s24+$0x100];
	s0 =	sld [smem:$0x7EE];
	[tilespmem:s28+$0x8180] =	vst v49  }
0x16e: {  	s26 =	sor.u32 $0x280, s7;
	v59 =	vmul.f32 v59, v2;
	s18 =	sor.u32 $0x380, s29;
	v60 =	vadd.f32 v53, v38;
	v53 =	vld [tilespmem:s9+$0x100];
	s17 =	sld [smem:$0x7EF];
	[tilespmem:s6+$0x8100] =	vst v63  }
0x16f: {  	s19 =	sor.u32 $0x380, s3;
	v52 =	vmul.f32 v58, v41;
	v42 =	vld [tilespmem:s26+$0x100];
	[dreg:$0x8] =	wrdreg s18  }
0x170: {  	v59 =	vadd.f32 v59, v6;
	v61 =	vmul.f32 v61, v5;
	[dreg:$0x6] =	wrdreg s19  }
0x171: {  	s21 =	sor.u32 $0x280, s30;
	s23 =	sor.u32 $0x300, s14;
	v52 =	vadd.f32 v52, v38;
	[tilespmem:s28+$0x8200] =	vst v60  }
0x172: {  	v47 =	vadd.f32 v61, v9;
	v61 =	vmul.f32 v59, v37;
	v58 =	vld [tilespmem:s21+$0x100];
	[dreg:$0xe] =	wrdreg s23  }
0x173: {  	s20 =	smov.u32 s9;
	s1 =	sor.u32 $0x300, s7;
	[tilespmem:s28+$0x8280] =	vst v52  }
0x174: {  	v45 =	vmul.f32 v45, v37;
	s9 =	sor.u32 $0x300, s8;
	s8 =	sor.u32 $0x380, s8;
	v57 =	vadd.f32 v61, v39;
	[dreg:$0x10] =	wrdreg s1  }
0x175: {  	s22 =	sadd.s32 $0x10, s13;
	v54 =	vmul.f32 v54, v36;
	[dreg:$0xc] =	wrdreg s8  }
0x176: {  	s3 =	sor.u32 $0x200, s22;
	v43 =	vmul.f32 v43, v37;
	v45 =	vadd.f32 v45, v39;
	s23 =	sor.u32 $0x380, s14;
	s14 =	sor.u32 $0x380, s7;
	[tilespmem:s25+$0x8100] =	vst v57  }
0x177: {  	v62 =	vmul.f32 v48, v37;
	v48 =	vadd.f32 v54, v40;
	v54 =	vld [tilespmem:s3+$0x100];
	[dreg:$0xa] =	wrdreg s14  }
0x178: {  	v43 =	vadd.f32 v43, v39;
	s18 =	sor.u32 $0x380, s22;
	[tilespmem:s25+$0x8180] =	vst v45  }
0x179: {  	v46 =	vadd.f32 v62, v39;
	[dreg:$0x17] =	wrdreg s18  }
0x17a: {  	v50 =	vmul.f32 v50, v36;
	s15 =	smov.u32 s26;
	v51 =	vmul.f32 v51, v11;
	s26 =	sor.u32 $0x380, s17;
	s17 =	sadd.s32 $0x20, s13;
	[tilespmem:s25+$0x8200] =	vst v43  }
0x17b: {  	v47 =	vmul.f32 v47, v36;
	v61 =	vmul.f32 v56, v11;
	v44 =	vadd.f32 v44, v40;
	s19 =	sor.u32 $0x300, s17;
	s1 =	sor.u32 $0x280, s22;
	[tilespmem:s25+$0x8280] =	vst v46  }
0x17c: {  	v56 =	vadd.f32 v50, v40;
	v62 =	vmul.f32 v42, v11;
	v63 =	vadd.f32 v51, v14;
	s8 =	sor.u32 $0x300, s22;
	s22 =	sor.u32 $0x380, s17;
	v42 =	vld [tilespmem:s26+$0x100];
	[dreg:$0x1d] =	wrdreg s19  }
0x17d: {  	s12 =	sor.u32 $0x380, s31;
	v49 =	vadd.f32 v47, v40;
	v47 =	vmul.f32 v55, v16;
	s11 =	sor.u32 $0x380, s0;
	v60 =	vadd.f32 v61, v14;
	[dreg:$0x15] =	wrdreg s22  }
0x17e: {  	s29 =	sor.u32 $0x200, s13;
	v61 =	vmul.f32 v53, v16;
	v50 =	vadd.f32 v62, v14;
	v63 =	vmul.f32 v63, v29;
	v46 =	vld [tilespmem:s11+$0x100];
	[dreg:$0x12] =	wrdreg s12  }
0x17f: {  	s0 =	smov.u32 s11;
	s28 =	sor.u32 $0x200, s17;
	v51 =	vmul.f32 v60, v28;
	v62 =	vmul.f32 v58, v11;
	s25 =	sor.u32 $0x380, s13;
	[tilespmem:s16+$0x8100] =	vst v44  }
0x180: {  	s31 =	sor.u32 $0x280, s17;
	s17 =	sor.u32 $0x280, s13;
	v50 =	vmul.f32 v50, v32;
	v52 =	vadd.f32 v63, v31;
	v43 =	vadd.f32 v47, v18;
	v45 =	vld [tilespmem:s12+$0x100];
	[dreg:$0x18] =	wrdreg s25  }
0x181: {  	s14 =	simm.s32 $0x10A00;
	s18 =	sor.u32 $0x300, s13;
	v47 =	vadd.f32 v61, v18;
	v55 =	vmul.f32 v54, v13;
	v54 =	vadd.f32 v62, v14;
	s12 =	simm.s32 $0xC;
	v53 =	vld [tilespmem:s28+$0x100];
	[tilespmem:s16+$0x8180] =	vst v56  }
.LBB2_5:
0x182: {  	s6 =	rddreg [dreg:$0x1b]  }
0x183: {  	v44 =	vld [tilespmem:s14+$0x0];
	[tilespmem:s16+$0x8200] =	vst v48;
	s4 =	sadd.s32 $0x40, s4;
	s6 =	sadd.s32 $0x40, s6  }
0x184: {  	v59 =	vmul.f32 v43, v23;
	v43 =	vld [tilespmem:s4+$0x0];
	[tilespmem:s16+$0x8280] =	vst v49;
	v54 =	vmul.f32 v54, v35;
	s13 =	sand.u32 $0x40, s6  }
0x185: {  	s2 =	sadd.s32 $0x200, s2;
	v62 =	vmul.f32 v42, v17;
	v63 =	vadd.f32 v51, v30;
	v60 =	vadd.f32 v55, v15;
	[tilespmem:s24+$0x8100] =	vst v52;
	s7 =	sand.u32 $0x780, s6;
	v61 =	vld [tilespmem:s29+$0x100];
	s25 =	sor.u32 $0x30, s13  }
0x186: {  	[dreg:$0x13] =	wrdreg s4;
	v48 =	vadd.f32 v50, v33;
	v47 =	vmul.f32 v47, v26;
	s22 =	sand.u32 $0x3C00, s2;
	v56 =	vld [tilespmem:s9+$0x100];
	v54 =	vadd.f32 v54, v34;
	s24 =	sor.u32 s7, s25  }
0x187: {  	[dreg:$0x1b] =	wrdreg s6;
	v51 =	vadd.f32 v59, v22;
	v49 =	vmul.f32 v60, v41;
	[tilespmem:s5+$0x8100] =	vst v63;
	v63 =	vadd.f32 v62, v19;
	s6 =	sor.u32 s22, s25;
	v42 =	vld [tilespmem:s24+$0x10100]  }
0x188: {  	s4 =	smov.u32 s9;
	s9 =	smov.u32 s30;
	s30 =	sor.u32 $0x300, s30;
	v46 =	vmul.f32 v46, v17;
	v47 =	vadd.f32 v47, v24;
	v53 =	vmul.f32 v53, v13;
	v50 =	vld [tilespmem:s6+$0x100];
	[tilespmem:s21+$0x8100] =	vst v54  }
0x189: {  	[smem:$0x7EC] =	sst s8;
	[tilespmem:s15+$0x8100] =	vst v48;
	v45 =	vmul.f32 v45, v17;
	v49 =	vadd.f32 v49, v38;
	v48 =	vmul.f32 v63, v25;
	v58 =	vld [tilespmem:s30+$0x100]  }
0x18a: {  	s8 =	sor.u32 $0x10, s13;
	s11 =	sor.u32 $0x20, s13;
	s5 =	rddreg [dreg:$0x1d];
	[tilespmem:s10+$0x8100] =	vst v51;
	v46 =	vadd.f32 v46, v19;
	v25 =	vmovc v29;
	v29 =	vmov v41;
	v57 =	vadd.f32 v53, v15;
	v51 =	vld [tilespmem:s6+$0x180]  }
0x18b: {  	s16 =	sor.u32 s13, s22;
	s15 =	smov.u32 s1;
	s1 =	rddreg [dreg:$0x17];
	[tilespmem:s20+$0x8100] =	vst v47;
	v45 =	vadd.f32 v45, v19;
	v41 =	vld [tilespmem:s6+$0x200];
	v59 =	vmul.f32 v61, v13;
	v61 =	vmul.f32 v56, v16  }
0x18c: {  	s19 =	sor.u32 s22, s8;
	s13 =	sor.u32 s7, s8;
	s8 =	rddreg [dreg:$0x10];
	[tilespmem:s3+$0x8100] =	vst v49;
	v27 =	vadd.f32 v48, v27;
	v20 =	vmul.f32 v46, v20;
	v46 =	vld [tilespmem:s6+$0x280];
	v60 =	vmul.f32 v57, v37  }
0x18d: {  	s10 =	smov.u32 s8;
	s8 =	rddreg [dreg:$0x8];
	v56 =	vmul.f32 v45, v10;
	v10 =	vmovc v26;
	v26 =	vld [tilespmem:s19+$0x100];
	v62 =	vadd.f32 v59, v15;
	v52 =	vadd.f32 v61, v18  }
0x18e: {  	s20 =	smov.u32 s17;
	s17 =	smov.u32 s18;
	s18 =	rddreg [dreg:$0x15];
	v45 =	vld [tilespmem:s24+$0x10900];
	[tilespmem:s26+$0x8100] =	vst v27;
	v20 =	vadd.f32 v20, v21;
	v63 =	vadd.f32 v60, v39;
	v50 =	vmul.f32 v50, v2  }
0x18f: {  	[dreg:$0x10] =	wrdreg s17;
	v57 =	vadd.f32 v56, v12;
	v61 =	vld [tilespmem:s19+$0x280];
	v21 =	vmul.f32 v62, v36;
	v27 =	vmul.f32 v58, v16  }
0x190: {  	s25 =	sor.u32 s22, s11;
	s3 =	rddreg [dreg:$0xe];
	v12 =	vmovc v24;
	v24 =	vmov v33;
	v58 =	vld [tilespmem:s19+$0x180];
	v60 =	vmul.f32 v51, v3;
	[tilespmem:s28+$0x8100] =	vst v63;
	v59 =	vadd.f32 v50, v6  }
0x191: {  	s21 =	sor.u32 s7, s11;
	s7 =	smov.u32 s5;
	s24 =	rddreg [dreg:$0x12];
	v41 =	vmul.f32 v41, v4;
	[tilespmem:s0+$0x8100] =	vst v20;
	v20 =	vld [tilespmem:s19+$0x200];
	v21 =	vadd.f32 v21, v40;
	v27 =	vadd.f32 v27, v18  }
0x192: {  	p0 =	por !p0, !p0;
	[dreg:$0xe] =	wrdreg s7;
	[tilespmem:s24+$0x8100] =	vst v57;
	v46 =	vmul.f32 v46, v5;
	v49 =	vadd.f32 v60, v7;
	v48 =	vmul.f32 v59, v42;
	v62 =	vld [tilespmem:s25+$0x100]  }
0x193: {  	s17 =	smov.u32 s23;
	s7 =	smov.u32 s1;
	s1 =	rddreg [dreg:$0xa];
	v26 =	vmul.f32 v26, v2;
	v41 =	vadd.f32 v41, v8;
	v63 =	vld [tilespmem:s25+$0x200];
	[tilespmem:s29+$0x8100] =	vst v21;
	v21 =	vmul.f32 v27, v35  }
0x194: {  	s23 =	smov.u32 s18;
	s11 =	smov.u32 s3;
	s26 =	rddreg [dreg:$0xc];
	v33 =	vmovc v40;
	v46 =	vadd.f32 v46, v9;
	v40 =	vld [tilespmem:s25+$0x280];
	v49 =	vmul.f32 v49, v42;
	v48 =	vadd.f32 v48, v45  }
0x195: {  	s3 =	smov.u32 s1;
	s1 =	simm.s32 $0x1;
	[dreg:$0xc] =	wrdreg s7;
	v27 =	vld [tilespmem:s25+$0x180];
	v41 =	vmul.f32 v41, v42;
	v54 =	vadd.f32 v26, v6;
	v21 =	vadd.f32 v21, v34  }
0x196: {  	s7 =	rddreg [dreg:$0x18];
	s1 =	simm.s32 @!p0 $0x0;
	s5 =	smov.u32 s26;
	v26 =	vmul.f32 v61, v5;
	v46 =	vmul.f32 v46, v42;
	v60 =	vadd.f32 v49, v45;
	v49 =	vld [tilespmem:s16+$0x100];
	[tilespmem:s6+$0x8100] =	vst v48  }
0x197: {  	s26 =	smov.u32 s8;
	s8 =	smov.u32 s7;
	s1 =	sshll.u32 s1, $0x6;
	v50 =	vmul.f32 v52, v25;
	v47 =	vmul.f32 v58, v3;
	v51 =	vld [tilespmem:s16+$0x180];
	v41 =	vadd.f32 v41, v45;
	[tilespmem:s30+$0x8100] =	vst v21  }
0x198: {  	s7 =	sadd.s32 s1, s2;
	s0 =	rddreg [dreg:$0x6];
	v56 =	vld [tilespmem:s16+$0x200];
	v55 =	vadd.f32 v26, v9;
	v46 =	vadd.f32 v46, v45;
	s30 =	sor.u32 $0x380, s9;
	v21 =	vmul.f32 v62, v2;
	[tilespmem:s6+$0x8180] =	vst v60  }
0x199: {  	[smem:$0x7ED] =	sst s23;
	s23 =	smov.u32 s0;
	s0 =	sadd.s32 $0x30, s7;
	v20 =	vmul.f32 v20, v4;
	v47 =	vadd.f32 v47, v7;
	v60 =	vadd.f32 v50, v31;
	v48 =	vld [tilespmem:s30+$0x100];
	[tilespmem:s6+$0x8200] =	vst v41  }
0x19a: {  	v59 =	vmul.f32 v27, v3;
	v57 =	vadd.f32 v21, v6;
	v21 =	vmul.f32 v63, v4;
	[tilespmem:s6+$0x8280] =	vst v46;
	s6 =	sor.u32 $0x200, s0;
	v63 =	vld [tilespmem:s16+$0x280]  }
0x19b: {  	v26 =	vmovc v32;
	v32 =	vmov v36;
	v52 =	vadd.f32 v20, v8;
	v61 =	vld [tilespmem:s6+$0x100];
	v62 =	vmul.f32 v49, v2;
	[tilespmem:s4+$0x8100] =	vst v60  }
0x19c: {  	v36 =	vmovc v43;
	v50 =	vmul.f32 v40, v5;
	v40 =	vmovc v44;
	v27 =	vmov v31;
	v46 =	vadd.f32 v59, v7;
	v41 =	vld [tilespmem:s13+$0x10100]  }
0x19d: {  	v20 =	vmovc v23;
	v23 =	vmovc v28;
	v28 =	vmov v37;
	v59 =	vmul.f32 v51, v3;
	v37 =	vld [tilespmem:s21+$0x10100];
	v44 =	vadd.f32 v62, v6  }
0x19e: {  	v31 =	vmovc v38;
	v43 =	vadd.f32 v50, v9;
	v60 =	vmul.f32 v56, v4;
	v58 =	vadd.f32 v21, v8;
	v38 =	vld [tilespmem:s13+$0x10900]  }
0x19f: {  	v50 =	vadd.f32 v59, v7;
	v48 =	vmul.f32 v48, v17;
	v44 =	vmul.f32 v44, v36  }
0x1a0: {  	v51 =	vadd.f32 v60, v8;
	v21 =	vmovc v22;
	v49 =	vmul.f32 v63, v5;
	v53 =	vmul.f32 v61, v13  }
0x1a1: {  	v22 =	vmovc v30;
	v50 =	vmul.f32 v50, v36;
	v48 =	vadd.f32 v48, v19;
	v61 =	vmul.f32 v54, v41  }
0x1a2: {  	s22 =	smov.u32 s31;
	v30 =	vmovc v39;
	v39 =	vld [tilespmem:s21+$0x10900];
	v51 =	vmul.f32 v51, v36;
	v47 =	vmul.f32 v47, v41;
	v53 =	vadd.f32 v53, v15  }
0x1a3: {  	[dreg:$0x8] =	wrdreg s17;
	v57 =	vmul.f32 v57, v37;
	v54 =	vld [tilespmem:s22+$0x100];
	v48 =	vmul.f32 v48, v35;
	v35 =	vmovc v42;
	v42 =	vadd.f32 v61, v38  }
0x1a4: {  	s12 =	sadd.s32 $0x4, s12;
	[dreg:$0xa] =	wrdreg s8;
	s8 =	sadd.s32 $0x10, s7;
	v59 =	vld [tilespmem:s20+$0x100];
	v60 =	vmul.f32 v46, v37;
	v47 =	vadd.f32 v47, v38;
	v53 =	vmul.f32 v53, v35  }
0x1a5: {  	s14 =	sadd.s32 $0x40, s14;
	[dreg:$0x6] =	wrdreg s3;
	s3 =	sor.u32 $0x200, s8;
	v56 =	vld [tilespmem:s15+$0x100];
	v52 =	vmul.f32 v52, v41;
	v48 =	vadd.f32 v48, v34;
	v34 =	vmov v45;
	[tilespmem:s19+$0x8100] =	vst v42  }
0x1a6: {  	s1 =	sor.u32 $0x280, s8;
	s24 =	sor.u32 $0x300, s8;
	s8 =	sor.u32 $0x380, s8;
	v49 =	vadd.f32 v49, v9;
	v45 =	vmul.f32 v55, v41;
	v53 =	vadd.f32 v53, v34;
	v42 =	vld [tilespmem:s5+$0x100];
	[tilespmem:s19+$0x8180] =	vst v47  }
0x1a7: {  	p2 =	slt.u32 s12, $0x7C;
	[dreg:$0x17] =	wrdreg s8;
	v43 =	vmul.f32 v43, v37;
	v44 =	vadd.f32 v44, v40;
	v61 =	vld [tilespmem:s10+$0x100];
	v62 =	vadd.f32 v52, v38;
	[tilespmem:s30+$0x8100] =	vst v48;
	s30 =	smov.u32 s0  }
0x1a8: {  	s17 =	sor.u32 $0x280, s7;
	s8 =	sld [smem:$0x7EC];
	v57 =	vadd.f32 v57, v39;
	v55 =	vld [tilespmem:s11+$0x100];
	v52 =	vmul.f32 v54, v11;
	v63 =	vadd.f32 v45, v38;
	[tilespmem:s6+$0x8100] =	vst v53;
	s21 =	sor.u32 $0x280, s30  }
0x1a9: {  	s29 =	sor.u32 $0x200, s7;
	[dreg:$0x12] =	wrdreg s23;
	s9 =	sadd.s32 $0x20, s7;
	v43 =	vadd.f32 v43, v39;
	[tilespmem:s19+$0x8200] =	vst v62;
	v62 =	vmul.f32 v59, v11;
	v48 =	vmul.f32 v58, v37;
	v58 =	vld [tilespmem:s21+$0x100]  }
0x1aa: {  	s28 =	sor.u32 $0x200, s9;
	s31 =	sor.u32 $0x280, s9;
	s18 =	sor.u32 $0x300, s9;
	v46 =	vld [tilespmem:s26+$0x100];
	v56 =	vmul.f32 v56, v11;
	v47 =	vadd.f32 v60, v39;
	v54 =	vadd.f32 v50, v40;
	[tilespmem:s19+$0x8280] =	vst v63  }
0x1ab: {  	s9 =	sor.u32 $0x380, s9;
	[dreg:$0x1d] =	wrdreg s18;
	s18 =	sor.u32 $0x300, s7;
	v49 =	vmul.f32 v49, v36;
	[tilespmem:s25+$0x8100] =	vst v57;
	v50 =	vadd.f32 v62, v14;
	v52 =	vadd.f32 v52, v14;
	v60 =	vld [tilespmem:s3+$0x100]  }
.Ltmp1:
0x1ac: {  	[dreg:$0x15] =	wrdreg s9;
	s7 =	sor.u32 $0x380, s7;
	[tilespmem:s25+$0x8280] =	vst v43;
	v61 =	vmul.f32 v61, v16;
	v53 =	vadd.f32 v48, v39;
	v63 =	vadd.f32 v56, v14;
	(pc) =	sbr.rel @p2 .LBB2_5-.Ltmp1, $4  }
0x1ad: {  	s9 =	smov.u32 s8;
	s8 =	smov.u32 s24;
	s4 =	rddreg [dreg:$0x13];
	v45 =	vld [tilespmem:s23+$0x100];
	[tilespmem:s16+$0x8100] =	vst v44;
	v48 =	vadd.f32 v51, v40;
	v51 =	vmul.f32 v55, v16;
	v50 =	vmul.f32 v50, v32  }
0x1ae: {  	s24 =	smov.u32 s15;
	[dreg:$0x18] =	wrdreg s7;
	s15 =	smov.u32 s20;
	v49 =	vadd.f32 v49, v40;
	[tilespmem:s25+$0x8180] =	vst v47;
	v63 =	vmul.f32 v63, v29;
	v62 =	vmul.f32 v58, v11  }
0x1af: {  	s20 =	smov.u32 s10;
	s10 =	smov.u32 s11;
	s0 =	smov.u32 s26;
	v47 =	vadd.f32 v61, v18;
	[tilespmem:s25+$0x8200] =	vst v53;
	v43 =	vadd.f32 v51, v18;
	v51 =	vmul.f32 v52, v28  }
0x1b0: {  	s26 =	smov.u32 s5;
	s5 =	smov.u32 s22;
	s23 =	sld [smem:$0x7ED];
	[tilespmem:s16+$0x8180] =	vst v54;
	v53 =	vld [tilespmem:s28+$0x100];
	v52 =	vadd.f32 v63, v31;
	v55 =	vmul.f32 v60, v13;
	v54 =	vadd.f32 v62, v14  }
0x1b1: {  	[tilespmem:s16+$0x8200] =	vst v48  }
0x1b2: {  	[tilespmem:s16+$0x8280] =	vst v49  }
0x1b3: {  	v2 =	vld [tilespmem:s29+$0x100];
	_ =	sdelay $0x2  }
0x1b4: {  	v3 =	vadd.f32 v55, v15  }
0x1b5: {  	v4 =	vmul.f32 v53, v13  }
0x1b6: {  	v3 =	vmul.f32 v3, v41;
	v2 =	vmul.f32 v2, v13  }
0x1b7: {  	v4 =	vadd.f32 v4, v15  }
0x1b8: {  	v3 =	vadd.f32 v3, v38;
	v2 =	vadd.f32 v2, v15  }
0x1b9: {  	v4 =	vmul.f32 v4, v37  }
0x1ba: {  	[tilespmem:s3+$0x8100] =	vst v3;
	v2 =	vmul.f32 v2, v36  }
0x1bb: {  	v3 =	vadd.f32 v4, v39;
	v4 =	vld [tilespmem:s1+$0x100]  }
0x1bc: {  	v2 =	vadd.f32 v2, v40  }
0x1bd: {  	[tilespmem:s28+$0x8100] =	vst v3  }
0x1be: {  	v3 =	vld [tilespmem:s31+$0x100];
	[tilespmem:s29+$0x8100] =	vst v2;
	v2 =	vmul.f32 v54, v35  }
0x1bf: {  	v5 =	vld [tilespmem:s17+$0x100]  }
0x1c0: {  	v4 =	vmul.f32 v4, v11;
	v2 =	vadd.f32 v2, v34;
	_ =	sdelay $0x1  }
0x1c1: {  	[tilespmem:s21+$0x8100] =	vst v2;
	v2 =	vadd.f32 v4, v14  }
0x1c2: {  	v3 =	vmul.f32 v3, v11  }
0x1c3: {  	s2 =	sor.u32 $0x300, s30;
	v5 =	vmul.f32 v5, v11;
	v2 =	vmul.f32 v2, v41  }
0x1c4: {  	[tilespmem:s24+$0x8100] =	vst v52;
	v4 =	vld [tilespmem:s2+$0x100];
	v3 =	vadd.f32 v3, v14  }
0x1c5: {  	v6 =	vld [tilespmem:s9+$0x100];
	v5 =	vadd.f32 v5, v14;
	v2 =	vadd.f32 v2, v38  }
0x1c6: {  	v7 =	vadd.f32 v51, v30;
	v3 =	vmul.f32 v3, v37  }
0x1c7: {  	[tilespmem:s1+$0x8100] =	vst v2;
	v2 =	vadd.f32 v50, v33;
	v5 =	vmul.f32 v5, v36  }
0x1c8: {  	[tilespmem:s5+$0x8100] =	vst v7;
	v3 =	vadd.f32 v3, v39  }
0x1c9: {  	v4 =	vmul.f32 v4, v16;
	[tilespmem:s15+$0x8100] =	vst v2;
	v5 =	vadd.f32 v5, v40  }
0x1ca: {  	v6 =	vmul.f32 v6, v16;
	v7 =	vld [tilespmem:s8+$0x100];
	s4 =	rddreg [dreg:$0xe];
	[tilespmem:s31+$0x8100] =	vst v3  }
0x1cb: {  	v2 =	vadd.f32 v4, v18;
	v4 =	vld [tilespmem:s4+$0x100];
	s6 =	rddreg [dreg:$0x10];
	[tilespmem:s17+$0x8100] =	vst v5  }
0x1cc: {  	v6 =	vadd.f32 v6, v18;
	v9 =	vld [tilespmem:s6+$0x100];
	s31 =	rddreg [dreg:$0x1d]  }
0x1cd: {  	v8 =	vmul.f32 v47, v26;
	v11 =	vld [tilespmem:s31+$0x100]  }
0x1ce: {  	v13 =	vmul.f32 v46, v17;
	v6 =	vmul.f32 v6, v29;
	v14 =	vld [tilespmem:s18+$0x100]  }
0x1cf: {  	v8 =	vadd.f32 v8, v24;
	v2 =	vmul.f32 v2, v35;
	v7 =	vmul.f32 v7, v16  }
0x1d0: {  	v6 =	vadd.f32 v6, v31;
	v3 =	vmul.f32 v43, v23;
	v4 =	vmul.f32 v4, v16  }
0x1d1: {  	v2 =	vadd.f32 v2, v34;
	v7 =	vadd.f32 v7, v18;
	v9 =	vmul.f32 v9, v16  }
0x1d2: {  	v3 =	vadd.f32 v3, v22;
	[tilespmem:s9+$0x8100] =	vst v6;
	v4 =	vadd.f32 v4, v18;
	v11 =	vmul.f32 v11, v16  }
0x1d3: {  	s30 =	sor.u32 $0x380, s30;
	[tilespmem:s2+$0x8100] =	vst v2;
	v7 =	vmul.f32 v7, v41;
	v14 =	vmul.f32 v14, v16;
	v9 =	vadd.f32 v9, v18  }
0x1d4: {  	v5 =	vmul.f32 v42, v17;
	v6 =	vld [tilespmem:s30+$0x100];
	s5 =	rddreg [dreg:$0xc];
	[tilespmem:s10+$0x8100] =	vst v3;
	v3 =	vmul.f32 v4, v28;
	v4 =	vadd.f32 v11, v18  }
0x1d5: {  	[tilespmem:s20+$0x8100] =	vst v8;
	v15 =	vld [tilespmem:s5+$0x100];
	v7 =	vadd.f32 v7, v38;
	v11 =	vadd.f32 v14, v18;
	v9 =	vmul.f32 v9, v32  }
0x1d6: {  	v5 =	vadd.f32 v5, v19;
	s2 =	rddreg [dreg:$0x8];
	v3 =	vadd.f32 v3, v30;
	v4 =	vmul.f32 v4, v37  }
0x1d7: {  	v2 =	vmul.f32 v45, v17;
	s3 =	rddreg [dreg:$0x6];
	v8 =	vld [tilespmem:s2+$0x100];
	[tilespmem:s8+$0x8100] =	vst v7;
	v7 =	vadd.f32 v9, v33;
	v9 =	vmul.f32 v11, v36  }
0x1d8: {  	v13 =	vadd.f32 v13, v19;
	v5 =	vmul.f32 v5, v25;
	v14 =	vld [tilespmem:s3+$0x100];
	[tilespmem:s4+$0x8100] =	vst v3;
	v4 =	vadd.f32 v4, v39  }
0x1d9: {  	v2 =	vadd.f32 v2, v19;
	v6 =	vmul.f32 v6, v17;
	s7 =	rddreg [dreg:$0x17];
	[tilespmem:s6+$0x8100] =	vst v7;
	v9 =	vadd.f32 v9, v40  }
0x1da: {  	v3 =	vadd.f32 v5, v27;
	v5 =	vmul.f32 v15, v17;
	v11 =	vld [tilespmem:s7+$0x100];
	[tilespmem:s31+$0x8100] =	vst v4  }
0x1db: {  	v2 =	vmul.f32 v2, v10;
	v6 =	vadd.f32 v6, v19;
	v7 =	vmul.f32 v13, v20;
	v13 =	vld [tilespmem:s23+$0x100];
	s4 =	rddreg [dreg:$0xa];
	[tilespmem:s18+$0x8100] =	vst v9  }
0x1dc: {  	v4 =	vmul.f32 v8, v17;
	v5 =	vadd.f32 v5, v19;
	v8 =	vld [tilespmem:s4+$0x100];
	s6 =	rddreg [dreg:$0x15]  }
0x1dd: {  	v2 =	vadd.f32 v2, v12;
	v6 =	vmul.f32 v6, v35;
	v9 =	vmul.f32 v14, v17;
	s8 =	rddreg [dreg:$0x18];
	v10 =	vld [tilespmem:s6+$0x100]  }
0x1de: {  	v7 =	vadd.f32 v7, v21;
	v5 =	vmul.f32 v5, v29;
	v4 =	vadd.f32 v4, v19;
	v12 =	vld [tilespmem:s8+$0x100]  }
0x1df: {  	v6 =	vadd.f32 v6, v34;
	[tilespmem:s26+$0x8100] =	vst v3;
	v9 =	vadd.f32 v9, v19;
	v11 =	vmul.f32 v11, v17  }
0x1e0: {  	[tilespmem:s0+$0x8100] =	vst v7;
	v3 =	vadd.f32 v5, v31;
	v4 =	vmul.f32 v4, v23;
	v5 =	vmul.f32 v13, v17  }
0x1e1: {  	s0 =	rddreg [dreg:$0x12];
	v7 =	vmul.f32 v9, v26;
	v9 =	vadd.f32 v11, v19;
	v8 =	vmul.f32 v8, v17  }
0x1e2: {  	[tilespmem:s0+$0x8100] =	vst v2;
	v2 =	vadd.f32 v4, v22;
	v4 =	vadd.f32 v5, v19;
	v5 =	vmul.f32 v10, v17  }
0x1e3: {  	[tilespmem:s30+$0x8100] =	vst v6;
	v6 =	vmul.f32 v9, v41;
	v8 =	vadd.f32 v8, v19;
	v9 =	vmul.f32 v12, v17  }
0x1e4: {  	[tilespmem:s5+$0x8100] =	vst v3;
	v3 =	vadd.f32 v7, v24;
	v4 =	vmul.f32 v4, v28;
	v5 =	vadd.f32 v5, v19  }
0x1e5: {  	[tilespmem:s2+$0x8100] =	vst v2;
	v2 =	vadd.f32 v6, v38;
	v6 =	vmul.f32 v8, v32;
	v7 =	vadd.f32 v9, v19  }
0x1e6: {  	[tilespmem:s3+$0x8100] =	vst v3;
	v3 =	vadd.f32 v4, v30;
	v4 =	vmul.f32 v5, v37  }
0x1e7: {  	[tilespmem:s7+$0x8100] =	vst v2;
	v2 =	vadd.f32 v6, v33;
	v5 =	vmul.f32 v7, v36  }
0x1e8: {  	[tilespmem:s23+$0x8100] =	vst v3;
	v3 =	vadd.f32 v4, v39  }
0x1e9: {  	[tilespmem:s4+$0x8100] =	vst v2;
	v2 =	vadd.f32 v5, v40  }
0x1ea: {  	[tilespmem:s6+$0x8100] =	vst v3  }
0x1eb: {  	s3 =	sld [smem:$0x7F0];
	[tilespmem:s8+$0x8100] =	vst v2  }
0x1ec: {  	s0 =	sld [smem:$0x7F1];
	_ =	sdelay $0x1  }
0x1ed: {  	p0 =	seq.s32 s3, $0xF  }
0x1ee: {  	s0 =	sshrl.u32 @!p0 s0, $0x2  }
0x1ef: {  	v2 =	vld.msk @!p0 [tilespmem:s0+$0x10], $0xff;
	_ =	sdelay $0x4  }
0x1f0: {  	v3 =	vshll.u32 @!p0 v2, $0x4  }
0x1f1: {  	v4 =	vlaneseq.u32 @!p0;
	v2 =	vand.u32 @!p0 $0x7, v2;
	v3 =	vand.u32 @!p0 $0xFFFFFF80, v3  }
0x1f2: {  	v2 =	vor.u32 @!p0 v2, v3;
	v3 =	vand.u32 @!p0 $0x7, v4;
	v4 =	vshrl.u32 @!p0 v4, $0x3  }
0x1f3: {  	v2 =	vperm.xlane @!p0 v2, v3;
	v3 =	vmul.u32 @!p0 $0x8, v4;
	_ =	sdelay $0x1  }
0x1f4: {  	v2 =	vadd.s32 @!p0 v3, v2;
	_ =	sdelay $0x2  }
0x1f5: {  	s2 =	rddreg [dreg:$0x1]  }
0x1f6: {  	vm1 =	vmmov @!p0 $0xffff;
	s1 =	simm.s32 @!p0 $0x100;
	[smem:$0x7EA] =	sst s0;
	s0 =	simm.s32 @!p0 $0x0  }
0x1f7: {  	[tilespmem:s1], [sflag:$0x1] =	stream.indirect_vreg.gather @!p0 [hbm4b:s2+s0], $0x80, v2, vm1, $0xb8;
	[tilespmem:$0x11100] =	vst v63  }
0x1f8: {  	s2 =	sld [smem:$0x7F4];
	_ =	sdelay $0x1  }
0x1f9: {  	s1 =	simm.s32 @!p0 $0x900  }
0x1fa: {  	[tilespmem:s1], [sflag:$0x1] =	stream.indirect_vreg.gather @!p0 [hbm4b:s2+s0], $0x80, v2, vm1, $0xb8;
	[tilespmem:$0x11100] =	vst v63  }
0x1fb: {  	s2 =	sld [smem:$0x7F5];
	_ =	sdelay $0x1  }
0x1fc: {  	s1 =	simm.s32 @!p0 $0x1100  }
0x1fd: {  	[tilespmem:s1], [sflag:$0x1] =	stream.indirect_vreg.gather @!p0 [hbm4b:s2+s0], $0x80, v2, vm1, $0xb8;
	[tilespmem:$0x11100] =	vst v63  }
0x1fe: {  	s2 =	sld [smem:$0x7F6];
	_ =	sdelay $0x1  }
0x1ff: {  	s1 =	simm.s32 @!p0 $0x1900  }
0x200: {  	[tilespmem:s1], [sflag:$0x1] =	stream.indirect_vreg.gather @!p0 [hbm4b:s2+s0], $0x80, v2, vm1, $0xb8;
	[tilespmem:$0x11100] =	vst v63  }
0x201: {  	s2 =	sld [smem:$0x7F7];
	_ =	sdelay $0x1  }
0x202: {  	s1 =	simm.s32 @!p0 $0x2100  }
0x203: {  	[tilespmem:s1], [sflag:$0x1] =	stream.indirect_vreg.gather @!p0 [hbm4b:s2+s0], $0x80, v2, vm1, $0xb8;
	[tilespmem:$0x11100] =	vst v63  }
0x204: {  	s2 =	sld [smem:$0x7F8];
	_ =	sdelay $0x1  }
0x205: {  	s1 =	simm.s32 @!p0 $0x2900  }
0x206: {  	[tilespmem:s1], [sflag:$0x1] =	stream.indirect_vreg.gather @!p0 [hbm4b:s2+s0], $0x80, v2, vm1, $0xb8;
	[tilespmem:$0x11100] =	vst v63  }
0x207: {  	s2 =	sld [smem:$0x7F9];
	_ =	sdelay $0x1  }
0x208: {  	s1 =	simm.s32 @!p0 $0x3100  }
0x209: {  	[tilespmem:s1], [sflag:$0x1] =	stream.indirect_vreg.gather @!p0 [hbm4b:s2+s0], $0x80, v2, vm1, $0xb8;
	[tilespmem:$0x11100] =	vst v63  }
0x20a: {  	s2 =	sld [smem:$0x7FA]  }
0x20b: {  	s11 =	simm.s32 $0x2;
	s8 =	sld [smem:$0x7FC]  }
0x20c: {  	s9 =	simm.s32 $0x0;
	s7 =	sshll.u32 s3, $0xC;
	s1 =	simm.s32 @!p0 $0x3900  }
0x20d: {  	[tilespmem:s1], [sflag:$0x1] =	stream.indirect_vreg.gather @!p0 [hbm4b:s2+s0], $0x80, v2, vm1, $0xb8;
	[tilespmem:$0x11100] =	vst v63  }
0x20e: {  	s10 =	simm.s32 $0x8100;
	[smem:$0x7EB] =	sst s7;
	s0 =	sadd.s32 s7, s8  }
0x20f: {  	[hbm4b:s0+s9] =	stream.linear.scatter [tilespmem:s10], [sflag:$0x3], $0x4000, $0x38;
	[tilespmem:$0x11100] =	vst v63  }
0x210: {  	_ =	swait.ge [sflag:s11], $0x4000  }
0x211: {  	[sflag:s11] =	ssyncset.done $0x0  }
0x212: {  	s0 =	simm.s32 @!p1 $0x4;
	[sflag:s11] =	ssyncadd.s32 $0xFFFFC000  }
0x213: {  	s12 =	simm.s32 $0x0;
	_ =	swait.ge @!p1 [sflag:s0], $0x4000  }
0x214: {  	s13 =	sand.u32 $0x40, s12;
	s1 =	sand.u32 $0x3C00, s12;
	[sflag:s0] =	ssyncset.done @!p1 $0x0  }
0x215: {  	s14 =	sor.u32 s13, s1;
	[sflag:s0] =	ssyncadd.s32 @!p1 $0xFFFFC000  }
0x216: {  	v3 =	vld [tilespmem:s14+$0x4100]  }
0x217: {  	v4 =	vld [tilespmem:s14+$0x4180]  }
0x218: {  	v5 =	vld [tilespmem:s14+$0x4110]  }
0x219: {  	v6 =	vld [tilespmem:s14+$0x4190]  }
0x21a: {  	v7 =	vld [tilespmem:s14+$0x4120]  }
0x21b: {  	v9 =	vld [tilespmem:s14+$0x41A0]  }
0x21c: {  	v2 =	vimm.f32 $0.0e+00;
	v11 =	vld [tilespmem:s14+$0x4130];
	v8 =	vmul.f32 v3, v3  }
0x21d: {  	v13 =	vld [tilespmem:s14+$0x41B0];
	v10 =	vmul.f32 v4, v4;
	v3 =	vadd.f32 v3, v2  }
0x21e: {  	v14 =	vld [tilespmem:s14+$0x4200];
	v12 =	vmul.f32 v5, v5;
	v4 =	vadd.f32 v4, v2;
	v8 =	vadd.f32 v8, v2  }
0x21f: {  	s1 =	simm.s32 $0x1;
	p1 =	por $0x0, $0x0;
	v16 =	vld [tilespmem:s14+$0x4280];
	v15 =	vmul.f32 v6, v6;
	v10 =	vadd.f32 v10, v2;
	v3 =	vadd.f32 v5, v3  }
0x220: {  	s1 =	simm.s32 @!p1 $0x0;
	v18 =	vld [tilespmem:s14+$0x42A0];
	v4 =	vadd.f32 v6, v4;
	v5 =	vadd.f32 v12, v8;
	v8 =	vmul.f32 v7, v7  }
0x221: {  	s1 =	sshll.u32 s1, $0x6;
	v6 =	vadd.f32 v15, v10;
	v10 =	vld [tilespmem:s14+$0x4210];
	v12 =	vmul.f32 v9, v9;
	v3 =	vadd.f32 v7, v3  }
0x222: {  	s1 =	sadd.s32 $0x0, s1;
	v15 =	vld [tilespmem:s14+$0x4290];
	v7 =	vmul.f32 v11, v11;
	v5 =	vadd.f32 v8, v5;
	v8 =	vadd.f32 v9, v4  }
0x223: {  	s16 =	sor.u32 $0x280, s1;
	v6 =	vadd.f32 v12, v6;
	v9 =	vld [tilespmem:s14+$0x4220];
	v12 =	vmul.f32 v13, v13;
	v3 =	vadd.f32 v11, v3  }
0x224: {  	v20 =	vld [tilespmem:s16+$0x4100];
	v17 =	vmul.f32 v14, v14;
	v11 =	vadd.f32 v14, v2;
	v4 =	vadd.f32 v7, v5  }
0x225: {  	s15 =	sor.u32 $0x200, s1;
	v7 =	vmul.f32 v16, v16;
	v5 =	vadd.f32 v13, v8;
	v6 =	vadd.f32 v12, v6;
	v8 =	vld [tilespmem:s14+$0x4230]  }
0x226: {  	v12 =	vadd.f32 v17, v2;
	v16 =	vadd.f32 v16, v2;
	v17 =	vld [tilespmem:s15+$0x4100];
	v13 =	vmul.f32 v10, v10  }
0x227: {  	s17 =	sadd.s32 $0x10, s1;
	s25 =	sor.u32 $0x300, s1;
	v14 =	vld [tilespmem:s14+$0x42B0];
	v19 =	vmul.f32 v15, v15;
	v10 =	vadd.f32 v10, v11;
	v7 =	vadd.f32 v7, v2  }
0x228: {  	s18 =	sor.u32 $0x200, s17;
	v23 =	vld [tilespmem:s25+$0x4100];
	v11 =	vadd.f32 v13, v12;
	v12 =	vmul.f32 v9, v9;
	v13 =	vadd.f32 v15, v16  }
0x229: {  	s3 =	sadd.s32 $0x30, s1;
	s19 =	sor.u32 $0x280, s17;
	v15 =	vld [tilespmem:s18+$0x4100];
	v16 =	vmul.f32 v18, v18;
	v9 =	vadd.f32 v9, v10;
	v7 =	vadd.f32 v19, v7  }
0x22a: {  	s20 =	sadd.s32 $0x20, s1;
	s24 =	sor.u32 $0x280, s3;
	v19 =	vld [tilespmem:s19+$0x4100];
	v10 =	vadd.f32 v12, v11;
	v11 =	vmul.f32 v8, v8;
	v13 =	vadd.f32 v18, v13  }
0x22b: {  	s21 =	sor.u32 $0x200, s20;
	v22 =	vld [tilespmem:s24+$0x4100];
	v21 =	vmul.f32 v17, v17;
	v12 =	vadd.f32 v8, v9;
	v7 =	vadd.f32 v16, v7  }
0x22c: {  	s22 =	sor.u32 $0x280, s20;
	v18 =	vmul.f32 v14, v14;
	v16 =	vld [tilespmem:s21+$0x4100];
	v10 =	vadd.f32 v11, v10;
	v9 =	vadd.f32 v14, v13  }
0x22d: {  	s23 =	sor.u32 $0x200, s3;
	v25 =	vld [tilespmem:s22+$0x4100];
	v11 =	vmul.f32 v20, v20;
	v13 =	vadd.f32 v17, v2;
	v14 =	vadd.f32 v21, v2  }
0x22e: {  	v8 =	vadd.f32 v18, v7;
	v7 =	vld [tilespmem:s23+$0x4100];
	v17 =	vmul.f32 v15, v15;
	v18 =	vadd.f32 v20, v2  }
0x22f: {  	v11 =	vadd.f32 v11, v2;
	v20 =	vmul.f32 v19, v19;
	v13 =	vadd.f32 v15, v13  }
0x230: {  	s26 =	sor.u32 $0x380, s1;
	v14 =	vadd.f32 v17, v14;
	v17 =	vadd.f32 v19, v18  }
0x231: {  	s28 =	sor.u32 $0x300, s17;
	v26 =	vmul.f32 v22, v22;
	v21 =	vld [tilespmem:s26+$0x4100];
	v15 =	vmul.f32 v16, v16;
	v11 =	vadd.f32 v20, v11  }
0x232: {  	s29 =	sor.u32 $0x380, s17;
	v24 =	vld [tilespmem:s28+$0x4100];
	v18 =	vmul.f32 v25, v25;
	v13 =	vadd.f32 v16, v13;
	v17 =	vadd.f32 v25, v17  }
0x233: {  	s30 =	sor.u32 $0x300, s20;
	v20 =	vld [tilespmem:s29+$0x4100];
	v25 =	vmul.f32 v23, v23;
	v14 =	vadd.f32 v15, v14;
	v15 =	vmul.f32 v7, v7  }
0x234: {  	s2 =	simm.s32 $0x40;
	s31 =	sor.u32 $0x380, s20;
	v19 =	vld [tilespmem:s30+$0x4100];
	v18 =	vadd.f32 v18, v11;
	v11 =	vadd.f32 v7, v13;
	v13 =	vimm.f32 $0.0e+00  }
0x235: {  	s0 =	simm.s32 $0x0;
	s1 =	simm.s32 $0x200;
	s4 =	sor.u32 $0x300, s3;
	v16 =	vld [tilespmem:s31+$0x4100];
	v7 =	vadd.f32 v15, v14;
	v15 =	vimm.f32 $0.0e+00;
	v14 =	vimm.f32 $0.0e+00  }
.LBB2_7:
0x236: {  	s5 =	sand.u32 $0x40, s2;
	s6 =	sand.u32 $0x3C00, s1;
	v27 =	vmul.f32 v21, v21;
	v17 =	vadd.f32 v22, v17;
	v18 =	vadd.f32 v26, v18;
	v22 =	vld [tilespmem:s4+$0x4100];
	s4 =	sor.u32 $0x380, s3  }
0x237: {  	v2 =	vadd.f32 v23, v2;
	s3 =	sor.u32 s5, s6;
	v15 =	vadd.f32 v25, v15;
	v23 =	vmul.f32 v24, v24;
	v25 =	vld [tilespmem:s4+$0x4100]  }
0x238: {  	v13 =	vadd.f32 v21, v13;
	v26 =	vld [tilespmem:s3+$0x4100];
	v14 =	vadd.f32 v27, v14;
	v21 =	vmul.f32 v20, v20  }
0x239: {  	v2 =	vadd.f32 v24, v2;
	v27 =	vld [tilespmem:s3+$0x4180];
	v15 =	vadd.f32 v23, v15;
	v23 =	vmul.f32 v19, v19  }
0x23a: {  	v13 =	vadd.f32 v20, v13;
	v24 =	vld [tilespmem:s3+$0x4110];
	v14 =	vadd.f32 v21, v14;
	v20 =	vmul.f32 v16, v16  }
0x23b: {  	v2 =	vadd.f32 v19, v2;
	v21 =	vld [tilespmem:s3+$0x4190];
	v15 =	vadd.f32 v23, v15;
	v19 =	vmul.f32 v22, v22  }
0x23c: {  	v13 =	vadd.f32 v16, v13;
	v23 =	vld [tilespmem:s3+$0x4120];
	v14 =	vadd.f32 v20, v14;
	v16 =	vmul.f32 v25, v25  }
0x23d: {  	v2 =	vadd.f32 v22, v2;
	v20 =	vmul.f32 v26, v26;
	v28 =	vld [tilespmem:s3+$0x41A0];
	v15 =	vadd.f32 v19, v15  }
0x23e: {  	v13 =	vadd.f32 v25, v13;
	v19 =	vmul.f32 v27, v27;
	v22 =	vld [tilespmem:s3+$0x4130];
	v14 =	vadd.f32 v16, v14  }
0x23f: {  	v3 =	vadd.f32 v26, v3;
	v4 =	vadd.f32 v20, v4;
	v16 =	vmul.f32 v24, v24;
	v20 =	vld [tilespmem:s3+$0x41B0]  }
0x240: {  	v5 =	vadd.f32 v27, v5;
	v6 =	vadd.f32 v19, v6;
	v19 =	vld [tilespmem:s3+$0x4200];
	v25 =	vmul.f32 v21, v21  }
0x241: {  	v3 =	vadd.f32 v24, v3;
	v26 =	vld [tilespmem:s3+$0x4280];
	v4 =	vadd.f32 v16, v4;
	v16 =	vmul.f32 v23, v23  }
0x242: {  	v5 =	vadd.f32 v21, v5;
	v6 =	vadd.f32 v25, v6;
	v21 =	vld [tilespmem:s3+$0x4210];
	v24 =	vmul.f32 v28, v28  }
0x243: {  	p1 =	por !p1, !p1;
	s4 =	simm.s32 $0x1;
	v3 =	vadd.f32 v23, v3;
	v25 =	vld [tilespmem:s3+$0x4290];
	v4 =	vadd.f32 v16, v4;
	v16 =	vmul.f32 v22, v22  }
0x244: {  	s4 =	simm.s32 @!p1 $0x0;
	v5 =	vadd.f32 v28, v5;
	v6 =	vadd.f32 v24, v6;
	v23 =	vld [tilespmem:s3+$0x4220];
	v24 =	vmul.f32 v20, v20  }
0x245: {  	s4 =	sshll.u32 s4, $0x6;
	v3 =	vadd.f32 v22, v3;
	v27 =	vmul.f32 v19, v19;
	v28 =	vld [tilespmem:s3+$0x42A0];
	v4 =	vadd.f32 v16, v4  }
0x246: {  	s4 =	sadd.s32 s4, s1;
	v5 =	vadd.f32 v20, v5;
	v16 =	vmul.f32 v26, v26;
	v6 =	vadd.f32 v24, v6;
	v20 =	vld [tilespmem:s3+$0x4230]  }
0x247: {  	s5 =	sor.u32 $0x200, s4;
	v12 =	vadd.f32 v19, v12;
	v10 =	vadd.f32 v27, v10;
	v19 =	vmul.f32 v21, v21;
	v22 =	vld [tilespmem:s3+$0x42B0]  }
0x248: {  	v9 =	vadd.f32 v26, v9;
	s3 =	sor.u32 $0x280, s4;
	v8 =	vadd.f32 v16, v8;
	v16 =	vld [tilespmem:s5+$0x4100];
	v24 =	vmul.f32 v25, v25;
	s5 =	sadd.s32 $0x10, s4  }
0x249: {  	v12 =	vadd.f32 v21, v12;
	v26 =	vld [tilespmem:s3+$0x4100];
	v10 =	vadd.f32 v19, v10;
	s3 =	sor.u32 $0x200, s5;
	v19 =	vmul.f32 v23, v23  }
0x24a: {  	s6 =	sadd.s32 $0x20, s4;
	v9 =	vadd.f32 v25, v9;
	v8 =	vadd.f32 v24, v8;
	v24 =	vld [tilespmem:s3+$0x4100];
	s3 =	sor.u32 $0x280, s5;
	v21 =	vmul.f32 v28, v28  }
0x24b: {  	v12 =	vadd.f32 v23, v12;
	v25 =	vld [tilespmem:s3+$0x4100];
	v10 =	vadd.f32 v19, v10;
	s3 =	sor.u32 $0x200, s6;
	v19 =	vmul.f32 v20, v20  }
0x24c: {  	s7 =	sor.u32 $0x280, s6;
	v9 =	vadd.f32 v28, v9;
	v8 =	vadd.f32 v21, v8;
	v27 =	vld [tilespmem:s3+$0x4100];
	v21 =	vmul.f32 v22, v22;
	s3 =	sadd.s32 $0x30, s4  }
0x24d: {  	s0 =	sadd.s32 $0x4, s0;
	v12 =	vadd.f32 v20, v12;
	v23 =	vmul.f32 v16, v16;
	v28 =	vld [tilespmem:s7+$0x4100];
	v10 =	vadd.f32 v19, v10;
	s7 =	sor.u32 $0x200, s3  }
0x24e: {  	p2 =	slt.u32 s0, $0x7C;
	v9 =	vadd.f32 v22, v9;
	v19 =	vmul.f32 v26, v26;
	v8 =	vadd.f32 v21, v8;
	v29 =	vld [tilespmem:s7+$0x4100];
	s7 =	sor.u32 $0x280, s3  }
0x24f: {  	s8 =	sor.u32 $0x300, s4;
	v11 =	vadd.f32 v16, v11;
	v7 =	vadd.f32 v23, v7;
	v16 =	vmul.f32 v24, v24;
	v22 =	vld [tilespmem:s7+$0x4100]  }
0x250: {  	s4 =	sor.u32 $0x380, s4;
	v17 =	vadd.f32 v26, v17;
	v18 =	vadd.f32 v19, v18;
	v23 =	vld [tilespmem:s8+$0x4100];
	v19 =	vmul.f32 v25, v25  }
.Ltmp2:
0x251: {  	v11 =	vadd.f32 v24, v11;
	v21 =	vld [tilespmem:s4+$0x4100];
	v7 =	vadd.f32 v16, v7;
	s4 =	sor.u32 $0x300, s5;
	v16 =	vmul.f32 v27, v27;
	(pc) =	sbr.rel @p2 .LBB2_7-.Ltmp2, $4  }
0x252: {  	v17 =	vadd.f32 v25, v17;
	v18 =	vadd.f32 v19, v18;
	v24 =	vld [tilespmem:s4+$0x4100];
	s4 =	sor.u32 $0x380, s5;
	v19 =	vmul.f32 v28, v28  }
0x253: {  	v11 =	vadd.f32 v27, v11;
	v20 =	vld [tilespmem:s4+$0x4100];
	v7 =	vadd.f32 v16, v7;
	s4 =	sor.u32 $0x300, s6;
	v27 =	vmul.f32 v29, v29  }
0x254: {  	v17 =	vadd.f32 v28, v17;
	v18 =	vadd.f32 v19, v18;
	v19 =	vld [tilespmem:s4+$0x4100];
	s4 =	sor.u32 $0x380, s6;
	v26 =	vmul.f32 v22, v22  }
0x255: {  	s2 =	sadd.s32 $0x40, s2;
	s1 =	sadd.s32 $0x200, s1;
	v11 =	vadd.f32 v29, v11;
	v25 =	vmul.f32 v23, v23;
	v16 =	vld [tilespmem:s4+$0x4100];
	v7 =	vadd.f32 v27, v7;
	s4 =	sor.u32 $0x300, s3  }
0x256: {  	(xrf2) =	vadd.scan.msk.f32 $0xffff, v3;
	_ =	sdelay $0x1  }
0x257: {  	(xrf2) =	vadd.scan.msk.f32 $0xffff, v4;
	_ =	sdelay $0x1  }
0x258: {  	(xrf2) =	vadd.scan.msk.f32 $0xffff, v5;
	_ =	sdelay $0x1  }
0x259: {  	(xrf2) =	vadd.scan.msk.f32 $0xffff, v6;
	_ =	sdelay $0x3  }
0x25a: {  	v3, _, _ =	vpop (xrf2)  }
0x25b: {  	v3 =	vmul.f32 $4.882812500e-04, v3  }
0x25c: {  	v4, _, _ =	vpop (xrf2)  }
0x25d: {  	v4 =	vmul.f32 $4.882812500e-04, v4;
	v5 =	vmul.f32 v3, v3  }
0x25e: {  	v6, _, _ =	vpop (xrf2)  }
0x25f: {  	(xrf2) =	vadd.scan.msk.f32 $0xffff, v12;
	v4 =	vsub.f32 v4, v5;
	v5 =	vmul.f32 $4.882812500e-04, v6  }
0x260: {  	v6, _, _ =	vpop (xrf2)  }
0x261: {  	(xrf2) =	vadd.scan.msk.f32 $0xffff, v10;
	v6 =	vmul.f32 $4.882812500e-04, v6;
	v4 =	vadd.f32 $9.999999740e-06, v4;
	v27 =	vmul.f32 v5, v5;
	_ =	sdelay $0x1  }
0x262: {  	v4 =	vbroadcast v4, $0xF;
	v6 =	vsub.f32 v6, v27;
	_ =	sdelay $0x1  }
0x263: {  	v12 =	vshrl.u32 v4, $0x1;
	v4 =	vmul.f32 $5.000000000e-01, v4;
	v6 =	vadd.f32 $9.999999740e-06, v6  }
0x264: {  	v2 =	vadd.f32 v23, v2;
	(xrf2) =	vadd.scan.msk.f32 $0xffff, v9;
	v9 =	vmul.f32 v21, v21;
	v10 =	vsub.s32 $0x5F3759DF, v12  }
0x265: {  	v15 =	vadd.f32 v25, v15;
	v12 =	vmul.f32 v10, v4;
	v6 =	vbroadcast v6, $0xF  }
0x266: {  	v23 =	vmul.f32 v24, v24;
	v9 =	vadd.f32 v9, v14;
	(xrf2) =	vadd.scan.msk.f32 $0xffff, v8;
	v8 =	vadd.f32 v22, v17  }
0x267: {  	v14, _, _ =	vpop (xrf2);
	v12 =	vmul.f32 v10, v12;
	v27 =	vshrl.u32 v6, $0x1;
	v6 =	vmul.f32 $5.000000000e-01, v6  }
0x268: {  	v17 =	vadd.f32 v26, v18;
	v14 =	vmul.f32 $4.882812500e-04, v14;
	v18 =	vsub.s32 $0x5F3759DF, v27  }
0x269: {  	v26, _, _ =	vpop (xrf2);
	v12 =	vsub.f32 $1.500000000e+00, v12;
	v22 =	vmul.f32 v18, v6  }
0x26a: {  	v15 =	vadd.f32 v23, v15;
	v23 =	vmul.f32 $4.882812500e-04, v26;
	v26 =	vmul.f32 v14, v14  }
0x26b: {  	v10 =	vmul.f32 v10, v12;
	v12 =	vmul.f32 v18, v22;
	_ =	sdelay $0x1  }
0x26c: {  	v23 =	vsub.f32 v23, v26;
	v25 =	vmul.f32 v10, v4;
	v12 =	vsub.f32 $1.500000000e+00, v12;
	_ =	sdelay $0x1  }
0x26d: {  	(xrf2) =	vadd.scan.msk.f32 $0xffff, v11;
	v23 =	vadd.f32 $9.999999740e-06, v23;
	v11 =	vmul.f32 v25, v10;
	v12 =	vmul.f32 v18, v12;
	v18, _, _ =	vpop (xrf2)  }
0x26e: {  	v2 =	vadd.f32 v24, v2;
	v24 =	vmul.f32 v19, v19;
	(xrf2) =	vadd.scan.msk.f32 $0xffff, v7;
	v18 =	vmul.f32 $4.882812500e-04, v18  }
0x26f: {  	v23 =	vbroadcast v23, $0xF;
	v26, _, _ =	vpop (xrf2);
	v11 =	vsub.f32 $1.500000000e+00, v11;
	v25 =	vmul.f32 v12, v6  }
0x270: {  	v13 =	vadd.f32 v21, v13;
	v21 =	vld [tilespmem:s4+$0x4100];
	v26 =	vmul.f32 $4.882812500e-04, v26;
	v28 =	vmul.f32 v18, v18  }
0x271: {  	v11 =	vmul.f32 v11, v10;
	v10 =	vmul.f32 v25, v12  }
0x272: {  	v3 =	vbroadcast v3, $0xF;
	(xrf2) =	vadd.scan.msk.f32 $0xffff, v8;
	v8 =	vshrl.u32 v23, $0x1;
	v23 =	vmul.f32 $5.000000000e-01, v23  }
0x273: {  	v8 =	vsub.s32 $0x5F3759DF, v8;
	v25 =	vsub.f32 v26, v28;
	v10 =	vsub.f32 $1.500000000e+00, v10  }
0x274: {  	(xrf2) =	vadd.scan.msk.f32 $0xffff, v17;
	v17 =	vadd.f32 v19, v2;
	v2 =	vmul.f32 v8, v23;
	v4 =	vmul.f32 v11, v4  }
0x275: {  	v5 =	vbroadcast v5, $0xF;
	v7 =	vmul.f32 v21, v21;
	v25 =	vadd.f32 $9.999999740e-06, v25  }
0x276: {  	v4 =	vmul.f32 v4, v11;
	v12 =	vmul.f32 v10, v12  }
0x277: {  	v15 =	vadd.f32 v24, v15;
	v24 =	vmul.f32 v8, v2;
	v19 =	vbroadcast v25, $0xF;
	v10, _, _ =	vpop (xrf2)  }
0x278: {  	v6 =	vmul.f32 v12, v6;
	v4 =	vsub.f32 $1.500000000e+00, v4;
	v10 =	vmul.f32 $4.882812500e-04, v10;
	v2, _, _ =	vpop (xrf2)  }
0x279: {  	v25 =	vmul.f32 $5.000000000e-01, v19;
	v26 =	vmul.f32 $4.882812500e-04, v2  }
0x27a: {  	v19 =	vshrl.u32 v19, $0x1;
	v2 =	vmul.f32 v4, v11;
	v4 =	vmul.f32 v6, v12  }
0x27b: {  	v6 =	vsub.s32 $0x5F3759DF, v19;
	v11 =	vsub.f32 $1.500000000e+00, v24;
	v28 =	vmul.f32 v10, v10  }
0x27c: {  	v13 =	vadd.f32 v20, v13;
	v22 =	vmul.f32 v20, v20;
	v19 =	vmul.f32 v6, v25  }
0x27d: {  	v24 =	vsub.f32 v26, v28;
	v26 =	vmul.f32 v2, v3;
	v3 =	vsub.f32 $1.500000000e+00, v4  }
0x27e: {  	v17 =	vadd.f32 v21, v17;
	v4 =	vmul.f32 v8, v11;
	v8 =	vmul.f32 v6, v19  }
0x27f: {  	v20 =	vmul.f32 v16, v16;
	v11, _, _ =	vpop (xrf2);
	v19 =	vadd.f32 $9.999999740e-06, v24;
	v3 =	vmul.f32 v3, v12  }
0x280: {  	s0 =	sor.u32 $0x380, s3;
	(xrf2) =	vadd.scan.msk.f32 $0xffff, v17;
	v11 =	vmul.f32 $4.882812500e-04, v11;
	v12 =	vmul.f32 v4, v23;
	v8 =	vsub.f32 $1.500000000e+00, v8;
	v21, _, _ =	vpop (xrf2)  }
0x281: {  	v7 =	vadd.f32 v7, v15;
	v27 =	vld [tilespmem:s0+$0x4100];
	v15 =	vmul.f32 $4.882812500e-04, v21;
	v19 =	vbroadcast v19, $0xF  }
0x282: {  	v13 =	vadd.f32 v16, v13;
	v21 =	vmul.f32 v11, v11;
	v6 =	vmul.f32 v6, v8  }
0x283: {  	v9 =	vadd.f32 v22, v9;
	(xrf2) =	vadd.scan.msk.f32 $0xffff, v7;
	v12 =	vmul.f32 v12, v4;
	v7 =	vmul.f32 v3, v5  }
0x284: {  	v8 =	vshrl.u32 v19, $0x1;
	v19 =	vmul.f32 $5.000000000e-01, v19;
	v15 =	vsub.f32 v15, v21  }
0x285: {  	v16 =	vmul.f32 v6, v25;
	v5 =	vsub.f32 $1.500000000e+00, v12;
	v8 =	vsub.s32 $0x5F3759DF, v8  }
0x286: {  	v22 =	vmul.f32 v27, v27;
	v17 =	vmul.f32 v8, v19;
	v12 =	vadd.f32 $9.999999740e-06, v15  }
0x287: {  	v9 =	vadd.f32 v20, v9;
	v15 =	vmul.f32 v16, v6;
	v4 =	vmul.f32 v5, v4  }
0x288: {  	v13 =	vadd.f32 v27, v13;
	v16 =	vmul.f32 v8, v17;
	v5 =	vbroadcast v12, $0xF  }
0x289: {  	s12 =	simm.s32 $0x0;
	v9 =	vadd.f32 v22, v9;
	v12 =	vbroadcast v14, $0xF;
	v14 =	vsub.f32 $1.500000000e+00, v15  }
0x28a: {  	s1 =	sand.u32 $0x40, s12;
	v21, _, _ =	vpop (xrf2);
	v15 =	vsub.f32 $1.500000000e+00, v16;
	v16 =	vmul.f32 v4, v23;
	v20 =	vmul.f32 $5.000000000e-01, v5  }
0x28b: {  	s13 =	sand.u32 $0x3C00, s12;
	s5 =	sor.u32 $0x30, s1;
	v17 =	vshrl.u32 v5, $0x1;
	v5 =	vmul.f32 v14, v6;
	v21 =	vmul.f32 $4.882812500e-04, v21  }
0x28c: {  	s14 =	sor.u32 s13, s5;
	(xrf2) =	vadd.scan.msk.f32 $0xffff, v13;
	v6 =	vmul.f32 v8, v15;
	v8 =	vsub.s32 $0x5F3759DF, v17;
	v14 =	vmul.f32 v16, v4  }
0x28d: {  	v22 =	vld [tilespmem:s14+$0x4200];
	(xrf2) =	vadd.scan.msk.f32 $0xffff, v9;
	v9, _, _ =	vpop (xrf2);
	v16 =	vmul.f32 v5, v25;
	v15 =	vmul.f32 v8, v20  }
0x28e: {  	v9 =	vmul.f32 $4.882812500e-04, v9;
	v17 =	vmul.f32 v6, v19;
	v14 =	vsub.f32 $1.500000000e+00, v14  }
0x28f: {  	v13 =	vmul.f32 v8, v15;
	v15 =	vmul.f32 v16, v5  }
0x290: {  	v16 =	vmul.f32 v17, v6;
	v4 =	vmul.f32 v14, v4  }
0x291: {  	v24 =	vld [tilespmem:s14+$0x4280];
	v17 =	vmul.f32 v21, v21;
	v13 =	vsub.f32 $1.500000000e+00, v13;
	v14 =	vsub.f32 $1.500000000e+00, v15  }
0x292: {  	v15 =	vsub.f32 $1.500000000e+00, v16;
	v16 =	vbroadcast v18, $0xF;
	v22 =	vmul.f32 v22, v4  }
0x293: {  	v18 =	vld [tilespmem:s14+$0x4180];
	v13 =	vmul.f32 v8, v13;
	v8 =	vsub.f32 v9, v17;
	v5 =	vmul.f32 v14, v5  }
0x294: {  	v9 =	vmul.f32 v4, v12;
	v14 =	vmul.f32 v15, v6  }
0x295: {  	v12 =	vmul.f32 v13, v20;
	v8 =	vadd.f32 $9.999999740e-06, v8;
	v16 =	vmul.f32 v5, v16  }
0x296: {  	v15 =	vld [tilespmem:s14+$0x4100];
	v6 =	vsub.f32 $0.0e+00, v26;
	v24 =	vmul.f32 v24, v5;
	v17 =	vmul.f32 v14, v19  }
0x297: {  	s2 =	sand.u32 $0x780, s12;
	v23, _, _ =	vpop (xrf2);
	v12 =	vmul.f32 v12, v13;
	v19 =	vbroadcast v8, $0xF;
	v8 =	vsub.f32 $0.0e+00, v9  }
0x298: {  	s0 =	sor.u32 s2, s5;
	v26, _, _ =	vpop (xrf2);
	v9 =	vsub.f32 $0.0e+00, v16;
	v18 =	vmul.f32 v18, v3;
	v16 =	vmul.f32 v17, v14  }
0x299: {  	v35 =	vld [tilespmem:s0+$0x10100];
	v7 =	vsub.f32 $0.0e+00, v7;
	v17 =	vmul.f32 $4.882812500e-04, v23;
	v23 =	vmul.f32 $4.882812500e-04, v26  }
0x29a: {  	v12 =	vsub.f32 $1.500000000e+00, v12;
	v25 =	vmul.f32 $5.000000000e-01, v19;
	v19 =	vshrl.u32 v19, $0x1  }
0x29b: {  	v34 =	vld [tilespmem:s0+$0x10900];
	v15 =	vmul.f32 v15, v2;
	v19 =	vsub.s32 $0x5F3759DF, v19;
	v26 =	vmul.f32 v17, v17  }
0x29c: {  	v18 =	vadd.f32 v18, v7;
	v22 =	vadd.f32 v22, v8;
	v27 =	vmul.f32 v19, v25  }
0x29d: {  	v15 =	vadd.f32 v15, v6;
	v23 =	vsub.f32 v23, v26  }
0x29e: {  	v24 =	vadd.f32 v24, v9;
	v18 =	vmul.f32 v18, v35;
	v26 =	vmul.f32 v19, v27  }
0x29f: {  	v22 =	vmul.f32 v22, v35;
	v15 =	vmul.f32 v15, v35;
	v23 =	vadd.f32 $9.999999740e-06, v23  }
0x2a0: {  	p1 =	por $0x0, $0x0;
	s0 =	simm.s32 $0x1;
	v12 =	vmul.f32 v12, v13;
	v18 =	vadd.f32 v18, v34;
	v26 =	vsub.f32 $1.500000000e+00, v26  }
0x2a1: {  	s0 =	simm.s32 @!p1 $0x0;
	v24 =	vmul.f32 v24, v35;
	v15 =	vadd.f32 v15, v34;
	v23 =	vbroadcast v23, $0xF  }
0x2a2: {  	s0 =	sshll.u32 s0, $0x6;
	v13 =	vadd.f32 v22, v34;
	v20 =	vmul.f32 v12, v20;
	[tilespmem:s14+$0xC180] =	vst v18;
	v26 =	vmul.f32 v19, v26  }
0x2a3: {  	s8 =	sor.u32 $0x20, s1;
	s31 =	sadd.s32 $0x0, s0;
	v18 =	vadd.f32 v24, v34;
	[tilespmem:s14+$0xC100] =	vst v15;
	v15 =	vshrl.u32 v23, $0x1;
	v19 =	vmul.f32 $5.000000000e-01, v23  }
0x2a4: {  	s16 =	sor.u32 s13, s8;
	s0 =	sadd.s32 $0x30, s31;
	v30 =	vbroadcast v21, $0xF;
	[tilespmem:s14+$0xC200] =	vst v13;
	v22 =	vmul.f32 v26, v25;
	v23 =	vsub.s32 $0x5F3759DF, v15  }
0x2a5: {  	s6 =	sor.u32 $0x10, s1;
	s7 =	sor.u32 $0x200, s0;
	v21 =	vld [tilespmem:s16+$0x4280];
	v13 =	vsub.f32 $1.500000000e+00, v16;
	v16 =	vmul.f32 v20, v12;
	[tilespmem:s14+$0xC280] =	vst v18;
	v15 =	vmul.f32 v23, v19  }
0x2a6: {  	s17 =	sor.u32 s2, s6;
	v10 =	vbroadcast v10, $0xF;
	v20 =	vld [tilespmem:s7+$0x4100];
	v18 =	vmul.f32 v22, v26  }
0x2a7: {  	s15 =	sor.u32 s13, s6;
	v36 =	vld [tilespmem:s17+$0x10100];
	v13 =	vmul.f32 v13, v14;
	v14 =	vmul.f32 v23, v15;
	v15 =	vsub.f32 $1.500000000e+00, v16  }
0x2a8: {  	v24 =	vbroadcast v11, $0xF;
	v16 =	vsub.f32 $1.500000000e+00, v18;
	v18 =	vld [tilespmem:s15+$0x4180]  }
0x2a9: {  	v10 =	vmul.f32 v13, v10;
	v14 =	vsub.f32 $1.500000000e+00, v14;
	v11 =	vmul.f32 v15, v12;
	v12 =	vld [tilespmem:s15+$0x4280]  }
0x2aa: {  	v21 =	vmul.f32 v21, v5;
	v22 =	vld [tilespmem:s15+$0x4100];
	v16 =	vmul.f32 v16, v26  }
0x2ab: {  	v15 =	vsub.f32 $0.0e+00, v10;
	v10 =	vld [tilespmem:s16+$0x4100];
	v23 =	vmul.f32 v23, v14;
	v14 =	vmul.f32 v20, v13  }
0x2ac: {  	v27 =	vld [tilespmem:s15+$0x4200];
	v24 =	vmul.f32 v11, v24;
	v20 =	vmul.f32 v16, v25  }
0x2ad: {  	v25 =	vld [tilespmem:s16+$0x4180];
	v26 =	vmul.f32 v23, v19;
	v29 =	vadd.f32 v14, v15;
	v18 =	vmul.f32 v18, v3  }
0x2ae: {  	s3 =	sor.u32 s1, s13;
	v28 =	vld [tilespmem:s16+$0x4200];
	v39 =	vadd.f32 v21, v9;
	v20 =	vmul.f32 v20, v16;
	v12 =	vmul.f32 v12, v5  }
0x2af: {  	v14 =	vsub.f32 $0.0e+00, v24;
	v24 =	vmul.f32 v26, v23;
	v26 =	vld [tilespmem:s3+$0x4100];
	v29 =	vmul.f32 v29, v35  }
0x2b0: {  	v33 =	vld [tilespmem:s3+$0x4200];
	v10 =	vmul.f32 v10, v2;
	v31 =	vsub.f32 $1.500000000e+00, v20;
	v20 =	vmul.f32 v22, v2  }
0x2b1: {  	v37 =	vld [tilespmem:s17+$0x10900];
	v18 =	vadd.f32 v18, v7;
	v22 =	vmul.f32 v27, v4;
	v29 =	vadd.f32 v29, v34  }
0x2b2: {  	s2 =	sor.u32 s2, s8;
	v27 =	vld [tilespmem:s3+$0x4180];
	v12 =	vadd.f32 v12, v9;
	v25 =	vmul.f32 v25, v3;
	v32 =	vadd.f32 v20, v6  }
0x2b3: {  	s18 =	sor.u32 $0x280, s0;
	v22 =	vadd.f32 v22, v8;
	v20 =	vld [tilespmem:s2+$0x10100];
	[tilespmem:s7+$0xC100] =	vst v29;
	v29 =	vadd.f32 v10, v6;
	v10 =	vmul.f32 v28, v4  }
0x2b4: {  	v12 =	vmul.f32 v12, v36;
	v25 =	vadd.f32 v25, v7;
	v28 =	vld [tilespmem:s18+$0x4100];
	v26 =	vmul.f32 v26, v2  }
0x2b5: {  	v21 =	vld [tilespmem:s2+$0x10900];
	v32 =	vmul.f32 v32, v36;
	v38 =	vadd.f32 v10, v8;
	v10 =	vmul.f32 v18, v36  }
0x2b6: {  	s19 =	simm.s32 $0x10100;
	v46 =	vld [tilespmem:s3+$0x4280];
	v22 =	vmul.f32 v22, v36;
	v47 =	vadd.f32 v12, v37;
	v18 =	vadd.f32 v26, v6  }
0x2b7: {  	v27 =	vmul.f32 v27, v3;
	v26 =	vadd.f32 v32, v37;
	v40 =	vadd.f32 v10, v37;
	v10 =	vld [tilespmem:s19+$0x0]  }
0x2b8: {  	s20 =	simm.s32 $0x40;
	s21 =	simm.s32 $0x10900;
	v22 =	vadd.f32 v22, v37;
	[tilespmem:s15+$0xC280] =	vst v47;
	v29 =	vmul.f32 v29, v20;
	v25 =	vmul.f32 v25, v20  }
0x2b9: {  	s23 =	simm.s32 $0x200;
	s22 =	sand.u32 $0x40, s20;
	v12 =	vld [tilespmem:s21+$0x0];
	v38 =	vmul.f32 v38, v20;
	[tilespmem:s15+$0xC100] =	vst v26;
	v26 =	vmul.f32 v28, v11  }
0x2ba: {  	s24 =	sor.u32 $0x30, s22;
	s8 =	sand.u32 $0x3C00, s23;
	[tilespmem:s15+$0xC200] =	vst v22;
	v28 =	vmul.f32 v33, v4;
	v29 =	vadd.f32 v29, v21;
	v25 =	vadd.f32 v25, v21  }
0x2bb: {  	s13 =	sor.u32 s8, s24;
	[tilespmem:s15+$0xC180] =	vst v40;
	v22 =	vadd.f32 v26, v14;
	v26 =	vadd.f32 v27, v7;
	v27 =	vmul.f32 v39, v20  }
0x2bc: {  	v32 =	vmul.f32 v46, v5;
	v48 =	vadd.f32 v38, v21;
	[tilespmem:s16+$0xC100] =	vst v29;
	v29 =	vld [tilespmem:s13+$0x4100];
	v18 =	vmul.f32 v18, v10  }
0x2bd: {  	v28 =	vadd.f32 v28, v8;
	[tilespmem:s16+$0xC180] =	vst v25;
	v25 =	vld [tilespmem:s13+$0x4180];
	v22 =	vmul.f32 v22, v35;
	v27 =	vadd.f32 v27, v21  }
0x2be: {  	s9 =	sand.u32 $0x780, s20;
	v49 =	vld [tilespmem:s13+$0x4200];
	v32 =	vadd.f32 v32, v9;
	[tilespmem:s16+$0xC200] =	vst v48;
	v26 =	vmul.f32 v26, v10;
	v18 =	vadd.f32 v18, v12  }
0x2bf: {  	v24 =	vsub.f32 $1.500000000e+00, v24;
	s2 =	sor.u32 s9, s24;
	v28 =	vmul.f32 v28, v10;
	v22 =	vadd.f32 v22, v34;
	[tilespmem:s16+$0xC280] =	vst v27;
	v27 =	vld [tilespmem:s13+$0x4280]  }
0x2c0: {  	v16 =	vmul.f32 v31, v16;
	v38 =	vld [tilespmem:s2+$0x10100];
	v31 =	vmul.f32 v32, v10;
	v26 =	vadd.f32 v26, v12;
	[tilespmem:s3+$0xC100] =	vst v18  }
0x2c1: {  	v23 =	vmul.f32 v24, v23;
	v28 =	vadd.f32 v28, v12;
	v29 =	vmul.f32 v29, v2;
	[tilespmem:s18+$0xC100] =	vst v22  }
0x2c2: {  	s1 =	sadd.s32 $0x10, s31;
	s14 =	sor.u32 $0x300, s0;
	v39 =	vld [tilespmem:s2+$0x10900];
	v24 =	vadd.f32 v31, v12;
	v25 =	vmul.f32 v25, v3;
	v22 =	vmul.f32 v16, v30;
	[tilespmem:s3+$0xC180] =	vst v26  }
0x2c3: {  	s17 =	sadd.s32 $0x20, s31;
	s10 =	sor.u32 $0x200, s1;
	[tilespmem:s3+$0xC200] =	vst v28;
	v28 =	vmul.f32 v49, v4;
	v30 =	vld [tilespmem:s14+$0x4100];
	v26 =	vadd.f32 v29, v6  }
0x2c4: {  	s11 =	sor.u32 $0x200, s17;
	[tilespmem:s3+$0xC280] =	vst v24;
	v24 =	vadd.f32 v25, v7;
	v18 =	vsub.f32 $0.0e+00, v22;
	v22 =	vld [tilespmem:s10+$0x4100];
	v25 =	vmul.f32 v27, v5  }
0x2c5: {  	s12 =	sor.u32 $0x200, s31;
	v19 =	vmul.f32 v23, v19;
	v29 =	vld [tilespmem:s11+$0x4100];
	v28 =	vadd.f32 v28, v8;
	v26 =	vmul.f32 v26, v38  }
0x2c6: {  	s25 =	sor.u32 $0x10, s22;
	v27 =	vbroadcast v17, $0xF;
	v17 =	vld [tilespmem:s12+$0x4100];
	v24 =	vmul.f32 v24, v38;
	v25 =	vadd.f32 v25, v9  }
0x2c7: {  	s26 =	sor.u32 s8, s25;
	p1 =	por !p1, !p1;
	v19 =	vmul.f32 v19, v23;
	s3 =	simm.s32 $0x1;
	v28 =	vmul.f32 v28, v38;
	v26 =	vadd.f32 v26, v39  }
0x2c8: {  	v50 =	vld [tilespmem:s26+$0x4180];
	s3 =	simm.s32 @!p1 $0x0;
	v24 =	vadd.f32 v24, v39;
	v30 =	vmul.f32 v30, v16;
	v25 =	vmul.f32 v25, v38  }
0x2c9: {  	v51 =	vld [tilespmem:s26+$0x4200];
	v19 =	vsub.f32 $1.500000000e+00, v19;
	s3 =	sshll.u32 s3, $0x6;
	v22 =	vmul.f32 v22, v13;
	[tilespmem:s13+$0xC100] =	vst v26;
	v26 =	vadd.f32 v28, v39  }
0x2ca: {  	s15 =	sor.u32 $0x20, s22;
	v31 =	vld [tilespmem:s26+$0x4100];
	s4 =	sadd.s32 $0x200, s3;
	v28 =	vmul.f32 v29, v13;
	[tilespmem:s13+$0xC180] =	vst v24;
	v30 =	vadd.f32 v30, v18;
	v24 =	vadd.f32 v25, v39  }
0x2cb: {  	v52 =	vld [tilespmem:s26+$0x4280];
	s5 =	sor.u32 s8, s15;
	s3 =	sadd.s32 $0x30, s4;
	v29 =	vmul.f32 v17, v13;
	v17 =	vmul.f32 v19, v23;
	v19 =	vadd.f32 v22, v15;
	[tilespmem:s13+$0xC200] =	vst v26  }
0x2cc: {  	v41 =	vld [tilespmem:s5+$0x4100];
	s16 =	sor.u32 $0x200, s3;
	v25 =	vadd.f32 v28, v15;
	v22 =	vmul.f32 v30, v35;
	[tilespmem:s13+$0xC280] =	vst v24  }
0x2cd: {  	s8 =	sor.u32 s22, s8;
	v26 =	vadd.f32 v29, v15;
	v24 =	vmul.f32 v17, v27;
	v27 =	vmul.f32 v19, v36;
	v29 =	vld [tilespmem:s16+$0x4100]  }
0x2ce: {  	v46 =	vld [tilespmem:s8+$0x4200];
	v25 =	vmul.f32 v25, v20;
	v22 =	vadd.f32 v22, v34  }
0x2cf: {  	v23 =	vld [tilespmem:s5+$0x4180];
	v19 =	vsub.f32 $0.0e+00, v24;
	v24 =	vadd.f32 v27, v37;
	v27 =	vmul.f32 v31, v2  }
0x2d0: {  	v28 =	vld [tilespmem:s5+$0x4200];
	[tilespmem:s14+$0xC100] =	vst v22;
	v22 =	vadd.f32 v25, v21;
	v25 =	vmul.f32 v50, v3  }
0x2d1: {  	s18 =	sor.u32 s9, s25;
	v30 =	vld [tilespmem:s5+$0x4280];
	v54 =	vadd.f32 v27, v6  }
0x2d2: {  	v27 =	vmul.f32 v52, v5;
	v43 =	vadd.f32 v25, v7;
	v25 =	vld [tilespmem:s18+$0x10100];
	v29 =	vmul.f32 v29, v13  }
0x2d3: {  	v41 =	vmul.f32 v41, v2;
	v26 =	vmul.f32 v26, v10;
	v31 =	vld [tilespmem:s8+$0x4100]  }
0x2d4: {  	s6 =	sor.u32 $0x380, s0;
	v23 =	vmul.f32 v23, v3;
	v45 =	vadd.f32 v27, v9;
	v27 =	vld [tilespmem:s18+$0x10900];
	v29 =	vadd.f32 v29, v15  }
0x2d5: {  	s20 =	sor.u32 s9, s15;
	v59 =	vmul.f32 v46, v4;
	v42 =	vadd.f32 v26, v12;
	v26 =	vmul.f32 v51, v4;
	v53 =	vld [tilespmem:s6+$0x4100]  }
0x2d6: {  	s13 =	sor.u32 $0x280, s1;
	v28 =	vmul.f32 v28, v4;
	v48 =	vadd.f32 v23, v7;
	v23 =	vld [tilespmem:s20+$0x10100];
	[tilespmem:s10+$0xC100] =	vst v24;
	v29 =	vmul.f32 v29, v38  }
0x2d7: {  	v47 =	vadd.f32 v41, v6;
	v44 =	vadd.f32 v26, v8;
	v61 =	vld [tilespmem:s13+$0x4100];
	v56 =	vmul.f32 v54, v25  }
0x2d8: {  	v55 =	vld [tilespmem:s8+$0x4180];
	v30 =	vmul.f32 v30, v5;
	v28 =	vadd.f32 v28, v8;
	[tilespmem:s11+$0xC100] =	vst v22;
	v29 =	vadd.f32 v29, v39  }
0x2d9: {  	s19 =	simm.s32 $0x10140;
	v22 =	vld [tilespmem:s20+$0x10900];
	[tilespmem:s12+$0xC100] =	vst v42;
	v31 =	vmul.f32 v31, v2;
	v58 =	vmul.f32 v43, v25;
	v32 =	vadd.f32 v56, v27  }
0x2da: {  	v26 =	vld [tilespmem:s19+$0x0];
	v30 =	vadd.f32 v30, v9;
	v24 =	vmul.f32 v53, v17;
	v60 =	vmul.f32 v44, v25;
	[tilespmem:s16+$0xC100] =	vst v29  }
0x2db: {  	v49 =	vld [tilespmem:s8+$0x4280];
	s12 =	sor.u32 $0x280, s3;
	v31 =	vadd.f32 v31, v6;
	v45 =	vmul.f32 v45, v25;
	v40 =	vadd.f32 v58, v27;
	[tilespmem:s26+$0xC100] =	vst v32  }
0x2dc: {  	v50 =	vmul.f32 v48, v23;
	v44 =	vmul.f32 v61, v11;
	v62 =	vadd.f32 v60, v27;
	v63 =	vld [tilespmem:s12+$0x4100];
	[smem:$0x7E9] =	sst s17  }
0x2dd: {  	s21 =	simm.s32 $0x10940;
	s22 =	simm.s32 $0x80;
	v28 =	vmul.f32 v28, v23;
	v41 =	vadd.f32 v24, v19;
	v51 =	vadd.f32 v45, v27;
	[tilespmem:s26+$0xC180] =	vst v40  }
0x2de: {  	s23 =	simm.s32 $0x400;
	s14 =	sand.u32 $0x40, s22;
	s10 =	sor.u32 $0x280, s17;
	v30 =	vmul.f32 v30, v23;
	v46 =	vadd.f32 v50, v22;
	v44 =	vadd.f32 v44, v14;
	v24 =	vld [tilespmem:s21+$0x0];
	[tilespmem:s26+$0xC200] =	vst v62  }
0x2df: {  	s15 =	sand.u32 $0x3C00, s23;
	s9 =	sor.u32 $0x280, s31;
	s24 =	sor.u32 $0x30, s14;
	v28 =	vadd.f32 v28, v22;
	v29 =	vmul.f32 v31, v26;
	v31 =	vmul.f32 v47, v23;
	v53 =	vld [tilespmem:s10+$0x4100];
	[tilespmem:s26+$0xC280] =	vst v51  }
0x2e0: {  	v57 =	vmul.f32 v55, v3;
	v30 =	vadd.f32 v30, v22;
	v44 =	vmul.f32 v44, v36;
	v55 =	vld [tilespmem:s9+$0x4100];
	s26 =	sor.u32 s15, s24;
	[tilespmem:s5+$0xC180] =	vst v46  }
0x2e1: {  	v52 =	vmul.f32 v49, v5;
	v54 =	vadd.f32 v59, v8;
	v31 =	vadd.f32 v31, v22;
	[tilespmem:s5+$0xC200] =	vst v28;
	v59 =	vld [tilespmem:s26+$0x4100]  }
0x2e2: {  	v33 =	vadd.f32 v57, v7;
	s2 =	sadd.s32 $0x10, s4;
	[tilespmem:s5+$0xC280] =	vst v30;
	v44 =	vadd.f32 v44, v37;
	v28 =	vld [tilespmem:s26+$0x4180]  }
0x2e3: {  	s11 =	sor.u32 $0x200, s2;
	v56 =	vadd.f32 v52, v9;
	v35 =	vmul.f32 v41, v35;
	v60 =	vld [tilespmem:s26+$0x4200];
	[tilespmem:s5+$0xC100] =	vst v31  }
0x2e4: {  	s18 =	sor.u32 $0x300, s1;
	v32 =	vmul.f32 v54, v26;
	v57 =	vld [tilespmem:s11+$0x4100];
	v31 =	vmul.f32 v33, v26;
	s5 =	sadd.s32 $0x20, s4;
	[tilespmem:s13+$0xC100] =	vst v44  }
0x2e5: {  	v40 =	vmul.f32 v56, v26;
	s19 =	sor.u32 $0x200, s5;
	v44 =	vld [tilespmem:s18+$0x4100];
	v58 =	vmul.f32 v63, v11;
	v29 =	vadd.f32 v29, v24  }
0x2e6: {  	s16 =	sand.u32 $0x780, s22;
	v63 =	vld [tilespmem:s19+$0x4100];
	v31 =	vadd.f32 v31, v24;
	v32 =	vadd.f32 v32, v24;
	v42 =	vmul.f32 v55, v11  }
0x2e7: {  	s23 =	sor.u32 $0x20, s14;
	s0 =	sor.u32 s16, s24;
	v61 =	vmul.f32 v53, v11;
	v30 =	vadd.f32 v58, v14;
	v52 =	vmul.f32 v59, v2;
	[tilespmem:s8+$0xC100] =	vst v29;
	v29 =	vld [tilespmem:s26+$0x4280]  }
0x2e8: {  	s13 =	sor.u32 s15, s23;
	v62 =	vadd.f32 v40, v24;
	v40 =	vld [tilespmem:s0+$0x10100];
	v28 =	vmul.f32 v28, v3;
	v33 =	vmul.f32 v60, v4;
	[tilespmem:s8+$0xC180] =	vst v31  }
0x2e9: {  	v59 =	vld [tilespmem:s13+$0x4100];
	v31 =	vadd.f32 v42, v14;
	[tilespmem:s8+$0xC200] =	vst v32;
	v53 =	vadd.f32 v61, v14;
	v30 =	vmul.f32 v30, v38  }
0x2ea: {  	s20 =	sor.u32 $0x200, s4;
	[tilespmem:s8+$0xC280] =	vst v62;
	v42 =	vld [tilespmem:s0+$0x10900];
	v32 =	vadd.f32 v52, v6;
	v28 =	vadd.f32 v28, v7;
	v44 =	vmul.f32 v44, v16  }
0x2eb: {  	v54 =	vld [tilespmem:s20+$0x4100];
	v31 =	vmul.f32 v31, v10;
	v43 =	vmul.f32 v53, v20;
	v30 =	vadd.f32 v30, v39  }
0x2ec: {  	v60 =	vld [tilespmem:s13+$0x4180];
	v33 =	vadd.f32 v33, v8;
	v48 =	vmul.f32 v63, v13;
	v29 =	vmul.f32 v29, v5  }
0x2ed: {  	s22 =	sor.u32 $0x10, s14;
	s21 =	sor.u32 $0x300, s3;
	v52 =	vld [tilespmem:s13+$0x4280];
	v32 =	vmul.f32 v32, v40;
	v28 =	vmul.f32 v28, v40;
	v47 =	vadd.f32 v31, v12;
	[tilespmem:s12+$0xC100] =	vst v30  }
0x2ee: {  	v61 =	vadd.f32 v43, v21;
	v30 =	vmul.f32 v57, v13;
	s12 =	sor.u32 s15, s22;
	v55 =	vld [tilespmem:s21+$0x4100];
	v29 =	vadd.f32 v29, v9  }
0x2ef: {  	p1 =	por !p1, !p1;
	s0 =	simm.s32 $0x1;
	v33 =	vmul.f32 v33, v40;
	v32 =	vadd.f32 v32, v42;
	v28 =	vadd.f32 v28, v42;
	v31 =	vld [tilespmem:s12+$0x4100]  }
0x2f0: {  	s0 =	simm.s32 @!p1 $0x0;
	v56 =	vld [tilespmem:s12+$0x4180];
	v46 =	vmul.f32 v54, v13;
	[tilespmem:s10+$0xC100] =	vst v61;
	v30 =	vadd.f32 v30, v15;
	v29 =	vmul.f32 v29, v40  }
0x2f1: {  	s0 =	sshll.u32 s0, $0x6;
	v58 =	vadd.f32 v48, v15;
	v48 =	vmul.f32 v59, v2;
	v57 =	vadd.f32 v33, v42;
	v50 =	vld [tilespmem:s12+$0x4200];
	[tilespmem:s26+$0xC100] =	vst v32  }
0x2f2: {  	s8 =	sadd.s32 $0x400, s0;
	v51 =	vld [tilespmem:s12+$0x4280];
	[tilespmem:s26+$0xC180] =	vst v28;
	v28 =	vadd.f32 v29, v42;
	v29 =	vmul.f32 v30, v25;
	v30 =	vadd.f32 v46, v15  }
0x2f3: {  	v44 =	vadd.f32 v44, v18;
	s0 =	sadd.s32 $0x30, s8;
	v33 =	vmul.f32 v58, v23;
	v48 =	vadd.f32 v48, v6;
	[tilespmem:s26+$0xC200] =	vst v57  }
0x2f4: {  	v63 =	vld [tilespmem:s13+$0x4200];
	s24 =	sor.u32 $0x200, s0;
	v61 =	vmul.f32 v52, v5;
	[tilespmem:s26+$0xC280] =	vst v28;
	v28 =	vadd.f32 v29, v27;
	v29 =	vmul.f32 v30, v26  }
0x2f5: {  	s22 =	sor.u32 s16, s22;
	v33 =	vadd.f32 v33, v22;
	v45 =	vmul.f32 v55, v16;
	v31 =	vmul.f32 v31, v2;
	v57 =	vld [tilespmem:s24+$0x4100]  }
0x2f6: {  	v49 =	vmul.f32 v56, v3;
	v50 =	vmul.f32 v50, v4;
	s26 =	sor.u32 s14, s15;
	v53 =	vadd.f32 v29, v24;
	v29 =	vld [tilespmem:s22+$0x10100]  }
0x2f7: {  	v51 =	vmul.f32 v51, v5;
	v46 =	vmul.f32 v60, v3;
	v62 =	vadd.f32 v45, v18;
	v54 =	vld [tilespmem:s26+$0x4100]  }
0x2f8: {  	v30 =	vmul.f32 v44, v36;
	v55 =	vadd.f32 v31, v6;
	v58 =	vadd.f32 v49, v7;
	v31 =	vld [tilespmem:s22+$0x10900]  }
0x2f9: {  	[tilespmem:s9+$0xC100] =	vst v47;
	v59 =	vadd.f32 v50, v8;
	v47 =	vadd.f32 v51, v9;
	v45 =	vmul.f32 v63, v4;
	v50 =	vld [tilespmem:s26+$0x4180]  }
0x2fa: {  	s16 =	sor.u32 s16, s23;
	[tilespmem:s19+$0xC100] =	vst v33;
	v46 =	vadd.f32 v46, v7;
	v51 =	vadd.f32 v61, v9;
	v63 =	vld [tilespmem:s26+$0x4200];
	v43 =	vmul.f32 v62, v38  }
0x2fb: {  	[tilespmem:s11+$0xC100] =	vst v28;
	v60 =	vadd.f32 v30, v37;
	v28 =	vld [tilespmem:s16+$0x10100];
	v44 =	vmul.f32 v57, v13;
	v62 =	vmul.f32 v55, v29  }
0x2fc: {  	v52 =	vld [tilespmem:s26+$0x4280];
	v43 =	vadd.f32 v43, v39;
	[tilespmem:s20+$0xC100] =	vst v53;
	v54 =	vmul.f32 v54, v2;
	v32 =	vmul.f32 v58, v29  }
0x2fd: {  	v30 =	vld [tilespmem:s16+$0x10900];
	[tilespmem:s18+$0xC100] =	vst v60;
	v49 =	vmul.f32 v59, v29;
	v44 =	vadd.f32 v44, v15;
	v58 =	vadd.f32 v62, v31  }
0x2fe: {  	[tilespmem:s21+$0xC100] =	vst v43;
	v57 =	vadd.f32 v45, v8;
	s21 =	simm.s32 $0x10180;
	v47 =	vmul.f32 v47, v29;
	v59 =	vadd.f32 v32, v31  }
0x2ff: {  	v60 =	vmul.f32 v50, v3;
	v32 =	vld [tilespmem:s21+$0x0];
	v49 =	vadd.f32 v49, v31;
	v44 =	vmul.f32 v44, v40;
	[tilespmem:s12+$0xC100] =	vst v58  }
0x300: {  	s22 =	simm.s32 $0x10980;
	v61 =	vmul.f32 v63, v4;
	v48 =	vmul.f32 v48, v28;
	v47 =	vadd.f32 v47, v31;
	[tilespmem:s12+$0xC180] =	vst v59  }
0x301: {  	v33 =	vld [tilespmem:s22+$0x0];
	v52 =	vmul.f32 v52, v5;
	v46 =	vmul.f32 v46, v28;
	[tilespmem:s12+$0xC200] =	vst v49;
	v44 =	vadd.f32 v44, v42  }
0x302: {  	s23 =	sor.u32 $0x280, s2;
	v51 =	vmul.f32 v51, v28;
	v54 =	vadd.f32 v54, v6;
	v56 =	vadd.f32 v48, v30;
	[tilespmem:s12+$0xC280] =	vst v47  }
0x303: {  	v63 =	vadd.f32 v60, v7;
	v43 =	vmul.f32 v57, v28;
	v62 =	vld [tilespmem:s23+$0x4100];
	v46 =	vadd.f32 v46, v30;
	[tilespmem:s24+$0xC100] =	vst v44;
	s24 =	sor.u32 $0x280, s0  }
0x304: {  	s14 =	sor.u32 $0x380, s1;
	v50 =	vadd.f32 v61, v8;
	v51 =	vadd.f32 v51, v30;
	[tilespmem:s13+$0xC100] =	vst v56;
	v59 =	vmul.f32 v54, v32;
	v57 =	vld [tilespmem:s24+$0x4100]  }
0x305: {  	s19 =	sor.u32 $0x280, s5;
	v41 =	vld [tilespmem:s14+$0x4100];
	v52 =	vadd.f32 v52, v9;
	v43 =	vadd.f32 v43, v30;
	[tilespmem:s13+$0xC180] =	vst v46;
	v44 =	vmul.f32 v63, v32  }
0x306: {  	s11 =	sor.u32 $0x380, s3;
	v60 =	vld [tilespmem:s19+$0x4100];
	[tilespmem:s13+$0xC280] =	vst v51;
	v50 =	vmul.f32 v50, v32;
	v47 =	vadd.f32 v59, v33  }
0x307: {  	s25 =	smov.u32 s17;
	s15 =	sor.u32 $0x280, s4;
	v58 =	vld [tilespmem:s11+$0x4100];
	[tilespmem:s13+$0xC200] =	vst v43;
	v52 =	vmul.f32 v52, v32;
	v44 =	vadd.f32 v44, v33  }
0x308: {  	s10 =	sor.u32 $0x300, s25;
	v61 =	vld [tilespmem:s15+$0x4100];
	v50 =	vadd.f32 v50, v33;
	[tilespmem:s26+$0xC100] =	vst v47  }
0x309: {  	s1 =	simm.s32 $0xC0;
	s16 =	sadd.s32 $0x20, s8;
	s12 =	sor.u32 $0x300, s31;
	v43 =	vld [tilespmem:s10+$0x4100];
	v53 =	vmul.f32 v62, v11;
	v62 =	vadd.f32 v52, v33;
	[tilespmem:s26+$0xC180] =	vst v44;
	v48 =	vmul.f32 v57, v11  }
0x30a: {  	s20 =	sor.u32 $0x200, s16;
	v41 =	vmul.f32 v41, v17;
	v51 =	vld [tilespmem:s12+$0x4100];
	s13 =	sand.u32 $0x40, s1;
	[tilespmem:s26+$0xC200] =	vst v50  }
0x30b: {  	s25 =	sand.u32 $0x780, s1;
	v46 =	vld [tilespmem:s20+$0x4100];
	[tilespmem:s26+$0xC280] =	vst v62;
	s26 =	sor.u32 $0x30, s13;
	v63 =	vadd.f32 v48, v14  }
0x30c: {  	v41 =	vadd.f32 v41, v19;
	v49 =	vmul.f32 v58, v17;
	v53 =	vadd.f32 v53, v14;
	s17 =	sor.u32 s25, s26  }
0x30d: {  	s9 =	sadd.s32 $0x10, s8;
	s3 =	simm.s32 $0x600;
	v58 =	vmul.f32 v61, v11;
	v50 =	vadd.f32 v35, v34;
	v35 =	vld [tilespmem:s17+$0x10100];
	v59 =	vmul.f32 v63, v40  }
0x30e: {  	s22 =	sor.u32 $0x200, s9;
	v60 =	vmul.f32 v60, v11;
	v43 =	vmul.f32 v43, v16;
	v56 =	vadd.f32 v49, v19;
	v34 =	vld [tilespmem:s17+$0x10900];
	s17 =	sand.u32 $0x3C00, s3  }
0x30f: {  	v49 =	vld [tilespmem:s22+$0x4100];
	v62 =	vadd.f32 v58, v14;
	v57 =	vmul.f32 v53, v25;
	s28 =	sor.u32 s17, s26;
	v63 =	vadd.f32 v59, v42  }
0x310: {  	v54 =	vadd.f32 v60, v14;
	v55 =	vmul.f32 v51, v16;
	v46 =	vmul.f32 v46, v13;
	v60 =	vld [tilespmem:s28+$0x4100]  }
0x311: {  	s29 =	sor.u32 $0x300, s0;
	v38 =	vmul.f32 v56, v38;
	v56 =	vmul.f32 v62, v26;
	v61 =	vadd.f32 v57, v27;
	v62 =	vld [tilespmem:s28+$0x4200];
	[tilespmem:s24+$0xC100] =	vst v63  }
0x312: {  	v43 =	vadd.f32 v43, v18;
	v44 =	vadd.f32 v55, v18;
	v59 =	vld [tilespmem:s29+$0x4100]  }
0x313: {  	v41 =	vmul.f32 v41, v36;
	v46 =	vadd.f32 v46, v15;
	[tilespmem:s23+$0xC100] =	vst v61;
	v61 =	vld [tilespmem:s28+$0x4180]  }
0x314: {  	v43 =	vmul.f32 v43, v20;
	v44 =	vmul.f32 v44, v10;
	v38 =	vadd.f32 v38, v39;
	v63 =	vld [tilespmem:s28+$0x4280]  }
0x315: {  	s21 =	sor.u32 $0x200, s8;
	v39 =	vmul.f32 v54, v23;
	v45 =	vadd.f32 v56, v24;
	v52 =	vmul.f32 v60, v2  }
0x316: {  	v47 =	vld [tilespmem:s21+$0x4100];
	s26 =	simm.s32 $0x101C0;
	v57 =	vmul.f32 v49, v13;
	v43 =	vadd.f32 v43, v21;
	s23 =	sor.u32 $0x300, s2;
	v54 =	vmul.f32 v62, v4  }
0x317: {  	s30 =	sor.u32 $0x10, s13;
	v44 =	vadd.f32 v44, v12;
	v58 =	vld [tilespmem:s23+$0x4100];
	s24 =	simm.s32 $0x101C0;
	[dreg:$0x1c] =	wrdreg s26;
	v52 =	vadd.f32 v52, v6;
	v51 =	vmul.f32 v59, v16  }
0x318: {  	v48 =	vadd.f32 v57, v15;
	s26 =	sor.u32 s17, s30;
	v60 =	vmul.f32 v61, v3;
	v54 =	vadd.f32 v54, v8;
	v36 =	vld [tilespmem:s24+$0x0]  }
0x319: {  	v56 =	vld [tilespmem:s26+$0x4100];
	v52 =	vmul.f32 v52, v35;
	v55 =	vmul.f32 v63, v5;
	v51 =	vadd.f32 v51, v18  }
0x31a: {  	s18 =	sor.u32 $0x20, s13;
	s13 =	sor.u32 s13, s17;
	v57 =	vadd.f32 v41, v37;
	v37 =	vld [tilespmem:s26+$0x4180];
	v41 =	vadd.f32 v60, v7;
	v54 =	vmul.f32 v54, v35  }
0x31b: {  	s24 =	sor.u32 s17, s18;
	[tilespmem:s6+$0xC100] =	vst v50;
	v50 =	vld [tilespmem:s13+$0x4100];
	v61 =	vadd.f32 v52, v34;
	v55 =	vadd.f32 v55, v9;
	v51 =	vmul.f32 v51, v40  }
0x31c: {  	p1 =	por !p1, !p1;
	v47 =	vmul.f32 v47, v13;
	s6 =	simm.s32 $0x1;
	[tilespmem:s11+$0xC100] =	vst v38;
	v60 =	vld [tilespmem:s24+$0x4180];
	v41 =	vmul.f32 v41, v35;
	v54 =	vadd.f32 v54, v34  }
0x31d: {  	v49 =	vmul.f32 v58, v16;
	s6 =	simm.s32 @!p1 $0x0;
	v52 =	vld [tilespmem:s24+$0x4200];
	[tilespmem:s28+$0xC100] =	vst v61;
	v55 =	vmul.f32 v55, v35;
	v51 =	vadd.f32 v51, v42  }
0x31e: {  	v46 =	vmul.f32 v46, v28;
	v47 =	vadd.f32 v47, v15;
	s6 =	sshll.u32 s6, $0x6;
	v41 =	vadd.f32 v41, v34;
	[tilespmem:s28+$0xC200] =	vst v54;
	v54 =	vld [tilespmem:s13+$0x4180]  }
0x31f: {  	s0 =	sor.u32 $0x380, s0;
	v49 =	vadd.f32 v49, v18;
	v37 =	vmul.f32 v37, v3;
	v62 =	vadd.f32 v55, v34;
	[tilespmem:s29+$0xC100] =	vst v51;
	v51 =	vld [tilespmem:s24+$0x4280];
	s29 =	sadd.s32 $0x600, s6  }
0x320: {  	v39 =	vadd.f32 v39, v22;
	v46 =	vadd.f32 v46, v30;
	v48 =	vmul.f32 v48, v29;
	[tilespmem:s28+$0xC180] =	vst v41;
	v55 =	vld [tilespmem:s0+$0x4100];
	s17 =	sadd.s32 $0x30, s29  }
0x321: {  	v47 =	vmul.f32 v47, v32;
	v41 =	vmul.f32 v49, v25;
	v49 =	vadd.f32 v37, v7;
	v37 =	vld [tilespmem:s13+$0x4200];
	[tilespmem:s28+$0xC280] =	vst v62;
	s6 =	sor.u32 $0x200, s17  }
0x322: {  	v48 =	vadd.f32 v48, v31;
	[tilespmem:s19+$0xC100] =	vst v39;
	s19 =	sor.u32 s25, s30;
	v56 =	vmul.f32 v56, v2;
	v38 =	vmul.f32 v60, v3;
	v60 =	vld [tilespmem:s6+$0x4100]  }
0x323: {  	v47 =	vadd.f32 v47, v33;
	v39 =	vmul.f32 v52, v4;
	v52 =	vadd.f32 v41, v27;
	v41 =	vld [tilespmem:s19+$0x10100]  }
0x324: {  	v53 =	vld [tilespmem:s26+$0x4200];
	[tilespmem:s15+$0xC100] =	vst v45;
	v50 =	vmul.f32 v50, v2;
	v56 =	vadd.f32 v56, v6;
	v63 =	vmul.f32 v51, v5  }
0x325: {  	[tilespmem:s10+$0xC100] =	vst v43;
	v45 =	vadd.f32 v38, v7;
	v38 =	vld [tilespmem:s19+$0x10900];
	v43 =	vadd.f32 v39, v8;
	v51 =	vmul.f32 v55, v17  }
0x326: {  	v58 =	vld [tilespmem:s26+$0x4280];
	[tilespmem:s22+$0xC100] =	vst v48;
	v39 =	vadd.f32 v50, v6;
	v62 =	vmul.f32 v54, v3;
	v48 =	vadd.f32 v63, v9  }
0x327: {  	[tilespmem:s12+$0xC100] =	vst v44;
	v59 =	vld [tilespmem:s24+$0x4100];
	v63 =	vmul.f32 v37, v4;
	v51 =	vadd.f32 v51, v19;
	v60 =	vmul.f32 v60, v13  }
0x328: {  	s10 =	sor.u32 s25, s18;
	[tilespmem:s14+$0xC100] =	vst v57;
	v61 =	vld [tilespmem:s13+$0x4280];
	v44 =	vmul.f32 v39, v36;
	v50 =	vadd.f32 v62, v7;
	v62 =	vmul.f32 v56, v41  }
0x329: {  	[tilespmem:s20+$0xC100] =	vst v46;
	s15 =	sor.u32 $0x280, s16;
	v39 =	vld [tilespmem:s10+$0x10900];
	v54 =	vadd.f32 v63, v8;
	v51 =	vmul.f32 v51, v40;
	v63 =	vadd.f32 v60, v15  }
0x32a: {  	s11 =	sor.u32 $0x300, s5;
	[tilespmem:s21+$0xC100] =	vst v47;
	v53 =	vmul.f32 v53, v4;
	v49 =	vmul.f32 v49, v41;
	v56 =	vld [tilespmem:s15+$0x4100];
	v46 =	vadd.f32 v62, v38  }
0x32b: {  	[tilespmem:s23+$0xC100] =	vst v52;
	v55 =	vld [tilespmem:s11+$0x4100];
	v42 =	vadd.f32 v51, v42;
	v60 =	vmul.f32 v63, v35  }
0x32c: {  	s12 =	simm.s32 $0x109C0;
	v58 =	vmul.f32 v58, v5;
	v53 =	vadd.f32 v53, v8;
	v49 =	vadd.f32 v49, v38;
	[tilespmem:s26+$0xC100] =	vst v46;
	v37 =	vld [tilespmem:s10+$0x10100]  }
0x32d: {  	s25 =	sor.u32 $0x280, s9;
	v40 =	vld [tilespmem:s12+$0x0];
	[tilespmem:s0+$0xC100] =	vst v42;
	v63 =	vadd.f32 v60, v34  }
0x32e: {  	v58 =	vadd.f32 v58, v9;
	s19 =	sor.u32 $0x280, s8;
	v53 =	vmul.f32 v53, v41;
	v51 =	vld [tilespmem:s25+$0x4100];
	s0 =	sld [smem:$0x7E9];
	[tilespmem:s26+$0xC180] =	vst v49  }
0x32f: {  	s18 =	sor.u32 $0x300, s4;
	s20 =	sor.u32 $0x380, s5;
	v42 =	vld [tilespmem:s19+$0x4100];
	[tilespmem:s6+$0xC100] =	vst v63  }
0x330: {  	s21 =	sor.u32 $0x380, s2;
	s2 =	sor.u32 $0x380, s4;
	v59 =	vmul.f32 v59, v2;
	v52 =	vmul.f32 v58, v41;
	v60 =	vadd.f32 v53, v38;
	v53 =	vld [tilespmem:s18+$0x4100];
	[dreg:$0x9] =	wrdreg s20  }
0x331: {  	[dreg:$0x7] =	wrdreg s2  }
0x332: {  	s4 =	sor.u32 $0x300, s16;
	v61 =	vmul.f32 v61, v5;
	v59 =	vadd.f32 v59, v6;
	s23 =	sor.u32 $0x280, s17;
	v52 =	vadd.f32 v52, v38;
	[tilespmem:s26+$0xC200] =	vst v60  }
0x333: {  	v58 =	vld [tilespmem:s23+$0x4100];
	[dreg:$0xf] =	wrdreg s4  }
0x334: {  	v47 =	vadd.f32 v61, v9;
	v61 =	vmul.f32 v59, v37;
	s6 =	sor.u32 $0x300, s8;
	[tilespmem:s26+$0xC280] =	vst v52  }
0x335: {  	s12 =	sor.u32 $0x380, s9;
	[dreg:$0x11] =	wrdreg s6  }
0x336: {  	s22 =	smov.u32 s17;
	s17 =	sor.u32 $0x380, s16;
	v45 =	vmul.f32 v45, v37;
	v57 =	vadd.f32 v61, v39;
	[dreg:$0xd] =	wrdreg s12  }
0x337: {  	v54 =	vmul.f32 v54, v36;
	s7 =	sor.u32 $0x380, s0;
	s0 =	sadd.s32 $0x10, s29;
	[dreg:$0x1e] =	wrdreg s17  }
0x338: {  	s10 =	smov.u32 s18;
	v43 =	vmul.f32 v43, v37;
	v45 =	vadd.f32 v45, v39;
	s18 =	sor.u32 $0x380, s8;
	s4 =	sor.u32 $0x200, s0;
	[tilespmem:s24+$0xC100] =	vst v57  }
0x339: {  	v62 =	vmul.f32 v48, v37;
	v48 =	vadd.f32 v54, v40;
	v54 =	vld [tilespmem:s4+$0x4100];
	[dreg:$0xb] =	wrdreg s18  }
0x33a: {  	v43 =	vadd.f32 v43, v39;
	s2 =	sor.u32 $0x280, s0;
	s8 =	sor.u32 $0x300, s0;
	s0 =	sor.u32 $0x380, s0;
	[tilespmem:s24+$0xC180] =	vst v45  }
0x33b: {  	v50 =	vmul.f32 v50, v36;
	v46 =	vadd.f32 v62, v39;
	v51 =	vmul.f32 v51, v11;
	[dreg:$0x19] =	wrdreg s0  }
0x33c: {  	v47 =	vmul.f32 v47, v36;
	v61 =	vmul.f32 v56, v11;
	v44 =	vadd.f32 v44, v40;
	[tilespmem:s24+$0xC200] =	vst v43  }
0x33d: {  	s14 =	sor.u32 $0x380, s31;
	v56 =	vadd.f32 v50, v40;
	v62 =	vmul.f32 v42, v11;
	v63 =	vadd.f32 v51, v14;
	[tilespmem:s24+$0xC280] =	vst v46  }
0x33e: {  	s5 =	sor.u32 $0x300, s9;
	v49 =	vadd.f32 v47, v40;
	v47 =	vmul.f32 v55, v16;
	s20 =	sadd.s32 $0x20, s29;
	v60 =	vadd.f32 v61, v14;
	v42 =	vld [tilespmem:s21+$0x4100];
	[dreg:$0x16] =	wrdreg s7  }
0x33f: {  	s30 =	sor.u32 $0x200, s29;
	s28 =	sor.u32 $0x200, s20;
	v61 =	vmul.f32 v53, v16;
	v50 =	vadd.f32 v62, v14;
	v63 =	vmul.f32 v63, v29;
	v46 =	vld [tilespmem:s7+$0x4100];
	[dreg:$0x14] =	wrdreg s14  }
0x340: {  	s31 =	sor.u32 $0x280, s20;
	s9 =	sor.u32 $0x380, s20;
	v51 =	vmul.f32 v60, v28;
	s26 =	sor.u32 $0x380, s29;
	v62 =	vmul.f32 v58, v11;
	[tilespmem:s13+$0xC100] =	vst v44  }
0x341: {  	s17 =	sor.u32 $0x300, s29;
	s18 =	sor.u32 $0x300, s20;
	v50 =	vmul.f32 v50, v32;
	v52 =	vadd.f32 v63, v31;
	v43 =	vadd.f32 v47, v18;
	v45 =	vld [tilespmem:s14+$0x4100];
	[dreg:$0x1a] =	wrdreg s26  }
0x342: {  	v47 =	vadd.f32 v61, v18;
	s24 =	sor.u32 $0x280, s29;
	s29 =	simm.s32 $0x10A00;
	v55 =	vmul.f32 v54, v13;
	v54 =	vadd.f32 v62, v14;
	s14 =	simm.s32 $0xC;
	v53 =	vld [tilespmem:s28+$0x4100];
	[tilespmem:s13+$0xC180] =	vst v56  }
.LBB2_9:
0x343: {  	s6 =	rddreg [dreg:$0x1c]  }
0x344: {  	v44 =	vld [tilespmem:s29+$0x0];
	[tilespmem:s13+$0xC200] =	vst v48;
	s1 =	sadd.s32 $0x40, s1;
	s6 =	sadd.s32 $0x40, s6  }
0x345: {  	[dreg:$0x1f] =	wrdreg s8;
	v59 =	vmul.f32 v43, v23;
	s0 =	sand.u32 $0x40, s1;
	v54 =	vmul.f32 v54, v35;
	[tilespmem:s25+$0xC100] =	vst v52;
	v43 =	vld [tilespmem:s6+$0x0]  }
0x346: {  	s3 =	sadd.s32 $0x200, s3;
	v63 =	vadd.f32 v51, v30;
	v60 =	vadd.f32 v55, v15;
	s8 =	sand.u32 $0x780, s1;
	[tilespmem:s13+$0xC280] =	vst v49;
	s13 =	sor.u32 $0x30, s0;
	v56 =	vld [tilespmem:s5+$0x4100]  }
0x347: {  	v62 =	vmul.f32 v42, v17;
	v48 =	vadd.f32 v50, v33;
	s7 =	sand.u32 $0x3C00, s3;
	v61 =	vld [tilespmem:s30+$0x4100];
	s25 =	sor.u32 s8, s13;
	v54 =	vadd.f32 v54, v34  }
0x348: {  	v47 =	vmul.f32 v47, v26;
	[dreg:$0x1c] =	wrdreg s6;
	v51 =	vadd.f32 v59, v22;
	v49 =	vmul.f32 v60, v41;
	[tilespmem:s15+$0xC100] =	vst v63;
	s6 =	sor.u32 s7, s13;
	v42 =	vld [tilespmem:s25+$0x10100]  }
0x349: {  	v46 =	vmul.f32 v46, v17;
	v63 =	vadd.f32 v62, v19;
	s15 =	sor.u32 $0x300, s22;
	v53 =	vmul.f32 v53, v13;
	v50 =	vld [tilespmem:s6+$0x4100];
	[tilespmem:s23+$0xC100] =	vst v54  }
0x34a: {  	s16 =	smov.u32 s9;
	s12 =	smov.u32 s22;
	s9 =	sor.u32 $0x10, s0;
	[tilespmem:s19+$0xC100] =	vst v48;
	v47 =	vadd.f32 v47, v24;
	v45 =	vmul.f32 v45, v17;
	v49 =	vadd.f32 v49, v38;
	v58 =	vld [tilespmem:s15+$0x4100]  }
0x34b: {  	s20 =	sor.u32 $0x20, s0;
	s26 =	sor.u32 s7, s9;
	s13 =	sor.u32 s0, s7;
	v48 =	vmul.f32 v63, v25;
	[tilespmem:s11+$0xC100] =	vst v51;
	v46 =	vadd.f32 v46, v19;
	v57 =	vadd.f32 v53, v15;
	v51 =	vld [tilespmem:s6+$0x4180]  }
0x34c: {  	s0 =	sor.u32 s8, s9;
	s22 =	smov.u32 s24;
	s9 =	rddreg [dreg:$0x11];
	v25 =	vmovc v29;
	v29 =	vmov v41;
	[tilespmem:s10+$0xC100] =	vst v47;
	v45 =	vadd.f32 v45, v19;
	v41 =	vld [tilespmem:s6+$0x4200];
	v59 =	vmul.f32 v61, v13  }
0x34d: {  	[smem:$0x7E8] =	sst s22;
	[tilespmem:s4+$0xC100] =	vst v49;
	v27 =	vadd.f32 v48, v27;
	v20 =	vmul.f32 v46, v20;
	v46 =	vld [tilespmem:s6+$0x4280];
	v60 =	vmul.f32 v57, v37  }
0x34e: {  	s23 =	sor.u32 s8, s20;
	s8 =	smov.u32 s18;
	s18 =	rddreg [dreg:$0xd];
	v61 =	vmul.f32 v56, v16;
	v56 =	vmul.f32 v45, v10;
	v10 =	vmovc v26;
	v26 =	vld [tilespmem:s26+$0x4100];
	v62 =	vadd.f32 v59, v15  }
0x34f: {  	s10 =	smov.u32 s17;
	s17 =	rddreg [dreg:$0x14];
	v45 =	vld [tilespmem:s25+$0x10900];
	v50 =	vmul.f32 v50, v2;
	[tilespmem:s21+$0xC100] =	vst v27;
	v20 =	vadd.f32 v20, v21;
	v63 =	vadd.f32 v60, v39  }
0x350: {  	s19 =	sor.u32 s7, s20;
	s20 =	smov.u32 s2;
	s2 =	rddreg [dreg:$0x1a];
	v52 =	vadd.f32 v61, v18;
	v61 =	vld [tilespmem:s26+$0x4280];
	v27 =	vmul.f32 v58, v16;
	v21 =	vmul.f32 v62, v36  }
0x351: {  	s25 =	rddreg [dreg:$0x16];
	v57 =	vadd.f32 v56, v12;
	v58 =	vld [tilespmem:s26+$0x4180];
	v59 =	vadd.f32 v50, v6;
	v60 =	vmul.f32 v51, v3;
	[tilespmem:s28+$0xC100] =	vst v63  }
0x352: {  	[smem:$0x7E7] =	sst s20;
	v41 =	vmul.f32 v41, v4;
	[tilespmem:s25+$0xC100] =	vst v20;
	v20 =	vld [tilespmem:s26+$0x4200];
	v27 =	vadd.f32 v27, v18;
	v21 =	vadd.f32 v21, v40  }
0x353: {  	s4 =	rddreg [dreg:$0xf];
	v12 =	vmovc v24;
	v24 =	vmov v33;
	[tilespmem:s17+$0xC100] =	vst v57;
	v48 =	vmul.f32 v59, v42;
	v49 =	vadd.f32 v60, v7;
	v62 =	vld [tilespmem:s19+$0x4100]  }
0x354: {  	[dreg:$0xf] =	wrdreg s8;
	v46 =	vmul.f32 v46, v5;
	v41 =	vadd.f32 v41, v8;
	v63 =	vld [tilespmem:s19+$0x4200];
	[tilespmem:s30+$0xC100] =	vst v21;
	v21 =	vmul.f32 v27, v35  }
0x355: {  	p1 =	por !p1, !p1;
	s8 =	rddreg [dreg:$0x1e];
	v33 =	vmovc v40;
	v26 =	vmul.f32 v26, v2;
	v40 =	vld [tilespmem:s19+$0x4280];
	v48 =	vadd.f32 v48, v45;
	v49 =	vmul.f32 v49, v42  }
0x356: {  	s11 =	smov.u32 s9;
	s9 =	smov.u32 s8;
	s21 =	rddreg [dreg:$0x19];
	v46 =	vadd.f32 v46, v9;
	v41 =	vmul.f32 v41, v42;
	v27 =	vld [tilespmem:s19+$0x4180];
	v21 =	vadd.f32 v21, v34  }
0x357: {  	s8 =	smov.u32 s2;
	s2 =	simm.s32 $0x1;
	s24 =	smov.u32 s21;
	v54 =	vadd.f32 v26, v6;
	v26 =	vmul.f32 v61, v5;
	[tilespmem:s6+$0xC100] =	vst v48;
	v60 =	vadd.f32 v49, v45;
	v49 =	vld [tilespmem:s13+$0x4100]  }
0x358: {  	s2 =	simm.s32 @!p1 $0x0;
	[dreg:$0xd] =	wrdreg s24;
	v46 =	vmul.f32 v46, v42;
	v51 =	vld [tilespmem:s13+$0x4180];
	v20 =	vmul.f32 v20, v4;
	[tilespmem:s15+$0xC100] =	vst v21  }
0x359: {  	s2 =	sshll.u32 s2, $0x6;
	s24 =	rddreg [dreg:$0xb];
	v50 =	vmul.f32 v52, v25;
	v41 =	vadd.f32 v41, v45;
	v56 =	vld [tilespmem:s13+$0x4200];
	s15 =	sor.u32 $0x380, s12;
	v21 =	vmul.f32 v62, v2;
	[tilespmem:s6+$0xC180] =	vst v60  }
0x35a: {  	[dreg:$0xb] =	wrdreg s8;
	s8 =	sadd.s32 s2, s3;
	v47 =	vmul.f32 v58, v3;
	v55 =	vadd.f32 v26, v9;
	v46 =	vadd.f32 v46, v45;
	v48 =	vld [tilespmem:s15+$0x4100]  }
0x35b: {  	[dreg:$0x11] =	wrdreg s10;
	s20 =	smov.u32 s18;
	s12 =	sadd.s32 $0x30, s8;
	v60 =	vadd.f32 v50, v31;
	[tilespmem:s6+$0xC200] =	vst v41;
	v57 =	vadd.f32 v21, v6;
	v21 =	vmul.f32 v63, v4;
	v63 =	vld [tilespmem:s13+$0x4280]  }
0x35c: {  	s10 =	smov.u32 s16;
	s18 =	rddreg [dreg:$0x7];
	v52 =	vadd.f32 v20, v8;
	[tilespmem:s6+$0xC280] =	vst v46;
	s6 =	sor.u32 $0x200, s12;
	v20 =	vmovc v23;
	v23 =	vmov v28;
	v28 =	vmov v37;
	v37 =	vld [tilespmem:s23+$0x10100]  }
0x35d: {  	[dreg:$0x1e] =	wrdreg s10;
	v47 =	vadd.f32 v47, v7;
	v59 =	vmul.f32 v27, v3;
	v62 =	vmul.f32 v49, v2;
	v61 =	vld [tilespmem:s6+$0x4100];
	[tilespmem:s5+$0xC100] =	vst v60  }
0x35e: {  	s22 =	smov.u32 s4;
	s4 =	rddreg [dreg:$0x9];
	v26 =	vmovc v32;
	v32 =	vmovc v36;
	v36 =	vmov v43;
	v50 =	vmul.f32 v40, v5;
	v40 =	vmov v44;
	v41 =	vld [tilespmem:s0+$0x10100]  }
0x35f: {  	[dreg:$0x9] =	wrdreg s9;
	s9 =	sadd.s32 $0x10, s8;
	s10 =	sadd.s32 $0x20, s8;
	v27 =	vmovc v31;
	v46 =	vadd.f32 v59, v7;
	v59 =	vmul.f32 v51, v3;
	v44 =	vadd.f32 v62, v6  }
0x360: {  	s17 =	sor.u32 $0x300, s8;
	s25 =	smov.u32 s24;
	s24 =	sor.u32 $0x280, s8;
	v31 =	vmovc v38;
	v43 =	vadd.f32 v50, v9;
	v60 =	vmul.f32 v56, v4;
	v58 =	vadd.f32 v21, v8;
	v38 =	vld [tilespmem:s0+$0x10900]  }
0x361: {  	[dreg:$0x7] =	wrdreg s25;
	s30 =	sor.u32 $0x200, s8;
	s8 =	sor.u32 $0x380, s8;
	v50 =	vadd.f32 v59, v7;
	v44 =	vmul.f32 v44, v36;
	v48 =	vmul.f32 v48, v17  }
0x362: {  	[dreg:$0x1a] =	wrdreg s8;
	v51 =	vadd.f32 v60, v8;
	v21 =	vmovc v22;
	v49 =	vmul.f32 v63, v5;
	v53 =	vmul.f32 v61, v13  }
0x363: {  	s25 =	sor.u32 $0x300, s9;
	s0 =	sld [smem:$0x7E8];
	v22 =	vmovc v30;
	v57 =	vmul.f32 v57, v37;
	v48 =	vadd.f32 v48, v19;
	v61 =	vmul.f32 v54, v41  }
0x364: {  	s7 =	smov.u32 s31;
	s8 =	smov.u32 s25;
	s25 =	sld [smem:$0x7E7];
	v30 =	vmovc v39;
	v39 =	vld [tilespmem:s23+$0x10900];
	v60 =	vmul.f32 v46, v37;
	v47 =	vmul.f32 v47, v41;
	v53 =	vadd.f32 v53, v15  }
0x365: {  	v43 =	vmul.f32 v43, v37;
	v54 =	vld [tilespmem:s7+$0x4100];
	v48 =	vmul.f32 v48, v35;
	v35 =	vmovc v42;
	v42 =	vadd.f32 v61, v38  }
0x366: {  	v59 =	vld [tilespmem:s0+$0x4100];
	v50 =	vmul.f32 v50, v36;
	v47 =	vadd.f32 v47, v38;
	v53 =	vmul.f32 v53, v35  }
0x367: {  	v56 =	vld [tilespmem:s25+$0x4100];
	v52 =	vmul.f32 v52, v41;
	v48 =	vadd.f32 v48, v34;
	v34 =	vmov v45;
	[tilespmem:s26+$0xC100] =	vst v42  }
0x368: {  	v44 =	vadd.f32 v44, v40;
	v45 =	vmul.f32 v55, v41;
	v53 =	vadd.f32 v53, v34;
	v42 =	vld [tilespmem:s20+$0x4100];
	[tilespmem:s26+$0xC180] =	vst v47  }
0x369: {  	v51 =	vmul.f32 v51, v36;
	v49 =	vadd.f32 v49, v9;
	v61 =	vld [tilespmem:s11+$0x4100];
	v62 =	vadd.f32 v52, v38;
	[tilespmem:s15+$0xC100] =	vst v48  }
0x36a: {  	s23 =	sor.u32 $0x280, s12;
	v57 =	vadd.f32 v57, v39;
	v55 =	vld [tilespmem:s22+$0x4100];
	v52 =	vmul.f32 v54, v11;
	v63 =	vadd.f32 v45, v38;
	[tilespmem:s6+$0xC100] =	vst v53  }
0x36b: {  	s14 =	sadd.s32 $0x4, s14;
	s16 =	smov.u32 s18;
	s21 =	smov.u32 s4;
	v43 =	vadd.f32 v43, v39;
	[tilespmem:s26+$0xC200] =	vst v62;
	v62 =	vmul.f32 v59, v11;
	v48 =	vmul.f32 v58, v37;
	v58 =	vld [tilespmem:s23+$0x4100]  }
0x36c: {  	p2 =	slt.u32 s14, $0x7C;
	[dreg:$0x14] =	wrdreg s16;
	s4 =	sor.u32 $0x200, s9;
	v46 =	vld [tilespmem:s21+$0x4100];
	v56 =	vmul.f32 v56, v11;
	v47 =	vadd.f32 v60, v39;
	v54 =	vadd.f32 v50, v40;
	[tilespmem:s26+$0xC280] =	vst v63  }
0x36d: {  	s28 =	sor.u32 $0x200, s10;
	s2 =	sor.u32 $0x280, s9;
	s9 =	sor.u32 $0x380, s9;
	v49 =	vmul.f32 v49, v36;
	[tilespmem:s19+$0xC100] =	vst v57;
	v50 =	vadd.f32 v62, v14;
	v52 =	vadd.f32 v52, v14;
	v60 =	vld [tilespmem:s4+$0x4100]  }
.Ltmp3:
0x36e: {  	s31 =	sor.u32 $0x280, s10;
	[dreg:$0x19] =	wrdreg s9;
	[tilespmem:s19+$0xC280] =	vst v43;
	v61 =	vmul.f32 v61, v16;
	v53 =	vadd.f32 v48, v39;
	v63 =	vadd.f32 v56, v14;
	(pc) =	sbr.rel @p2 .LBB2_9-.Ltmp3, $4  }
0x36f: {  	s18 =	sor.u32 $0x300, s10;
	s9 =	sor.u32 $0x380, s10;
	s10 =	rddreg [dreg:$0x1f];
	v45 =	vld [tilespmem:s16+$0x4100];
	[tilespmem:s13+$0xC100] =	vst v44;
	v48 =	vadd.f32 v51, v40;
	v51 =	vmul.f32 v55, v16;
	v50 =	vmul.f32 v50, v32  }
0x370: {  	s29 =	sadd.s32 $0x40, s29;
	[dreg:$0x16] =	wrdreg s21;
	s5 =	smov.u32 s10;
	v49 =	vadd.f32 v49, v40;
	[tilespmem:s19+$0xC180] =	vst v47;
	v63 =	vmul.f32 v63, v29;
	v62 =	vmul.f32 v58, v11  }
0x371: {  	s10 =	smov.u32 s11;
	s21 =	smov.u32 s20;
	s11 =	smov.u32 s22;
	v47 =	vadd.f32 v61, v18;
	[tilespmem:s19+$0xC200] =	vst v53;
	v43 =	vadd.f32 v51, v18;
	v51 =	vmul.f32 v52, v28  }
0x372: {  	s22 =	smov.u32 s12;
	s15 =	smov.u32 s7;
	[tilespmem:s13+$0xC180] =	vst v54;
	s19 =	smov.u32 s0;
	v53 =	vld [tilespmem:s28+$0x4100];
	v52 =	vadd.f32 v63, v31;
	v55 =	vmul.f32 v60, v13;
	v54 =	vadd.f32 v62, v14  }
0x373: {  	[tilespmem:s13+$0xC200] =	vst v48  }
0x374: {  	[tilespmem:s13+$0xC280] =	vst v49  }
0x375: {  	v2 =	vld [tilespmem:s30+$0x4100];
	_ =	sdelay $0x2  }
0x376: {  	v3 =	vadd.f32 v55, v15  }
0x377: {  	v4 =	vmul.f32 v53, v13  }
0x378: {  	v3 =	vmul.f32 v3, v41;
	v2 =	vmul.f32 v2, v13  }
0x379: {  	v4 =	vadd.f32 v4, v15  }
0x37a: {  	v3 =	vadd.f32 v3, v38;
	v2 =	vadd.f32 v2, v15  }
0x37b: {  	v4 =	vmul.f32 v4, v37  }
0x37c: {  	[tilespmem:s4+$0xC100] =	vst v3;
	v2 =	vmul.f32 v2, v36  }
0x37d: {  	v53 =	vld [tilespmem:s2+$0x4100];
	v3 =	vadd.f32 v4, v39  }
0x37e: {  	v2 =	vadd.f32 v2, v40  }
0x37f: {  	[tilespmem:s28+$0xC100] =	vst v3  }
0x380: {  	v3 =	vld [tilespmem:s31+$0x4100];
	[tilespmem:s30+$0xC100] =	vst v2;
	v2 =	vmul.f32 v54, v35;
	_ =	sdelay $0x1  }
0x381: {  	v4 =	vmul.f32 v53, v11;
	v2 =	vadd.f32 v2, v34;
	_ =	sdelay $0x1  }
0x382: {  	v5 =	vld [tilespmem:s24+$0x4100];
	[tilespmem:s23+$0xC100] =	vst v2;
	v2 =	vadd.f32 v4, v14  }
0x383: {  	v3 =	vmul.f32 v3, v11  }
0x384: {  	v2 =	vmul.f32 v2, v41  }
0x385: {  	[tilespmem:s25+$0xC100] =	vst v52;
	v3 =	vadd.f32 v3, v14  }
0x386: {  	s0 =	sor.u32 $0x300, s22;
	v6 =	vld [tilespmem:s5+$0x4100];
	v2 =	vadd.f32 v2, v38  }
0x387: {  	v7 =	vadd.f32 v51, v30;
	v54 =	vld [tilespmem:s0+$0x4100];
	v5 =	vmul.f32 v5, v11;
	v3 =	vmul.f32 v3, v37  }
0x388: {  	[tilespmem:s2+$0xC100] =	vst v2;
	v2 =	vadd.f32 v50, v33  }
0x389: {  	[tilespmem:s15+$0xC100] =	vst v7;
	v5 =	vadd.f32 v5, v14;
	v3 =	vadd.f32 v3, v39  }
0x38a: {  	[tilespmem:s19+$0xC100] =	vst v2  }
0x38b: {  	v6 =	vmul.f32 v6, v16;
	v5 =	vmul.f32 v5, v36;
	v55 =	vld [tilespmem:s8+$0x4100];
	s3 =	rddreg [dreg:$0xf];
	[tilespmem:s31+$0xC100] =	vst v3  }
0x38c: {  	v4 =	vmul.f32 v54, v16;
	v56 =	vld [tilespmem:s3+$0x4100];
	s6 =	rddreg [dreg:$0x11]  }
0x38d: {  	v6 =	vadd.f32 v6, v18;
	v5 =	vadd.f32 v5, v40;
	v9 =	vld [tilespmem:s6+$0x4100]  }
0x38e: {  	v8 =	vmul.f32 v47, v26;
	v2 =	vadd.f32 v4, v18;
	v58 =	vld [tilespmem:s18+$0x4100]  }
0x38f: {  	v57 =	vmul.f32 v42, v17;
	v6 =	vmul.f32 v6, v29;
	[tilespmem:s24+$0xC100] =	vst v5  }
0x390: {  	v2 =	vmul.f32 v2, v35;
	v60 =	vld [tilespmem:s17+$0x4100];
	v7 =	vmul.f32 v55, v16  }
0x391: {  	v6 =	vadd.f32 v6, v31;
	v3 =	vmul.f32 v43, v23;
	v4 =	vmul.f32 v56, v16  }
0x392: {  	v2 =	vadd.f32 v2, v34;
	v7 =	vadd.f32 v7, v18;
	v9 =	vmul.f32 v9, v16  }
0x393: {  	[tilespmem:s5+$0xC100] =	vst v6;
	v3 =	vadd.f32 v3, v22;
	v11 =	vmul.f32 v58, v16;
	v4 =	vadd.f32 v4, v18  }
0x394: {  	s26 =	sor.u32 $0x380, s22;
	v8 =	vadd.f32 v8, v24;
	[tilespmem:s0+$0xC100] =	vst v2;
	v7 =	vmul.f32 v7, v41;
	v9 =	vadd.f32 v9, v18  }
0x395: {  	v61 =	vld [tilespmem:s26+$0x4100];
	s4 =	rddreg [dreg:$0xd];
	[tilespmem:s11+$0xC100] =	vst v3;
	v14 =	vmul.f32 v60, v16;
	v63 =	vadd.f32 v11, v18;
	v3 =	vmul.f32 v4, v28  }
0x396: {  	v5 =	vadd.f32 v57, v19;
	[tilespmem:s10+$0xC100] =	vst v8;
	v62 =	vld [tilespmem:s4+$0x4100];
	v7 =	vadd.f32 v7, v38;
	v9 =	vmul.f32 v9, v32  }
0x397: {  	s2 =	rddreg [dreg:$0x9];
	v18 =	vadd.f32 v14, v18;
	v4 =	vmul.f32 v63, v37;
	v3 =	vadd.f32 v3, v30  }
0x398: {  	v59 =	vmul.f32 v46, v17;
	v2 =	vmul.f32 v45, v17;
	s1 =	rddreg [dreg:$0x7];
	v16 =	vld [tilespmem:s2+$0x4100];
	[tilespmem:s8+$0xC100] =	vst v7;
	v42 =	vadd.f32 v9, v33  }
0x399: {  	v5 =	vmul.f32 v5, v25;
	v25 =	vld [tilespmem:s1+$0x4100];
	v43 =	vmul.f32 v18, v36;
	v4 =	vadd.f32 v4, v39;
	[tilespmem:s3+$0xC100] =	vst v3  }
0x39a: {  	v13 =	vadd.f32 v59, v19;
	v2 =	vadd.f32 v2, v19;
	v6 =	vmul.f32 v61, v17;
	s7 =	rddreg [dreg:$0x19];
	[tilespmem:s6+$0xC100] =	vst v42  }
0x39b: {  	v44 =	vmul.f32 v62, v17;
	v9 =	vadd.f32 v43, v40;
	v45 =	vld [tilespmem:s7+$0x4100];
	s10 =	rddreg [dreg:$0x1e];
	[tilespmem:s18+$0xC100] =	vst v4  }
0x39c: {  	v46 =	vmul.f32 v13, v20;
	v2 =	vmul.f32 v2, v10;
	v6 =	vadd.f32 v6, v19;
	v47 =	vld [tilespmem:s10+$0x4100];
	s3 =	rddreg [dreg:$0xb]  }
0x39d: {  	v48 =	vmul.f32 v16, v17;
	v3 =	vadd.f32 v5, v27;
	v5 =	vadd.f32 v44, v19;
	[tilespmem:s17+$0xC100] =	vst v9;
	v49 =	vld [tilespmem:s3+$0x4100]  }
0x39e: {  	v7 =	vadd.f32 v46, v21;
	v50 =	vmul.f32 v25, v17;
	v6 =	vmul.f32 v6, v35;
	v51 =	vld [tilespmem:s9+$0x4100];
	s6 =	rddreg [dreg:$0x1a]  }
0x39f: {  	v2 =	vadd.f32 v2, v12;
	v5 =	vmul.f32 v5, v29;
	v4 =	vadd.f32 v48, v19;
	[tilespmem:s21+$0xC100] =	vst v3;
	v52 =	vld [tilespmem:s6+$0x4100]  }
0x3a0: {  	v6 =	vadd.f32 v6, v34;
	v9 =	vadd.f32 v50, v19;
	s5 =	rddreg [dreg:$0x16];
	v11 =	vmul.f32 v45, v17  }
0x3a1: {  	v3 =	vadd.f32 v5, v31;
	v4 =	vmul.f32 v4, v23;
	[tilespmem:s5+$0xC100] =	vst v7;
	v53 =	vmul.f32 v47, v17  }
0x3a2: {  	v54 =	vmul.f32 v9, v26;
	s5 =	rddreg [dreg:$0x14];
	v55 =	vadd.f32 v11, v19;
	v8 =	vmul.f32 v49, v17  }
0x3a3: {  	[tilespmem:s5+$0xC100] =	vst v2;
	v2 =	vadd.f32 v4, v22;
	v57 =	vmul.f32 v51, v17;
	v56 =	vadd.f32 v53, v19  }
0x3a4: {  	[tilespmem:s26+$0xC100] =	vst v6;
	v59 =	vmul.f32 v52, v17;
	v58 =	vmul.f32 v55, v41;
	v8 =	vadd.f32 v8, v19  }
0x3a5: {  	[tilespmem:s4+$0xC100] =	vst v3;
	v3 =	vadd.f32 v54, v24;
	v5 =	vadd.f32 v57, v19;
	v4 =	vmul.f32 v56, v28  }
0x3a6: {  	[tilespmem:s2+$0xC100] =	vst v2;
	v61 =	vadd.f32 v59, v19;
	v2 =	vadd.f32 v58, v38;
	v60 =	vmul.f32 v8, v32  }
0x3a7: {  	[tilespmem:s1+$0xC100] =	vst v3;
	v62 =	vmul.f32 v5, v37;
	v3 =	vadd.f32 v4, v30  }
0x3a8: {  	v63 =	vmul.f32 v61, v36;
	[tilespmem:s7+$0xC100] =	vst v2;
	v2 =	vadd.f32 v60, v33  }
0x3a9: {  	[tilespmem:s10+$0xC100] =	vst v3;
	v3 =	vadd.f32 v62, v39  }
0x3aa: {  	[tilespmem:s3+$0xC100] =	vst v2;
	v2 =	vadd.f32 v63, v40  }
0x3ab: {  	[tilespmem:s9+$0xC100] =	vst v3  }
0x3ac: {  	[tilespmem:s6+$0xC100] =	vst v2  }
0x3ad: {  	s0 =	sld [smem:$0x7EA];
	_ =	sdelay $0x2  }
0x3ae: {  	v2 =	vld.msk @!p0 [tilespmem:s0+$0x18], $0xff;
	_ =	sdelay $0x4  }
0x3af: {  	v3 =	vshll.u32 @!p0 v2, $0x4  }
0x3b0: {  	v4 =	vlaneseq.u32 @!p0;
	v2 =	vand.u32 @!p0 $0x7, v2;
	v3 =	vand.u32 @!p0 $0xFFFFFF80, v3  }
0x3b1: {  	v2 =	vor.u32 @!p0 v2, v3;
	v3 =	vand.u32 @!p0 $0x7, v4;
	v4 =	vshrl.u32 @!p0 v4, $0x3  }
0x3b2: {  	v2 =	vperm.xlane @!p0 v2, v3;
	v3 =	vmul.u32 @!p0 $0x8, v4;
	_ =	sdelay $0x1  }
0x3b3: {  	v2 =	vadd.s32 @!p0 v3, v2;
	_ =	sdelay $0x3  }
0x3b4: {  	s1 =	simm.s32 @!p0 $0x4100;
	s2 =	rddreg [dreg:$0x1];
	s0 =	simm.s32 @!p0 $0x0  }
0x3b5: {  	[tilespmem:s1], [sflag:$0x2] =	stream.indirect_vreg.gather @!p0 [hbm4b:s2+s0], $0x80, v2, vm1, $0xb8;
	[tilespmem:$0x11100] =	vst v63  }
0x3b6: {  	s2 =	sld [smem:$0x7F4];
	_ =	sdelay $0x1  }
0x3b7: {  	s1 =	simm.s32 @!p0 $0x4900  }
0x3b8: {  	[tilespmem:s1], [sflag:$0x2] =	stream.indirect_vreg.gather @!p0 [hbm4b:s2+s0], $0x80, v2, vm1, $0xb8;
	[tilespmem:$0x11100] =	vst v63  }
0x3b9: {  	s2 =	sld [smem:$0x7F5];
	_ =	sdelay $0x1  }
0x3ba: {  	s1 =	simm.s32 @!p0 $0x5100  }
0x3bb: {  	[tilespmem:s1], [sflag:$0x2] =	stream.indirect_vreg.gather @!p0 [hbm4b:s2+s0], $0x80, v2, vm1, $0xb8;
	[tilespmem:$0x11100] =	vst v63  }
0x3bc: {  	s2 =	sld [smem:$0x7F6];
	_ =	sdelay $0x1  }
0x3bd: {  	s1 =	simm.s32 @!p0 $0x5900  }
0x3be: {  	[tilespmem:s1], [sflag:$0x2] =	stream.indirect_vreg.gather @!p0 [hbm4b:s2+s0], $0x80, v2, vm1, $0xb8;
	[tilespmem:$0x11100] =	vst v63  }
0x3bf: {  	s2 =	sld [smem:$0x7F7];
	_ =	sdelay $0x1  }
0x3c0: {  	s1 =	simm.s32 @!p0 $0x6100  }
0x3c1: {  	[tilespmem:s1], [sflag:$0x2] =	stream.indirect_vreg.gather @!p0 [hbm4b:s2+s0], $0x80, v2, vm1, $0xb8;
	[tilespmem:$0x11100] =	vst v63  }
0x3c2: {  	s2 =	sld [smem:$0x7F8];
	_ =	sdelay $0x1  }
0x3c3: {  	s1 =	simm.s32 @!p0 $0x6900  }
0x3c4: {  	[tilespmem:s1], [sflag:$0x2] =	stream.indirect_vreg.gather @!p0 [hbm4b:s2+s0], $0x80, v2, vm1, $0xb8;
	[tilespmem:$0x11100] =	vst v63  }
0x3c5: {  	s2 =	sld [smem:$0x7F9];
	_ =	sdelay $0x1  }
0x3c6: {  	s6 =	sld [smem:$0x7F0];
	s1 =	simm.s32 @!p0 $0x7100  }
0x3c7: {  	[tilespmem:s1], [sflag:$0x2] =	stream.indirect_vreg.gather @!p0 [hbm4b:s2+s0], $0x80, v2, vm1, $0xb8;
	[tilespmem:$0x11100] =	vst v63  }
0x3c8: {  	s2 =	sld [smem:$0x7FA];
	_ =	sdelay $0x1  }
0x3c9: {  	s6 =	sadd.s32 $0x1, s6;
	s1 =	simm.s32 @!p0 $0x7900  }
0x3ca: {  	[tilespmem:s1], [sflag:$0x2] =	stream.indirect_vreg.gather @!p0 [hbm4b:s2+s0], $0x80, v2, vm1, $0xb8;
	[tilespmem:$0x11100] =	vst v63  }
0x3cb: {  	s28 =	sld [smem:$0x7FD];
	p0 =	sne.s32 s6, $0x10  }
.Ltmp4:
0x3cc: {  	s29 =	sld [smem:$0x7EB];
	(pc) =	sbr.rel @p0 .LBB2_2-.Ltmp4, $3  }
0x3cd: {  	_ =	sdelay $0x1  }
0x3ce: {  	s30 =	simm.s32 $0x0;
	s31 =	simm.s32 $0xC100;
	s0 =	sadd.s32 s28, s29  }
0x3cf: {  	[hbm4b:s0+s30] =	stream.linear.scatter [tilespmem:s31], [sflag:$0x4], $0x4000, $0x38;
	[tilespmem:$0x11100] =	vst v63  }
0x3d0: {  	s0 =	simm.s32 $0x3  }
0x3d1: {  	_ =	swait.ge [sflag:s0], $0x4000  }
0x3d2: {  	[sflag:s0] =	ssyncset.done $0x0  }
0x3d3: {  	s1 =	simm.s32 $0x4;
	[sflag:s0] =	ssyncadd.s32 $0xFFFFC000  }
0x3d4: {  	_ =	swait.ge [sflag:s1], $0x4000  }
0x3d5: {  	s2 =	sld [smem:$0x7F2]  }
0x3d6: {  	s31 =	sld [smem:$0x7FB];
	_ =	sdelay $0x1  }
0x3d7: {  	s2 =	sadd.s32 $0x1, s2  }
0x3d8: {  	p0 =	sne.s32 s2, s31  }
.Ltmp5:
0x3d9: {  	_ = 	snop;
	(pc) =	sbr.rel @p0 .LBB2_1-.Ltmp5, $3  }
0x3da: {  	_ =	sdelay $0x1  }
0x3db: {  	[sflag:s1] =	ssyncset.done $0x0  }
0x3dc: {  	[sflag:s1] =	ssyncadd.s32 $0xFFFFC000  }
0x3dd: {  	_ =	sfence.sel $0x180000  }
0x3de: {  	[bflag:$0x0] =	sbarrier.arrive $0xFFFF  }
0x3df: {  	_ =	strace $0x90000047  }
0x3e0: {  	s0 =	stileid.u32;
	[bflag:$0x2] =	sbarrier.arrive $0xFFFF  }
0x3e1: {  	p0 =	sne.s32 s0, $0x0;
	s0 =	rddreg [dreg:$0x5]  }
0x3e2: {  	s0 =	sadd.s32 @!p0 $0x100000, s0  }
0x3e3: {  	[sflag:s0] =	ssyncadd.tile.s32 @!p0 $0x1;
	_ =	shalt  }
.Lfunc_end2:
_tile_overlayer_lowered:
.L_overlay_start_2:
0x3e4: {  	(tag) =	ssettag $0x2  }
0x3e5: {  	s0 =	rddreg [dreg:$0x0];
	s2 =	stileid.u32  }
0x3e6: {  	s1 =	rddreg [dreg:$0x1];
	p0 =	sne.s32 s2, $0x0  }
0x3e7: {  	s3 =	rddreg [dreg:$0x2];
	[bflag:$0x3] =	sbarrier.arrive $0xFFFF;
	s2 =	simm.s32 @!p0 $0x1C06  }
0x3e8: {  	[timem:s3], [sflag:s2] =	dma.local @!p0 [hbm:s0], s1  }
0x3e9: {  	s0 =	simm.s32 @!p0 $0x6  }
0x3ea: {  	_ =	swait.ge @!p0 [sflag:s0], s1  }
0x3eb: {  	s1 =	ssub.s32 @!p0 $0x0, s1;
	[sflag:s0] =	ssyncset.done @!p0 $0x0  }
0x3ec: {  	[sflag:s0] =	ssyncadd.s32 @!p0 s1  }
0x3ed: {  	[bflag:$0x3] =	sbarrier.arrive $0xFFFF  }
0x3ee: {  	_ =	shalt  }

</sc_bundles>
